<compile_context>
chip_gen: v7x
topology: tpu7x:2x2x1
jax: 0.10.2.dev20260603
libtpu: 0.0.44.dev20260713+nightly
codegen_flags: <defaults>
</compile_context>

<pallas_src>
import functools

import jax
import jax.numpy as jnp
from jax import lax
from jax.experimental import pallas as pl
from jax.experimental.pallas import tpu as pltpu
from jax.experimental.pallas import tpu_sc as plsc

B, C, R, H, W = 4, 3, 50, 192, 640
HW = H * W
CH = C * H
K = 100
KPAD = 128
DOWN = 4
DET_TH = 0.2
FX = 721.5377
FY = 721.5377
CX = W * DOWN / 2.0
CY = H * DOWN / 2.0
PI = 3.14159265358979323846
NEG = -2.0
BIGI = 2 ** 30


NBUF = 3


def _topk_kernel(heat_ref, out_s_ref, out_i_ref, out_w_ref, *scrs):
    ninf = jnp.float32(-jnp.inf)
    ciota3 = jax.lax.broadcasted_iota(jnp.int32, (H // 8, 8, W), 2)
    stats0 = []
    for b in range(B):
        per_t = [[] for _ in range(2 * NBUF)]
        for c in range(C):
            x = heat_ref[b, c]
            lcol = jnp.concatenate(
                [x[:, 1:], jnp.full((H, 1), ninf, jnp.float32)], axis=1)
            rcol = jnp.concatenate(
                [jnp.full((H, 1), ninf, jnp.float32), x[:, :-1]], axis=1)
            cm = jnp.maximum(jnp.maximum(lcol, rcol), x)
            urow = jnp.concatenate(
                [cm[1:], jnp.full((1, W), ninf, jnp.float32)], axis=0)
            drow = jnp.concatenate(
                [jnp.full((1, W), ninf, jnp.float32), cm[:-1]], axis=0)
            hmax = jnp.maximum(jnp.maximum(urow, drow), cm)
            v = jnp.where(hmax == x, x, 0.0)
            cur = v.reshape(H // 8, 8, W)
            for t in range(NBUF):
                mt = jnp.max(cur, axis=2)
                sel = cur == mt[:, :, None]
                ct = jnp.min(jnp.where(sel, ciota3, BIGI), axis=2)
                cur = jnp.where(sel & (ciota3 == ct[:, :, None]), NEG, cur)
                per_t[t].append(mt)
                per_t[NBUF + t].append(ct)
            scrs[b][pl.ds(c * H, H), :] = cur.reshape(H, W)
        stats0.append(tuple(jnp.concatenate(p, axis=0) for p in per_t))

    riota = (jax.lax.broadcasted_iota(jnp.int32, (CH // 8, 8), 0) * 8
             + jax.lax.broadcasted_iota(jnp.int32, (CH // 8, 8), 1))
    ciota = jax.lax.broadcasted_iota(jnp.int32, (1, W), 1)
    kiota = jax.lax.broadcasted_iota(jnp.int32, (1, KPAD), 1)
    negf = jnp.float32(NEG)

    def body(i, carry):
        shifted = []
        exms = []
        for b in range(B):
            v1, v2, v3, c1, c2, c3, sc, ia = carry[b]
            m = jnp.max(v1, axis=(0, 1), keepdims=True)
            r = jnp.min(jnp.where(v1 == m, riota, BIGI), axis=(0, 1),
                        keepdims=True)
            rm = riota == r
            col = jnp.sum(jnp.where(rm, c1, 0), axis=(0, 1), keepdims=True)
            flat = r * W + col
            nv1 = jnp.where(rm, v2, v1)
            nv2 = jnp.where(rm, v3, v2)
            nv3 = jnp.where(rm, negf, v3)
            nc1 = jnp.where(rm, c2, c1)
            nc2 = jnp.where(rm, c3, c2)
            exm = rm & (nv1 == negf)
            sc = jnp.where(kiota == i, m, sc)
            ia = jnp.where(kiota == i, flat, ia)
            shifted.append((nv1, nv2, nv3, nc1, nc2, c3, sc, ia))
            exms.append(exm)

        anyex = exms[0] | exms[1] | exms[2] | exms[3]
        pred = jnp.max(jnp.where(anyex, 1, 0)) == 1

        def refill_all(args):
            new = []
            for b in range(B):
                nv1, nv2, nv3, nc1, nc2, nc3, sc, ia = args[b]
                exm = exms[b]
                rb = jnp.minimum(jnp.min(jnp.where(exm, riota, BIGI)), CH - 1)
                exb = jnp.max(jnp.where(exm, 1.0, 0.0), axis=(0, 1),
                              keepdims=True)
                row0 = scrs[b][pl.ds(rb, 1), :]
                row = row0
                ts, cs = [], []
                for _ in range(NBUF):
                    tt = jnp.max(row)
                    selr = row == tt
                    cc = jnp.min(jnp.where(selr, ciota, BIGI))
                    row = jnp.where(selr & (ciota == cc), negf, row)
                    ts.append(tt)
                    cs.append(cc)
                scrs[b][pl.ds(rb, 1), :] = jnp.where(exb == 1.0, row, row0)
                new.append((jnp.where(exm, ts[0], nv1),
                            jnp.where(exm, ts[1], nv2),
                            jnp.where(exm, ts[2], nv3),
                            jnp.where(exm, cs[0], nc1),
                            jnp.where(exm, cs[1], nc2),
                            jnp.where(exm, cs[2], nc3), sc, ia))
            return tuple(new)

        return jax.lax.cond(pred, refill_all, lambda args: args,
                            tuple(shifted))

    sc0 = jnp.full((1, KPAD), NEG, jnp.float32)
    ia0 = jnp.zeros((1, KPAD), jnp.int32)
    fin = jax.lax.fori_loop(
        0, K, body, tuple(stats0[b] + (sc0, ia0) for b in range(B)))
    chiota = jax.lax.broadcasted_iota(jnp.int32, (R, KPAD), 0)
    for b in range(B):
        out_s_ref[b] = fin[b][6]
        out_i_ref[b] = fin[b][7]
        hwv = fin[b][7] % HW
        yv = hwv // W
        xv = hwv % W
        out_w_ref[0, b] = yv + chiota * H + b * R * H
        out_w_ref[1, b] = jnp.broadcast_to(xv, (R, KPAD))


def _math_kernel(sc_ref, ind_ref, pois_ref, out_ref):
    scores = sc_ref[0]
    ia = ind_ref[0]
    pois = pois_ref[0]

    f32 = jnp.float32
    hwv = ia % HW
    caf = ia // HW
    xs = (hwv % W).astype(f32)
    ys = (hwv // W).astype(f32)

    def ch(j):
        return pois[j:j + 1, :]

    relu = lambda t: jnp.maximum(t, 0.0)
    x1 = (xs - relu(ch(0))) * DOWN
    y1 = (ys - relu(ch(1))) * DOWN
    x2 = (xs + relu(ch(2))) * DOWN
    y2 = (ys + relu(ch(3))) * DOWN
    xhi = f32(W * DOWN - 1.0)
    yhi = f32(H * DOWN - 1.0)
    x1 = jnp.clip(x1, 0.0, xhi)
    x2 = jnp.clip(x2, 0.0, xhi)
    y1 = jnp.clip(y1, 0.0, yhi)
    y2 = jnp.clip(y2, 0.0, yhi)

    def sel3(a, b, c):
        return jnp.where(caf == 0, f32(a), jnp.where(caf == 1, f32(b), f32(c)))
    dim0 = sel3(3.88, 0.84, 1.76) * jnp.exp(ch(6))
    dim1 = sel3(1.53, 1.76, 1.74) * jnp.exp(ch(7))
    dim2 = sel3(1.63, 0.66, 0.60) * jnp.exp(ch(8))

    sig = 1.0 / (1.0 + jnp.exp(-ch(25)))
    depth = jnp.clip(1.0 / (sig + 1e-6) - 1.0, 0.1, 100.0)
    projx = (xs + ch(4)) * DOWN
    projy = (ys + ch(5)) * DOWN
    locx = (projx - CX) * depth / FX
    locy = (projy - CY) * depth / FY + dim1 / 2.0

    d0 = ch(10) - ch(9)
    d1 = ch(12) - ch(11)
    d2 = ch(14) - ch(13)
    d3 = ch(16) - ch(15)
    best = d0
    bidx = jnp.zeros_like(caf)
    for j, dj in ((1, d1), (2, d2), (3, d3)):
        take = dj > best
        bidx = jnp.where(take, j, bidx)
        best = jnp.where(take, dj, best)

    def selbin(o0, o1, o2, o3):
        return jnp.where(bidx == 0, o0, jnp.where(bidx == 1, o1,
                         jnp.where(bidx == 2, o2, o3)))
    sel_s = selbin(ch(17), ch(19), ch(21), ch(23))
    sel_c = selbin(ch(18), ch(20), ch(22), ch(24))
    bctr = selbin(jnp.full_like(best, 0.0), jnp.full_like(best, 0.5 * PI),
                  jnp.full_like(best, PI), jnp.full_like(best, -0.5 * PI))

    def wrap(a):
        t = a + PI
        return t - jnp.floor(t / (2.0 * PI)) * (2.0 * PI) - PI

    alpha = wrap(jnp.arctan2(sel_s, sel_c) + bctr)
    roty = wrap(alpha + jnp.arctan2(locx, depth))
    conf = 1.0 - jnp.clip(jnp.exp(ch(26)), 0.01, 1.0)
    fsc = scores * conf

    valid = scores >= DET_TH
    rows = (caf.astype(f32), alpha, x1, y1, x2, y2, dim0, dim1, dim2,
            locx, locy, depth, roty, fsc)
    for j, val in enumerate(rows):
        out_ref[0, j:j + 1, :] = jnp.where(valid, val, 0.0)
    zero = jnp.zeros((1, KPAD), jnp.float32)
    out_ref[0, 14:15, :] = zero
    out_ref[0, 15:16, :] = zero


NTOT = B * R * KPAD
NW = 32
CHUNK = NTOT // NW

SUB = 80


@functools.cache
def _get_sc_gather():
    mesh = plsc.VectorSubcoreMesh(core_axis_name="c", subcore_axis_name="s")

    @functools.partial(
        pl.kernel,
        mesh=mesh,
        compiler_params=pltpu.CompilerParams(needs_layout_passes=False),
        out_type=jax.ShapeDtypeStruct((NTOT,), jnp.float32),
        scratch_types=[
            pltpu.VMEM((SUB,), jnp.int32),
            pltpu.VMEM((CHUNK,), jnp.int32),
            pltpu.VMEM((SUB, W), jnp.float32),
            pltpu.VMEM((CHUNK,), jnp.float32),
            pltpu.SemaphoreType.DMA,
        ],
    )
    def _sc_gather(table_hbm, ridx_hbm, xoff_hbm, out_hbm,
                   idx_s, xoff_v, rows_v, out_v, sem):
        wid = lax.axis_index("s") * 2 + lax.axis_index("c")
        base = wid * CHUNK
        pltpu.sync_copy(xoff_hbm.at[pl.ds(base, CHUNK)], xoff_v)
        for s in range(CHUNK // SUB):
            pltpu.sync_copy(ridx_hbm.at[pl.ds(base + s * SUB, SUB)], idx_s)
            pltpu.async_copy(table_hbm.at[idx_s], rows_v, sem).wait()
            for g in range(SUB // 16):
                row16 = lax.iota(jnp.int32, 16) + g * 16
                x16 = xoff_v[pl.ds(s * SUB + g * 16, 16)]
                vals = plsc.load_gather(rows_v, [row16, x16])
                out_v[pl.ds(s * SUB + g * 16, 16)] = vals
        pltpu.sync_copy(out_v, out_hbm.at[pl.ds(base, CHUNK)])

    return _sc_gather


def kernel(pred_heatmap, pred_regression):
    sc_a, ind_a, widx = pl.pallas_call(
        _topk_kernel,
        out_shape=[jax.ShapeDtypeStruct((B, 1, KPAD), jnp.float32),
                   jax.ShapeDtypeStruct((B, 1, KPAD), jnp.int32),
                   jax.ShapeDtypeStruct((2, B, R, KPAD), jnp.int32)],
        scratch_shapes=[pltpu.VMEM((CH, W), jnp.float32) for _ in range(B)],
    )(pred_heatmap)

    table = pred_regression.reshape(B * R * H, W)
    pois = _get_sc_gather()(
        table, widx[0].reshape(-1), widx[1].reshape(-1))
    pois = pois.reshape(B, R, KPAD)

    out = pl.pallas_call(
        _math_kernel,
        grid=(B,),
        in_specs=[pl.BlockSpec((1, 1, KPAD), lambda i: (i, 0, 0)),
                  pl.BlockSpec((1, 1, KPAD), lambda i: (i, 0, 0)),
                  pl.BlockSpec((1, R, KPAD), lambda i: (i, 0, 0))],
        out_specs=pl.BlockSpec((1, 16, KPAD), lambda i: (i, 0, 0)),
        out_shape=jax.ShapeDtypeStruct((B, 16, KPAD), jnp.float32),
    )(sc_a, ind_a, pois)

    return out.transpose(0, 2, 1)[:, :K, :14].reshape(B * K, 14)

# --- scband reference (transcript-rebuilt; emitter-appended) ---
"""Pipeline reference for scband-post-processor-2207613190144 (READ-ONLY COPY).

The authoritative reference and input builder live on the scoring server;
editing this copy changes nothing except your own understanding.
"""

import jax, jax.numpy as jnp
import numpy as np

B, C, R, H, W = 4, 3, 50, 192, 640
K = 100
DOWN = 4
DET_TH = 0.2
FX = 721.5377
FY = 721.5377
CX = W * DOWN / 2.0
CY = H * DOWN / 2.0
PI = float(np.pi)
DIM_MEAN = jnp.array([[3.88, 1.53, 1.63], [0.84, 1.76, 0.66], [1.76, 1.74, 0.60]], dtype=jnp.float32)
BIN_CENTERS = jnp.array([0.0, 0.5 * PI, PI, -0.5 * PI], dtype=jnp.float32)


def nms_hm(heat):
    hmax = jax.lax.reduce_window(heat, -np.inf, jax.lax.max, (1, 1, 3, 3), (1, 1, 1, 1), 'SAME')
    keep = (hmax == heat).astype(heat.dtype)
    return heat * keep


def select_topk(heat, k):
    b, c, h, w = heat.shape
    flat = heat.reshape(b, c, h * w)
    tk_scores, tk_inds = jax.lax.top_k(flat, k)
    tk_ys = (tk_inds // w).astype(jnp.float32)
    tk_xs = (tk_inds % w).astype(jnp.float32)
    scores, idx = jax.lax.top_k(tk_scores.reshape(b, c * k), k)
    clses = idx // k
    inds = jnp.take_along_axis(tk_inds.reshape(b, c * k), idx, axis=1)
    ys = jnp.take_along_axis(tk_ys.reshape(b, c * k), idx, axis=1)
    xs = jnp.take_along_axis(tk_xs.reshape(b, c * k), idx, axis=1)
    return scores, inds, clses, ys, xs


def select_poi(index, feat):
    b, r = feat.shape[0], feat.shape[1]
    fm = feat.reshape(b, r, -1).transpose(0, 2, 1)
    idx = jnp.broadcast_to(index[:, :, None], (b, index.shape[1], r))
    return jnp.take_along_axis(fm, idx, axis=1)


def _wrap(a):
    return (a + PI) % (2.0 * PI) - PI


def _postprocess(pred_heatmap, pred_regression):
    heat = nms_hm(pred_heatmap)
    scores, inds, clses, ys, xs = select_topk(heat, K)
    pois = select_poi(inds, pred_regression).reshape(-1, R)
    scores = scores.reshape(-1)
    clses = clses.reshape(-1)
    xs = xs.reshape(-1)
    ys = ys.reshape(-1)
    valid = scores >= DET_TH
    reg2d = jax.nn.relu(pois[:, 0:4])
    off3d = pois[:, 4:6]
    dimoff = pois[:, 6:9]
    ori_cls = pois[:, 9:17]
    ori_off = pois[:, 17:25]
    depth_off = pois[:, 25]
    depth_unc = jnp.exp(pois[:, 26])
    box2d = jnp.stack([xs - reg2d[:, 0], ys - reg2d[:, 1], xs + reg2d[:, 2], ys + reg2d[:, 3]], axis=1) * DOWN
    hi = jnp.array([W * DOWN - 1.0, H * DOWN - 1.0, W * DOWN - 1.0, H * DOWN - 1.0], dtype=jnp.float32)
    box2d = jnp.minimum(jnp.maximum(box2d, 0.0), hi)
    dims = DIM_MEAN[clses] * jnp.exp(dimoff)
    depth = jnp.clip(1.0 / (jax.nn.sigmoid(depth_off) + 1e-6) - 1.0, 0.1, 100.0)
    proj = (jnp.stack([xs, ys], axis=1) + off3d) * DOWN
    locx = (proj[:, 0] - CX) * depth / FX
    locy = (proj[:, 1] - CY) * depth / FY + dims[:, 1] / 2.0
    locs = jnp.stack([locx, locy, depth], axis=1)
    cls_logits = ori_cls.reshape(-1, 4, 2)
    bin_idx = jnp.argmax(cls_logits[..., 1] - cls_logits[..., 0], axis=1)
    offs = ori_off.reshape(-1, 4, 2)
    sel = offs[jnp.arange(offs.shape[0]), bin_idx]
    alpha = _wrap(jnp.arctan2(sel[:, 0], sel[:, 1]) + BIN_CENTERS[bin_idx])
    rotys = _wrap(alpha + jnp.arctan2(locx, depth))
    conf = 1.0 - jnp.clip(depth_unc, 0.01, 1.0)
    final_scores = scores * conf
    result = jnp.concatenate([clses.astype(jnp.float32)[:, None], alpha[:, None], box2d, dims, locs, rotys[:, None], final_scores[:, None]], axis=1)
    return jnp.where(valid[:, None], result, 0.0)


def setup_inputs(seed: int = 0):
    key = jax.random.key(seed)
    k1, k2 = jax.random.split(key)
    pred_heatmap = jax.random.uniform(k1, (B, C, H, W), dtype=jnp.float32)
    pred_regression = jax.random.normal(k2, (B, R, H, W), dtype=jnp.float32)
    return {"pred_heatmap": pred_heatmap, "pred_regression": pred_regression}


def reference(pred_heatmap, pred_regression):
    return _postprocess(pred_heatmap, pred_regression)

if __name__ == "__main__":
    import jax
    _d = setup_inputs()
    print(jax.jit(kernel)(*tuple(_d.values())))

</pallas_src>

<mosaic_0001>
#map = affine_map<(d0, d1) -> (0, 0)>
#map1 = affine_map<(d0, d1) -> (0)>
module attributes {stable_mosaic.version = 14 : i64} {
  func.func @_sc_gather(%arg0: i32, %arg1: i32, %arg2: memref<38400x640xf32, #tpu.memory_space<hbm>>, %arg3: memref<25600xi32, #tpu.memory_space<hbm>>, %arg4: memref<25600xi32, #tpu.memory_space<hbm>>, %arg5: memref<25600xf32, #tpu.memory_space<hbm>>, %arg6: memref<80xi32, #tpu.memory_space<vmem>>, %arg7: memref<800xi32, #tpu.memory_space<vmem>>, %arg8: memref<80x640xf32, #tpu.memory_space<vmem>>, %arg9: memref<800xf32, #tpu.memory_space<vmem>>, %arg10: memref<!tpu.dma_semaphore, #tpu.memory_space<semaphore_mem>>) attributes {dimension_semantics = [#tpu.dimension_semantics<core_parallel>, #tpu.dimension_semantics<subcore_parallel>], iteration_bounds = array<i64: 2, 16>, scalar_prefetch = 0 : i64, scratch_operands = 5 : i64, tpu.core_type = #tpu.core_type<sc_vector_subcore>, window_params = [{transform_indices = #map}, {transform_indices = #map1}, {transform_indices = #map1}, {transform_indices = #map1}]} {
    %mul3A = arith.constant 2 : i32
    %mul3A_0 = arith.muli %arg1, %mul3A : i32
    %add3A = arith.addi %mul3A_0, %arg0 : i32
    %mul3A_1 = arith.constant 800 : i32
    %mul3A_2 = arith.muli %add3A, %mul3A_1 : i32
    "tpu.region"() ({
      %run_scoped3A = tpu.sem_alloc : memref<!tpu.dma_semaphore, #tpu.memory_space<semaphore_mem>>
      %dma_start3A_527 = tpu.memref_slice %arg4[%mul3A_2] : memref<25600xi32, #tpu.memory_space<hbm>> -> memref<800xi32, #tpu.memory_space<hbm>>
      %dma_start3A_528 = tpu.memref_slice %arg4[%mul3A_2] : memref<25600xi32, #tpu.memory_space<hbm>> -> memref<800xi32, #tpu.memory_space<hbm>>
      tpu.enqueue_dma source(%dma_start3A_528 : memref<800xi32, #tpu.memory_space<hbm>>) target(%arg7 : memref<800xi32, #tpu.memory_space<vmem>>) target_semaphore(%run_scoped3A : memref<!tpu.dma_semaphore, #tpu.memory_space<semaphore_mem>>)
      %dma_wait3A_529 = tpu.memref_slice %arg4[%mul3A_2] : memref<25600xi32, #tpu.memory_space<hbm>> -> memref<800xi32, #tpu.memory_space<hbm>>
      %dma_wait3A_530 = tpu.memref_slice %arg4[%mul3A_2] : memref<25600xi32, #tpu.memory_space<hbm>> -> memref<800xi32, #tpu.memory_space<hbm>>
      tpu.wait_dma2 semaphore(%run_scoped3A : memref<!tpu.dma_semaphore, #tpu.memory_space<semaphore_mem>>) src(%dma_wait3A_530 : memref<800xi32, #tpu.memory_space<hbm>>) dst(%arg7 : memref<800xi32, #tpu.memory_space<vmem>>)
      tpu.yield
    }) : () -> ()
    %add3A_3 = arith.constant 0 : i32
    %add3A_4 = arith.addi %mul3A_2, %add3A_3 : i32
    "tpu.region"() ({
      %run_scoped3A = tpu.sem_alloc : memref<!tpu.dma_semaphore, #tpu.memory_space<semaphore_mem>>
      %dma_start3A_527 = tpu.memref_slice %arg3[%add3A_4] : memref<25600xi32, #tpu.memory_space<hbm>> -> memref<80xi32, #tpu.memory_space<hbm>>
      %dma_start3A_528 = tpu.memref_slice %arg3[%add3A_4] : memref<25600xi32, #tpu.memory_space<hbm>> -> memref<80xi32, #tpu.memory_space<hbm>>
      tpu.enqueue_dma source(%dma_start3A_528 : memref<80xi32, #tpu.memory_space<hbm>>) target(%arg6 : memref<80xi32, #tpu.memory_space<vmem>>) target_semaphore(%run_scoped3A : memref<!tpu.dma_semaphore, #tpu.memory_space<semaphore_mem>>)
      %dma_wait3A_529 = tpu.memref_slice %arg3[%add3A_4] : memref<25600xi32, #tpu.memory_space<hbm>> -> memref<80xi32, #tpu.memory_space<hbm>>
      %dma_wait3A_530 = tpu.memref_slice %arg3[%add3A_4] : memref<25600xi32, #tpu.memory_space<hbm>> -> memref<80xi32, #tpu.memory_space<hbm>>
      tpu.wait_dma2 semaphore(%run_scoped3A : memref<!tpu.dma_semaphore, #tpu.memory_space<semaphore_mem>>) src(%dma_wait3A_530 : memref<80xi32, #tpu.memory_space<hbm>>) dst(%arg6 : memref<80xi32, #tpu.memory_space<vmem>>)
      tpu.yield
    }) : () -> ()
    %dma_start3A = arith.constant 0 : i32
    %dma_start3A_5 = arith.constant 0 : i32
    %dma_start3A_6 = tpu.memref_slice %arg2[%dma_start3A, %dma_start3A_5] : memref<38400x640xf32, #tpu.memory_space<hbm>> -> memref<38400x640xf32, #tpu.memory_space<hbm>>
    tpu.enqueue_indirect_dma source(%dma_start3A_6 : memref<38400x640xf32, #tpu.memory_space<hbm>>) target(%arg8 : memref<80x640xf32, #tpu.memory_space<vmem>>) offsets(%arg6 : memref<80xi32, #tpu.memory_space<vmem>>) semaphore(%arg10 : memref<!tpu.dma_semaphore, #tpu.memory_space<semaphore_mem>>)
    %dma_wait3A = arith.constant 0 : i32
    %dma_wait3A_7 = arith.constant 0 : i32
    %dma_wait3A_8 = tpu.memref_slice %arg2[%dma_wait3A, %dma_wait3A_7] : memref<38400x640xf32, #tpu.memory_space<hbm>> -> memref<38400x640xf32, #tpu.memory_space<hbm>>
    tpu.wait_indirect_dma semaphore(%arg10 : memref<!tpu.dma_semaphore, #tpu.memory_space<semaphore_mem>>) src(%dma_wait3A_8 : memref<38400x640xf32, #tpu.memory_space<hbm>>) dst(%arg8 : memref<80x640xf32, #tpu.memory_space<vmem>>)
    %iota3A = tpu.iota {dimensions = array<i32: 0>} : vector<16xi32>
    %add3A_9 = arith.constant 0 : i32
    %add3A_10 = vector.broadcast %add3A_9 : i32 to vector<16xi32>
    %add3A_11 = arith.addi %iota3A, %add3A_10 : vector<16xi32>
    %get3A = arith.constant 0 : index
    %get3A_12 = tpu.vector_load %arg7[%get3A] {strides = array<i32>} : memref<800xi32, #tpu.memory_space<vmem>>, vector<16xi32>,
    %gather3A = tpu.vector_load_idx %arg8[%add3A_11, %get3A_12] : memref<80x640xf32, #tpu.memory_space<vmem>>[vector<16xi32>, vector<16xi32>], vector<16xf32>,
    %swap3A = arith.constant 0 : index
    %swap3A_13 = tpu.vector_load %arg9[%swap3A] {strides = array<i32>} : memref<800xf32, #tpu.memory_space<vmem>>, vector<16xf32>,
    tpu.vector_store %arg9[%swap3A], %gather3A {strides = array<i32>} : memref<800xf32, #tpu.memory_space<vmem>>, vector<16xf32>,
    %iota3A_14 = tpu.iota {dimensions = array<i32: 0>} : vector<16xi32>
    %add3A_15 = arith.constant 16 : i32
    %add3A_16 = vector.broadcast %add3A_15 : i32 to vector<16xi32>
    %add3A_17 = arith.addi %iota3A_14, %add3A_16 : vector<16xi32>
    %get3A_18 = arith.constant 16 : index
    %get3A_19 = tpu.vector_load %arg7[%get3A_18] {strides = array<i32>} : memref<800xi32, #tpu.memory_space<vmem>>, vector<16xi32>,
    %gather3A_20 = tpu.vector_load_idx %arg8[%add3A_17, %get3A_19] : memref<80x640xf32, #tpu.memory_space<vmem>>[vector<16xi32>, vector<16xi32>], vector<16xf32>,
    %swap3A_21 = arith.constant 16 : index
    %swap3A_22 = tpu.vector_load %arg9[%swap3A_21] {strides = array<i32>} : memref<800xf32, #tpu.memory_space<vmem>>, vector<16xf32>,
    tpu.vector_store %arg9[%swap3A_21], %gather3A_20 {strides = array<i32>} : memref<800xf32, #tpu.memory_space<vmem>>, vector<16xf32>,
    %iota3A_23 = tpu.iota {dimensions = array<i32: 0>} : vector<16xi32>
    %add3A_24 = arith.constant 32 : i32
    %add3A_25 = vector.broadcast %add3A_24 : i32 to vector<16xi32>
    %add3A_26 = arith.addi %iota3A_23, %add3A_25 : vector<16xi32>
    %get3A_27 = arith.constant 32 : index
    %get3A_28 = tpu.vector_load %arg7[%get3A_27] {strides = array<i32>} : memref<800xi32, #tpu.memory_space<vmem>>, vector<16xi32>,
    %gather3A_29 = tpu.vector_load_idx %arg8[%add3A_26, %get3A_28] : memref<80x640xf32, #tpu.memory_space<vmem>>[vector<16xi32>, vector<16xi32>], vector<16xf32>,
    %swap3A_30 = arith.constant 32 : index
    %swap3A_31 = tpu.vector_load %arg9[%swap3A_30] {strides = array<i32>} : memref<800xf32, #tpu.memory_space<vmem>>, vector<16xf32>,
    tpu.vector_store %arg9[%swap3A_30], %gather3A_29 {strides = array<i32>} : memref<800xf32, #tpu.memory_space<vmem>>, vector<16xf32>,
    %iota3A_32 = tpu.iota {dimensions = array<i32: 0>} : vector<16xi32>
    %add3A_33 = arith.constant 48 : i32
    %add3A_34 = vector.broadcast %add3A_33 : i32 to vector<16xi32>
    %add3A_35 = arith.addi %iota3A_32, %add3A_34 : vector<16xi32>
    %get3A_36 = arith.constant 48 : index
    %get3A_37 = tpu.vector_load %arg7[%get3A_36] {strides = array<i32>} : memref<800xi32, #tpu.memory_space<vmem>>, vector<16xi32>,
    %gather3A_38 = tpu.vector_load_idx %arg8[%add3A_35, %get3A_37] : memref<80x640xf32, #tpu.memory_space<vmem>>[vector<16xi32>, vector<16xi32>], vector<16xf32>,
    %swap3A_39 = arith.constant 48 : index
    %swap3A_40 = tpu.vector_load %arg9[%swap3A_39] {strides = array<i32>} : memref<800xf32, #tpu.memory_space<vmem>>, vector<16xf32>,
    tpu.vector_store %arg9[%swap3A_39], %gather3A_38 {strides = array<i32>} : memref<800xf32, #tpu.memory_space<vmem>>, vector<16xf32>,
    %iota3A_41 = tpu.iota {dimensions = array<i32: 0>} : vector<16xi32>
    %add3A_42 = arith.constant 64 : i32
    %add3A_43 = vector.broadcast %add3A_42 : i32 to vector<16xi32>
    %add3A_44 = arith.addi %iota3A_41, %add3A_43 : vector<16xi32>
    %get3A_45 = arith.constant 64 : index
    %get3A_46 = tpu.vector_load %arg7[%get3A_45] {strides = array<i32>} : memref<800xi32, #tpu.memory_space<vmem>>, vector<16xi32>,
    %gather3A_47 = tpu.vector_load_idx %arg8[%add3A_44, %get3A_46] : memref<80x640xf32, #tpu.memory_space<vmem>>[vector<16xi32>, vector<16xi32>], vector<16xf32>,
    %swap3A_48 = arith.constant 64 : index
    %swap3A_49 = tpu.vector_load %arg9[%swap3A_48] {strides = array<i32>} : memref<800xf32, #tpu.memory_space<vmem>>, vector<16xf32>,
    tpu.vector_store %arg9[%swap3A_48], %gather3A_47 {strides = array<i32>} : memref<800xf32, #tpu.memory_space<vmem>>, vector<16xf32>,
    %add3A_50 = arith.constant 80 : i32
    %add3A_51 = arith.addi %mul3A_2, %add3A_50 : i32
    "tpu.region"() ({
      %run_scoped3A = tpu.sem_alloc : memref<!tpu.dma_semaphore, #tpu.memory_space<semaphore_mem>>
      %dma_start3A_527 = tpu.memref_slice %arg3[%add3A_51] : memref<25600xi32, #tpu.memory_space<hbm>> -> memref<80xi32, #tpu.memory_space<hbm>>
      %dma_start3A_528 = tpu.memref_slice %arg3[%add3A_51] : memref<25600xi32, #tpu.memory_space<hbm>> -> memref<80xi32, #tpu.memory_space<hbm>>
      tpu.enqueue_dma source(%dma_start3A_528 : memref<80xi32, #tpu.memory_space<hbm>>) target(%arg6 : memref<80xi32, #tpu.memory_space<vmem>>) target_semaphore(%run_scoped3A : memref<!tpu.dma_semaphore, #tpu.memory_space<semaphore_mem>>)
      %dma_wait3A_529 = tpu.memref_slice %arg3[%add3A_51] : memref<25600xi32, #tpu.memory_space<hbm>> -> memref<80xi32, #tpu.memory_space<hbm>>
      %dma_wait3A_530 = tpu.memref_slice %arg3[%add3A_51] : memref<25600xi32, #tpu.memory_space<hbm>> -> memref<80xi32, #tpu.memory_space<hbm>>
      tpu.wait_dma2 semaphore(%run_scoped3A : memref<!tpu.dma_semaphore, #tpu.memory_space<semaphore_mem>>) src(%dma_wait3A_530 : memref<80xi32, #tpu.memory_space<hbm>>) dst(%arg6 : memref<80xi32, #tpu.memory_space<vmem>>)
      tpu.yield
    }) : () -> ()
    %dma_start3A_52 = arith.constant 0 : i32
    %dma_start3A_53 = arith.constant 0 : i32
    %dma_start3A_54 = tpu.memref_slice %arg2[%dma_start3A_52, %dma_start3A_53] : memref<38400x640xf32, #tpu.memory_space<hbm>> -> memref<38400x640xf32, #tpu.memory_space<hbm>>
    tpu.enqueue_indirect_dma source(%dma_start3A_54 : memref<38400x640xf32, #tpu.memory_space<hbm>>) target(%arg8 : memref<80x640xf32, #tpu.memory_space<vmem>>) offsets(%arg6 : memref<80xi32, #tpu.memory_space<vmem>>) semaphore(%arg10 : memref<!tpu.dma_semaphore, #tpu.memory_space<semaphore_mem>>)
    %dma_wait3A_55 = arith.constant 0 : i32
    %dma_wait3A_56 = arith.constant 0 : i32
    %dma_wait3A_57 = tpu.memref_slice %arg2[%dma_wait3A_55, %dma_wait3A_56] : memref<38400x640xf32, #tpu.memory_space<hbm>> -> memref<38400x640xf32, #tpu.memory_space<hbm>>
    tpu.wait_indirect_dma semaphore(%arg10 : memref<!tpu.dma_semaphore, #tpu.memory_space<semaphore_mem>>) src(%dma_wait3A_57 : memref<38400x640xf32, #tpu.memory_space<hbm>>) dst(%arg8 : memref<80x640xf32, #tpu.memory_space<vmem>>)
    %iota3A_58 = tpu.iota {dimensions = array<i32: 0>} : vector<16xi32>
    %add3A_59 = arith.constant 0 : i32
    %add3A_60 = vector.broadcast %add3A_59 : i32 to vector<16xi32>
    %add3A_61 = arith.addi %iota3A_58, %add3A_60 : vector<16xi32>
    %get3A_62 = arith.constant 80 : index
    %get3A_63 = tpu.vector_load %arg7[%get3A_62] {strides = array<i32>} : memref<800xi32, #tpu.memory_space<vmem>>, vector<16xi32>,
    %gather3A_64 = tpu.vector_load_idx %arg8[%add3A_61, %get3A_63] : memref<80x640xf32, #tpu.memory_space<vmem>>[vector<16xi32>, vector<16xi32>], vector<16xf32>,
    %swap3A_65 = arith.constant 80 : index
    %swap3A_66 = tpu.vector_load %arg9[%swap3A_65] {strides = array<i32>} : memref<800xf32, #tpu.memory_space<vmem>>, vector<16xf32>,
    tpu.vector_store %arg9[%swap3A_65], %gather3A_64 {strides = array<i32>} : memref<800xf32, #tpu.memory_space<vmem>>, vector<16xf32>,
    %iota3A_67 = tpu.iota {dimensions = array<i32: 0>} : vector<16xi32>
    %add3A_68 = arith.constant 16 : i32
    %add3A_69 = vector.broadcast %add3A_68 : i32 to vector<16xi32>
    %add3A_70 = arith.addi %iota3A_67, %add3A_69 : vector<16xi32>
    %get3A_71 = arith.constant 96 : index
    %get3A_72 = tpu.vector_load %arg7[%get3A_71] {strides = array<i32>} : memref<800xi32, #tpu.memory_space<vmem>>, vector<16xi32>,
    %gather3A_73 = tpu.vector_load_idx %arg8[%add3A_70, %get3A_72] : memref<80x640xf32, #tpu.memory_space<vmem>>[vector<16xi32>, vector<16xi32>], vector<16xf32>,
    %swap3A_74 = arith.constant 96 : index
    %swap3A_75 = tpu.vector_load %arg9[%swap3A_74] {strides = array<i32>} : memref<800xf32, #tpu.memory_space<vmem>>, vector<16xf32>,
    tpu.vector_store %arg9[%swap3A_74], %gather3A_73 {strides = array<i32>} : memref<800xf32, #tpu.memory_space<vmem>>, vector<16xf32>,
    %iota3A_76 = tpu.iota {dimensions = array<i32: 0>} : vector<16xi32>
    %add3A_77 = arith.constant 32 : i32
    %add3A_78 = vector.broadcast %add3A_77 : i32 to vector<16xi32>
    %add3A_79 = arith.addi %iota3A_76, %add3A_78 : vector<16xi32>
    %get3A_80 = arith.constant 112 : index
    %get3A_81 = tpu.vector_load %arg7[%get3A_80] {strides = array<i32>} : memref<800xi32, #tpu.memory_space<vmem>>, vector<16xi32>,
    %gather3A_82 = tpu.vector_load_idx %arg8[%add3A_79, %get3A_81] : memref<80x640xf32, #tpu.memory_space<vmem>>[vector<16xi32>, vector<16xi32>], vector<16xf32>,
    %swap3A_83 = arith.constant 112 : index
    %swap3A_84 = tpu.vector_load %arg9[%swap3A_83] {strides = array<i32>} : memref<800xf32, #tpu.memory_space<vmem>>, vector<16xf32>,
    tpu.vector_store %arg9[%swap3A_83], %gather3A_82 {strides = array<i32>} : memref<800xf32, #tpu.memory_space<vmem>>, vector<16xf32>,
    %iota3A_85 = tpu.iota {dimensions = array<i32: 0>} : vector<16xi32>
    %add3A_86 = arith.constant 48 : i32
    %add3A_87 = vector.broadcast %add3A_86 : i32 to vector<16xi32>
    %add3A_88 = arith.addi %iota3A_85, %add3A_87 : vector<16xi32>
    %get3A_89 = arith.constant 128 : index
    %get3A_90 = tpu.vector_load %arg7[%get3A_89] {strides = array<i32>} : memref<800xi32, #tpu.memory_space<vmem>>, vector<16xi32>,
    %gather3A_91 = tpu.vector_load_idx %arg8[%add3A_88, %get3A_90] : memref<80x640xf32, #tpu.memory_space<vmem>>[vector<16xi32>, vector<16xi32>], vector<16xf32>,
    %swap3A_92 = arith.constant 128 : index
    %swap3A_93 = tpu.vector_load %arg9[%swap3A_92] {strides = array<i32>} : memref<800xf32, #tpu.memory_space<vmem>>, vector<16xf32>,
    tpu.vector_store %arg9[%swap3A_92], %gather3A_91 {strides = array<i32>} : memref<800xf32, #tpu.memory_space<vmem>>, vector<16xf32>,
    %iota3A_94 = tpu.iota {dimensions = array<i32: 0>} : vector<16xi32>
    %add3A_95 = arith.constant 64 : i32
    %add3A_96 = vector.broadcast %add3A_95 : i32 to vector<16xi32>
    %add3A_97 = arith.addi %iota3A_94, %add3A_96 : vector<16xi32>
    %get3A_98 = arith.constant 144 : index
    %get3A_99 = tpu.vector_load %arg7[%get3A_98] {strides = array<i32>} : memref<800xi32, #tpu.memory_space<vmem>>, vector<16xi32>,
    %gather3A_100 = tpu.vector_load_idx %arg8[%add3A_97, %get3A_99] : memref<80x640xf32, #tpu.memory_space<vmem>>[vector<16xi32>, vector<16xi32>], vector<16xf32>,
    %swap3A_101 = arith.constant 144 : index
    %swap3A_102 = tpu.vector_load %arg9[%swap3A_101] {strides = array<i32>} : memref<800xf32, #tpu.memory_space<vmem>>, vector<16xf32>,
    tpu.vector_store %arg9[%swap3A_101], %gather3A_100 {strides = array<i32>} : memref<800xf32, #tpu.memory_space<vmem>>, vector<16xf32>,
    %add3A_103 = arith.constant 160 : i32
    %add3A_104 = arith.addi %mul3A_2, %add3A_103 : i32
    "tpu.region"() ({
      %run_scoped3A = tpu.sem_alloc : memref<!tpu.dma_semaphore, #tpu.memory_space<semaphore_mem>>
      %dma_start3A_527 = tpu.memref_slice %arg3[%add3A_104] : memref<25600xi32, #tpu.memory_space<hbm>> -> memref<80xi32, #tpu.memory_space<hbm>>
      %dma_start3A_528 = tpu.memref_slice %arg3[%add3A_104] : memref<25600xi32, #tpu.memory_space<hbm>> -> memref<80xi32, #tpu.memory_space<hbm>>
      tpu.enqueue_dma source(%dma_start3A_528 : memref<80xi32, #tpu.memory_space<hbm>>) target(%arg6 : memref<80xi32, #tpu.memory_space<vmem>>) target_semaphore(%run_scoped3A : memref<!tpu.dma_semaphore, #tpu.memory_space<semaphore_mem>>)
      %dma_wait3A_529 = tpu.memref_slice %arg3[%add3A_104] : memref<25600xi32, #tpu.memory_space<hbm>> -> memref<80xi32, #tpu.memory_space<hbm>>
      %dma_wait3A_530 = tpu.memref_slice %arg3[%add3A_104] : memref<25600xi32, #tpu.memory_space<hbm>> -> memref<80xi32, #tpu.memory_space<hbm>>
      tpu.wait_dma2 semaphore(%run_scoped3A : memref<!tpu.dma_semaphore, #tpu.memory_space<semaphore_mem>>) src(%dma_wait3A_530 : memref<80xi32, #tpu.memory_space<hbm>>) dst(%arg6 : memref<80xi32, #tpu.memory_space<vmem>>)
      tpu.yield
    }) : () -> ()
    %dma_start3A_105 = arith.constant 0 : i32
    %dma_start3A_106 = arith.constant 0 : i32
    %dma_start3A_107 = tpu.memref_slice %arg2[%dma_start3A_105, %dma_start3A_106] : memref<38400x640xf32, #tpu.memory_space<hbm>> -> memref<38400x640xf32, #tpu.memory_space<hbm>>
    tpu.enqueue_indirect_dma source(%dma_start3A_107 : memref<38400x640xf32, #tpu.memory_space<hbm>>) target(%arg8 : memref<80x640xf32, #tpu.memory_space<vmem>>) offsets(%arg6 : memref<80xi32, #tpu.memory_space<vmem>>) semaphore(%arg10 : memref<!tpu.dma_semaphore, #tpu.memory_space<semaphore_mem>>)
    %dma_wait3A_108 = arith.constant 0 : i32
    %dma_wait3A_109 = arith.constant 0 : i32
    %dma_wait3A_110 = tpu.memref_slice %arg2[%dma_wait3A_108, %dma_wait3A_109] : memref<38400x640xf32, #tpu.memory_space<hbm>> -> memref<38400x640xf32, #tpu.memory_space<hbm>>
    tpu.wait_indirect_dma semaphore(%arg10 : memref<!tpu.dma_semaphore, #tpu.memory_space<semaphore_mem>>) src(%dma_wait3A_110 : memref<38400x640xf32, #tpu.memory_space<hbm>>) dst(%arg8 : memref<80x640xf32, #tpu.memory_space<vmem>>)
    %iota3A_111 = tpu.iota {dimensions = array<i32: 0>} : vector<16xi32>
    %add3A_112 = arith.constant 0 : i32
    %add3A_113 = vector.broadcast %add3A_112 : i32 to vector<16xi32>
    %add3A_114 = arith.addi %iota3A_111, %add3A_113 : vector<16xi32>
    %get3A_115 = arith.constant 160 : index
    %get3A_116 = tpu.vector_load %arg7[%get3A_115] {strides = array<i32>} : memref<800xi32, #tpu.memory_space<vmem>>, vector<16xi32>,
    %gather3A_117 = tpu.vector_load_idx %arg8[%add3A_114, %get3A_116] : memref<80x640xf32, #tpu.memory_space<vmem>>[vector<16xi32>, vector<16xi32>], vector<16xf32>,
    %swap3A_118 = arith.constant 160 : index
    %swap3A_119 = tpu.vector_load %arg9[%swap3A_118] {strides = array<i32>} : memref<800xf32, #tpu.memory_space<vmem>>, vector<16xf32>,
    tpu.vector_store %arg9[%swap3A_118], %gather3A_117 {strides = array<i32>} : memref<800xf32, #tpu.memory_space<vmem>>, vector<16xf32>,
    %iota3A_120 = tpu.iota {dimensions = array<i32: 0>} : vector<16xi32>
    %add3A_121 = arith.constant 16 : i32
    %add3A_122 = vector.broadcast %add3A_121 : i32 to vector<16xi32>
    %add3A_123 = arith.addi %iota3A_120, %add3A_122 : vector<16xi32>
    %get3A_124 = arith.constant 176 : index
    %get3A_125 = tpu.vector_load %arg7[%get3A_124] {strides = array<i32>} : memref<800xi32, #tpu.memory_space<vmem>>, vector<16xi32>,
    %gather3A_126 = tpu.vector_load_idx %arg8[%add3A_123, %get3A_125] : memref<80x640xf32, #tpu.memory_space<vmem>>[vector<16xi32>, vector<16xi32>], vector<16xf32>,
    %swap3A_127 = arith.constant 176 : index
    %swap3A_128 = tpu.vector_load %arg9[%swap3A_127] {strides = array<i32>} : memref<800xf32, #tpu.memory_space<vmem>>, vector<16xf32>,
    tpu.vector_store %arg9[%swap3A_127], %gather3A_126 {strides = array<i32>} : memref<800xf32, #tpu.memory_space<vmem>>, vector<16xf32>,
    %iota3A_129 = tpu.iota {dimensions = array<i32: 0>} : vector<16xi32>
    %add3A_130 = arith.constant 32 : i32
    %add3A_131 = vector.broadcast %add3A_130 : i32 to vector<16xi32>
    %add3A_132 = arith.addi %iota3A_129, %add3A_131 : vector<16xi32>
    %get3A_133 = arith.constant 192 : index
    %get3A_134 = tpu.vector_load %arg7[%get3A_133] {strides = array<i32>} : memref<800xi32, #tpu.memory_space<vmem>>, vector<16xi32>,
    %gather3A_135 = tpu.vector_load_idx %arg8[%add3A_132, %get3A_134] : memref<80x640xf32, #tpu.memory_space<vmem>>[vector<16xi32>, vector<16xi32>], vector<16xf32>,
    %swap3A_136 = arith.constant 192 : index
    %swap3A_137 = tpu.vector_load %arg9[%swap3A_136] {strides = array<i32>} : memref<800xf32, #tpu.memory_space<vmem>>, vector<16xf32>,
    tpu.vector_store %arg9[%swap3A_136], %gather3A_135 {strides = array<i32>} : memref<800xf32, #tpu.memory_space<vmem>>, vector<16xf32>,
    %iota3A_138 = tpu.iota {dimensions = array<i32: 0>} : vector<16xi32>
    %add3A_139 = arith.constant 48 : i32
    %add3A_140 = vector.broadcast %add3A_139 : i32 to vector<16xi32>
    %add3A_141 = arith.addi %iota3A_138, %add3A_140 : vector<16xi32>
    %get3A_142 = arith.constant 208 : index
    %get3A_143 = tpu.vector_load %arg7[%get3A_142] {strides = array<i32>} : memref<800xi32, #tpu.memory_space<vmem>>, vector<16xi32>,
    %gather3A_144 = tpu.vector_load_idx %arg8[%add3A_141, %get3A_143] : memref<80x640xf32, #tpu.memory_space<vmem>>[vector<16xi32>, vector<16xi32>], vector<16xf32>,
    %swap3A_145 = arith.constant 208 : index
    %swap3A_146 = tpu.vector_load %arg9[%swap3A_145] {strides = array<i32>} : memref<800xf32, #tpu.memory_space<vmem>>, vector<16xf32>,
    tpu.vector_store %arg9[%swap3A_145], %gather3A_144 {strides = array<i32>} : memref<800xf32, #tpu.memory_space<vmem>>, vector<16xf32>,
    %iota3A_147 = tpu.iota {dimensions = array<i32: 0>} : vector<16xi32>
    %add3A_148 = arith.constant 64 : i32
    %add3A_149 = vector.broadcast %add3A_148 : i32 to vector<16xi32>
    %add3A_150 = arith.addi %iota3A_147, %add3A_149 : vector<16xi32>
    %get3A_151 = arith.constant 224 : index
    %get3A_152 = tpu.vector_load %arg7[%get3A_151] {strides = array<i32>} : memref<800xi32, #tpu.memory_space<vmem>>, vector<16xi32>,
    %gather3A_153 = tpu.vector_load_idx %arg8[%add3A_150, %get3A_152] : memref<80x640xf32, #tpu.memory_space<vmem>>[vector<16xi32>, vector<16xi32>], vector<16xf32>,
    %swap3A_154 = arith.constant 224 : index
    %swap3A_155 = tpu.vector_load %arg9[%swap3A_154] {strides = array<i32>} : memref<800xf32, #tpu.memory_space<vmem>>, vector<16xf32>,
    tpu.vector_store %arg9[%swap3A_154], %gather3A_153 {strides = array<i32>} : memref<800xf32, #tpu.memory_space<vmem>>, vector<16xf32>,
    %add3A_156 = arith.constant 240 : i32
    %add3A_157 = arith.addi %mul3A_2, %add3A_156 : i32
    "tpu.region"() ({
      %run_scoped3A = tpu.sem_alloc : memref<!tpu.dma_semaphore, #tpu.memory_space<semaphore_mem>>
      %dma_start3A_527 = tpu.memref_slice %arg3[%add3A_157] : memref<25600xi32, #tpu.memory_space<hbm>> -> memref<80xi32, #tpu.memory_space<hbm>>
      %dma_start3A_528 = tpu.memref_slice %arg3[%add3A_157] : memref<25600xi32, #tpu.memory_space<hbm>> -> memref<80xi32, #tpu.memory_space<hbm>>
      tpu.enqueue_dma source(%dma_start3A_528 : memref<80xi32, #tpu.memory_space<hbm>>) target(%arg6 : memref<80xi32, #tpu.memory_space<vmem>>) target_semaphore(%run_scoped3A : memref<!tpu.dma_semaphore, #tpu.memory_space<semaphore_mem>>)
      %dma_wait3A_529 = tpu.memref_slice %arg3[%add3A_157] : memref<25600xi32, #tpu.memory_space<hbm>> -> memref<80xi32, #tpu.memory_space<hbm>>
      %dma_wait3A_530 = tpu.memref_slice %arg3[%add3A_157] : memref<25600xi32, #tpu.memory_space<hbm>> -> memref<80xi32, #tpu.memory_space<hbm>>
      tpu.wait_dma2 semaphore(%run_scoped3A : memref<!tpu.dma_semaphore, #tpu.memory_space<semaphore_mem>>) src(%dma_wait3A_530 : memref<80xi32, #tpu.memory_space<hbm>>) dst(%arg6 : memref<80xi32, #tpu.memory_space<vmem>>)
      tpu.yield
    }) : () -> ()
    %dma_start3A_158 = arith.constant 0 : i32
    %dma_start3A_159 = arith.constant 0 : i32
    %dma_start3A_160 = tpu.memref_slice %arg2[%dma_start3A_158, %dma_start3A_159] : memref<38400x640xf32, #tpu.memory_space<hbm>> -> memref<38400x640xf32, #tpu.memory_space<hbm>>
    tpu.enqueue_indirect_dma source(%dma_start3A_160 : memref<38400x640xf32, #tpu.memory_space<hbm>>) target(%arg8 : memref<80x640xf32, #tpu.memory_space<vmem>>) offsets(%arg6 : memref<80xi32, #tpu.memory_space<vmem>>) semaphore(%arg10 : memref<!tpu.dma_semaphore, #tpu.memory_space<semaphore_mem>>)
    %dma_wait3A_161 = arith.constant 0 : i32
    %dma_wait3A_162 = arith.constant 0 : i32
    %dma_wait3A_163 = tpu.memref_slice %arg2[%dma_wait3A_161, %dma_wait3A_162] : memref<38400x640xf32, #tpu.memory_space<hbm>> -> memref<38400x640xf32, #tpu.memory_space<hbm>>
    tpu.wait_indirect_dma semaphore(%arg10 : memref<!tpu.dma_semaphore, #tpu.memory_space<semaphore_mem>>) src(%dma_wait3A_163 : memref<38400x640xf32, #tpu.memory_space<hbm>>) dst(%arg8 : memref<80x640xf32, #tpu.memory_space<vmem>>)
    %iota3A_164 = tpu.iota {dimensions = array<i32: 0>} : vector<16xi32>
    %add3A_165 = arith.constant 0 : i32
    %add3A_166 = vector.broadcast %add3A_165 : i32 to vector<16xi32>
    %add3A_167 = arith.addi %iota3A_164, %add3A_166 : vector<16xi32>
    %get3A_168 = arith.constant 240 : index
    %get3A_169 = tpu.vector_load %arg7[%get3A_168] {strides = array<i32>} : memref<800xi32, #tpu.memory_space<vmem>>, vector<16xi32>,
    %gather3A_170 = tpu.vector_load_idx %arg8[%add3A_167, %get3A_169] : memref<80x640xf32, #tpu.memory_space<vmem>>[vector<16xi32>, vector<16xi32>], vector<16xf32>,
    %swap3A_171 = arith.constant 240 : index
    %swap3A_172 = tpu.vector_load %arg9[%swap3A_171] {strides = array<i32>} : memref<800xf32, #tpu.memory_space<vmem>>, vector<16xf32>,
    tpu.vector_store %arg9[%swap3A_171], %gather3A_170 {strides = array<i32>} : memref<800xf32, #tpu.memory_space<vmem>>, vector<16xf32>,
    %iota3A_173 = tpu.iota {dimensions = array<i32: 0>} : vector<16xi32>
    %add3A_174 = arith.constant 16 : i32
    %add3A_175 = vector.broadcast %add3A_174 : i32 to vector<16xi32>
    %add3A_176 = arith.addi %iota3A_173, %add3A_175 : vector<16xi32>
    %get3A_177 = arith.constant 256 : index
    %get3A_178 = tpu.vector_load %arg7[%get3A_177] {strides = array<i32>} : memref<800xi32, #tpu.memory_space<vmem>>, vector<16xi32>,
    %gather3A_179 = tpu.vector_load_idx %arg8[%add3A_176, %get3A_178] : memref<80x640xf32, #tpu.memory_space<vmem>>[vector<16xi32>, vector<16xi32>], vector<16xf32>,
    %swap3A_180 = arith.constant 256 : index
    %swap3A_181 = tpu.vector_load %arg9[%swap3A_180] {strides = array<i32>} : memref<800xf32, #tpu.memory_space<vmem>>, vector<16xf32>,
    tpu.vector_store %arg9[%swap3A_180], %gather3A_179 {strides = array<i32>} : memref<800xf32, #tpu.memory_space<vmem>>, vector<16xf32>,
    %iota3A_182 = tpu.iota {dimensions = array<i32: 0>} : vector<16xi32>
    %add3A_183 = arith.constant 32 : i32
    %add3A_184 = vector.broadcast %add3A_183 : i32 to vector<16xi32>
    %add3A_185 = arith.addi %iota3A_182, %add3A_184 : vector<16xi32>
    %get3A_186 = arith.constant 272 : index
    %get3A_187 = tpu.vector_load %arg7[%get3A_186] {strides = array<i32>} : memref<800xi32, #tpu.memory_space<vmem>>, vector<16xi32>,
    %gather3A_188 = tpu.vector_load_idx %arg8[%add3A_185, %get3A_187] : memref<80x640xf32, #tpu.memory_space<vmem>>[vector<16xi32>, vector<16xi32>], vector<16xf32>,
    %swap3A_189 = arith.constant 272 : index
    %swap3A_190 = tpu.vector_load %arg9[%swap3A_189] {strides = array<i32>} : memref<800xf32, #tpu.memory_space<vmem>>, vector<16xf32>,
    tpu.vector_store %arg9[%swap3A_189], %gather3A_188 {strides = array<i32>} : memref<800xf32, #tpu.memory_space<vmem>>, vector<16xf32>,
    %iota3A_191 = tpu.iota {dimensions = array<i32: 0>} : vector<16xi32>
    %add3A_192 = arith.constant 48 : i32
    %add3A_193 = vector.broadcast %add3A_192 : i32 to vector<16xi32>
    %add3A_194 = arith.addi %iota3A_191, %add3A_193 : vector<16xi32>
    %get3A_195 = arith.constant 288 : index
    %get3A_196 = tpu.vector_load %arg7[%get3A_195] {strides = array<i32>} : memref<800xi32, #tpu.memory_space<vmem>>, vector<16xi32>,
    %gather3A_197 = tpu.vector_load_idx %arg8[%add3A_194, %get3A_196] : memref<80x640xf32, #tpu.memory_space<vmem>>[vector<16xi32>, vector<16xi32>], vector<16xf32>,
    %swap3A_198 = arith.constant 288 : index
    %swap3A_199 = tpu.vector_load %arg9[%swap3A_198] {strides = array<i32>} : memref<800xf32, #tpu.memory_space<vmem>>, vector<16xf32>,
    tpu.vector_store %arg9[%swap3A_198], %gather3A_197 {strides = array<i32>} : memref<800xf32, #tpu.memory_space<vmem>>, vector<16xf32>,
    %iota3A_200 = tpu.iota {dimensions = array<i32: 0>} : vector<16xi32>
    %add3A_201 = arith.constant 64 : i32
    %add3A_202 = vector.broadcast %add3A_201 : i32 to vector<16xi32>
    %add3A_203 = arith.addi %iota3A_200, %add3A_202 : vector<16xi32>
    %get3A_204 = arith.constant 304 : index
    %get3A_205 = tpu.vector_load %arg7[%get3A_204] {strides = array<i32>} : memref<800xi32, #tpu.memory_space<vmem>>, vector<16xi32>,
    %gather3A_206 = tpu.vector_load_idx %arg8[%add3A_203, %get3A_205] : memref<80x640xf32, #tpu.memory_space<vmem>>[vector<16xi32>, vector<16xi32>], vector<16xf32>,
    %swap3A_207 = arith.constant 304 : index
    %swap3A_208 = tpu.vector_load %arg9[%swap3A_207] {strides = array<i32>} : memref<800xf32, #tpu.memory_space<vmem>>, vector<16xf32>,
    tpu.vector_store %arg9[%swap3A_207], %gather3A_206 {strides = array<i32>} : memref<800xf32, #tpu.memory_space<vmem>>, vector<16xf32>,
    %add3A_209 = arith.constant 320 : i32
    %add3A_210 = arith.addi %mul3A_2, %add3A_209 : i32
    "tpu.region"() ({
      %run_scoped3A = tpu.sem_alloc : memref<!tpu.dma_semaphore, #tpu.memory_space<semaphore_mem>>
      %dma_start3A_527 = tpu.memref_slice %arg3[%add3A_210] : memref<25600xi32, #tpu.memory_space<hbm>> -> memref<80xi32, #tpu.memory_space<hbm>>
      %dma_start3A_528 = tpu.memref_slice %arg3[%add3A_210] : memref<25600xi32, #tpu.memory_space<hbm>> -> memref<80xi32, #tpu.memory_space<hbm>>
      tpu.enqueue_dma source(%dma_start3A_528 : memref<80xi32, #tpu.memory_space<hbm>>) target(%arg6 : memref<80xi32, #tpu.memory_space<vmem>>) target_semaphore(%run_scoped3A : memref<!tpu.dma_semaphore, #tpu.memory_space<semaphore_mem>>)
      %dma_wait3A_529 = tpu.memref_slice %arg3[%add3A_210] : memref<25600xi32, #tpu.memory_space<hbm>> -> memref<80xi32, #tpu.memory_space<hbm>>
      %dma_wait3A_530 = tpu.memref_slice %arg3[%add3A_210] : memref<25600xi32, #tpu.memory_space<hbm>> -> memref<80xi32, #tpu.memory_space<hbm>>
      tpu.wait_dma2 semaphore(%run_scoped3A : memref<!tpu.dma_semaphore, #tpu.memory_space<semaphore_mem>>) src(%dma_wait3A_530 : memref<80xi32, #tpu.memory_space<hbm>>) dst(%arg6 : memref<80xi32, #tpu.memory_space<vmem>>)
      tpu.yield
    }) : () -> ()
    %dma_start3A_211 = arith.constant 0 : i32
    %dma_start3A_212 = arith.constant 0 : i32
    %dma_start3A_213 = tpu.memref_slice %arg2[%dma_start3A_211, %dma_start3A_212] : memref<38400x640xf32, #tpu.memory_space<hbm>> -> memref<38400x640xf32, #tpu.memory_space<hbm>>
    tpu.enqueue_indirect_dma source(%dma_start3A_213 : memref<38400x640xf32, #tpu.memory_space<hbm>>) target(%arg8 : memref<80x640xf32, #tpu.memory_space<vmem>>) offsets(%arg6 : memref<80xi32, #tpu.memory_space<vmem>>) semaphore(%arg10 : memref<!tpu.dma_semaphore, #tpu.memory_space<semaphore_mem>>)
    %dma_wait3A_214 = arith.constant 0 : i32
    %dma_wait3A_215 = arith.constant 0 : i32
    %dma_wait3A_216 = tpu.memref_slice %arg2[%dma_wait3A_214, %dma_wait3A_215] : memref<38400x640xf32, #tpu.memory_space<hbm>> -> memref<38400x640xf32, #tpu.memory_space<hbm>>
    tpu.wait_indirect_dma semaphore(%arg10 : memref<!tpu.dma_semaphore, #tpu.memory_space<semaphore_mem>>) src(%dma_wait3A_216 : memref<38400x640xf32, #tpu.memory_space<hbm>>) dst(%arg8 : memref<80x640xf32, #tpu.memory_space<vmem>>)
    %iota3A_217 = tpu.iota {dimensions = array<i32: 0>} : vector<16xi32>
    %add3A_218 = arith.constant 0 : i32
    %add3A_219 = vector.broadcast %add3A_218 : i32 to vector<16xi32>
    %add3A_220 = arith.addi %iota3A_217, %add3A_219 : vector<16xi32>
    %get3A_221 = arith.constant 320 : index
    %get3A_222 = tpu.vector_load %arg7[%get3A_221] {strides = array<i32>} : memref<800xi32, #tpu.memory_space<vmem>>, vector<16xi32>,
    %gather3A_223 = tpu.vector_load_idx %arg8[%add3A_220, %get3A_222] : memref<80x640xf32, #tpu.memory_space<vmem>>[vector<16xi32>, vector<16xi32>], vector<16xf32>,
    %swap3A_224 = arith.constant 320 : index
    %swap3A_225 = tpu.vector_load %arg9[%swap3A_224] {strides = array<i32>} : memref<800xf32, #tpu.memory_space<vmem>>, vector<16xf32>,
    tpu.vector_store %arg9[%swap3A_224], %gather3A_223 {strides = array<i32>} : memref<800xf32, #tpu.memory_space<vmem>>, vector<16xf32>,
    %iota3A_226 = tpu.iota {dimensions = array<i32: 0>} : vector<16xi32>
    %add3A_227 = arith.constant 16 : i32
    %add3A_228 = vector.broadcast %add3A_227 : i32 to vector<16xi32>
    %add3A_229 = arith.addi %iota3A_226, %add3A_228 : vector<16xi32>
    %get3A_230 = arith.constant 336 : index
    %get3A_231 = tpu.vector_load %arg7[%get3A_230] {strides = array<i32>} : memref<800xi32, #tpu.memory_space<vmem>>, vector<16xi32>,
    %gather3A_232 = tpu.vector_load_idx %arg8[%add3A_229, %get3A_231] : memref<80x640xf32, #tpu.memory_space<vmem>>[vector<16xi32>, vector<16xi32>], vector<16xf32>,
    %swap3A_233 = arith.constant 336 : index
    %swap3A_234 = tpu.vector_load %arg9[%swap3A_233] {strides = array<i32>} : memref<800xf32, #tpu.memory_space<vmem>>, vector<16xf32>,
    tpu.vector_store %arg9[%swap3A_233], %gather3A_232 {strides = array<i32>} : memref<800xf32, #tpu.memory_space<vmem>>, vector<16xf32>,
    %iota3A_235 = tpu.iota {dimensions = array<i32: 0>} : vector<16xi32>
    %add3A_236 = arith.constant 32 : i32
    %add3A_237 = vector.broadcast %add3A_236 : i32 to vector<16xi32>
    %add3A_238 = arith.addi %iota3A_235, %add3A_237 : vector<16xi32>
    %get3A_239 = arith.constant 352 : index
    %get3A_240 = tpu.vector_load %arg7[%get3A_239] {strides = array<i32>} : memref<800xi32, #tpu.memory_space<vmem>>, vector<16xi32>,
    %gather3A_241 = tpu.vector_load_idx %arg8[%add3A_238, %get3A_240] : memref<80x640xf32, #tpu.memory_space<vmem>>[vector<16xi32>, vector<16xi32>], vector<16xf32>,
    %swap3A_242 = arith.constant 352 : index
    %swap3A_243 = tpu.vector_load %arg9[%swap3A_242] {strides = array<i32>} : memref<800xf32, #tpu.memory_space<vmem>>, vector<16xf32>,
    tpu.vector_store %arg9[%swap3A_242], %gather3A_241 {strides = array<i32>} : memref<800xf32, #tpu.memory_space<vmem>>, vector<16xf32>,
    %iota3A_244 = tpu.iota {dimensions = array<i32: 0>} : vector<16xi32>
    %add3A_245 = arith.constant 48 : i32
    %add3A_246 = vector.broadcast %add3A_245 : i32 to vector<16xi32>
    %add3A_247 = arith.addi %iota3A_244, %add3A_246 : vector<16xi32>
    %get3A_248 = arith.constant 368 : index
    %get3A_249 = tpu.vector_load %arg7[%get3A_248] {strides = array<i32>} : memref<800xi32, #tpu.memory_space<vmem>>, vector<16xi32>,
    %gather3A_250 = tpu.vector_load_idx %arg8[%add3A_247, %get3A_249] : memref<80x640xf32, #tpu.memory_space<vmem>>[vector<16xi32>, vector<16xi32>], vector<16xf32>,
    %swap3A_251 = arith.constant 368 : index
    %swap3A_252 = tpu.vector_load %arg9[%swap3A_251] {strides = array<i32>} : memref<800xf32, #tpu.memory_space<vmem>>, vector<16xf32>,
    tpu.vector_store %arg9[%swap3A_251], %gather3A_250 {strides = array<i32>} : memref<800xf32, #tpu.memory_space<vmem>>, vector<16xf32>,
    %iota3A_253 = tpu.iota {dimensions = array<i32: 0>} : vector<16xi32>
    %add3A_254 = arith.constant 64 : i32
    %add3A_255 = vector.broadcast %add3A_254 : i32 to vector<16xi32>
    %add3A_256 = arith.addi %iota3A_253, %add3A_255 : vector<16xi32>
    %get3A_257 = arith.constant 384 : index
    %get3A_258 = tpu.vector_load %arg7[%get3A_257] {strides = array<i32>} : memref<800xi32, #tpu.memory_space<vmem>>, vector<16xi32>,
    %gather3A_259 = tpu.vector_load_idx %arg8[%add3A_256, %get3A_258] : memref<80x640xf32, #tpu.memory_space<vmem>>[vector<16xi32>, vector<16xi32>], vector<16xf32>,
    %swap3A_260 = arith.constant 384 : index
    %swap3A_261 = tpu.vector_load %arg9[%swap3A_260] {strides = array<i32>} : memref<800xf32, #tpu.memory_space<vmem>>, vector<16xf32>,
    tpu.vector_store %arg9[%swap3A_260], %gather3A_259 {strides = array<i32>} : memref<800xf32, #tpu.memory_space<vmem>>, vector<16xf32>,
    %add3A_262 = arith.constant 400 : i32
    %add3A_263 = arith.addi %mul3A_2, %add3A_262 : i32
    "tpu.region"() ({
      %run_scoped3A = tpu.sem_alloc : memref<!tpu.dma_semaphore, #tpu.memory_space<semaphore_mem>>
      %dma_start3A_527 = tpu.memref_slice %arg3[%add3A_263] : memref<25600xi32, #tpu.memory_space<hbm>> -> memref<80xi32, #tpu.memory_space<hbm>>
      %dma_start3A_528 = tpu.memref_slice %arg3[%add3A_263] : memref<25600xi32, #tpu.memory_space<hbm>> -> memref<80xi32, #tpu.memory_space<hbm>>
      tpu.enqueue_dma source(%dma_start3A_528 : memref<80xi32, #tpu.memory_space<hbm>>) target(%arg6 : memref<80xi32, #tpu.memory_space<vmem>>) target_semaphore(%run_scoped3A : memref<!tpu.dma_semaphore, #tpu.memory_space<semaphore_mem>>)
      %dma_wait3A_529 = tpu.memref_slice %arg3[%add3A_263] : memref<25600xi32, #tpu.memory_space<hbm>> -> memref<80xi32, #tpu.memory_space<hbm>>
      %dma_wait3A_530 = tpu.memref_slice %arg3[%add3A_263] : memref<25600xi32, #tpu.memory_space<hbm>> -> memref<80xi32, #tpu.memory_space<hbm>>
      tpu.wait_dma2 semaphore(%run_scoped3A : memref<!tpu.dma_semaphore, #tpu.memory_space<semaphore_mem>>) src(%dma_wait3A_530 : memref<80xi32, #tpu.memory_space<hbm>>) dst(%arg6 : memref<80xi32, #tpu.memory_space<vmem>>)
      tpu.yield
    }) : () -> ()
    %dma_start3A_264 = arith.constant 0 : i32
    %dma_start3A_265 = arith.constant 0 : i32
    %dma_start3A_266 = tpu.memref_slice %arg2[%dma_start3A_264, %dma_start3A_265] : memref<38400x640xf32, #tpu.memory_space<hbm>> -> memref<38400x640xf32, #tpu.memory_space<hbm>>
    tpu.enqueue_indirect_dma source(%dma_start3A_266 : memref<38400x640xf32, #tpu.memory_space<hbm>>) target(%arg8 : memref<80x640xf32, #tpu.memory_space<vmem>>) offsets(%arg6 : memref<80xi32, #tpu.memory_space<vmem>>) semaphore(%arg10 : memref<!tpu.dma_semaphore, #tpu.memory_space<semaphore_mem>>)
    %dma_wait3A_267 = arith.constant 0 : i32
    %dma_wait3A_268 = arith.constant 0 : i32
    %dma_wait3A_269 = tpu.memref_slice %arg2[%dma_wait3A_267, %dma_wait3A_268] : memref<38400x640xf32, #tpu.memory_space<hbm>> -> memref<38400x640xf32, #tpu.memory_space<hbm>>
    tpu.wait_indirect_dma semaphore(%arg10 : memref<!tpu.dma_semaphore, #tpu.memory_space<semaphore_mem>>) src(%dma_wait3A_269 : memref<38400x640xf32, #tpu.memory_space<hbm>>) dst(%arg8 : memref<80x640xf32, #tpu.memory_space<vmem>>)
    %iota3A_270 = tpu.iota {dimensions = array<i32: 0>} : vector<16xi32>
    %add3A_271 = arith.constant 0 : i32
    %add3A_272 = vector.broadcast %add3A_271 : i32 to vector<16xi32>
    %add3A_273 = arith.addi %iota3A_270, %add3A_272 : vector<16xi32>
    %get3A_274 = arith.constant 400 : index
    %get3A_275 = tpu.vector_load %arg7[%get3A_274] {strides = array<i32>} : memref<800xi32, #tpu.memory_space<vmem>>, vector<16xi32>,
    %gather3A_276 = tpu.vector_load_idx %arg8[%add3A_273, %get3A_275] : memref<80x640xf32, #tpu.memory_space<vmem>>[vector<16xi32>, vector<16xi32>], vector<16xf32>,
    %swap3A_277 = arith.constant 400 : index
    %swap3A_278 = tpu.vector_load %arg9[%swap3A_277] {strides = array<i32>} : memref<800xf32, #tpu.memory_space<vmem>>, vector<16xf32>,
    tpu.vector_store %arg9[%swap3A_277], %gather3A_276 {strides = array<i32>} : memref<800xf32, #tpu.memory_space<vmem>>, vector<16xf32>,
    %iota3A_279 = tpu.iota {dimensions = array<i32: 0>} : vector<16xi32>
    %add3A_280 = arith.constant 16 : i32
    %add3A_281 = vector.broadcast %add3A_280 : i32 to vector<16xi32>
    %add3A_282 = arith.addi %iota3A_279, %add3A_281 : vector<16xi32>
    %get3A_283 = arith.constant 416 : index
    %get3A_284 = tpu.vector_load %arg7[%get3A_283] {strides = array<i32>} : memref<800xi32, #tpu.memory_space<vmem>>, vector<16xi32>,
    %gather3A_285 = tpu.vector_load_idx %arg8[%add3A_282, %get3A_284] : memref<80x640xf32, #tpu.memory_space<vmem>>[vector<16xi32>, vector<16xi32>], vector<16xf32>,
    %swap3A_286 = arith.constant 416 : index
    %swap3A_287 = tpu.vector_load %arg9[%swap3A_286] {strides = array<i32>} : memref<800xf32, #tpu.memory_space<vmem>>, vector<16xf32>,
    tpu.vector_store %arg9[%swap3A_286], %gather3A_285 {strides = array<i32>} : memref<800xf32, #tpu.memory_space<vmem>>, vector<16xf32>,
    %iota3A_288 = tpu.iota {dimensions = array<i32: 0>} : vector<16xi32>
    %add3A_289 = arith.constant 32 : i32
    %add3A_290 = vector.broadcast %add3A_289 : i32 to vector<16xi32>
    %add3A_291 = arith.addi %iota3A_288, %add3A_290 : vector<16xi32>
    %get3A_292 = arith.constant 432 : index
    %get3A_293 = tpu.vector_load %arg7[%get3A_292] {strides = array<i32>} : memref<800xi32, #tpu.memory_space<vmem>>, vector<16xi32>,
    %gather3A_294 = tpu.vector_load_idx %arg8[%add3A_291, %get3A_293] : memref<80x640xf32, #tpu.memory_space<vmem>>[vector<16xi32>, vector<16xi32>], vector<16xf32>,
    %swap3A_295 = arith.constant 432 : index
    %swap3A_296 = tpu.vector_load %arg9[%swap3A_295] {strides = array<i32>} : memref<800xf32, #tpu.memory_space<vmem>>, vector<16xf32>,
    tpu.vector_store %arg9[%swap3A_295], %gather3A_294 {strides = array<i32>} : memref<800xf32, #tpu.memory_space<vmem>>, vector<16xf32>,
    %iota3A_297 = tpu.iota {dimensions = array<i32: 0>} : vector<16xi32>
    %add3A_298 = arith.constant 48 : i32
    %add3A_299 = vector.broadcast %add3A_298 : i32 to vector<16xi32>
    %add3A_300 = arith.addi %iota3A_297, %add3A_299 : vector<16xi32>
    %get3A_301 = arith.constant 448 : index
    %get3A_302 = tpu.vector_load %arg7[%get3A_301] {strides = array<i32>} : memref<800xi32, #tpu.memory_space<vmem>>, vector<16xi32>,
    %gather3A_303 = tpu.vector_load_idx %arg8[%add3A_300, %get3A_302] : memref<80x640xf32, #tpu.memory_space<vmem>>[vector<16xi32>, vector<16xi32>], vector<16xf32>,
    %swap3A_304 = arith.constant 448 : index
    %swap3A_305 = tpu.vector_load %arg9[%swap3A_304] {strides = array<i32>} : memref<800xf32, #tpu.memory_space<vmem>>, vector<16xf32>,
    tpu.vector_store %arg9[%swap3A_304], %gather3A_303 {strides = array<i32>} : memref<800xf32, #tpu.memory_space<vmem>>, vector<16xf32>,
    %iota3A_306 = tpu.iota {dimensions = array<i32: 0>} : vector<16xi32>
    %add3A_307 = arith.constant 64 : i32
    %add3A_308 = vector.broadcast %add3A_307 : i32 to vector<16xi32>
    %add3A_309 = arith.addi %iota3A_306, %add3A_308 : vector<16xi32>
    %get3A_310 = arith.constant 464 : index
    %get3A_311 = tpu.vector_load %arg7[%get3A_310] {strides = array<i32>} : memref<800xi32, #tpu.memory_space<vmem>>, vector<16xi32>,
    %gather3A_312 = tpu.vector_load_idx %arg8[%add3A_309, %get3A_311] : memref<80x640xf32, #tpu.memory_space<vmem>>[vector<16xi32>, vector<16xi32>], vector<16xf32>,
    %swap3A_313 = arith.constant 464 : index
    %swap3A_314 = tpu.vector_load %arg9[%swap3A_313] {strides = array<i32>} : memref<800xf32, #tpu.memory_space<vmem>>, vector<16xf32>,
    tpu.vector_store %arg9[%swap3A_313], %gather3A_312 {strides = array<i32>} : memref<800xf32, #tpu.memory_space<vmem>>, vector<16xf32>,
    %add3A_315 = arith.constant 480 : i32
    %add3A_316 = arith.addi %mul3A_2, %add3A_315 : i32
    "tpu.region"() ({
      %run_scoped3A = tpu.sem_alloc : memref<!tpu.dma_semaphore, #tpu.memory_space<semaphore_mem>>
      %dma_start3A_527 = tpu.memref_slice %arg3[%add3A_316] : memref<25600xi32, #tpu.memory_space<hbm>> -> memref<80xi32, #tpu.memory_space<hbm>>
      %dma_start3A_528 = tpu.memref_slice %arg3[%add3A_316] : memref<25600xi32, #tpu.memory_space<hbm>> -> memref<80xi32, #tpu.memory_space<hbm>>
      tpu.enqueue_dma source(%dma_start3A_528 : memref<80xi32, #tpu.memory_space<hbm>>) target(%arg6 : memref<80xi32, #tpu.memory_space<vmem>>) target_semaphore(%run_scoped3A : memref<!tpu.dma_semaphore, #tpu.memory_space<semaphore_mem>>)
      %dma_wait3A_529 = tpu.memref_slice %arg3[%add3A_316] : memref<25600xi32, #tpu.memory_space<hbm>> -> memref<80xi32, #tpu.memory_space<hbm>>
      %dma_wait3A_530 = tpu.memref_slice %arg3[%add3A_316] : memref<25600xi32, #tpu.memory_space<hbm>> -> memref<80xi32, #tpu.memory_space<hbm>>
      tpu.wait_dma2 semaphore(%run_scoped3A : memref<!tpu.dma_semaphore, #tpu.memory_space<semaphore_mem>>) src(%dma_wait3A_530 : memref<80xi32, #tpu.memory_space<hbm>>) dst(%arg6 : memref<80xi32, #tpu.memory_space<vmem>>)
      tpu.yield
    }) : () -> ()
    %dma_start3A_317 = arith.constant 0 : i32
    %dma_start3A_318 = arith.constant 0 : i32
    %dma_start3A_319 = tpu.memref_slice %arg2[%dma_start3A_317, %dma_start3A_318] : memref<38400x640xf32, #tpu.memory_space<hbm>> -> memref<38400x640xf32, #tpu.memory_space<hbm>>
    tpu.enqueue_indirect_dma source(%dma_start3A_319 : memref<38400x640xf32, #tpu.memory_space<hbm>>) target(%arg8 : memref<80x640xf32, #tpu.memory_space<vmem>>) offsets(%arg6 : memref<80xi32, #tpu.memory_space<vmem>>) semaphore(%arg10 : memref<!tpu.dma_semaphore, #tpu.memory_space<semaphore_mem>>)
    %dma_wait3A_320 = arith.constant 0 : i32
    %dma_wait3A_321 = arith.constant 0 : i32
    %dma_wait3A_322 = tpu.memref_slice %arg2[%dma_wait3A_320, %dma_wait3A_321] : memref<38400x640xf32, #tpu.memory_space<hbm>> -> memref<38400x640xf32, #tpu.memory_space<hbm>>
    tpu.wait_indirect_dma semaphore(%arg10 : memref<!tpu.dma_semaphore, #tpu.memory_space<semaphore_mem>>) src(%dma_wait3A_322 : memref<38400x640xf32, #tpu.memory_space<hbm>>) dst(%arg8 : memref<80x640xf32, #tpu.memory_space<vmem>>)
    %iota3A_323 = tpu.iota {dimensions = array<i32: 0>} : vector<16xi32>
    %add3A_324 = arith.constant 0 : i32
    %add3A_325 = vector.broadcast %add3A_324 : i32 to vector<16xi32>
    %add3A_326 = arith.addi %iota3A_323, %add3A_325 : vector<16xi32>
    %get3A_327 = arith.constant 480 : index
    %get3A_328 = tpu.vector_load %arg7[%get3A_327] {strides = array<i32>} : memref<800xi32, #tpu.memory_space<vmem>>, vector<16xi32>,
    %gather3A_329 = tpu.vector_load_idx %arg8[%add3A_326, %get3A_328] : memref<80x640xf32, #tpu.memory_space<vmem>>[vector<16xi32>, vector<16xi32>], vector<16xf32>,
    %swap3A_330 = arith.constant 480 : index
    %swap3A_331 = tpu.vector_load %arg9[%swap3A_330] {strides = array<i32>} : memref<800xf32, #tpu.memory_space<vmem>>, vector<16xf32>,
    tpu.vector_store %arg9[%swap3A_330], %gather3A_329 {strides = array<i32>} : memref<800xf32, #tpu.memory_space<vmem>>, vector<16xf32>,
    %iota3A_332 = tpu.iota {dimensions = array<i32: 0>} : vector<16xi32>
    %add3A_333 = arith.constant 16 : i32
    %add3A_334 = vector.broadcast %add3A_333 : i32 to vector<16xi32>
    %add3A_335 = arith.addi %iota3A_332, %add3A_334 : vector<16xi32>
    %get3A_336 = arith.constant 496 : index
    %get3A_337 = tpu.vector_load %arg7[%get3A_336] {strides = array<i32>} : memref<800xi32, #tpu.memory_space<vmem>>, vector<16xi32>,
    %gather3A_338 = tpu.vector_load_idx %arg8[%add3A_335, %get3A_337] : memref<80x640xf32, #tpu.memory_space<vmem>>[vector<16xi32>, vector<16xi32>], vector<16xf32>,
    %swap3A_339 = arith.constant 496 : index
    %swap3A_340 = tpu.vector_load %arg9[%swap3A_339] {strides = array<i32>} : memref<800xf32, #tpu.memory_space<vmem>>, vector<16xf32>,
    tpu.vector_store %arg9[%swap3A_339], %gather3A_338 {strides = array<i32>} : memref<800xf32, #tpu.memory_space<vmem>>, vector<16xf32>,
    %iota3A_341 = tpu.iota {dimensions = array<i32: 0>} : vector<16xi32>
    %add3A_342 = arith.constant 32 : i32
    %add3A_343 = vector.broadcast %add3A_342 : i32 to vector<16xi32>
    %add3A_344 = arith.addi %iota3A_341, %add3A_343 : vector<16xi32>
    %get3A_345 = arith.constant 512 : index
    %get3A_346 = tpu.vector_load %arg7[%get3A_345] {strides = array<i32>} : memref<800xi32, #tpu.memory_space<vmem>>, vector<16xi32>,
    %gather3A_347 = tpu.vector_load_idx %arg8[%add3A_344, %get3A_346] : memref<80x640xf32, #tpu.memory_space<vmem>>[vector<16xi32>, vector<16xi32>], vector<16xf32>,
    %swap3A_348 = arith.constant 512 : index
    %swap3A_349 = tpu.vector_load %arg9[%swap3A_348] {strides = array<i32>} : memref<800xf32, #tpu.memory_space<vmem>>, vector<16xf32>,
    tpu.vector_store %arg9[%swap3A_348], %gather3A_347 {strides = array<i32>} : memref<800xf32, #tpu.memory_space<vmem>>, vector<16xf32>,
    %iota3A_350 = tpu.iota {dimensions = array<i32: 0>} : vector<16xi32>
    %add3A_351 = arith.constant 48 : i32
    %add3A_352 = vector.broadcast %add3A_351 : i32 to vector<16xi32>
    %add3A_353 = arith.addi %iota3A_350, %add3A_352 : vector<16xi32>
    %get3A_354 = arith.constant 528 : index
    %get3A_355 = tpu.vector_load %arg7[%get3A_354] {strides = array<i32>} : memref<800xi32, #tpu.memory_space<vmem>>, vector<16xi32>,
    %gather3A_356 = tpu.vector_load_idx %arg8[%add3A_353, %get3A_355] : memref<80x640xf32, #tpu.memory_space<vmem>>[vector<16xi32>, vector<16xi32>], vector<16xf32>,
    %swap3A_357 = arith.constant 528 : index
    %swap3A_358 = tpu.vector_load %arg9[%swap3A_357] {strides = array<i32>} : memref<800xf32, #tpu.memory_space<vmem>>, vector<16xf32>,
    tpu.vector_store %arg9[%swap3A_357], %gather3A_356 {strides = array<i32>} : memref<800xf32, #tpu.memory_space<vmem>>, vector<16xf32>,
    %iota3A_359 = tpu.iota {dimensions = array<i32: 0>} : vector<16xi32>
    %add3A_360 = arith.constant 64 : i32
    %add3A_361 = vector.broadcast %add3A_360 : i32 to vector<16xi32>
    %add3A_362 = arith.addi %iota3A_359, %add3A_361 : vector<16xi32>
    %get3A_363 = arith.constant 544 : index
    %get3A_364 = tpu.vector_load %arg7[%get3A_363] {strides = array<i32>} : memref<800xi32, #tpu.memory_space<vmem>>, vector<16xi32>,
    %gather3A_365 = tpu.vector_load_idx %arg8[%add3A_362, %get3A_364] : memref<80x640xf32, #tpu.memory_space<vmem>>[vector<16xi32>, vector<16xi32>], vector<16xf32>,
    %swap3A_366 = arith.constant 544 : index
    %swap3A_367 = tpu.vector_load %arg9[%swap3A_366] {strides = array<i32>} : memref<800xf32, #tpu.memory_space<vmem>>, vector<16xf32>,
    tpu.vector_store %arg9[%swap3A_366], %gather3A_365 {strides = array<i32>} : memref<800xf32, #tpu.memory_space<vmem>>, vector<16xf32>,
    %add3A_368 = arith.constant 560 : i32
    %add3A_369 = arith.addi %mul3A_2, %add3A_368 : i32
    "tpu.region"() ({
      %run_scoped3A = tpu.sem_alloc : memref<!tpu.dma_semaphore, #tpu.memory_space<semaphore_mem>>
      %dma_start3A_527 = tpu.memref_slice %arg3[%add3A_369] : memref<25600xi32, #tpu.memory_space<hbm>> -> memref<80xi32, #tpu.memory_space<hbm>>
      %dma_start3A_528 = tpu.memref_slice %arg3[%add3A_369] : memref<25600xi32, #tpu.memory_space<hbm>> -> memref<80xi32, #tpu.memory_space<hbm>>
      tpu.enqueue_dma source(%dma_start3A_528 : memref<80xi32, #tpu.memory_space<hbm>>) target(%arg6 : memref<80xi32, #tpu.memory_space<vmem>>) target_semaphore(%run_scoped3A : memref<!tpu.dma_semaphore, #tpu.memory_space<semaphore_mem>>)
      %dma_wait3A_529 = tpu.memref_slice %arg3[%add3A_369] : memref<25600xi32, #tpu.memory_space<hbm>> -> memref<80xi32, #tpu.memory_space<hbm>>
      %dma_wait3A_530 = tpu.memref_slice %arg3[%add3A_369] : memref<25600xi32, #tpu.memory_space<hbm>> -> memref<80xi32, #tpu.memory_space<hbm>>
      tpu.wait_dma2 semaphore(%run_scoped3A : memref<!tpu.dma_semaphore, #tpu.memory_space<semaphore_mem>>) src(%dma_wait3A_530 : memref<80xi32, #tpu.memory_space<hbm>>) dst(%arg6 : memref<80xi32, #tpu.memory_space<vmem>>)
      tpu.yield
    }) : () -> ()
    %dma_start3A_370 = arith.constant 0 : i32
    %dma_start3A_371 = arith.constant 0 : i32
    %dma_start3A_372 = tpu.memref_slice %arg2[%dma_start3A_370, %dma_start3A_371] : memref<38400x640xf32, #tpu.memory_space<hbm>> -> memref<38400x640xf32, #tpu.memory_space<hbm>>
    tpu.enqueue_indirect_dma source(%dma_start3A_372 : memref<38400x640xf32, #tpu.memory_space<hbm>>) target(%arg8 : memref<80x640xf32, #tpu.memory_space<vmem>>) offsets(%arg6 : memref<80xi32, #tpu.memory_space<vmem>>) semaphore(%arg10 : memref<!tpu.dma_semaphore, #tpu.memory_space<semaphore_mem>>)
    %dma_wait3A_373 = arith.constant 0 : i32
    %dma_wait3A_374 = arith.constant 0 : i32
    %dma_wait3A_375 = tpu.memref_slice %arg2[%dma_wait3A_373, %dma_wait3A_374] : memref<38400x640xf32, #tpu.memory_space<hbm>> -> memref<38400x640xf32, #tpu.memory_space<hbm>>
    tpu.wait_indirect_dma semaphore(%arg10 : memref<!tpu.dma_semaphore, #tpu.memory_space<semaphore_mem>>) src(%dma_wait3A_375 : memref<38400x640xf32, #tpu.memory_space<hbm>>) dst(%arg8 : memref<80x640xf32, #tpu.memory_space<vmem>>)
    %iota3A_376 = tpu.iota {dimensions = array<i32: 0>} : vector<16xi32>
    %add3A_377 = arith.constant 0 : i32
    %add3A_378 = vector.broadcast %add3A_377 : i32 to vector<16xi32>
    %add3A_379 = arith.addi %iota3A_376, %add3A_378 : vector<16xi32>
    %get3A_380 = arith.constant 560 : index
    %get3A_381 = tpu.vector_load %arg7[%get3A_380] {strides = array<i32>} : memref<800xi32, #tpu.memory_space<vmem>>, vector<16xi32>,
    %gather3A_382 = tpu.vector_load_idx %arg8[%add3A_379, %get3A_381] : memref<80x640xf32, #tpu.memory_space<vmem>>[vector<16xi32>, vector<16xi32>], vector<16xf32>,
    %swap3A_383 = arith.constant 560 : index
    %swap3A_384 = tpu.vector_load %arg9[%swap3A_383] {strides = array<i32>} : memref<800xf32, #tpu.memory_space<vmem>>, vector<16xf32>,
    tpu.vector_store %arg9[%swap3A_383], %gather3A_382 {strides = array<i32>} : memref<800xf32, #tpu.memory_space<vmem>>, vector<16xf32>,
    %iota3A_385 = tpu.iota {dimensions = array<i32: 0>} : vector<16xi32>
    %add3A_386 = arith.constant 16 : i32
    %add3A_387 = vector.broadcast %add3A_386 : i32 to vector<16xi32>
    %add3A_388 = arith.addi %iota3A_385, %add3A_387 : vector<16xi32>
    %get3A_389 = arith.constant 576 : index
    %get3A_390 = tpu.vector_load %arg7[%get3A_389] {strides = array<i32>} : memref<800xi32, #tpu.memory_space<vmem>>, vector<16xi32>,
    %gather3A_391 = tpu.vector_load_idx %arg8[%add3A_388, %get3A_390] : memref<80x640xf32, #tpu.memory_space<vmem>>[vector<16xi32>, vector<16xi32>], vector<16xf32>,
    %swap3A_392 = arith.constant 576 : index
    %swap3A_393 = tpu.vector_load %arg9[%swap3A_392] {strides = array<i32>} : memref<800xf32, #tpu.memory_space<vmem>>, vector<16xf32>,
    tpu.vector_store %arg9[%swap3A_392], %gather3A_391 {strides = array<i32>} : memref<800xf32, #tpu.memory_space<vmem>>, vector<16xf32>,
    %iota3A_394 = tpu.iota {dimensions = array<i32: 0>} : vector<16xi32>
    %add3A_395 = arith.constant 32 : i32
    %add3A_396 = vector.broadcast %add3A_395 : i32 to vector<16xi32>
    %add3A_397 = arith.addi %iota3A_394, %add3A_396 : vector<16xi32>
    %get3A_398 = arith.constant 592 : index
    %get3A_399 = tpu.vector_load %arg7[%get3A_398] {strides = array<i32>} : memref<800xi32, #tpu.memory_space<vmem>>, vector<16xi32>,
    %gather3A_400 = tpu.vector_load_idx %arg8[%add3A_397, %get3A_399] : memref<80x640xf32, #tpu.memory_space<vmem>>[vector<16xi32>, vector<16xi32>], vector<16xf32>,
    %swap3A_401 = arith.constant 592 : index
    %swap3A_402 = tpu.vector_load %arg9[%swap3A_401] {strides = array<i32>} : memref<800xf32, #tpu.memory_space<vmem>>, vector<16xf32>,
    tpu.vector_store %arg9[%swap3A_401], %gather3A_400 {strides = array<i32>} : memref<800xf32, #tpu.memory_space<vmem>>, vector<16xf32>,
    %iota3A_403 = tpu.iota {dimensions = array<i32: 0>} : vector<16xi32>
    %add3A_404 = arith.constant 48 : i32
    %add3A_405 = vector.broadcast %add3A_404 : i32 to vector<16xi32>
    %add3A_406 = arith.addi %iota3A_403, %add3A_405 : vector<16xi32>
    %get3A_407 = arith.constant 608 : index
    %get3A_408 = tpu.vector_load %arg7[%get3A_407] {strides = array<i32>} : memref<800xi32, #tpu.memory_space<vmem>>, vector<16xi32>,
    %gather3A_409 = tpu.vector_load_idx %arg8[%add3A_406, %get3A_408] : memref<80x640xf32, #tpu.memory_space<vmem>>[vector<16xi32>, vector<16xi32>], vector<16xf32>,
    %swap3A_410 = arith.constant 608 : index
    %swap3A_411 = tpu.vector_load %arg9[%swap3A_410] {strides = array<i32>} : memref<800xf32, #tpu.memory_space<vmem>>, vector<16xf32>,
    tpu.vector_store %arg9[%swap3A_410], %gather3A_409 {strides = array<i32>} : memref<800xf32, #tpu.memory_space<vmem>>, vector<16xf32>,
    %iota3A_412 = tpu.iota {dimensions = array<i32: 0>} : vector<16xi32>
    %add3A_413 = arith.constant 64 : i32
    %add3A_414 = vector.broadcast %add3A_413 : i32 to vector<16xi32>
    %add3A_415 = arith.addi %iota3A_412, %add3A_414 : vector<16xi32>
    %get3A_416 = arith.constant 624 : index
    %get3A_417 = tpu.vector_load %arg7[%get3A_416] {strides = array<i32>} : memref<800xi32, #tpu.memory_space<vmem>>, vector<16xi32>,
    %gather3A_418 = tpu.vector_load_idx %arg8[%add3A_415, %get3A_417] : memref<80x640xf32, #tpu.memory_space<vmem>>[vector<16xi32>, vector<16xi32>], vector<16xf32>,
    %swap3A_419 = arith.constant 624 : index
    %swap3A_420 = tpu.vector_load %arg9[%swap3A_419] {strides = array<i32>} : memref<800xf32, #tpu.memory_space<vmem>>, vector<16xf32>,
    tpu.vector_store %arg9[%swap3A_419], %gather3A_418 {strides = array<i32>} : memref<800xf32, #tpu.memory_space<vmem>>, vector<16xf32>,
    %add3A_421 = arith.constant 640 : i32
    %add3A_422 = arith.addi %mul3A_2, %add3A_421 : i32
    "tpu.region"() ({
      %run_scoped3A = tpu.sem_alloc : memref<!tpu.dma_semaphore, #tpu.memory_space<semaphore_mem>>
      %dma_start3A_527 = tpu.memref_slice %arg3[%add3A_422] : memref<25600xi32, #tpu.memory_space<hbm>> -> memref<80xi32, #tpu.memory_space<hbm>>
      %dma_start3A_528 = tpu.memref_slice %arg3[%add3A_422] : memref<25600xi32, #tpu.memory_space<hbm>> -> memref<80xi32, #tpu.memory_space<hbm>>
      tpu.enqueue_dma source(%dma_start3A_528 : memref<80xi32, #tpu.memory_space<hbm>>) target(%arg6 : memref<80xi32, #tpu.memory_space<vmem>>) target_semaphore(%run_scoped3A : memref<!tpu.dma_semaphore, #tpu.memory_space<semaphore_mem>>)
      %dma_wait3A_529 = tpu.memref_slice %arg3[%add3A_422] : memref<25600xi32, #tpu.memory_space<hbm>> -> memref<80xi32, #tpu.memory_space<hbm>>
      %dma_wait3A_530 = tpu.memref_slice %arg3[%add3A_422] : memref<25600xi32, #tpu.memory_space<hbm>> -> memref<80xi32, #tpu.memory_space<hbm>>
      tpu.wait_dma2 semaphore(%run_scoped3A : memref<!tpu.dma_semaphore, #tpu.memory_space<semaphore_mem>>) src(%dma_wait3A_530 : memref<80xi32, #tpu.memory_space<hbm>>) dst(%arg6 : memref<80xi32, #tpu.memory_space<vmem>>)
      tpu.yield
    }) : () -> ()
    %dma_start3A_423 = arith.constant 0 : i32
    %dma_start3A_424 = arith.constant 0 : i32
    %dma_start3A_425 = tpu.memref_slice %arg2[%dma_start3A_423, %dma_start3A_424] : memref<38400x640xf32, #tpu.memory_space<hbm>> -> memref<38400x640xf32, #tpu.memory_space<hbm>>
    tpu.enqueue_indirect_dma source(%dma_start3A_425 : memref<38400x640xf32, #tpu.memory_space<hbm>>) target(%arg8 : memref<80x640xf32, #tpu.memory_space<vmem>>) offsets(%arg6 : memref<80xi32, #tpu.memory_space<vmem>>) semaphore(%arg10 : memref<!tpu.dma_semaphore, #tpu.memory_space<semaphore_mem>>)
    %dma_wait3A_426 = arith.constant 0 : i32
    %dma_wait3A_427 = arith.constant 0 : i32
    %dma_wait3A_428 = tpu.memref_slice %arg2[%dma_wait3A_426, %dma_wait3A_427] : memref<38400x640xf32, #tpu.memory_space<hbm>> -> memref<38400x640xf32, #tpu.memory_space<hbm>>
    tpu.wait_indirect_dma semaphore(%arg10 : memref<!tpu.dma_semaphore, #tpu.memory_space<semaphore_mem>>) src(%dma_wait3A_428 : memref<38400x640xf32, #tpu.memory_space<hbm>>) dst(%arg8 : memref<80x640xf32, #tpu.memory_space<vmem>>)
    %iota3A_429 = tpu.iota {dimensions = array<i32: 0>} : vector<16xi32>
    %add3A_430 = arith.constant 0 : i32
    %add3A_431 = vector.broadcast %add3A_430 : i32 to vector<16xi32>
    %add3A_432 = arith.addi %iota3A_429, %add3A_431 : vector<16xi32>
    %get3A_433 = arith.constant 640 : index
    %get3A_434 = tpu.vector_load %arg7[%get3A_433] {strides = array<i32>} : memref<800xi32, #tpu.memory_space<vmem>>, vector<16xi32>,
    %gather3A_435 = tpu.vector_load_idx %arg8[%add3A_432, %get3A_434] : memref<80x640xf32, #tpu.memory_space<vmem>>[vector<16xi32>, vector<16xi32>], vector<16xf32>,
    %swap3A_436 = arith.constant 640 : index
    %swap3A_437 = tpu.vector_load %arg9[%swap3A_436] {strides = array<i32>} : memref<800xf32, #tpu.memory_space<vmem>>, vector<16xf32>,
    tpu.vector_store %arg9[%swap3A_436], %gather3A_435 {strides = array<i32>} : memref<800xf32, #tpu.memory_space<vmem>>, vector<16xf32>,
    %iota3A_438 = tpu.iota {dimensions = array<i32: 0>} : vector<16xi32>
    %add3A_439 = arith.constant 16 : i32
    %add3A_440 = vector.broadcast %add3A_439 : i32 to vector<16xi32>
    %add3A_441 = arith.addi %iota3A_438, %add3A_440 : vector<16xi32>
    %get3A_442 = arith.constant 656 : index
    %get3A_443 = tpu.vector_load %arg7[%get3A_442] {strides = array<i32>} : memref<800xi32, #tpu.memory_space<vmem>>, vector<16xi32>,
    %gather3A_444 = tpu.vector_load_idx %arg8[%add3A_441, %get3A_443] : memref<80x640xf32, #tpu.memory_space<vmem>>[vector<16xi32>, vector<16xi32>], vector<16xf32>,
    %swap3A_445 = arith.constant 656 : index
    %swap3A_446 = tpu.vector_load %arg9[%swap3A_445] {strides = array<i32>} : memref<800xf32, #tpu.memory_space<vmem>>, vector<16xf32>,
    tpu.vector_store %arg9[%swap3A_445], %gather3A_444 {strides = array<i32>} : memref<800xf32, #tpu.memory_space<vmem>>, vector<16xf32>,
    %iota3A_447 = tpu.iota {dimensions = array<i32: 0>} : vector<16xi32>
    %add3A_448 = arith.constant 32 : i32
    %add3A_449 = vector.broadcast %add3A_448 : i32 to vector<16xi32>
    %add3A_450 = arith.addi %iota3A_447, %add3A_449 : vector<16xi32>
    %get3A_451 = arith.constant 672 : index
    %get3A_452 = tpu.vector_load %arg7[%get3A_451] {strides = array<i32>} : memref<800xi32, #tpu.memory_space<vmem>>, vector<16xi32>,
    %gather3A_453 = tpu.vector_load_idx %arg8[%add3A_450, %get3A_452] : memref<80x640xf32, #tpu.memory_space<vmem>>[vector<16xi32>, vector<16xi32>], vector<16xf32>,
    %swap3A_454 = arith.constant 672 : index
    %swap3A_455 = tpu.vector_load %arg9[%swap3A_454] {strides = array<i32>} : memref<800xf32, #tpu.memory_space<vmem>>, vector<16xf32>,
    tpu.vector_store %arg9[%swap3A_454], %gather3A_453 {strides = array<i32>} : memref<800xf32, #tpu.memory_space<vmem>>, vector<16xf32>,
    %iota3A_456 = tpu.iota {dimensions = array<i32: 0>} : vector<16xi32>
    %add3A_457 = arith.constant 48 : i32
    %add3A_458 = vector.broadcast %add3A_457 : i32 to vector<16xi32>
    %add3A_459 = arith.addi %iota3A_456, %add3A_458 : vector<16xi32>
    %get3A_460 = arith.constant 688 : index
    %get3A_461 = tpu.vector_load %arg7[%get3A_460] {strides = array<i32>} : memref<800xi32, #tpu.memory_space<vmem>>, vector<16xi32>,
    %gather3A_462 = tpu.vector_load_idx %arg8[%add3A_459, %get3A_461] : memref<80x640xf32, #tpu.memory_space<vmem>>[vector<16xi32>, vector<16xi32>], vector<16xf32>,
    %swap3A_463 = arith.constant 688 : index
    %swap3A_464 = tpu.vector_load %arg9[%swap3A_463] {strides = array<i32>} : memref<800xf32, #tpu.memory_space<vmem>>, vector<16xf32>,
    tpu.vector_store %arg9[%swap3A_463], %gather3A_462 {strides = array<i32>} : memref<800xf32, #tpu.memory_space<vmem>>, vector<16xf32>,
    %iota3A_465 = tpu.iota {dimensions = array<i32: 0>} : vector<16xi32>
    %add3A_466 = arith.constant 64 : i32
    %add3A_467 = vector.broadcast %add3A_466 : i32 to vector<16xi32>
    %add3A_468 = arith.addi %iota3A_465, %add3A_467 : vector<16xi32>
    %get3A_469 = arith.constant 704 : index
    %get3A_470 = tpu.vector_load %arg7[%get3A_469] {strides = array<i32>} : memref<800xi32, #tpu.memory_space<vmem>>, vector<16xi32>,
    %gather3A_471 = tpu.vector_load_idx %arg8[%add3A_468, %get3A_470] : memref<80x640xf32, #tpu.memory_space<vmem>>[vector<16xi32>, vector<16xi32>], vector<16xf32>,
    %swap3A_472 = arith.constant 704 : index
    %swap3A_473 = tpu.vector_load %arg9[%swap3A_472] {strides = array<i32>} : memref<800xf32, #tpu.memory_space<vmem>>, vector<16xf32>,
    tpu.vector_store %arg9[%swap3A_472], %gather3A_471 {strides = array<i32>} : memref<800xf32, #tpu.memory_space<vmem>>, vector<16xf32>,
    %add3A_474 = arith.constant 720 : i32
    %add3A_475 = arith.addi %mul3A_2, %add3A_474 : i32
    "tpu.region"() ({
      %run_scoped3A = tpu.sem_alloc : memref<!tpu.dma_semaphore, #tpu.memory_space<semaphore_mem>>
      %dma_start3A_527 = tpu.memref_slice %arg3[%add3A_475] : memref<25600xi32, #tpu.memory_space<hbm>> -> memref<80xi32, #tpu.memory_space<hbm>>
      %dma_start3A_528 = tpu.memref_slice %arg3[%add3A_475] : memref<25600xi32, #tpu.memory_space<hbm>> -> memref<80xi32, #tpu.memory_space<hbm>>
      tpu.enqueue_dma source(%dma_start3A_528 : memref<80xi32, #tpu.memory_space<hbm>>) target(%arg6 : memref<80xi32, #tpu.memory_space<vmem>>) target_semaphore(%run_scoped3A : memref<!tpu.dma_semaphore, #tpu.memory_space<semaphore_mem>>)
      %dma_wait3A_529 = tpu.memref_slice %arg3[%add3A_475] : memref<25600xi32, #tpu.memory_space<hbm>> -> memref<80xi32, #tpu.memory_space<hbm>>
      %dma_wait3A_530 = tpu.memref_slice %arg3[%add3A_475] : memref<25600xi32, #tpu.memory_space<hbm>> -> memref<80xi32, #tpu.memory_space<hbm>>
      tpu.wait_dma2 semaphore(%run_scoped3A : memref<!tpu.dma_semaphore, #tpu.memory_space<semaphore_mem>>) src(%dma_wait3A_530 : memref<80xi32, #tpu.memory_space<hbm>>) dst(%arg6 : memref<80xi32, #tpu.memory_space<vmem>>)
      tpu.yield
    }) : () -> ()
    %dma_start3A_476 = arith.constant 0 : i32
    %dma_start3A_477 = arith.constant 0 : i32
    %dma_start3A_478 = tpu.memref_slice %arg2[%dma_start3A_476, %dma_start3A_477] : memref<38400x640xf32, #tpu.memory_space<hbm>> -> memref<38400x640xf32, #tpu.memory_space<hbm>>
    tpu.enqueue_indirect_dma source(%dma_start3A_478 : memref<38400x640xf32, #tpu.memory_space<hbm>>) target(%arg8 : memref<80x640xf32, #tpu.memory_space<vmem>>) offsets(%arg6 : memref<80xi32, #tpu.memory_space<vmem>>) semaphore(%arg10 : memref<!tpu.dma_semaphore, #tpu.memory_space<semaphore_mem>>)
    %dma_wait3A_479 = arith.constant 0 : i32
    %dma_wait3A_480 = arith.constant 0 : i32
    %dma_wait3A_481 = tpu.memref_slice %arg2[%dma_wait3A_479, %dma_wait3A_480] : memref<38400x640xf32, #tpu.memory_space<hbm>> -> memref<38400x640xf32, #tpu.memory_space<hbm>>
    tpu.wait_indirect_dma semaphore(%arg10 : memref<!tpu.dma_semaphore, #tpu.memory_space<semaphore_mem>>) src(%dma_wait3A_481 : memref<38400x640xf32, #tpu.memory_space<hbm>>) dst(%arg8 : memref<80x640xf32, #tpu.memory_space<vmem>>)
    %iota3A_482 = tpu.iota {dimensions = array<i32: 0>} : vector<16xi32>
    %add3A_483 = arith.constant 0 : i32
    %add3A_484 = vector.broadcast %add3A_483 : i32 to vector<16xi32>
    %add3A_485 = arith.addi %iota3A_482, %add3A_484 : vector<16xi32>
    %get3A_486 = arith.constant 720 : index
    %get3A_487 = tpu.vector_load %arg7[%get3A_486] {strides = array<i32>} : memref<800xi32, #tpu.memory_space<vmem>>, vector<16xi32>,
    %gather3A_488 = tpu.vector_load_idx %arg8[%add3A_485, %get3A_487] : memref<80x640xf32, #tpu.memory_space<vmem>>[vector<16xi32>, vector<16xi32>], vector<16xf32>,
    %swap3A_489 = arith.constant 720 : index
    %swap3A_490 = tpu.vector_load %arg9[%swap3A_489] {strides = array<i32>} : memref<800xf32, #tpu.memory_space<vmem>>, vector<16xf32>,
    tpu.vector_store %arg9[%swap3A_489], %gather3A_488 {strides = array<i32>} : memref<800xf32, #tpu.memory_space<vmem>>, vector<16xf32>,
    %iota3A_491 = tpu.iota {dimensions = array<i32: 0>} : vector<16xi32>
    %add3A_492 = arith.constant 16 : i32
    %add3A_493 = vector.broadcast %add3A_492 : i32 to vector<16xi32>
    %add3A_494 = arith.addi %iota3A_491, %add3A_493 : vector<16xi32>
    %get3A_495 = arith.constant 736 : index
    %get3A_496 = tpu.vector_load %arg7[%get3A_495] {strides = array<i32>} : memref<800xi32, #tpu.memory_space<vmem>>, vector<16xi32>,
    %gather3A_497 = tpu.vector_load_idx %arg8[%add3A_494, %get3A_496] : memref<80x640xf32, #tpu.memory_space<vmem>>[vector<16xi32>, vector<16xi32>], vector<16xf32>,
    %swap3A_498 = arith.constant 736 : index
    %swap3A_499 = tpu.vector_load %arg9[%swap3A_498] {strides = array<i32>} : memref<800xf32, #tpu.memory_space<vmem>>, vector<16xf32>,
    tpu.vector_store %arg9[%swap3A_498], %gather3A_497 {strides = array<i32>} : memref<800xf32, #tpu.memory_space<vmem>>, vector<16xf32>,
    %iota3A_500 = tpu.iota {dimensions = array<i32: 0>} : vector<16xi32>
    %add3A_501 = arith.constant 32 : i32
    %add3A_502 = vector.broadcast %add3A_501 : i32 to vector<16xi32>
    %add3A_503 = arith.addi %iota3A_500, %add3A_502 : vector<16xi32>
    %get3A_504 = arith.constant 752 : index
    %get3A_505 = tpu.vector_load %arg7[%get3A_504] {strides = array<i32>} : memref<800xi32, #tpu.memory_space<vmem>>, vector<16xi32>,
    %gather3A_506 = tpu.vector_load_idx %arg8[%add3A_503, %get3A_505] : memref<80x640xf32, #tpu.memory_space<vmem>>[vector<16xi32>, vector<16xi32>], vector<16xf32>,
    %swap3A_507 = arith.constant 752 : index
    %swap3A_508 = tpu.vector_load %arg9[%swap3A_507] {strides = array<i32>} : memref<800xf32, #tpu.memory_space<vmem>>, vector<16xf32>,
    tpu.vector_store %arg9[%swap3A_507], %gather3A_506 {strides = array<i32>} : memref<800xf32, #tpu.memory_space<vmem>>, vector<16xf32>,
    %iota3A_509 = tpu.iota {dimensions = array<i32: 0>} : vector<16xi32>
    %add3A_510 = arith.constant 48 : i32
    %add3A_511 = vector.broadcast %add3A_510 : i32 to vector<16xi32>
    %add3A_512 = arith.addi %iota3A_509, %add3A_511 : vector<16xi32>
    %get3A_513 = arith.constant 768 : index
    %get3A_514 = tpu.vector_load %arg7[%get3A_513] {strides = array<i32>} : memref<800xi32, #tpu.memory_space<vmem>>, vector<16xi32>,
    %gather3A_515 = tpu.vector_load_idx %arg8[%add3A_512, %get3A_514] : memref<80x640xf32, #tpu.memory_space<vmem>>[vector<16xi32>, vector<16xi32>], vector<16xf32>,
    %swap3A_516 = arith.constant 768 : index
    %swap3A_517 = tpu.vector_load %arg9[%swap3A_516] {strides = array<i32>} : memref<800xf32, #tpu.memory_space<vmem>>, vector<16xf32>,
    tpu.vector_store %arg9[%swap3A_516], %gather3A_515 {strides = array<i32>} : memref<800xf32, #tpu.memory_space<vmem>>, vector<16xf32>,
    %iota3A_518 = tpu.iota {dimensions = array<i32: 0>} : vector<16xi32>
    %add3A_519 = arith.constant 64 : i32
    %add3A_520 = vector.broadcast %add3A_519 : i32 to vector<16xi32>
    %add3A_521 = arith.addi %iota3A_518, %add3A_520 : vector<16xi32>
    %get3A_522 = arith.constant 784 : index
    %get3A_523 = tpu.vector_load %arg7[%get3A_522] {strides = array<i32>} : memref<800xi32, #tpu.memory_space<vmem>>, vector<16xi32>,
    %gather3A_524 = tpu.vector_load_idx %arg8[%add3A_521, %get3A_523] : memref<80x640xf32, #tpu.memory_space<vmem>>[vector<16xi32>, vector<16xi32>], vector<16xf32>,
    %swap3A_525 = arith.constant 784 : index
    %swap3A_526 = tpu.vector_load %arg9[%swap3A_525] {strides = array<i32>} : memref<800xf32, #tpu.memory_space<vmem>>, vector<16xf32>,
    tpu.vector_store %arg9[%swap3A_525], %gather3A_524 {strides = array<i32>} : memref<800xf32, #tpu.memory_space<vmem>>, vector<16xf32>,
    "tpu.region"() ({
      %run_scoped3A = tpu.sem_alloc : memref<!tpu.dma_semaphore, #tpu.memory_space<semaphore_mem>>
      %dma_start3A_527 = tpu.memref_slice %arg5[%mul3A_2] : memref<25600xf32, #tpu.memory_space<hbm>> -> memref<800xf32, #tpu.memory_space<hbm>>
      %dma_start3A_528 = tpu.memref_slice %arg5[%mul3A_2] : memref<25600xf32, #tpu.memory_space<hbm>> -> memref<800xf32, #tpu.memory_space<hbm>>
      tpu.enqueue_dma source(%arg9 : memref<800xf32, #tpu.memory_space<vmem>>) target(%dma_start3A_528 : memref<800xf32, #tpu.memory_space<hbm>>) target_semaphore(%run_scoped3A : memref<!tpu.dma_semaphore, #tpu.memory_space<semaphore_mem>>)
      %dma_wait3A_529 = tpu.memref_slice %arg5[%mul3A_2] : memref<25600xf32, #tpu.memory_space<hbm>> -> memref<800xf32, #tpu.memory_space<hbm>>
      %dma_wait3A_530 = tpu.memref_slice %arg5[%mul3A_2] : memref<25600xf32, #tpu.memory_space<hbm>> -> memref<800xf32, #tpu.memory_space<hbm>>
      tpu.wait_dma2 semaphore(%run_scoped3A : memref<!tpu.dma_semaphore, #tpu.memory_space<semaphore_mem>>) src(%arg9 : memref<800xf32, #tpu.memory_space<vmem>>) dst(%dma_wait3A_530 : memref<800xf32, #tpu.memory_space<hbm>>)
      tpu.yield
    }) : () -> ()
    return
  }
}

module attributes {stable_mosaic.version = 14 : i64} {
  func.func @_math_kernel(%arg0: i32, %arg1: memref<1x1x128xf32, #tpu.memory_space<vmem>>, %arg2: memref<1x1x128xi32, #tpu.memory_space<vmem>>, %arg3: memref<1x50x128xf32, #tpu.memory_space<vmem>>, %arg4: memref<1x16x128xf32, #tpu.memory_space<vmem>>) attributes {dimension_semantics = [#tpu.dimension_semantics<arbitrary>], iteration_bounds = array<i64: 4>, scalar_prefetch = 0 : i64, scratch_operands = 0 : i64, tpu.core_type = #tpu.core_type<tc>, window_params = [{transform_indices = @transform_0, window_bounds = array<i64: 1, 1, 128>}, {transform_indices = @transform_1, window_bounds = array<i64: 1, 1, 128>}, {transform_indices = @transform_2, window_bounds = array<i64: 1, 50, 128>}, {transform_indices = @transform_3, window_bounds = array<i64: 1, 16, 128>}]} {
    %get3A = arith.constant 0 : index
    %get3A_0 = arith.constant 0 : index
    %get3A_1 = arith.constant 0 : index
    %get3A_2 = vector.load %arg1[%get3A, %get3A_0, %get3A_1] : memref<1x1x128xf32, #tpu.memory_space<vmem>>, vector<1x1x128xf32>
    %get3A_3 = vector.shape_cast %get3A_2 : vector<1x1x128xf32> to vector<1x128xf32>
    %get3A_4 = arith.constant 0 : index
    %get3A_5 = arith.constant 0 : index
    %get3A_6 = arith.constant 0 : index
    %get3A_7 = vector.load %arg2[%get3A_4, %get3A_5, %get3A_6] : memref<1x1x128xi32, #tpu.memory_space<vmem>>, vector<1x1x128xi32>
    %get3A_8 = vector.shape_cast %get3A_7 : vector<1x1x128xi32> to vector<1x128xi32>
    %get3A_9 = arith.constant 0 : index
    %get3A_10 = arith.constant 0 : index
    %get3A_11 = arith.constant 0 : index
    %get3A_12 = vector.load %arg3[%get3A_9, %get3A_10, %get3A_11] : memref<1x50x128xf32, #tpu.memory_space<vmem>>, vector<1x50x128xf32>
    %get3A_13 = vector.shape_cast %get3A_12 : vector<1x50x128xf32> to vector<50x128xf32>
    %jit3A = arith.constant 122880 : i32
    %eq3A = arith.constant 0 : i32
    %eq3A_14 = arith.cmpi eq, %jit3A, %eq3A : i32
    %jit3A_15 = arith.constant 1 : i32
    %select_n3A = arith.select %eq3A_14, %jit3A_15, %jit3A : i32
    %rem3A = vector.broadcast %select_n3A : i32 to vector<1x128xi32>
    %rem3A_16 = arith.remsi %get3A_8, %rem3A : vector<1x128xi32>
    %ne3A = arith.constant 0 : i32
    %ne3A_17 = vector.broadcast %ne3A : i32 to vector<1x128xi32>
    %ne3A_18 = arith.cmpi ne, %rem3A_16, %ne3A_17 : vector<1x128xi32>
    %lt3A = arith.constant 0 : i32
    %lt3A_19 = vector.broadcast %lt3A : i32 to vector<1x128xi32>
    %lt3A_20 = arith.cmpi slt, %rem3A_16, %lt3A_19 : vector<1x128xi32>
    %lt3A_21 = arith.constant 0 : i32
    %lt3A_22 = arith.cmpi slt, %select_n3A, %lt3A_21 : i32
    %ne3A_23 = vector.broadcast %lt3A_22 : i1 to vector<1x128xi1>
    %ne3A_24 = vector.broadcast %ne3A_23 : vector<1x128xi1> to vector<1x128xi1>
    %ne3A_25 = arith.xori %lt3A_20, %ne3A_24 : vector<1x128xi1>
    %and3A = arith.andi %ne3A_25, %ne3A_18 : vector<1x128xi1>
    %add3A = vector.broadcast %select_n3A : i32 to vector<1x128xi32>
    %add3A_26 = arith.addi %rem3A_16, %add3A : vector<1x128xi32>
    %select_n3A_27 = arith.select %and3A, %add3A_26, %rem3A_16 : vector<1x128xi1>, vector<1x128xi32>
    %jit3A_28 = arith.constant 122880 : i32
    %div3A = vector.broadcast %jit3A_28 : i32 to vector<1x128xi32>
    %div3A_29 = arith.divsi %get3A_8, %div3A : vector<1x128xi32>
    %sign3A = arith.constant 0 : i32
    %sign3A_30 = vector.broadcast %sign3A : i32 to vector<1x128xi32>
    %sign3A_31 = arith.cmpi sgt, %get3A_8, %sign3A_30 : vector<1x128xi32>
    %sign3A_32 = arith.extui %sign3A_31 : vector<1x128xi1> to vector<1x128xi32>
    %sign3A_33 = arith.constant 0 : i32
    %sign3A_34 = vector.broadcast %sign3A_33 : i32 to vector<1x128xi32>
    %sign3A_35 = arith.cmpi slt, %get3A_8, %sign3A_34 : vector<1x128xi32>
    %sign3A_36 = arith.extui %sign3A_35 : vector<1x128xi1> to vector<1x128xi32>
    %sign3A_37 = arith.subi %sign3A_32, %sign3A_36 : vector<1x128xi32>
    %sign3A_38 = arith.constant 0 : i32
    %sign3A_39 = arith.cmpi sgt, %jit3A_28, %sign3A_38 : i32
    %sign3A_40 = arith.extui %sign3A_39 : i1 to i32
    %sign3A_41 = arith.constant 0 : i32
    %sign3A_42 = arith.cmpi slt, %jit3A_28, %sign3A_41 : i32
    %sign3A_43 = arith.extui %sign3A_42 : i1 to i32
    %sign3A_44 = arith.subi %sign3A_40, %sign3A_43 : i32
    %ne3A_45 = vector.broadcast %sign3A_44 : i32 to vector<1x128xi32>
    %ne3A_46 = arith.cmpi ne, %sign3A_37, %ne3A_45 : vector<1x128xi32>
    %rem3A_47 = vector.broadcast %jit3A_28 : i32 to vector<1x128xi32>
    %rem3A_48 = arith.remsi %get3A_8, %rem3A_47 : vector<1x128xi32>
    %ne3A_49 = arith.constant 0 : i32
    %ne3A_50 = vector.broadcast %ne3A_49 : i32 to vector<1x128xi32>
    %ne3A_51 = arith.cmpi ne, %rem3A_48, %ne3A_50 : vector<1x128xi32>
    %and3A_52 = arith.andi %ne3A_46, %ne3A_51 : vector<1x128xi1>
    %sub3A = arith.constant 1 : i32
    %sub3A_53 = vector.broadcast %sub3A : i32 to vector<1x128xi32>
    %sub3A_54 = arith.subi %div3A_29, %sub3A_53 : vector<1x128xi32>
    %select_n3A_55 = arith.select %and3A_52, %sub3A_54, %div3A_29 : vector<1x128xi1>, vector<1x128xi32>
    %jit3A_56 = arith.constant 640 : i32
    %eq3A_57 = arith.constant 0 : i32
    %eq3A_58 = arith.cmpi eq, %jit3A_56, %eq3A_57 : i32
    %jit3A_59 = arith.constant 1 : i32
    %select_n3A_60 = arith.select %eq3A_58, %jit3A_59, %jit3A_56 : i32
    %rem3A_61 = vector.broadcast %select_n3A_60 : i32 to vector<1x128xi32>
    %rem3A_62 = arith.remsi %select_n3A_27, %rem3A_61 : vector<1x128xi32>
    %ne3A_63 = arith.constant 0 : i32
    %ne3A_64 = vector.broadcast %ne3A_63 : i32 to vector<1x128xi32>
    %ne3A_65 = arith.cmpi ne, %rem3A_62, %ne3A_64 : vector<1x128xi32>
    %lt3A_66 = arith.constant 0 : i32
    %lt3A_67 = vector.broadcast %lt3A_66 : i32 to vector<1x128xi32>
    %lt3A_68 = arith.cmpi slt, %rem3A_62, %lt3A_67 : vector<1x128xi32>
    %lt3A_69 = arith.constant 0 : i32
    %lt3A_70 = arith.cmpi slt, %select_n3A_60, %lt3A_69 : i32
    %ne3A_71 = vector.broadcast %lt3A_70 : i1 to vector<1x128xi1>
    %ne3A_72 = vector.broadcast %ne3A_71 : vector<1x128xi1> to vector<1x128xi1>
    %ne3A_73 = arith.xori %lt3A_68, %ne3A_72 : vector<1x128xi1>
    %and3A_74 = arith.andi %ne3A_73, %ne3A_65 : vector<1x128xi1>
    %add3A_75 = vector.broadcast %select_n3A_60 : i32 to vector<1x128xi32>
    %add3A_76 = arith.addi %rem3A_62, %add3A_75 : vector<1x128xi32>
    %select_n3A_77 = arith.select %and3A_74, %add3A_76, %rem3A_62 : vector<1x128xi1>, vector<1x128xi32>
    %convert_element_type3A = arith.sitofp %select_n3A_77 : vector<1x128xi32> to vector<1x128xf32>
    %jit3A_78 = arith.constant 640 : i32
    %div3A_79 = vector.broadcast %jit3A_78 : i32 to vector<1x128xi32>
    %div3A_80 = arith.divsi %select_n3A_27, %div3A_79 : vector<1x128xi32>
    %sign3A_81 = arith.constant 0 : i32
    %sign3A_82 = vector.broadcast %sign3A_81 : i32 to vector<1x128xi32>
    %sign3A_83 = arith.cmpi sgt, %select_n3A_27, %sign3A_82 : vector<1x128xi32>
    %sign3A_84 = arith.extui %sign3A_83 : vector<1x128xi1> to vector<1x128xi32>
    %sign3A_85 = arith.constant 0 : i32
    %sign3A_86 = vector.broadcast %sign3A_85 : i32 to vector<1x128xi32>
    %sign3A_87 = arith.cmpi slt, %select_n3A_27, %sign3A_86 : vector<1x128xi32>
    %sign3A_88 = arith.extui %sign3A_87 : vector<1x128xi1> to vector<1x128xi32>
    %sign3A_89 = arith.subi %sign3A_84, %sign3A_88 : vector<1x128xi32>
    %sign3A_90 = arith.constant 0 : i32
    %sign3A_91 = arith.cmpi sgt, %jit3A_78, %sign3A_90 : i32
    %sign3A_92 = arith.extui %sign3A_91 : i1 to i32
    %sign3A_93 = arith.constant 0 : i32
    %sign3A_94 = arith.cmpi slt, %jit3A_78, %sign3A_93 : i32
    %sign3A_95 = arith.extui %sign3A_94 : i1 to i32
    %sign3A_96 = arith.subi %sign3A_92, %sign3A_95 : i32
    %ne3A_97 = vector.broadcast %sign3A_96 : i32 to vector<1x128xi32>
    %ne3A_98 = arith.cmpi ne, %sign3A_89, %ne3A_97 : vector<1x128xi32>
    %rem3A_99 = vector.broadcast %jit3A_78 : i32 to vector<1x128xi32>
    %rem3A_100 = arith.remsi %select_n3A_27, %rem3A_99 : vector<1x128xi32>
    %ne3A_101 = arith.constant 0 : i32
    %ne3A_102 = vector.broadcast %ne3A_101 : i32 to vector<1x128xi32>
    %ne3A_103 = arith.cmpi ne, %rem3A_100, %ne3A_102 : vector<1x128xi32>
    %and3A_104 = arith.andi %ne3A_98, %ne3A_103 : vector<1x128xi1>
    %sub3A_105 = arith.constant 1 : i32
    %sub3A_106 = vector.broadcast %sub3A_105 : i32 to vector<1x128xi32>
    %sub3A_107 = arith.subi %div3A_80, %sub3A_106 : vector<1x128xi32>
    %select_n3A_108 = arith.select %and3A_104, %sub3A_107, %div3A_80 : vector<1x128xi1>, vector<1x128xi32>
    %convert_element_type3A_109 = arith.sitofp %select_n3A_108 : vector<1x128xi32> to vector<1x128xf32>
    %slice3A = vector.extract_strided_slice %get3A_13 {offsets = [0, 0], sizes = [1, 128], strides = [1, 1]} : vector<50x128xf32> to vector<1x128xf32>
    %max3A = arith.constant 0.000000e+00 : f32
    %max3A_110 = vector.broadcast %max3A : f32 to vector<1x128xf32>
    %max3A_111 = arith.maximumf %slice3A, %max3A_110 : vector<1x128xf32>
    %sub3A_112 = arith.subf %convert_element_type3A, %max3A_111 : vector<1x128xf32>
    %mul3A = arith.constant 4.000000e+00 : f32
    %mul3A_113 = vector.broadcast %mul3A : f32 to vector<1x128xf32>
    %mul3A_114 = arith.mulf %sub3A_112, %mul3A_113 : vector<1x128xf32>
    %slice3A_115 = vector.extract_strided_slice %get3A_13 {offsets = [1, 0], sizes = [1, 128], strides = [1, 1]} : vector<50x128xf32> to vector<1x128xf32>
    %max3A_116 = arith.constant 0.000000e+00 : f32
    %max3A_117 = vector.broadcast %max3A_116 : f32 to vector<1x128xf32>
    %max3A_118 = arith.maximumf %slice3A_115, %max3A_117 : vector<1x128xf32>
    %sub3A_119 = arith.subf %convert_element_type3A_109, %max3A_118 : vector<1x128xf32>
    %mul3A_120 = arith.constant 4.000000e+00 : f32
    %mul3A_121 = vector.broadcast %mul3A_120 : f32 to vector<1x128xf32>
    %mul3A_122 = arith.mulf %sub3A_119, %mul3A_121 : vector<1x128xf32>
    %slice3A_123 = vector.extract_strided_slice %get3A_13 {offsets = [2, 0], sizes = [1, 128], strides = [1, 1]} : vector<50x128xf32> to vector<1x128xf32>
    %max3A_124 = arith.constant 0.000000e+00 : f32
    %max3A_125 = vector.broadcast %max3A_124 : f32 to vector<1x128xf32>
    %max3A_126 = arith.maximumf %slice3A_123, %max3A_125 : vector<1x128xf32>
    %add3A_127 = arith.addf %convert_element_type3A, %max3A_126 : vector<1x128xf32>
    %mul3A_128 = arith.constant 4.000000e+00 : f32
    %mul3A_129 = vector.broadcast %mul3A_128 : f32 to vector<1x128xf32>
    %mul3A_130 = arith.mulf %add3A_127, %mul3A_129 : vector<1x128xf32>
    %slice3A_131 = vector.extract_strided_slice %get3A_13 {offsets = [3, 0], sizes = [1, 128], strides = [1, 1]} : vector<50x128xf32> to vector<1x128xf32>
    %max3A_132 = arith.constant 0.000000e+00 : f32
    %max3A_133 = vector.broadcast %max3A_132 : f32 to vector<1x128xf32>
    %max3A_134 = arith.maximumf %slice3A_131, %max3A_133 : vector<1x128xf32>
    %add3A_135 = arith.addf %convert_element_type3A_109, %max3A_134 : vector<1x128xf32>
    %mul3A_136 = arith.constant 4.000000e+00 : f32
    %mul3A_137 = vector.broadcast %mul3A_136 : f32 to vector<1x128xf32>
    %mul3A_138 = arith.mulf %add3A_135, %mul3A_137 : vector<1x128xf32>
    %jit3A_139 = arith.constant 0.000000e+00 : f32
    %jit3A_140 = arith.constant 2.559000e+03 : f32
    %max3A_141 = vector.broadcast %jit3A_139 : f32 to vector<1x128xf32>
    %max3A_142 = arith.maximumf %max3A_141, %mul3A_114 : vector<1x128xf32>
    %min3A = vector.broadcast %jit3A_140 : f32 to vector<1x128xf32>
    %min3A_143 = arith.minimumf %min3A, %max3A_142 : vector<1x128xf32>
    %jit3A_144 = arith.constant 0.000000e+00 : f32
    %jit3A_145 = arith.constant 2.559000e+03 : f32
    %max3A_146 = vector.broadcast %jit3A_144 : f32 to vector<1x128xf32>
    %max3A_147 = arith.maximumf %max3A_146, %mul3A_130 : vector<1x128xf32>
    %min3A_148 = vector.broadcast %jit3A_145 : f32 to vector<1x128xf32>
    %min3A_149 = arith.minimumf %min3A_148, %max3A_147 : vector<1x128xf32>
    %jit3A_150 = arith.constant 0.000000e+00 : f32
    %jit3A_151 = arith.constant 7.670000e+02 : f32
    %max3A_152 = vector.broadcast %jit3A_150 : f32 to vector<1x128xf32>
    %max3A_153 = arith.maximumf %max3A_152, %mul3A_122 : vector<1x128xf32>
    %min3A_154 = vector.broadcast %jit3A_151 : f32 to vector<1x128xf32>
    %min3A_155 = arith.minimumf %min3A_154, %max3A_153 : vector<1x128xf32>
    %jit3A_156 = arith.constant 0.000000e+00 : f32
    %jit3A_157 = arith.constant 7.670000e+02 : f32
    %max3A_158 = vector.broadcast %jit3A_156 : f32 to vector<1x128xf32>
    %max3A_159 = arith.maximumf %max3A_158, %mul3A_138 : vector<1x128xf32>
    %min3A_160 = vector.broadcast %jit3A_157 : f32 to vector<1x128xf32>
    %min3A_161 = arith.minimumf %min3A_160, %max3A_159 : vector<1x128xf32>
    %eq3A_162 = arith.constant 0 : i32
    %eq3A_163 = vector.broadcast %eq3A_162 : i32 to vector<1x128xi32>
    %eq3A_164 = arith.cmpi eq, %select_n3A_55, %eq3A_163 : vector<1x128xi32>
    %eq3A_165 = arith.constant 1 : i32
    %eq3A_166 = vector.broadcast %eq3A_165 : i32 to vector<1x128xi32>
    %eq3A_167 = arith.cmpi eq, %select_n3A_55, %eq3A_166 : vector<1x128xi32>
    %jit3A_168 = arith.constant 0.839999973 : f32
    %jit3A_169 = arith.constant 1.760000e+00 : f32
    %broadcast_in_dim3A = vector.broadcast %jit3A_168 : f32 to vector<1x128xf32>
    %broadcast_in_dim3A_170 = vector.broadcast %jit3A_169 : f32 to vector<1x128xf32>
    %select_n3A_171 = arith.select %eq3A_167, %broadcast_in_dim3A, %broadcast_in_dim3A_170 : vector<1x128xi1>, vector<1x128xf32>
    %jit3A_172 = arith.constant 3.880000e+00 : f32
    %broadcast_in_dim3A_173 = vector.broadcast %jit3A_172 : f32 to vector<1x128xf32>
    %select_n3A_174 = arith.select %eq3A_164, %broadcast_in_dim3A_173, %select_n3A_171 : vector<1x128xi1>, vector<1x128xf32>
    %slice3A_175 = vector.extract_strided_slice %get3A_13 {offsets = [6, 0], sizes = [1, 128], strides = [1, 1]} : vector<50x128xf32> to vector<1x128xf32>
    %exp3A = math.exp %slice3A_175 : vector<1x128xf32>
    %mul3A_176 = arith.mulf %select_n3A_174, %exp3A : vector<1x128xf32>
    %eq3A_177 = arith.constant 0 : i32
    %eq3A_178 = vector.broadcast %eq3A_177 : i32 to vector<1x128xi32>
    %eq3A_179 = arith.cmpi eq, %select_n3A_55, %eq3A_178 : vector<1x128xi32>
    %eq3A_180 = arith.constant 1 : i32
    %eq3A_181 = vector.broadcast %eq3A_180 : i32 to vector<1x128xi32>
    %eq3A_182 = arith.cmpi eq, %select_n3A_55, %eq3A_181 : vector<1x128xi32>
    %jit3A_183 = arith.constant 1.760000e+00 : f32
    %jit3A_184 = arith.constant 1.740000e+00 : f32
    %broadcast_in_dim3A_185 = vector.broadcast %jit3A_183 : f32 to vector<1x128xf32>
    %broadcast_in_dim3A_186 = vector.broadcast %jit3A_184 : f32 to vector<1x128xf32>
    %select_n3A_187 = arith.select %eq3A_182, %broadcast_in_dim3A_185, %broadcast_in_dim3A_186 : vector<1x128xi1>, vector<1x128xf32>
    %jit3A_188 = arith.constant 1.530000e+00 : f32
    %broadcast_in_dim3A_189 = vector.broadcast %jit3A_188 : f32 to vector<1x128xf32>
    %select_n3A_190 = arith.select %eq3A_179, %broadcast_in_dim3A_189, %select_n3A_187 : vector<1x128xi1>, vector<1x128xf32>
    %slice3A_191 = vector.extract_strided_slice %get3A_13 {offsets = [7, 0], sizes = [1, 128], strides = [1, 1]} : vector<50x128xf32> to vector<1x128xf32>
    %exp3A_192 = math.exp %slice3A_191 : vector<1x128xf32>
    %mul3A_193 = arith.mulf %select_n3A_190, %exp3A_192 : vector<1x128xf32>
    %eq3A_194 = arith.constant 0 : i32
    %eq3A_195 = vector.broadcast %eq3A_194 : i32 to vector<1x128xi32>
    %eq3A_196 = arith.cmpi eq, %select_n3A_55, %eq3A_195 : vector<1x128xi32>
    %eq3A_197 = arith.constant 1 : i32
    %eq3A_198 = vector.broadcast %eq3A_197 : i32 to vector<1x128xi32>
    %eq3A_199 = arith.cmpi eq, %select_n3A_55, %eq3A_198 : vector<1x128xi32>
    %jit3A_200 = arith.constant 6.600000e-01 : f32
    %jit3A_201 = arith.constant 6.000000e-01 : f32
    %broadcast_in_dim3A_202 = vector.broadcast %jit3A_200 : f32 to vector<1x128xf32>
    %broadcast_in_dim3A_203 = vector.broadcast %jit3A_201 : f32 to vector<1x128xf32>
    %select_n3A_204 = arith.select %eq3A_199, %broadcast_in_dim3A_202, %broadcast_in_dim3A_203 : vector<1x128xi1>, vector<1x128xf32>
    %jit3A_205 = arith.constant 1.630000e+00 : f32
    %broadcast_in_dim3A_206 = vector.broadcast %jit3A_205 : f32 to vector<1x128xf32>
    %select_n3A_207 = arith.select %eq3A_196, %broadcast_in_dim3A_206, %select_n3A_204 : vector<1x128xi1>, vector<1x128xf32>
    %slice3A_208 = vector.extract_strided_slice %get3A_13 {offsets = [8, 0], sizes = [1, 128], strides = [1, 1]} : vector<50x128xf32> to vector<1x128xf32>
    %exp3A_209 = math.exp %slice3A_208 : vector<1x128xf32>
    %mul3A_210 = arith.mulf %select_n3A_207, %exp3A_209 : vector<1x128xf32>
    %slice3A_211 = vector.extract_strided_slice %get3A_13 {offsets = [25, 0], sizes = [1, 128], strides = [1, 1]} : vector<50x128xf32> to vector<1x128xf32>
    %neg3A = arith.constant 0.000000e+00 : f32
    %neg3A_212 = vector.broadcast %neg3A : f32 to vector<1x128xf32>
    %neg3A_213 = arith.subf %neg3A_212, %slice3A_211 : vector<1x128xf32>
    %exp3A_214 = math.exp %neg3A_213 : vector<1x128xf32>
    %add3A_215 = arith.constant 1.000000e+00 : f32
    %add3A_216 = vector.broadcast %add3A_215 : f32 to vector<1x128xf32>
    %add3A_217 = arith.addf %add3A_216, %exp3A_214 : vector<1x128xf32>
    %div3A_218 = arith.constant 1.000000e+00 : f32
    %div3A_219 = vector.broadcast %div3A_218 : f32 to vector<1x128xf32>
    %div3A_220 = arith.divf %div3A_219, %add3A_217 : vector<1x128xf32>
    %add3A_221 = arith.constant 9.99999997E-7 : f32
    %add3A_222 = vector.broadcast %add3A_221 : f32 to vector<1x128xf32>
    %add3A_223 = arith.addf %div3A_220, %add3A_222 : vector<1x128xf32>
    %div3A_224 = arith.constant 1.000000e+00 : f32
    %div3A_225 = vector.broadcast %div3A_224 : f32 to vector<1x128xf32>
    %div3A_226 = arith.divf %div3A_225, %add3A_223 : vector<1x128xf32>
    %sub3A_227 = arith.constant 1.000000e+00 : f32
    %sub3A_228 = vector.broadcast %sub3A_227 : f32 to vector<1x128xf32>
    %sub3A_229 = arith.subf %div3A_226, %sub3A_228 : vector<1x128xf32>
    %jit3A_230 = arith.constant 1.000000e-01 : f32
    %jit3A_231 = arith.constant 1.000000e+02 : f32
    %max3A_232 = vector.broadcast %jit3A_230 : f32 to vector<1x128xf32>
    %max3A_233 = arith.maximumf %max3A_232, %sub3A_229 : vector<1x128xf32>
    %min3A_234 = vector.broadcast %jit3A_231 : f32 to vector<1x128xf32>
    %min3A_235 = arith.minimumf %min3A_234, %max3A_233 : vector<1x128xf32>
    %slice3A_236 = vector.extract_strided_slice %get3A_13 {offsets = [4, 0], sizes = [1, 128], strides = [1, 1]} : vector<50x128xf32> to vector<1x128xf32>
    %add3A_237 = arith.addf %convert_element_type3A, %slice3A_236 : vector<1x128xf32>
    %mul3A_238 = arith.constant 4.000000e+00 : f32
    %mul3A_239 = vector.broadcast %mul3A_238 : f32 to vector<1x128xf32>
    %mul3A_240 = arith.mulf %add3A_237, %mul3A_239 : vector<1x128xf32>
    %slice3A_241 = vector.extract_strided_slice %get3A_13 {offsets = [5, 0], sizes = [1, 128], strides = [1, 1]} : vector<50x128xf32> to vector<1x128xf32>
    %add3A_242 = arith.addf %convert_element_type3A_109, %slice3A_241 : vector<1x128xf32>
    %mul3A_243 = arith.constant 4.000000e+00 : f32
    %mul3A_244 = vector.broadcast %mul3A_243 : f32 to vector<1x128xf32>
    %mul3A_245 = arith.mulf %add3A_242, %mul3A_244 : vector<1x128xf32>
    %sub3A_246 = arith.constant 1.280000e+03 : f32
    %sub3A_247 = vector.broadcast %sub3A_246 : f32 to vector<1x128xf32>
    %sub3A_248 = arith.subf %mul3A_240, %sub3A_247 : vector<1x128xf32>
    %mul3A_249 = arith.mulf %sub3A_248, %min3A_235 : vector<1x128xf32>
    %div3A_250 = arith.constant 721.53772 : f32
    %div3A_251 = vector.broadcast %div3A_250 : f32 to vector<1x128xf32>
    %div3A_252 = arith.divf %mul3A_249, %div3A_251 : vector<1x128xf32>
    %sub3A_253 = arith.constant 3.840000e+02 : f32
    %sub3A_254 = vector.broadcast %sub3A_253 : f32 to vector<1x128xf32>
    %sub3A_255 = arith.subf %mul3A_245, %sub3A_254 : vector<1x128xf32>
    %mul3A_256 = arith.mulf %sub3A_255, %min3A_235 : vector<1x128xf32>
    %div3A_257 = arith.constant 721.53772 : f32
    %div3A_258 = vector.broadcast %div3A_257 : f32 to vector<1x128xf32>
    %div3A_259 = arith.divf %mul3A_256, %div3A_258 : vector<1x128xf32>
    %div3A_260 = arith.constant 2.000000e+00 : f32
    %div3A_261 = vector.broadcast %div3A_260 : f32 to vector<1x128xf32>
    %div3A_262 = arith.divf %mul3A_193, %div3A_261 : vector<1x128xf32>
    %add3A_263 = arith.addf %div3A_259, %div3A_262 : vector<1x128xf32>
    %slice3A_264 = vector.extract_strided_slice %get3A_13 {offsets = [10, 0], sizes = [1, 128], strides = [1, 1]} : vector<50x128xf32> to vector<1x128xf32>
    %slice3A_265 = vector.extract_strided_slice %get3A_13 {offsets = [9, 0], sizes = [1, 128], strides = [1, 1]} : vector<50x128xf32> to vector<1x128xf32>
    %sub3A_266 = arith.subf %slice3A_264, %slice3A_265 : vector<1x128xf32>
    %slice3A_267 = vector.extract_strided_slice %get3A_13 {offsets = [12, 0], sizes = [1, 128], strides = [1, 1]} : vector<50x128xf32> to vector<1x128xf32>
    %slice3A_268 = vector.extract_strided_slice %get3A_13 {offsets = [11, 0], sizes = [1, 128], strides = [1, 1]} : vector<50x128xf32> to vector<1x128xf32>
    %sub3A_269 = arith.subf %slice3A_267, %slice3A_268 : vector<1x128xf32>
    %slice3A_270 = vector.extract_strided_slice %get3A_13 {offsets = [14, 0], sizes = [1, 128], strides = [1, 1]} : vector<50x128xf32> to vector<1x128xf32>
    %slice3A_271 = vector.extract_strided_slice %get3A_13 {offsets = [13, 0], sizes = [1, 128], strides = [1, 1]} : vector<50x128xf32> to vector<1x128xf32>
    %sub3A_272 = arith.subf %slice3A_270, %slice3A_271 : vector<1x128xf32>
    %slice3A_273 = vector.extract_strided_slice %get3A_13 {offsets = [16, 0], sizes = [1, 128], strides = [1, 1]} : vector<50x128xf32> to vector<1x128xf32>
    %slice3A_274 = vector.extract_strided_slice %get3A_13 {offsets = [15, 0], sizes = [1, 128], strides = [1, 1]} : vector<50x128xf32> to vector<1x128xf32>
    %sub3A_275 = arith.subf %slice3A_273, %slice3A_274 : vector<1x128xf32>
    %broadcast_in_dim3A_276 = arith.constant 0 : i32
    %broadcast_in_dim3A_277 = vector.broadcast %broadcast_in_dim3A_276 : i32 to vector<1x128xi32>
    %gt3A = arith.cmpf ogt, %sub3A_269, %sub3A_266 : vector<1x128xf32>
    %jit3A_278 = arith.constant 1 : i32
    %broadcast_in_dim3A_279 = vector.broadcast %jit3A_278 : i32 to vector<1x128xi32>
    %select_n3A_280 = arith.select %gt3A, %broadcast_in_dim3A_279, %broadcast_in_dim3A_277 : vector<1x128xi1>, vector<1x128xi32>
    %select_n3A_281 = arith.select %gt3A, %sub3A_269, %sub3A_266 : vector<1x128xi1>, vector<1x128xf32>
    %gt3A_282 = arith.cmpf ogt, %sub3A_272, %select_n3A_281 : vector<1x128xf32>
    %jit3A_283 = arith.constant 2 : i32
    %broadcast_in_dim3A_284 = vector.broadcast %jit3A_283 : i32 to vector<1x128xi32>
    %select_n3A_285 = arith.select %gt3A_282, %broadcast_in_dim3A_284, %select_n3A_280 : vector<1x128xi1>, vector<1x128xi32>
    %select_n3A_286 = arith.select %gt3A_282, %sub3A_272, %select_n3A_281 : vector<1x128xi1>, vector<1x128xf32>
    %gt3A_287 = arith.cmpf ogt, %sub3A_275, %select_n3A_286 : vector<1x128xf32>
    %jit3A_288 = arith.constant 3 : i32
    %broadcast_in_dim3A_289 = vector.broadcast %jit3A_288 : i32 to vector<1x128xi32>
    %select_n3A_290 = arith.select %gt3A_287, %broadcast_in_dim3A_289, %select_n3A_285 : vector<1x128xi1>, vector<1x128xi32>
    %slice3A_291 = vector.extract_strided_slice %get3A_13 {offsets = [17, 0], sizes = [1, 128], strides = [1, 1]} : vector<50x128xf32> to vector<1x128xf32>
    %slice3A_292 = vector.extract_strided_slice %get3A_13 {offsets = [19, 0], sizes = [1, 128], strides = [1, 1]} : vector<50x128xf32> to vector<1x128xf32>
    %slice3A_293 = vector.extract_strided_slice %get3A_13 {offsets = [21, 0], sizes = [1, 128], strides = [1, 1]} : vector<50x128xf32> to vector<1x128xf32>
    %slice3A_294 = vector.extract_strided_slice %get3A_13 {offsets = [23, 0], sizes = [1, 128], strides = [1, 1]} : vector<50x128xf32> to vector<1x128xf32>
    %eq3A_295 = arith.constant 0 : i32
    %eq3A_296 = vector.broadcast %eq3A_295 : i32 to vector<1x128xi32>
    %eq3A_297 = arith.cmpi eq, %select_n3A_290, %eq3A_296 : vector<1x128xi32>
    %eq3A_298 = arith.constant 1 : i32
    %eq3A_299 = vector.broadcast %eq3A_298 : i32 to vector<1x128xi32>
    %eq3A_300 = arith.cmpi eq, %select_n3A_290, %eq3A_299 : vector<1x128xi32>
    %eq3A_301 = arith.constant 2 : i32
    %eq3A_302 = vector.broadcast %eq3A_301 : i32 to vector<1x128xi32>
    %eq3A_303 = arith.cmpi eq, %select_n3A_290, %eq3A_302 : vector<1x128xi32>
    %select_n3A_304 = arith.select %eq3A_303, %slice3A_293, %slice3A_294 : vector<1x128xi1>, vector<1x128xf32>
    %select_n3A_305 = arith.select %eq3A_300, %slice3A_292, %select_n3A_304 : vector<1x128xi1>, vector<1x128xf32>
    %select_n3A_306 = arith.select %eq3A_297, %slice3A_291, %select_n3A_305 : vector<1x128xi1>, vector<1x128xf32>
    %slice3A_307 = vector.extract_strided_slice %get3A_13 {offsets = [18, 0], sizes = [1, 128], strides = [1, 1]} : vector<50x128xf32> to vector<1x128xf32>
    %slice3A_308 = vector.extract_strided_slice %get3A_13 {offsets = [20, 0], sizes = [1, 128], strides = [1, 1]} : vector<50x128xf32> to vector<1x128xf32>
    %slice3A_309 = vector.extract_strided_slice %get3A_13 {offsets = [22, 0], sizes = [1, 128], strides = [1, 1]} : vector<50x128xf32> to vector<1x128xf32>
    %slice3A_310 = vector.extract_strided_slice %get3A_13 {offsets = [24, 0], sizes = [1, 128], strides = [1, 1]} : vector<50x128xf32> to vector<1x128xf32>
    %eq3A_311 = arith.constant 0 : i32
    %eq3A_312 = vector.broadcast %eq3A_311 : i32 to vector<1x128xi32>
    %eq3A_313 = arith.cmpi eq, %select_n3A_290, %eq3A_312 : vector<1x128xi32>
    %eq3A_314 = arith.constant 1 : i32
    %eq3A_315 = vector.broadcast %eq3A_314 : i32 to vector<1x128xi32>
    %eq3A_316 = arith.cmpi eq, %select_n3A_290, %eq3A_315 : vector<1x128xi32>
    %eq3A_317 = arith.constant 2 : i32
    %eq3A_318 = vector.broadcast %eq3A_317 : i32 to vector<1x128xi32>
    %eq3A_319 = arith.cmpi eq, %select_n3A_290, %eq3A_318 : vector<1x128xi32>
    %select_n3A_320 = arith.select %eq3A_319, %slice3A_309, %slice3A_310 : vector<1x128xi1>, vector<1x128xf32>
    %select_n3A_321 = arith.select %eq3A_316, %slice3A_308, %select_n3A_320 : vector<1x128xi1>, vector<1x128xf32>
    %select_n3A_322 = arith.select %eq3A_313, %slice3A_307, %select_n3A_321 : vector<1x128xi1>, vector<1x128xf32>
    %broadcast_in_dim3A_323 = arith.constant 0.000000e+00 : f32
    %broadcast_in_dim3A_324 = vector.broadcast %broadcast_in_dim3A_323 : f32 to vector<1x128xf32>
    %broadcast_in_dim3A_325 = arith.constant 1.57079637 : f32
    %broadcast_in_dim3A_326 = vector.broadcast %broadcast_in_dim3A_325 : f32 to vector<1x128xf32>
    %broadcast_in_dim3A_327 = arith.constant 3.14159274 : f32
    %broadcast_in_dim3A_328 = vector.broadcast %broadcast_in_dim3A_327 : f32 to vector<1x128xf32>
    %broadcast_in_dim3A_329 = arith.constant -1.57079637 : f32
    %broadcast_in_dim3A_330 = vector.broadcast %broadcast_in_dim3A_329 : f32 to vector<1x128xf32>
    %eq3A_331 = arith.constant 0 : i32
    %eq3A_332 = vector.broadcast %eq3A_331 : i32 to vector<1x128xi32>
    %eq3A_333 = arith.cmpi eq, %select_n3A_290, %eq3A_332 : vector<1x128xi32>
    %eq3A_334 = arith.constant 1 : i32
    %eq3A_335 = vector.broadcast %eq3A_334 : i32 to vector<1x128xi32>
    %eq3A_336 = arith.cmpi eq, %select_n3A_290, %eq3A_335 : vector<1x128xi32>
    %eq3A_337 = arith.constant 2 : i32
    %eq3A_338 = vector.broadcast %eq3A_337 : i32 to vector<1x128xi32>
    %eq3A_339 = arith.cmpi eq, %select_n3A_290, %eq3A_338 : vector<1x128xi32>
    %select_n3A_340 = arith.select %eq3A_339, %broadcast_in_dim3A_328, %broadcast_in_dim3A_330 : vector<1x128xi1>, vector<1x128xf32>
    %select_n3A_341 = arith.select %eq3A_336, %broadcast_in_dim3A_326, %select_n3A_340 : vector<1x128xi1>, vector<1x128xf32>
    %select_n3A_342 = arith.select %eq3A_333, %broadcast_in_dim3A_324, %select_n3A_341 : vector<1x128xi1>, vector<1x128xf32>
    %atan23A = math.atan2 %select_n3A_306, %select_n3A_322 : vector<1x128xf32>
    %add3A_343 = arith.addf %atan23A, %select_n3A_342 : vector<1x128xf32>
    %add3A_344 = arith.constant 3.14159274 : f32
    %add3A_345 = vector.broadcast %add3A_344 : f32 to vector<1x128xf32>
    %add3A_346 = arith.addf %add3A_343, %add3A_345 : vector<1x128xf32>
    %div3A_347 = arith.constant 6.28318548 : f32
    %div3A_348 = vector.broadcast %div3A_347 : f32 to vector<1x128xf32>
    %div3A_349 = arith.divf %add3A_346, %div3A_348 : vector<1x128xf32>
    %floor3A = math.floor %div3A_349 : vector<1x128xf32>
    %mul3A_350 = arith.constant 6.28318548 : f32
    %mul3A_351 = vector.broadcast %mul3A_350 : f32 to vector<1x128xf32>
    %mul3A_352 = arith.mulf %floor3A, %mul3A_351 : vector<1x128xf32>
    %sub3A_353 = arith.subf %add3A_346, %mul3A_352 : vector<1x128xf32>
    %sub3A_354 = arith.constant 3.14159274 : f32
    %sub3A_355 = vector.broadcast %sub3A_354 : f32 to vector<1x128xf32>
    %sub3A_356 = arith.subf %sub3A_353, %sub3A_355 : vector<1x128xf32>
    %atan23A_357 = math.atan2 %div3A_252, %min3A_235 : vector<1x128xf32>
    %add3A_358 = arith.addf %sub3A_356, %atan23A_357 : vector<1x128xf32>
    %add3A_359 = arith.constant 3.14159274 : f32
    %add3A_360 = vector.broadcast %add3A_359 : f32 to vector<1x128xf32>
    %add3A_361 = arith.addf %add3A_358, %add3A_360 : vector<1x128xf32>
    %div3A_362 = arith.constant 6.28318548 : f32
    %div3A_363 = vector.broadcast %div3A_362 : f32 to vector<1x128xf32>
    %div3A_364 = arith.divf %add3A_361, %div3A_363 : vector<1x128xf32>
    %floor3A_365 = math.floor %div3A_364 : vector<1x128xf32>
    %mul3A_366 = arith.constant 6.28318548 : f32
    %mul3A_367 = vector.broadcast %mul3A_366 : f32 to vector<1x128xf32>
    %mul3A_368 = arith.mulf %floor3A_365, %mul3A_367 : vector<1x128xf32>
    %sub3A_369 = arith.subf %add3A_361, %mul3A_368 : vector<1x128xf32>
    %sub3A_370 = arith.constant 3.14159274 : f32
    %sub3A_371 = vector.broadcast %sub3A_370 : f32 to vector<1x128xf32>
    %sub3A_372 = arith.subf %sub3A_369, %sub3A_371 : vector<1x128xf32>
    %slice3A_373 = vector.extract_strided_slice %get3A_13 {offsets = [26, 0], sizes = [1, 128], strides = [1, 1]} : vector<50x128xf32> to vector<1x128xf32>
    %exp3A_374 = math.exp %slice3A_373 : vector<1x128xf32>
    %jit3A_375 = arith.constant 0.00999999977 : f32
    %jit3A_376 = arith.constant 1.000000e+00 : f32
    %max3A_377 = vector.broadcast %jit3A_375 : f32 to vector<1x128xf32>
    %max3A_378 = arith.maximumf %max3A_377, %exp3A_374 : vector<1x128xf32>
    %min3A_379 = vector.broadcast %jit3A_376 : f32 to vector<1x128xf32>
    %min3A_380 = arith.minimumf %min3A_379, %max3A_378 : vector<1x128xf32>
    %sub3A_381 = arith.constant 1.000000e+00 : f32
    %sub3A_382 = vector.broadcast %sub3A_381 : f32 to vector<1x128xf32>
    %sub3A_383 = arith.subf %sub3A_382, %min3A_380 : vector<1x128xf32>
    %mul3A_384 = arith.mulf %get3A_3, %sub3A_383 : vector<1x128xf32>
    %ge3A = arith.constant 2.000000e-01 : f32
    %ge3A_385 = vector.broadcast %ge3A : f32 to vector<1x128xf32>
    %ge3A_386 = arith.cmpf oge, %get3A_3, %ge3A_385 : vector<1x128xf32>
    %convert_element_type3A_387 = arith.sitofp %select_n3A_55 : vector<1x128xi32> to vector<1x128xf32>
    %jit3A_388 = arith.constant 0.000000e+00 : f32
    %broadcast_in_dim3A_389 = vector.broadcast %jit3A_388 : f32 to vector<1x128xf32>
    %select_n3A_390 = arith.select %ge3A_386, %convert_element_type3A_387, %broadcast_in_dim3A_389 : vector<1x128xi1>, vector<1x128xf32>
    %swap3A = arith.constant 0 : index
    %swap3A_391 = arith.constant 0 : index
    %swap3A_392 = arith.constant 0 : index
    %swap3A_393 = vector.load %arg4[%swap3A, %swap3A_391, %swap3A_392] : memref<1x16x128xf32, #tpu.memory_space<vmem>>, vector<1x1x128xf32>
    %swap3A_394 = vector.shape_cast %swap3A_393 : vector<1x1x128xf32> to vector<1x128xf32>
    %swap3A_395 = vector.shape_cast %select_n3A_390 : vector<1x128xf32> to vector<1x1x128xf32>
    tpu.vector_store %arg4[%swap3A, %swap3A_391, %swap3A_392], %swap3A_395 {strides = array<i32>} : memref<1x16x128xf32, #tpu.memory_space<vmem>>, vector<1x1x128xf32>,
    %jit3A_396 = arith.constant 0.000000e+00 : f32
    %broadcast_in_dim3A_397 = vector.broadcast %jit3A_396 : f32 to vector<1x128xf32>
    %select_n3A_398 = arith.select %ge3A_386, %sub3A_356, %broadcast_in_dim3A_397 : vector<1x128xi1>, vector<1x128xf32>
    %swap3A_399 = arith.constant 0 : index
    %swap3A_400 = arith.constant 1 : index
    %swap3A_401 = arith.constant 0 : index
    %swap3A_402 = vector.load %arg4[%swap3A_399, %swap3A_400, %swap3A_401] : memref<1x16x128xf32, #tpu.memory_space<vmem>>, vector<1x1x128xf32>
    %swap3A_403 = vector.shape_cast %swap3A_402 : vector<1x1x128xf32> to vector<1x128xf32>
    %swap3A_404 = vector.shape_cast %select_n3A_398 : vector<1x128xf32> to vector<1x1x128xf32>
    tpu.vector_store %arg4[%swap3A_399, %swap3A_400, %swap3A_401], %swap3A_404 {strides = array<i32>} : memref<1x16x128xf32, #tpu.memory_space<vmem>>, vector<1x1x128xf32>,
    %jit3A_405 = arith.constant 0.000000e+00 : f32
    %broadcast_in_dim3A_406 = vector.broadcast %jit3A_405 : f32 to vector<1x128xf32>
    %select_n3A_407 = arith.select %ge3A_386, %min3A_143, %broadcast_in_dim3A_406 : vector<1x128xi1>, vector<1x128xf32>
    %swap3A_408 = arith.constant 0 : index
    %swap3A_409 = arith.constant 2 : index
    %swap3A_410 = arith.constant 0 : index
    %swap3A_411 = vector.load %arg4[%swap3A_408, %swap3A_409, %swap3A_410] : memref<1x16x128xf32, #tpu.memory_space<vmem>>, vector<1x1x128xf32>
    %swap3A_412 = vector.shape_cast %swap3A_411 : vector<1x1x128xf32> to vector<1x128xf32>
    %swap3A_413 = vector.shape_cast %select_n3A_407 : vector<1x128xf32> to vector<1x1x128xf32>
    tpu.vector_store %arg4[%swap3A_408, %swap3A_409, %swap3A_410], %swap3A_413 {strides = array<i32>} : memref<1x16x128xf32, #tpu.memory_space<vmem>>, vector<1x1x128xf32>,
    %jit3A_414 = arith.constant 0.000000e+00 : f32
    %broadcast_in_dim3A_415 = vector.broadcast %jit3A_414 : f32 to vector<1x128xf32>
    %select_n3A_416 = arith.select %ge3A_386, %min3A_155, %broadcast_in_dim3A_415 : vector<1x128xi1>, vector<1x128xf32>
    %swap3A_417 = arith.constant 0 : index
    %swap3A_418 = arith.constant 3 : index
    %swap3A_419 = arith.constant 0 : index
    %swap3A_420 = vector.load %arg4[%swap3A_417, %swap3A_418, %swap3A_419] : memref<1x16x128xf32, #tpu.memory_space<vmem>>, vector<1x1x128xf32>
    %swap3A_421 = vector.shape_cast %swap3A_420 : vector<1x1x128xf32> to vector<1x128xf32>
    %swap3A_422 = vector.shape_cast %select_n3A_416 : vector<1x128xf32> to vector<1x1x128xf32>
    tpu.vector_store %arg4[%swap3A_417, %swap3A_418, %swap3A_419], %swap3A_422 {strides = array<i32>} : memref<1x16x128xf32, #tpu.memory_space<vmem>>, vector<1x1x128xf32>,
    %jit3A_423 = arith.constant 0.000000e+00 : f32
    %broadcast_in_dim3A_424 = vector.broadcast %jit3A_423 : f32 to vector<1x128xf32>
    %select_n3A_425 = arith.select %ge3A_386, %min3A_149, %broadcast_in_dim3A_424 : vector<1x128xi1>, vector<1x128xf32>
    %swap3A_426 = arith.constant 0 : index
    %swap3A_427 = arith.constant 4 : index
    %swap3A_428 = arith.constant 0 : index
    %swap3A_429 = vector.load %arg4[%swap3A_426, %swap3A_427, %swap3A_428] : memref<1x16x128xf32, #tpu.memory_space<vmem>>, vector<1x1x128xf32>
    %swap3A_430 = vector.shape_cast %swap3A_429 : vector<1x1x128xf32> to vector<1x128xf32>
    %swap3A_431 = vector.shape_cast %select_n3A_425 : vector<1x128xf32> to vector<1x1x128xf32>
    tpu.vector_store %arg4[%swap3A_426, %swap3A_427, %swap3A_428], %swap3A_431 {strides = array<i32>} : memref<1x16x128xf32, #tpu.memory_space<vmem>>, vector<1x1x128xf32>,
    %jit3A_432 = arith.constant 0.000000e+00 : f32
    %broadcast_in_dim3A_433 = vector.broadcast %jit3A_432 : f32 to vector<1x128xf32>
    %select_n3A_434 = arith.select %ge3A_386, %min3A_161, %broadcast_in_dim3A_433 : vector<1x128xi1>, vector<1x128xf32>
    %swap3A_435 = arith.constant 0 : index
    %swap3A_436 = arith.constant 5 : index
    %swap3A_437 = arith.constant 0 : index
    %swap3A_438 = vector.load %arg4[%swap3A_435, %swap3A_436, %swap3A_437] : memref<1x16x128xf32, #tpu.memory_space<vmem>>, vector<1x1x128xf32>
    %swap3A_439 = vector.shape_cast %swap3A_438 : vector<1x1x128xf32> to vector<1x128xf32>
    %swap3A_440 = vector.shape_cast %select_n3A_434 : vector<1x128xf32> to vector<1x1x128xf32>
    tpu.vector_store %arg4[%swap3A_435, %swap3A_436, %swap3A_437], %swap3A_440 {strides = array<i32>} : memref<1x16x128xf32, #tpu.memory_space<vmem>>, vector<1x1x128xf32>,
    %jit3A_441 = arith.constant 0.000000e+00 : f32
    %broadcast_in_dim3A_442 = vector.broadcast %jit3A_441 : f32 to vector<1x128xf32>
    %select_n3A_443 = arith.select %ge3A_386, %mul3A_176, %broadcast_in_dim3A_442 : vector<1x128xi1>, vector<1x128xf32>
    %swap3A_444 = arith.constant 0 : index
    %swap3A_445 = arith.constant 6 : index
    %swap3A_446 = arith.constant 0 : index
    %swap3A_447 = vector.load %arg4[%swap3A_444, %swap3A_445, %swap3A_446] : memref<1x16x128xf32, #tpu.memory_space<vmem>>, vector<1x1x128xf32>
    %swap3A_448 = vector.shape_cast %swap3A_447 : vector<1x1x128xf32> to vector<1x128xf32>
    %swap3A_449 = vector.shape_cast %select_n3A_443 : vector<1x128xf32> to vector<1x1x128xf32>
    tpu.vector_store %arg4[%swap3A_444, %swap3A_445, %swap3A_446], %swap3A_449 {strides = array<i32>} : memref<1x16x128xf32, #tpu.memory_space<vmem>>, vector<1x1x128xf32>,
    %jit3A_450 = arith.constant 0.000000e+00 : f32
    %broadcast_in_dim3A_451 = vector.broadcast %jit3A_450 : f32 to vector<1x128xf32>
    %select_n3A_452 = arith.select %ge3A_386, %mul3A_193, %broadcast_in_dim3A_451 : vector<1x128xi1>, vector<1x128xf32>
    %swap3A_453 = arith.constant 0 : index
    %swap3A_454 = arith.constant 7 : index
    %swap3A_455 = arith.constant 0 : index
    %swap3A_456 = vector.load %arg4[%swap3A_453, %swap3A_454, %swap3A_455] : memref<1x16x128xf32, #tpu.memory_space<vmem>>, vector<1x1x128xf32>
    %swap3A_457 = vector.shape_cast %swap3A_456 : vector<1x1x128xf32> to vector<1x128xf32>
    %swap3A_458 = vector.shape_cast %select_n3A_452 : vector<1x128xf32> to vector<1x1x128xf32>
    tpu.vector_store %arg4[%swap3A_453, %swap3A_454, %swap3A_455], %swap3A_458 {strides = array<i32>} : memref<1x16x128xf32, #tpu.memory_space<vmem>>, vector<1x1x128xf32>,
    %jit3A_459 = arith.constant 0.000000e+00 : f32
    %broadcast_in_dim3A_460 = vector.broadcast %jit3A_459 : f32 to vector<1x128xf32>
    %select_n3A_461 = arith.select %ge3A_386, %mul3A_210, %broadcast_in_dim3A_460 : vector<1x128xi1>, vector<1x128xf32>
    %swap3A_462 = arith.constant 0 : index
    %swap3A_463 = arith.constant 8 : index
    %swap3A_464 = arith.constant 0 : index
    %swap3A_465 = vector.load %arg4[%swap3A_462, %swap3A_463, %swap3A_464] : memref<1x16x128xf32, #tpu.memory_space<vmem>>, vector<1x1x128xf32>
    %swap3A_466 = vector.shape_cast %swap3A_465 : vector<1x1x128xf32> to vector<1x128xf32>
    %swap3A_467 = vector.shape_cast %select_n3A_461 : vector<1x128xf32> to vector<1x1x128xf32>
    tpu.vector_store %arg4[%swap3A_462, %swap3A_463, %swap3A_464], %swap3A_467 {strides = array<i32>} : memref<1x16x128xf32, #tpu.memory_space<vmem>>, vector<1x1x128xf32>,
    %jit3A_468 = arith.constant 0.000000e+00 : f32
    %broadcast_in_dim3A_469 = vector.broadcast %jit3A_468 : f32 to vector<1x128xf32>
    %select_n3A_470 = arith.select %ge3A_386, %div3A_252, %broadcast_in_dim3A_469 : vector<1x128xi1>, vector<1x128xf32>
    %swap3A_471 = arith.constant 0 : index
    %swap3A_472 = arith.constant 9 : index
    %swap3A_473 = arith.constant 0 : index
    %swap3A_474 = vector.load %arg4[%swap3A_471, %swap3A_472, %swap3A_473] : memref<1x16x128xf32, #tpu.memory_space<vmem>>, vector<1x1x128xf32>
    %swap3A_475 = vector.shape_cast %swap3A_474 : vector<1x1x128xf32> to vector<1x128xf32>
    %swap3A_476 = vector.shape_cast %select_n3A_470 : vector<1x128xf32> to vector<1x1x128xf32>
    tpu.vector_store %arg4[%swap3A_471, %swap3A_472, %swap3A_473], %swap3A_476 {strides = array<i32>} : memref<1x16x128xf32, #tpu.memory_space<vmem>>, vector<1x1x128xf32>,
    %jit3A_477 = arith.constant 0.000000e+00 : f32
    %broadcast_in_dim3A_478 = vector.broadcast %jit3A_477 : f32 to vector<1x128xf32>
    %select_n3A_479 = arith.select %ge3A_386, %add3A_263, %broadcast_in_dim3A_478 : vector<1x128xi1>, vector<1x128xf32>
    %swap3A_480 = arith.constant 0 : index
    %swap3A_481 = arith.constant 10 : index
    %swap3A_482 = arith.constant 0 : index
    %swap3A_483 = vector.load %arg4[%swap3A_480, %swap3A_481, %swap3A_482] : memref<1x16x128xf32, #tpu.memory_space<vmem>>, vector<1x1x128xf32>
    %swap3A_484 = vector.shape_cast %swap3A_483 : vector<1x1x128xf32> to vector<1x128xf32>
    %swap3A_485 = vector.shape_cast %select_n3A_479 : vector<1x128xf32> to vector<1x1x128xf32>
    tpu.vector_store %arg4[%swap3A_480, %swap3A_481, %swap3A_482], %swap3A_485 {strides = array<i32>} : memref<1x16x128xf32, #tpu.memory_space<vmem>>, vector<1x1x128xf32>,
    %jit3A_486 = arith.constant 0.000000e+00 : f32
    %broadcast_in_dim3A_487 = vector.broadcast %jit3A_486 : f32 to vector<1x128xf32>
    %select_n3A_488 = arith.select %ge3A_386, %min3A_235, %broadcast_in_dim3A_487 : vector<1x128xi1>, vector<1x128xf32>
    %swap3A_489 = arith.constant 0 : index
    %swap3A_490 = arith.constant 11 : index
    %swap3A_491 = arith.constant 0 : index
    %swap3A_492 = vector.load %arg4[%swap3A_489, %swap3A_490, %swap3A_491] : memref<1x16x128xf32, #tpu.memory_space<vmem>>, vector<1x1x128xf32>
    %swap3A_493 = vector.shape_cast %swap3A_492 : vector<1x1x128xf32> to vector<1x128xf32>
    %swap3A_494 = vector.shape_cast %select_n3A_488 : vector<1x128xf32> to vector<1x1x128xf32>
    tpu.vector_store %arg4[%swap3A_489, %swap3A_490, %swap3A_491], %swap3A_494 {strides = array<i32>} : memref<1x16x128xf32, #tpu.memory_space<vmem>>, vector<1x1x128xf32>,
    %jit3A_495 = arith.constant 0.000000e+00 : f32
    %broadcast_in_dim3A_496 = vector.broadcast %jit3A_495 : f32 to vector<1x128xf32>
    %select_n3A_497 = arith.select %ge3A_386, %sub3A_372, %broadcast_in_dim3A_496 : vector<1x128xi1>, vector<1x128xf32>
    %swap3A_498 = arith.constant 0 : index
    %swap3A_499 = arith.constant 12 : index
    %swap3A_500 = arith.constant 0 : index
    %swap3A_501 = vector.load %arg4[%swap3A_498, %swap3A_499, %swap3A_500] : memref<1x16x128xf32, #tpu.memory_space<vmem>>, vector<1x1x128xf32>
    %swap3A_502 = vector.shape_cast %swap3A_501 : vector<1x1x128xf32> to vector<1x128xf32>
    %swap3A_503 = vector.shape_cast %select_n3A_497 : vector<1x128xf32> to vector<1x1x128xf32>
    tpu.vector_store %arg4[%swap3A_498, %swap3A_499, %swap3A_500], %swap3A_503 {strides = array<i32>} : memref<1x16x128xf32, #tpu.memory_space<vmem>>, vector<1x1x128xf32>,
    %jit3A_504 = arith.constant 0.000000e+00 : f32
    %broadcast_in_dim3A_505 = vector.broadcast %jit3A_504 : f32 to vector<1x128xf32>
    %select_n3A_506 = arith.select %ge3A_386, %mul3A_384, %broadcast_in_dim3A_505 : vector<1x128xi1>, vector<1x128xf32>
    %swap3A_507 = arith.constant 0 : index
    %swap3A_508 = arith.constant 13 : index
    %swap3A_509 = arith.constant 0 : index
    %swap3A_510 = vector.load %arg4[%swap3A_507, %swap3A_508, %swap3A_509] : memref<1x16x128xf32, #tpu.memory_space<vmem>>, vector<1x1x128xf32>
    %swap3A_511 = vector.shape_cast %swap3A_510 : vector<1x1x128xf32> to vector<1x128xf32>
    %swap3A_512 = vector.shape_cast %select_n3A_506 : vector<1x128xf32> to vector<1x1x128xf32>
    tpu.vector_store %arg4[%swap3A_507, %swap3A_508, %swap3A_509], %swap3A_512 {strides = array<i32>} : memref<1x16x128xf32, #tpu.memory_space<vmem>>, vector<1x1x128xf32>,
    %broadcast_in_dim3A_513 = arith.constant 0.000000e+00 : f32
    %broadcast_in_dim3A_514 = vector.broadcast %broadcast_in_dim3A_513 : f32 to vector<1x128xf32>
    %swap3A_515 = arith.constant 0 : index
    %swap3A_516 = arith.constant 14 : index
    %swap3A_517 = arith.constant 0 : index
    %swap3A_518 = vector.load %arg4[%swap3A_515, %swap3A_516, %swap3A_517] : memref<1x16x128xf32, #tpu.memory_space<vmem>>, vector<1x1x128xf32>
    %swap3A_519 = vector.shape_cast %swap3A_518 : vector<1x1x128xf32> to vector<1x128xf32>
    %swap3A_520 = vector.shape_cast %broadcast_in_dim3A_514 : vector<1x128xf32> to vector<1x1x128xf32>
    tpu.vector_store %arg4[%swap3A_515, %swap3A_516, %swap3A_517], %swap3A_520 {strides = array<i32>} : memref<1x16x128xf32, #tpu.memory_space<vmem>>, vector<1x1x128xf32>,
    %swap3A_521 = arith.constant 0 : index
    %swap3A_522 = arith.constant 15 : index
    %swap3A_523 = arith.constant 0 : index
    %swap3A_524 = vector.load %arg4[%swap3A_521, %swap3A_522, %swap3A_523] : memref<1x16x128xf32, #tpu.memory_space<vmem>>, vector<1x1x128xf32>
    %swap3A_525 = vector.shape_cast %swap3A_524 : vector<1x1x128xf32> to vector<1x128xf32>
    %swap3A_526 = vector.shape_cast %broadcast_in_dim3A_514 : vector<1x128xf32> to vector<1x1x128xf32>
    tpu.vector_store %arg4[%swap3A_521, %swap3A_522, %swap3A_523], %swap3A_526 {strides = array<i32>} : memref<1x16x128xf32, #tpu.memory_space<vmem>>, vector<1x1x128xf32>,
    return
  }
  func.func @transform_0(%arg0: i32) -> (i32, i32, i32) {
    %c0_i32 = arith.constant 0 : i32
    %c0_i32_0 = arith.constant 0 : i32
    %c0_i32_1 = arith.constant 0 : i32
    return %arg0, %c0_i32, %c0_i32_0 : i32, i32, i32
  }
  func.func @transform_1(%arg0: i32) -> (i32, i32, i32) {
    %c0_i32 = arith.constant 0 : i32
    %c0_i32_0 = arith.constant 0 : i32
    %c0_i32_1 = arith.constant 0 : i32
    return %arg0, %c0_i32, %c0_i32_0 : i32, i32, i32
  }
  func.func @transform_2(%arg0: i32) -> (i32, i32, i32) {
    %c0_i32 = arith.constant 0 : i32
    %c0_i32_0 = arith.constant 0 : i32
    %c0_i32_1 = arith.constant 0 : i32
    return %arg0, %c0_i32, %c0_i32_0 : i32, i32, i32
  }
  func.func @transform_3(%arg0: i32) -> (i32, i32, i32) {
    %c0_i32 = arith.constant 0 : i32
    %c0_i32_0 = arith.constant 0 : i32
    %c0_i32_1 = arith.constant 0 : i32
    return %arg0, %c0_i32, %c0_i32_0 : i32, i32, i32
  }
}

module attributes {stable_mosaic.version = 14 : i64} {
  func.func @_topk_kernel(%arg0: memref<4x3x192x640xf32, #tpu.memory_space<vmem>>, %arg1: memref<4x1x128xf32, #tpu.memory_space<vmem>>, %arg2: memref<4x1x128xi32, #tpu.memory_space<vmem>>, %arg3: memref<2x4x50x128xi32, #tpu.memory_space<vmem>>, %arg4: memref<576x640xf32, #tpu.memory_space<vmem>>, %arg5: memref<576x640xf32, #tpu.memory_space<vmem>>, %arg6: memref<576x640xf32, #tpu.memory_space<vmem>>, %arg7: memref<576x640xf32, #tpu.memory_space<vmem>>) attributes {dimension_semantics = [], scalar_prefetch = 0 : i64, scratch_operands = 4 : i64, tpu.core_type = #tpu.core_type<tc>} {
    %iota3A = tpu.iota {dimensions = array<i32: 2>} : vector<24x8x640xi32>
    %get3A = arith.constant 0 : index
    %get3A_0 = arith.constant 0 : index
    %get3A_1 = arith.constant 0 : index
    %get3A_2 = arith.constant 0 : index
    %get3A_3 = vector.load %arg0[%get3A, %get3A_0, %get3A_1, %get3A_2] : memref<4x3x192x640xf32, #tpu.memory_space<vmem>>, vector<1x1x192x640xf32>
    %get3A_4 = vector.shape_cast %get3A_3 : vector<1x1x192x640xf32> to vector<192x640xf32>
    %slice3A = vector.extract_strided_slice %get3A_4 {offsets = [0, 1], sizes = [192, 639], strides = [1, 1]} : vector<192x640xf32> to vector<192x639xf32>
    %broadcast_in_dim3A = arith.constant 0xFF800000 : f32
    %broadcast_in_dim3A_5 = vector.broadcast %broadcast_in_dim3A : f32 to vector<192x1xf32>
    %concatenate3A = tpu.concatenate %slice3A, %broadcast_in_dim3A_5 in 1 : vector<192x639xf32>, vector<192x1xf32> -> vector<192x640xf32>
    %broadcast_in_dim3A_6 = arith.constant 0xFF800000 : f32
    %broadcast_in_dim3A_7 = vector.broadcast %broadcast_in_dim3A_6 : f32 to vector<192x1xf32>
    %slice3A_8 = vector.extract_strided_slice %get3A_4 {offsets = [0, 0], sizes = [192, 639], strides = [1, 1]} : vector<192x640xf32> to vector<192x639xf32>
    %concatenate3A_9 = tpu.concatenate %broadcast_in_dim3A_7, %slice3A_8 in 1 : vector<192x1xf32>, vector<192x639xf32> -> vector<192x640xf32>
    %max3A = arith.maximumf %concatenate3A, %concatenate3A_9 : vector<192x640xf32>
    %max3A_10 = arith.maximumf %max3A, %get3A_4 : vector<192x640xf32>
    %slice3A_11 = vector.extract_strided_slice %max3A_10 {offsets = [1, 0], sizes = [191, 640], strides = [1, 1]} : vector<192x640xf32> to vector<191x640xf32>
    %broadcast_in_dim3A_12 = arith.constant 0xFF800000 : f32
    %broadcast_in_dim3A_13 = vector.broadcast %broadcast_in_dim3A_12 : f32 to vector<1x640xf32>
    %concatenate3A_14 = tpu.concatenate %slice3A_11, %broadcast_in_dim3A_13 in 0 : vector<191x640xf32>, vector<1x640xf32> -> vector<192x640xf32>
    %broadcast_in_dim3A_15 = arith.constant 0xFF800000 : f32
    %broadcast_in_dim3A_16 = vector.broadcast %broadcast_in_dim3A_15 : f32 to vector<1x640xf32>
    %slice3A_17 = vector.extract_strided_slice %max3A_10 {offsets = [0, 0], sizes = [191, 640], strides = [1, 1]} : vector<192x640xf32> to vector<191x640xf32>
    %concatenate3A_18 = tpu.concatenate %broadcast_in_dim3A_16, %slice3A_17 in 0 : vector<1x640xf32>, vector<191x640xf32> -> vector<192x640xf32>
    %max3A_19 = arith.maximumf %concatenate3A_14, %concatenate3A_18 : vector<192x640xf32>
    %max3A_20 = arith.maximumf %max3A_19, %max3A_10 : vector<192x640xf32>
    %eq3A = arith.cmpf oeq, %max3A_20, %get3A_4 : vector<192x640xf32>
    %jit3A = arith.constant 0.000000e+00 : f32
    %broadcast_in_dim3A_21 = vector.broadcast %jit3A : f32 to vector<192x640xf32>
    %select_n3A = arith.select %eq3A, %get3A_4, %broadcast_in_dim3A_21 : vector<192x640xi1>, vector<192x640xf32>
    %reshape3A = vector.shape_cast %select_n3A : vector<192x640xf32> to vector<24x8x640xf32>
    %reduce_max3A = arith.constant dense<0xFF800000> : vector<24x8xf32>
    %reduce_max3A_22 = vector.multi_reduction <maximumf>, %reshape3A, %reduce_max3A [2] : vector<24x8x640xf32> to vector<24x8xf32>
    %broadcast_in_dim3A_23 = vector.shape_cast %reduce_max3A_22 : vector<24x8xf32> to vector<24x8x1xf32>
    %eq3A_24 = vector.broadcast %broadcast_in_dim3A_23 : vector<24x8x1xf32> to vector<24x8x640xf32>
    %eq3A_25 = arith.cmpf oeq, %reshape3A, %eq3A_24 : vector<24x8x640xf32>
    %jit3A_26 = arith.constant 1073741824 : i32
    %broadcast_in_dim3A_27 = vector.broadcast %jit3A_26 : i32 to vector<24x8x640xi32>
    %select_n3A_28 = arith.select %eq3A_25, %iota3A, %broadcast_in_dim3A_27 : vector<24x8x640xi1>, vector<24x8x640xi32>
    %reduce_min3A = arith.constant dense<2147483647> : vector<24x8xi32>
    %reduce_min3A_29 = vector.multi_reduction <minsi>, %select_n3A_28, %reduce_min3A [2] : vector<24x8x640xi32> to vector<24x8xi32>
    %broadcast_in_dim3A_30 = vector.shape_cast %reduce_min3A_29 : vector<24x8xi32> to vector<24x8x1xi32>
    %eq3A_31 = vector.broadcast %broadcast_in_dim3A_30 : vector<24x8x1xi32> to vector<24x8x640xi32>
    %eq3A_32 = arith.cmpi eq, %iota3A, %eq3A_31 : vector<24x8x640xi32>
    %and3A = arith.andi %eq3A_25, %eq3A_32 : vector<24x8x640xi1>
    %jit3A_33 = arith.constant -2.000000e+00 : f32
    %broadcast_in_dim3A_34 = vector.broadcast %jit3A_33 : f32 to vector<24x8x640xf32>
    %select_n3A_35 = arith.select %and3A, %broadcast_in_dim3A_34, %reshape3A : vector<24x8x640xi1>, vector<24x8x640xf32>
    %reduce_max3A_36 = arith.constant dense<0xFF800000> : vector<24x8xf32>
    %reduce_max3A_37 = vector.multi_reduction <maximumf>, %select_n3A_35, %reduce_max3A_36 [2] : vector<24x8x640xf32> to vector<24x8xf32>
    %broadcast_in_dim3A_38 = vector.shape_cast %reduce_max3A_37 : vector<24x8xf32> to vector<24x8x1xf32>
    %eq3A_39 = vector.broadcast %broadcast_in_dim3A_38 : vector<24x8x1xf32> to vector<24x8x640xf32>
    %eq3A_40 = arith.cmpf oeq, %select_n3A_35, %eq3A_39 : vector<24x8x640xf32>
    %jit3A_41 = arith.constant 1073741824 : i32
    %broadcast_in_dim3A_42 = vector.broadcast %jit3A_41 : i32 to vector<24x8x640xi32>
    %select_n3A_43 = arith.select %eq3A_40, %iota3A, %broadcast_in_dim3A_42 : vector<24x8x640xi1>, vector<24x8x640xi32>
    %reduce_min3A_44 = arith.constant dense<2147483647> : vector<24x8xi32>
    %reduce_min3A_45 = vector.multi_reduction <minsi>, %select_n3A_43, %reduce_min3A_44 [2] : vector<24x8x640xi32> to vector<24x8xi32>
    %broadcast_in_dim3A_46 = vector.shape_cast %reduce_min3A_45 : vector<24x8xi32> to vector<24x8x1xi32>
    %eq3A_47 = vector.broadcast %broadcast_in_dim3A_46 : vector<24x8x1xi32> to vector<24x8x640xi32>
    %eq3A_48 = arith.cmpi eq, %iota3A, %eq3A_47 : vector<24x8x640xi32>
    %and3A_49 = arith.andi %eq3A_40, %eq3A_48 : vector<24x8x640xi1>
    %jit3A_50 = arith.constant -2.000000e+00 : f32
    %broadcast_in_dim3A_51 = vector.broadcast %jit3A_50 : f32 to vector<24x8x640xf32>
    %select_n3A_52 = arith.select %and3A_49, %broadcast_in_dim3A_51, %select_n3A_35 : vector<24x8x640xi1>, vector<24x8x640xf32>
    %reduce_max3A_53 = arith.constant dense<0xFF800000> : vector<24x8xf32>
    %reduce_max3A_54 = vector.multi_reduction <maximumf>, %select_n3A_52, %reduce_max3A_53 [2] : vector<24x8x640xf32> to vector<24x8xf32>
    %broadcast_in_dim3A_55 = vector.shape_cast %reduce_max3A_54 : vector<24x8xf32> to vector<24x8x1xf32>
    %eq3A_56 = vector.broadcast %broadcast_in_dim3A_55 : vector<24x8x1xf32> to vector<24x8x640xf32>
    %eq3A_57 = arith.cmpf oeq, %select_n3A_52, %eq3A_56 : vector<24x8x640xf32>
    %jit3A_58 = arith.constant 1073741824 : i32
    %broadcast_in_dim3A_59 = vector.broadcast %jit3A_58 : i32 to vector<24x8x640xi32>
    %select_n3A_60 = arith.select %eq3A_57, %iota3A, %broadcast_in_dim3A_59 : vector<24x8x640xi1>, vector<24x8x640xi32>
    %reduce_min3A_61 = arith.constant dense<2147483647> : vector<24x8xi32>
    %reduce_min3A_62 = vector.multi_reduction <minsi>, %select_n3A_60, %reduce_min3A_61 [2] : vector<24x8x640xi32> to vector<24x8xi32>
    %broadcast_in_dim3A_63 = vector.shape_cast %reduce_min3A_62 : vector<24x8xi32> to vector<24x8x1xi32>
    %eq3A_64 = vector.broadcast %broadcast_in_dim3A_63 : vector<24x8x1xi32> to vector<24x8x640xi32>
    %eq3A_65 = arith.cmpi eq, %iota3A, %eq3A_64 : vector<24x8x640xi32>
    %and3A_66 = arith.andi %eq3A_57, %eq3A_65 : vector<24x8x640xi1>
    %jit3A_67 = arith.constant -2.000000e+00 : f32
    %broadcast_in_dim3A_68 = vector.broadcast %jit3A_67 : f32 to vector<24x8x640xf32>
    %select_n3A_69 = arith.select %and3A_66, %broadcast_in_dim3A_68, %select_n3A_52 : vector<24x8x640xi1>, vector<24x8x640xf32>
    %reshape3A_70 = vector.shape_cast %select_n3A_69 : vector<24x8x640xf32> to vector<192x640xf32>
    %swap3A = arith.constant 0 : index
    %swap3A_71 = arith.constant 0 : index
    %swap3A_72 = vector.load %arg4[%swap3A, %swap3A_71] : memref<576x640xf32, #tpu.memory_space<vmem>>, vector<192x640xf32>
    tpu.vector_store %arg4[%swap3A, %swap3A_71], %reshape3A_70 {strides = array<i32>} : memref<576x640xf32, #tpu.memory_space<vmem>>, vector<192x640xf32>,
    %get3A_73 = arith.constant 0 : index
    %get3A_74 = arith.constant 1 : index
    %get3A_75 = arith.constant 0 : index
    %get3A_76 = arith.constant 0 : index
    %get3A_77 = vector.load %arg0[%get3A_73, %get3A_74, %get3A_75, %get3A_76] : memref<4x3x192x640xf32, #tpu.memory_space<vmem>>, vector<1x1x192x640xf32>
    %get3A_78 = vector.shape_cast %get3A_77 : vector<1x1x192x640xf32> to vector<192x640xf32>
    %slice3A_79 = vector.extract_strided_slice %get3A_78 {offsets = [0, 1], sizes = [192, 639], strides = [1, 1]} : vector<192x640xf32> to vector<192x639xf32>
    %broadcast_in_dim3A_80 = arith.constant 0xFF800000 : f32
    %broadcast_in_dim3A_81 = vector.broadcast %broadcast_in_dim3A_80 : f32 to vector<192x1xf32>
    %concatenate3A_82 = tpu.concatenate %slice3A_79, %broadcast_in_dim3A_81 in 1 : vector<192x639xf32>, vector<192x1xf32> -> vector<192x640xf32>
    %broadcast_in_dim3A_83 = arith.constant 0xFF800000 : f32
    %broadcast_in_dim3A_84 = vector.broadcast %broadcast_in_dim3A_83 : f32 to vector<192x1xf32>
    %slice3A_85 = vector.extract_strided_slice %get3A_78 {offsets = [0, 0], sizes = [192, 639], strides = [1, 1]} : vector<192x640xf32> to vector<192x639xf32>
    %concatenate3A_86 = tpu.concatenate %broadcast_in_dim3A_84, %slice3A_85 in 1 : vector<192x1xf32>, vector<192x639xf32> -> vector<192x640xf32>
    %max3A_87 = arith.maximumf %concatenate3A_82, %concatenate3A_86 : vector<192x640xf32>
    %max3A_88 = arith.maximumf %max3A_87, %get3A_78 : vector<192x640xf32>
    %slice3A_89 = vector.extract_strided_slice %max3A_88 {offsets = [1, 0], sizes = [191, 640], strides = [1, 1]} : vector<192x640xf32> to vector<191x640xf32>
    %broadcast_in_dim3A_90 = arith.constant 0xFF800000 : f32
    %broadcast_in_dim3A_91 = vector.broadcast %broadcast_in_dim3A_90 : f32 to vector<1x640xf32>
    %concatenate3A_92 = tpu.concatenate %slice3A_89, %broadcast_in_dim3A_91 in 0 : vector<191x640xf32>, vector<1x640xf32> -> vector<192x640xf32>
    %broadcast_in_dim3A_93 = arith.constant 0xFF800000 : f32
    %broadcast_in_dim3A_94 = vector.broadcast %broadcast_in_dim3A_93 : f32 to vector<1x640xf32>
    %slice3A_95 = vector.extract_strided_slice %max3A_88 {offsets = [0, 0], sizes = [191, 640], strides = [1, 1]} : vector<192x640xf32> to vector<191x640xf32>
    %concatenate3A_96 = tpu.concatenate %broadcast_in_dim3A_94, %slice3A_95 in 0 : vector<1x640xf32>, vector<191x640xf32> -> vector<192x640xf32>
    %max3A_97 = arith.maximumf %concatenate3A_92, %concatenate3A_96 : vector<192x640xf32>
    %max3A_98 = arith.maximumf %max3A_97, %max3A_88 : vector<192x640xf32>
    %eq3A_99 = arith.cmpf oeq, %max3A_98, %get3A_78 : vector<192x640xf32>
    %jit3A_100 = arith.constant 0.000000e+00 : f32
    %broadcast_in_dim3A_101 = vector.broadcast %jit3A_100 : f32 to vector<192x640xf32>
    %select_n3A_102 = arith.select %eq3A_99, %get3A_78, %broadcast_in_dim3A_101 : vector<192x640xi1>, vector<192x640xf32>
    %reshape3A_103 = vector.shape_cast %select_n3A_102 : vector<192x640xf32> to vector<24x8x640xf32>
    %reduce_max3A_104 = arith.constant dense<0xFF800000> : vector<24x8xf32>
    %reduce_max3A_105 = vector.multi_reduction <maximumf>, %reshape3A_103, %reduce_max3A_104 [2] : vector<24x8x640xf32> to vector<24x8xf32>
    %broadcast_in_dim3A_106 = vector.shape_cast %reduce_max3A_105 : vector<24x8xf32> to vector<24x8x1xf32>
    %eq3A_107 = vector.broadcast %broadcast_in_dim3A_106 : vector<24x8x1xf32> to vector<24x8x640xf32>
    %eq3A_108 = arith.cmpf oeq, %reshape3A_103, %eq3A_107 : vector<24x8x640xf32>
    %jit3A_109 = arith.constant 1073741824 : i32
    %broadcast_in_dim3A_110 = vector.broadcast %jit3A_109 : i32 to vector<24x8x640xi32>
    %select_n3A_111 = arith.select %eq3A_108, %iota3A, %broadcast_in_dim3A_110 : vector<24x8x640xi1>, vector<24x8x640xi32>
    %reduce_min3A_112 = arith.constant dense<2147483647> : vector<24x8xi32>
    %reduce_min3A_113 = vector.multi_reduction <minsi>, %select_n3A_111, %reduce_min3A_112 [2] : vector<24x8x640xi32> to vector<24x8xi32>
    %broadcast_in_dim3A_114 = vector.shape_cast %reduce_min3A_113 : vector<24x8xi32> to vector<24x8x1xi32>
    %eq3A_115 = vector.broadcast %broadcast_in_dim3A_114 : vector<24x8x1xi32> to vector<24x8x640xi32>
    %eq3A_116 = arith.cmpi eq, %iota3A, %eq3A_115 : vector<24x8x640xi32>
    %and3A_117 = arith.andi %eq3A_108, %eq3A_116 : vector<24x8x640xi1>
    %jit3A_118 = arith.constant -2.000000e+00 : f32
    %broadcast_in_dim3A_119 = vector.broadcast %jit3A_118 : f32 to vector<24x8x640xf32>
    %select_n3A_120 = arith.select %and3A_117, %broadcast_in_dim3A_119, %reshape3A_103 : vector<24x8x640xi1>, vector<24x8x640xf32>
    %reduce_max3A_121 = arith.constant dense<0xFF800000> : vector<24x8xf32>
    %reduce_max3A_122 = vector.multi_reduction <maximumf>, %select_n3A_120, %reduce_max3A_121 [2] : vector<24x8x640xf32> to vector<24x8xf32>
    %broadcast_in_dim3A_123 = vector.shape_cast %reduce_max3A_122 : vector<24x8xf32> to vector<24x8x1xf32>
    %eq3A_124 = vector.broadcast %broadcast_in_dim3A_123 : vector<24x8x1xf32> to vector<24x8x640xf32>
    %eq3A_125 = arith.cmpf oeq, %select_n3A_120, %eq3A_124 : vector<24x8x640xf32>
    %jit3A_126 = arith.constant 1073741824 : i32
    %broadcast_in_dim3A_127 = vector.broadcast %jit3A_126 : i32 to vector<24x8x640xi32>
    %select_n3A_128 = arith.select %eq3A_125, %iota3A, %broadcast_in_dim3A_127 : vector<24x8x640xi1>, vector<24x8x640xi32>
    %reduce_min3A_129 = arith.constant dense<2147483647> : vector<24x8xi32>
    %reduce_min3A_130 = vector.multi_reduction <minsi>, %select_n3A_128, %reduce_min3A_129 [2] : vector<24x8x640xi32> to vector<24x8xi32>
    %broadcast_in_dim3A_131 = vector.shape_cast %reduce_min3A_130 : vector<24x8xi32> to vector<24x8x1xi32>
    %eq3A_132 = vector.broadcast %broadcast_in_dim3A_131 : vector<24x8x1xi32> to vector<24x8x640xi32>
    %eq3A_133 = arith.cmpi eq, %iota3A, %eq3A_132 : vector<24x8x640xi32>
    %and3A_134 = arith.andi %eq3A_125, %eq3A_133 : vector<24x8x640xi1>
    %jit3A_135 = arith.constant -2.000000e+00 : f32
    %broadcast_in_dim3A_136 = vector.broadcast %jit3A_135 : f32 to vector<24x8x640xf32>
    %select_n3A_137 = arith.select %and3A_134, %broadcast_in_dim3A_136, %select_n3A_120 : vector<24x8x640xi1>, vector<24x8x640xf32>
    %reduce_max3A_138 = arith.constant dense<0xFF800000> : vector<24x8xf32>
    %reduce_max3A_139 = vector.multi_reduction <maximumf>, %select_n3A_137, %reduce_max3A_138 [2] : vector<24x8x640xf32> to vector<24x8xf32>
    %broadcast_in_dim3A_140 = vector.shape_cast %reduce_max3A_139 : vector<24x8xf32> to vector<24x8x1xf32>
    %eq3A_141 = vector.broadcast %broadcast_in_dim3A_140 : vector<24x8x1xf32> to vector<24x8x640xf32>
    %eq3A_142 = arith.cmpf oeq, %select_n3A_137, %eq3A_141 : vector<24x8x640xf32>
    %jit3A_143 = arith.constant 1073741824 : i32
    %broadcast_in_dim3A_144 = vector.broadcast %jit3A_143 : i32 to vector<24x8x640xi32>
    %select_n3A_145 = arith.select %eq3A_142, %iota3A, %broadcast_in_dim3A_144 : vector<24x8x640xi1>, vector<24x8x640xi32>
    %reduce_min3A_146 = arith.constant dense<2147483647> : vector<24x8xi32>
    %reduce_min3A_147 = vector.multi_reduction <minsi>, %select_n3A_145, %reduce_min3A_146 [2] : vector<24x8x640xi32> to vector<24x8xi32>
    %broadcast_in_dim3A_148 = vector.shape_cast %reduce_min3A_147 : vector<24x8xi32> to vector<24x8x1xi32>
    %eq3A_149 = vector.broadcast %broadcast_in_dim3A_148 : vector<24x8x1xi32> to vector<24x8x640xi32>
    %eq3A_150 = arith.cmpi eq, %iota3A, %eq3A_149 : vector<24x8x640xi32>
    %and3A_151 = arith.andi %eq3A_142, %eq3A_150 : vector<24x8x640xi1>
    %jit3A_152 = arith.constant -2.000000e+00 : f32
    %broadcast_in_dim3A_153 = vector.broadcast %jit3A_152 : f32 to vector<24x8x640xf32>
    %select_n3A_154 = arith.select %and3A_151, %broadcast_in_dim3A_153, %select_n3A_137 : vector<24x8x640xi1>, vector<24x8x640xf32>
    %reshape3A_155 = vector.shape_cast %select_n3A_154 : vector<24x8x640xf32> to vector<192x640xf32>
    %swap3A_156 = arith.constant 192 : index
    %swap3A_157 = arith.constant 0 : index
    %swap3A_158 = vector.load %arg4[%swap3A_156, %swap3A_157] : memref<576x640xf32, #tpu.memory_space<vmem>>, vector<192x640xf32>
    tpu.vector_store %arg4[%swap3A_156, %swap3A_157], %reshape3A_155 {strides = array<i32>} : memref<576x640xf32, #tpu.memory_space<vmem>>, vector<192x640xf32>,
    %get3A_159 = arith.constant 0 : index
    %get3A_160 = arith.constant 2 : index
    %get3A_161 = arith.constant 0 : index
    %get3A_162 = arith.constant 0 : index
    %get3A_163 = vector.load %arg0[%get3A_159, %get3A_160, %get3A_161, %get3A_162] : memref<4x3x192x640xf32, #tpu.memory_space<vmem>>, vector<1x1x192x640xf32>
    %get3A_164 = vector.shape_cast %get3A_163 : vector<1x1x192x640xf32> to vector<192x640xf32>
    %slice3A_165 = vector.extract_strided_slice %get3A_164 {offsets = [0, 1], sizes = [192, 639], strides = [1, 1]} : vector<192x640xf32> to vector<192x639xf32>
    %broadcast_in_dim3A_166 = arith.constant 0xFF800000 : f32
    %broadcast_in_dim3A_167 = vector.broadcast %broadcast_in_dim3A_166 : f32 to vector<192x1xf32>
    %concatenate3A_168 = tpu.concatenate %slice3A_165, %broadcast_in_dim3A_167 in 1 : vector<192x639xf32>, vector<192x1xf32> -> vector<192x640xf32>
    %broadcast_in_dim3A_169 = arith.constant 0xFF800000 : f32
    %broadcast_in_dim3A_170 = vector.broadcast %broadcast_in_dim3A_169 : f32 to vector<192x1xf32>
    %slice3A_171 = vector.extract_strided_slice %get3A_164 {offsets = [0, 0], sizes = [192, 639], strides = [1, 1]} : vector<192x640xf32> to vector<192x639xf32>
    %concatenate3A_172 = tpu.concatenate %broadcast_in_dim3A_170, %slice3A_171 in 1 : vector<192x1xf32>, vector<192x639xf32> -> vector<192x640xf32>
    %max3A_173 = arith.maximumf %concatenate3A_168, %concatenate3A_172 : vector<192x640xf32>
    %max3A_174 = arith.maximumf %max3A_173, %get3A_164 : vector<192x640xf32>
    %slice3A_175 = vector.extract_strided_slice %max3A_174 {offsets = [1, 0], sizes = [191, 640], strides = [1, 1]} : vector<192x640xf32> to vector<191x640xf32>
    %broadcast_in_dim3A_176 = arith.constant 0xFF800000 : f32
    %broadcast_in_dim3A_177 = vector.broadcast %broadcast_in_dim3A_176 : f32 to vector<1x640xf32>
    %concatenate3A_178 = tpu.concatenate %slice3A_175, %broadcast_in_dim3A_177 in 0 : vector<191x640xf32>, vector<1x640xf32> -> vector<192x640xf32>
    %broadcast_in_dim3A_179 = arith.constant 0xFF800000 : f32
    %broadcast_in_dim3A_180 = vector.broadcast %broadcast_in_dim3A_179 : f32 to vector<1x640xf32>
    %slice3A_181 = vector.extract_strided_slice %max3A_174 {offsets = [0, 0], sizes = [191, 640], strides = [1, 1]} : vector<192x640xf32> to vector<191x640xf32>
    %concatenate3A_182 = tpu.concatenate %broadcast_in_dim3A_180, %slice3A_181 in 0 : vector<1x640xf32>, vector<191x640xf32> -> vector<192x640xf32>
    %max3A_183 = arith.maximumf %concatenate3A_178, %concatenate3A_182 : vector<192x640xf32>
    %max3A_184 = arith.maximumf %max3A_183, %max3A_174 : vector<192x640xf32>
    %eq3A_185 = arith.cmpf oeq, %max3A_184, %get3A_164 : vector<192x640xf32>
    %jit3A_186 = arith.constant 0.000000e+00 : f32
    %broadcast_in_dim3A_187 = vector.broadcast %jit3A_186 : f32 to vector<192x640xf32>
    %select_n3A_188 = arith.select %eq3A_185, %get3A_164, %broadcast_in_dim3A_187 : vector<192x640xi1>, vector<192x640xf32>
    %reshape3A_189 = vector.shape_cast %select_n3A_188 : vector<192x640xf32> to vector<24x8x640xf32>
    %reduce_max3A_190 = arith.constant dense<0xFF800000> : vector<24x8xf32>
    %reduce_max3A_191 = vector.multi_reduction <maximumf>, %reshape3A_189, %reduce_max3A_190 [2] : vector<24x8x640xf32> to vector<24x8xf32>
    %broadcast_in_dim3A_192 = vector.shape_cast %reduce_max3A_191 : vector<24x8xf32> to vector<24x8x1xf32>
    %eq3A_193 = vector.broadcast %broadcast_in_dim3A_192 : vector<24x8x1xf32> to vector<24x8x640xf32>
    %eq3A_194 = arith.cmpf oeq, %reshape3A_189, %eq3A_193 : vector<24x8x640xf32>
    %jit3A_195 = arith.constant 1073741824 : i32
    %broadcast_in_dim3A_196 = vector.broadcast %jit3A_195 : i32 to vector<24x8x640xi32>
    %select_n3A_197 = arith.select %eq3A_194, %iota3A, %broadcast_in_dim3A_196 : vector<24x8x640xi1>, vector<24x8x640xi32>
    %reduce_min3A_198 = arith.constant dense<2147483647> : vector<24x8xi32>
    %reduce_min3A_199 = vector.multi_reduction <minsi>, %select_n3A_197, %reduce_min3A_198 [2] : vector<24x8x640xi32> to vector<24x8xi32>
    %broadcast_in_dim3A_200 = vector.shape_cast %reduce_min3A_199 : vector<24x8xi32> to vector<24x8x1xi32>
    %eq3A_201 = vector.broadcast %broadcast_in_dim3A_200 : vector<24x8x1xi32> to vector<24x8x640xi32>
    %eq3A_202 = arith.cmpi eq, %iota3A, %eq3A_201 : vector<24x8x640xi32>
    %and3A_203 = arith.andi %eq3A_194, %eq3A_202 : vector<24x8x640xi1>
    %jit3A_204 = arith.constant -2.000000e+00 : f32
    %broadcast_in_dim3A_205 = vector.broadcast %jit3A_204 : f32 to vector<24x8x640xf32>
    %select_n3A_206 = arith.select %and3A_203, %broadcast_in_dim3A_205, %reshape3A_189 : vector<24x8x640xi1>, vector<24x8x640xf32>
    %reduce_max3A_207 = arith.constant dense<0xFF800000> : vector<24x8xf32>
    %reduce_max3A_208 = vector.multi_reduction <maximumf>, %select_n3A_206, %reduce_max3A_207 [2] : vector<24x8x640xf32> to vector<24x8xf32>
    %broadcast_in_dim3A_209 = vector.shape_cast %reduce_max3A_208 : vector<24x8xf32> to vector<24x8x1xf32>
    %eq3A_210 = vector.broadcast %broadcast_in_dim3A_209 : vector<24x8x1xf32> to vector<24x8x640xf32>
    %eq3A_211 = arith.cmpf oeq, %select_n3A_206, %eq3A_210 : vector<24x8x640xf32>
    %jit3A_212 = arith.constant 1073741824 : i32
    %broadcast_in_dim3A_213 = vector.broadcast %jit3A_212 : i32 to vector<24x8x640xi32>
    %select_n3A_214 = arith.select %eq3A_211, %iota3A, %broadcast_in_dim3A_213 : vector<24x8x640xi1>, vector<24x8x640xi32>
    %reduce_min3A_215 = arith.constant dense<2147483647> : vector<24x8xi32>
    %reduce_min3A_216 = vector.multi_reduction <minsi>, %select_n3A_214, %reduce_min3A_215 [2] : vector<24x8x640xi32> to vector<24x8xi32>
    %broadcast_in_dim3A_217 = vector.shape_cast %reduce_min3A_216 : vector<24x8xi32> to vector<24x8x1xi32>
    %eq3A_218 = vector.broadcast %broadcast_in_dim3A_217 : vector<24x8x1xi32> to vector<24x8x640xi32>
    %eq3A_219 = arith.cmpi eq, %iota3A, %eq3A_218 : vector<24x8x640xi32>
    %and3A_220 = arith.andi %eq3A_211, %eq3A_219 : vector<24x8x640xi1>
    %jit3A_221 = arith.constant -2.000000e+00 : f32
    %broadcast_in_dim3A_222 = vector.broadcast %jit3A_221 : f32 to vector<24x8x640xf32>
    %select_n3A_223 = arith.select %and3A_220, %broadcast_in_dim3A_222, %select_n3A_206 : vector<24x8x640xi1>, vector<24x8x640xf32>
    %reduce_max3A_224 = arith.constant dense<0xFF800000> : vector<24x8xf32>
    %reduce_max3A_225 = vector.multi_reduction <maximumf>, %select_n3A_223, %reduce_max3A_224 [2] : vector<24x8x640xf32> to vector<24x8xf32>
    %broadcast_in_dim3A_226 = vector.shape_cast %reduce_max3A_225 : vector<24x8xf32> to vector<24x8x1xf32>
    %eq3A_227 = vector.broadcast %broadcast_in_dim3A_226 : vector<24x8x1xf32> to vector<24x8x640xf32>
    %eq3A_228 = arith.cmpf oeq, %select_n3A_223, %eq3A_227 : vector<24x8x640xf32>
    %jit3A_229 = arith.constant 1073741824 : i32
    %broadcast_in_dim3A_230 = vector.broadcast %jit3A_229 : i32 to vector<24x8x640xi32>
    %select_n3A_231 = arith.select %eq3A_228, %iota3A, %broadcast_in_dim3A_230 : vector<24x8x640xi1>, vector<24x8x640xi32>
    %reduce_min3A_232 = arith.constant dense<2147483647> : vector<24x8xi32>
    %reduce_min3A_233 = vector.multi_reduction <minsi>, %select_n3A_231, %reduce_min3A_232 [2] : vector<24x8x640xi32> to vector<24x8xi32>
    %broadcast_in_dim3A_234 = vector.shape_cast %reduce_min3A_233 : vector<24x8xi32> to vector<24x8x1xi32>
    %eq3A_235 = vector.broadcast %broadcast_in_dim3A_234 : vector<24x8x1xi32> to vector<24x8x640xi32>
    %eq3A_236 = arith.cmpi eq, %iota3A, %eq3A_235 : vector<24x8x640xi32>
    %and3A_237 = arith.andi %eq3A_228, %eq3A_236 : vector<24x8x640xi1>
    %jit3A_238 = arith.constant -2.000000e+00 : f32
    %broadcast_in_dim3A_239 = vector.broadcast %jit3A_238 : f32 to vector<24x8x640xf32>
    %select_n3A_240 = arith.select %and3A_237, %broadcast_in_dim3A_239, %select_n3A_223 : vector<24x8x640xi1>, vector<24x8x640xf32>
    %reshape3A_241 = vector.shape_cast %select_n3A_240 : vector<24x8x640xf32> to vector<192x640xf32>
    %swap3A_242 = arith.constant 384 : index
    %swap3A_243 = arith.constant 0 : index
    %swap3A_244 = vector.load %arg4[%swap3A_242, %swap3A_243] : memref<576x640xf32, #tpu.memory_space<vmem>>, vector<192x640xf32>
    tpu.vector_store %arg4[%swap3A_242, %swap3A_243], %reshape3A_241 {strides = array<i32>} : memref<576x640xf32, #tpu.memory_space<vmem>>, vector<192x640xf32>,
    %concatenate3A_245 = tpu.concatenate %reduce_max3A_22, %reduce_max3A_105, %reduce_max3A_191 in 0 : vector<24x8xf32>, vector<24x8xf32>, vector<24x8xf32> -> vector<72x8xf32>
    %concatenate3A_246 = tpu.concatenate %reduce_max3A_37, %reduce_max3A_122, %reduce_max3A_208 in 0 : vector<24x8xf32>, vector<24x8xf32>, vector<24x8xf32> -> vector<72x8xf32>
    %concatenate3A_247 = tpu.concatenate %reduce_max3A_54, %reduce_max3A_139, %reduce_max3A_225 in 0 : vector<24x8xf32>, vector<24x8xf32>, vector<24x8xf32> -> vector<72x8xf32>
    %concatenate3A_248 = tpu.concatenate %reduce_min3A_29, %reduce_min3A_113, %reduce_min3A_199 in 0 : vector<24x8xi32>, vector<24x8xi32>, vector<24x8xi32> -> vector<72x8xi32>
    %concatenate3A_249 = tpu.concatenate %reduce_min3A_45, %reduce_min3A_130, %reduce_min3A_216 in 0 : vector<24x8xi32>, vector<24x8xi32>, vector<24x8xi32> -> vector<72x8xi32>
    %concatenate3A_250 = tpu.concatenate %reduce_min3A_62, %reduce_min3A_147, %reduce_min3A_233 in 0 : vector<24x8xi32>, vector<24x8xi32>, vector<24x8xi32> -> vector<72x8xi32>
    %get3A_251 = arith.constant 1 : index
    %get3A_252 = arith.constant 0 : index
    %get3A_253 = arith.constant 0 : index
    %get3A_254 = arith.constant 0 : index
    %get3A_255 = vector.load %arg0[%get3A_251, %get3A_252, %get3A_253, %get3A_254] : memref<4x3x192x640xf32, #tpu.memory_space<vmem>>, vector<1x1x192x640xf32>
    %get3A_256 = vector.shape_cast %get3A_255 : vector<1x1x192x640xf32> to vector<192x640xf32>
    %slice3A_257 = vector.extract_strided_slice %get3A_256 {offsets = [0, 1], sizes = [192, 639], strides = [1, 1]} : vector<192x640xf32> to vector<192x639xf32>
    %broadcast_in_dim3A_258 = arith.constant 0xFF800000 : f32
    %broadcast_in_dim3A_259 = vector.broadcast %broadcast_in_dim3A_258 : f32 to vector<192x1xf32>
    %concatenate3A_260 = tpu.concatenate %slice3A_257, %broadcast_in_dim3A_259 in 1 : vector<192x639xf32>, vector<192x1xf32> -> vector<192x640xf32>
    %broadcast_in_dim3A_261 = arith.constant 0xFF800000 : f32
    %broadcast_in_dim3A_262 = vector.broadcast %broadcast_in_dim3A_261 : f32 to vector<192x1xf32>
    %slice3A_263 = vector.extract_strided_slice %get3A_256 {offsets = [0, 0], sizes = [192, 639], strides = [1, 1]} : vector<192x640xf32> to vector<192x639xf32>
    %concatenate3A_264 = tpu.concatenate %broadcast_in_dim3A_262, %slice3A_263 in 1 : vector<192x1xf32>, vector<192x639xf32> -> vector<192x640xf32>
    %max3A_265 = arith.maximumf %concatenate3A_260, %concatenate3A_264 : vector<192x640xf32>
    %max3A_266 = arith.maximumf %max3A_265, %get3A_256 : vector<192x640xf32>
    %slice3A_267 = vector.extract_strided_slice %max3A_266 {offsets = [1, 0], sizes = [191, 640], strides = [1, 1]} : vector<192x640xf32> to vector<191x640xf32>
    %broadcast_in_dim3A_268 = arith.constant 0xFF800000 : f32
    %broadcast_in_dim3A_269 = vector.broadcast %broadcast_in_dim3A_268 : f32 to vector<1x640xf32>
    %concatenate3A_270 = tpu.concatenate %slice3A_267, %broadcast_in_dim3A_269 in 0 : vector<191x640xf32>, vector<1x640xf32> -> vector<192x640xf32>
    %broadcast_in_dim3A_271 = arith.constant 0xFF800000 : f32
    %broadcast_in_dim3A_272 = vector.broadcast %broadcast_in_dim3A_271 : f32 to vector<1x640xf32>
    %slice3A_273 = vector.extract_strided_slice %max3A_266 {offsets = [0, 0], sizes = [191, 640], strides = [1, 1]} : vector<192x640xf32> to vector<191x640xf32>
    %concatenate3A_274 = tpu.concatenate %broadcast_in_dim3A_272, %slice3A_273 in 0 : vector<1x640xf32>, vector<191x640xf32> -> vector<192x640xf32>
    %max3A_275 = arith.maximumf %concatenate3A_270, %concatenate3A_274 : vector<192x640xf32>
    %max3A_276 = arith.maximumf %max3A_275, %max3A_266 : vector<192x640xf32>
    %eq3A_277 = arith.cmpf oeq, %max3A_276, %get3A_256 : vector<192x640xf32>
    %jit3A_278 = arith.constant 0.000000e+00 : f32
    %broadcast_in_dim3A_279 = vector.broadcast %jit3A_278 : f32 to vector<192x640xf32>
    %select_n3A_280 = arith.select %eq3A_277, %get3A_256, %broadcast_in_dim3A_279 : vector<192x640xi1>, vector<192x640xf32>
    %reshape3A_281 = vector.shape_cast %select_n3A_280 : vector<192x640xf32> to vector<24x8x640xf32>
    %reduce_max3A_282 = arith.constant dense<0xFF800000> : vector<24x8xf32>
    %reduce_max3A_283 = vector.multi_reduction <maximumf>, %reshape3A_281, %reduce_max3A_282 [2] : vector<24x8x640xf32> to vector<24x8xf32>
    %broadcast_in_dim3A_284 = vector.shape_cast %reduce_max3A_283 : vector<24x8xf32> to vector<24x8x1xf32>
    %eq3A_285 = vector.broadcast %broadcast_in_dim3A_284 : vector<24x8x1xf32> to vector<24x8x640xf32>
    %eq3A_286 = arith.cmpf oeq, %reshape3A_281, %eq3A_285 : vector<24x8x640xf32>
    %jit3A_287 = arith.constant 1073741824 : i32
    %broadcast_in_dim3A_288 = vector.broadcast %jit3A_287 : i32 to vector<24x8x640xi32>
    %select_n3A_289 = arith.select %eq3A_286, %iota3A, %broadcast_in_dim3A_288 : vector<24x8x640xi1>, vector<24x8x640xi32>
    %reduce_min3A_290 = arith.constant dense<2147483647> : vector<24x8xi32>
    %reduce_min3A_291 = vector.multi_reduction <minsi>, %select_n3A_289, %reduce_min3A_290 [2] : vector<24x8x640xi32> to vector<24x8xi32>
    %broadcast_in_dim3A_292 = vector.shape_cast %reduce_min3A_291 : vector<24x8xi32> to vector<24x8x1xi32>
    %eq3A_293 = vector.broadcast %broadcast_in_dim3A_292 : vector<24x8x1xi32> to vector<24x8x640xi32>
    %eq3A_294 = arith.cmpi eq, %iota3A, %eq3A_293 : vector<24x8x640xi32>
    %and3A_295 = arith.andi %eq3A_286, %eq3A_294 : vector<24x8x640xi1>
    %jit3A_296 = arith.constant -2.000000e+00 : f32
    %broadcast_in_dim3A_297 = vector.broadcast %jit3A_296 : f32 to vector<24x8x640xf32>
    %select_n3A_298 = arith.select %and3A_295, %broadcast_in_dim3A_297, %reshape3A_281 : vector<24x8x640xi1>, vector<24x8x640xf32>
    %reduce_max3A_299 = arith.constant dense<0xFF800000> : vector<24x8xf32>
    %reduce_max3A_300 = vector.multi_reduction <maximumf>, %select_n3A_298, %reduce_max3A_299 [2] : vector<24x8x640xf32> to vector<24x8xf32>
    %broadcast_in_dim3A_301 = vector.shape_cast %reduce_max3A_300 : vector<24x8xf32> to vector<24x8x1xf32>
    %eq3A_302 = vector.broadcast %broadcast_in_dim3A_301 : vector<24x8x1xf32> to vector<24x8x640xf32>
    %eq3A_303 = arith.cmpf oeq, %select_n3A_298, %eq3A_302 : vector<24x8x640xf32>
    %jit3A_304 = arith.constant 1073741824 : i32
    %broadcast_in_dim3A_305 = vector.broadcast %jit3A_304 : i32 to vector<24x8x640xi32>
    %select_n3A_306 = arith.select %eq3A_303, %iota3A, %broadcast_in_dim3A_305 : vector<24x8x640xi1>, vector<24x8x640xi32>
    %reduce_min3A_307 = arith.constant dense<2147483647> : vector<24x8xi32>
    %reduce_min3A_308 = vector.multi_reduction <minsi>, %select_n3A_306, %reduce_min3A_307 [2] : vector<24x8x640xi32> to vector<24x8xi32>
    %broadcast_in_dim3A_309 = vector.shape_cast %reduce_min3A_308 : vector<24x8xi32> to vector<24x8x1xi32>
    %eq3A_310 = vector.broadcast %broadcast_in_dim3A_309 : vector<24x8x1xi32> to vector<24x8x640xi32>
    %eq3A_311 = arith.cmpi eq, %iota3A, %eq3A_310 : vector<24x8x640xi32>
    %and3A_312 = arith.andi %eq3A_303, %eq3A_311 : vector<24x8x640xi1>
    %jit3A_313 = arith.constant -2.000000e+00 : f32
    %broadcast_in_dim3A_314 = vector.broadcast %jit3A_313 : f32 to vector<24x8x640xf32>
    %select_n3A_315 = arith.select %and3A_312, %broadcast_in_dim3A_314, %select_n3A_298 : vector<24x8x640xi1>, vector<24x8x640xf32>
    %reduce_max3A_316 = arith.constant dense<0xFF800000> : vector<24x8xf32>
    %reduce_max3A_317 = vector.multi_reduction <maximumf>, %select_n3A_315, %reduce_max3A_316 [2] : vector<24x8x640xf32> to vector<24x8xf32>
    %broadcast_in_dim3A_318 = vector.shape_cast %reduce_max3A_317 : vector<24x8xf32> to vector<24x8x1xf32>
    %eq3A_319 = vector.broadcast %broadcast_in_dim3A_318 : vector<24x8x1xf32> to vector<24x8x640xf32>
    %eq3A_320 = arith.cmpf oeq, %select_n3A_315, %eq3A_319 : vector<24x8x640xf32>
    %jit3A_321 = arith.constant 1073741824 : i32
    %broadcast_in_dim3A_322 = vector.broadcast %jit3A_321 : i32 to vector<24x8x640xi32>
    %select_n3A_323 = arith.select %eq3A_320, %iota3A, %broadcast_in_dim3A_322 : vector<24x8x640xi1>, vector<24x8x640xi32>
    %reduce_min3A_324 = arith.constant dense<2147483647> : vector<24x8xi32>
    %reduce_min3A_325 = vector.multi_reduction <minsi>, %select_n3A_323, %reduce_min3A_324 [2] : vector<24x8x640xi32> to vector<24x8xi32>
    %broadcast_in_dim3A_326 = vector.shape_cast %reduce_min3A_325 : vector<24x8xi32> to vector<24x8x1xi32>
    %eq3A_327 = vector.broadcast %broadcast_in_dim3A_326 : vector<24x8x1xi32> to vector<24x8x640xi32>
    %eq3A_328 = arith.cmpi eq, %iota3A, %eq3A_327 : vector<24x8x640xi32>
    %and3A_329 = arith.andi %eq3A_320, %eq3A_328 : vector<24x8x640xi1>
    %jit3A_330 = arith.constant -2.000000e+00 : f32
    %broadcast_in_dim3A_331 = vector.broadcast %jit3A_330 : f32 to vector<24x8x640xf32>
    %select_n3A_332 = arith.select %and3A_329, %broadcast_in_dim3A_331, %select_n3A_315 : vector<24x8x640xi1>, vector<24x8x640xf32>
    %reshape3A_333 = vector.shape_cast %select_n3A_332 : vector<24x8x640xf32> to vector<192x640xf32>
    %swap3A_334 = arith.constant 0 : index
    %swap3A_335 = arith.constant 0 : index
    %swap3A_336 = vector.load %arg5[%swap3A_334, %swap3A_335] : memref<576x640xf32, #tpu.memory_space<vmem>>, vector<192x640xf32>
    tpu.vector_store %arg5[%swap3A_334, %swap3A_335], %reshape3A_333 {strides = array<i32>} : memref<576x640xf32, #tpu.memory_space<vmem>>, vector<192x640xf32>,
    %get3A_337 = arith.constant 1 : index
    %get3A_338 = arith.constant 1 : index
    %get3A_339 = arith.constant 0 : index
    %get3A_340 = arith.constant 0 : index
    %get3A_341 = vector.load %arg0[%get3A_337, %get3A_338, %get3A_339, %get3A_340] : memref<4x3x192x640xf32, #tpu.memory_space<vmem>>, vector<1x1x192x640xf32>
    %get3A_342 = vector.shape_cast %get3A_341 : vector<1x1x192x640xf32> to vector<192x640xf32>
    %slice3A_343 = vector.extract_strided_slice %get3A_342 {offsets = [0, 1], sizes = [192, 639], strides = [1, 1]} : vector<192x640xf32> to vector<192x639xf32>
    %broadcast_in_dim3A_344 = arith.constant 0xFF800000 : f32
    %broadcast_in_dim3A_345 = vector.broadcast %broadcast_in_dim3A_344 : f32 to vector<192x1xf32>
    %concatenate3A_346 = tpu.concatenate %slice3A_343, %broadcast_in_dim3A_345 in 1 : vector<192x639xf32>, vector<192x1xf32> -> vector<192x640xf32>
    %broadcast_in_dim3A_347 = arith.constant 0xFF800000 : f32
    %broadcast_in_dim3A_348 = vector.broadcast %broadcast_in_dim3A_347 : f32 to vector<192x1xf32>
    %slice3A_349 = vector.extract_strided_slice %get3A_342 {offsets = [0, 0], sizes = [192, 639], strides = [1, 1]} : vector<192x640xf32> to vector<192x639xf32>
    %concatenate3A_350 = tpu.concatenate %broadcast_in_dim3A_348, %slice3A_349 in 1 : vector<192x1xf32>, vector<192x639xf32> -> vector<192x640xf32>
    %max3A_351 = arith.maximumf %concatenate3A_346, %concatenate3A_350 : vector<192x640xf32>
    %max3A_352 = arith.maximumf %max3A_351, %get3A_342 : vector<192x640xf32>
    %slice3A_353 = vector.extract_strided_slice %max3A_352 {offsets = [1, 0], sizes = [191, 640], strides = [1, 1]} : vector<192x640xf32> to vector<191x640xf32>
    %broadcast_in_dim3A_354 = arith.constant 0xFF800000 : f32
    %broadcast_in_dim3A_355 = vector.broadcast %broadcast_in_dim3A_354 : f32 to vector<1x640xf32>
    %concatenate3A_356 = tpu.concatenate %slice3A_353, %broadcast_in_dim3A_355 in 0 : vector<191x640xf32>, vector<1x640xf32> -> vector<192x640xf32>
    %broadcast_in_dim3A_357 = arith.constant 0xFF800000 : f32
    %broadcast_in_dim3A_358 = vector.broadcast %broadcast_in_dim3A_357 : f32 to vector<1x640xf32>
    %slice3A_359 = vector.extract_strided_slice %max3A_352 {offsets = [0, 0], sizes = [191, 640], strides = [1, 1]} : vector<192x640xf32> to vector<191x640xf32>
    %concatenate3A_360 = tpu.concatenate %broadcast_in_dim3A_358, %slice3A_359 in 0 : vector<1x640xf32>, vector<191x640xf32> -> vector<192x640xf32>
    %max3A_361 = arith.maximumf %concatenate3A_356, %concatenate3A_360 : vector<192x640xf32>
    %max3A_362 = arith.maximumf %max3A_361, %max3A_352 : vector<192x640xf32>
    %eq3A_363 = arith.cmpf oeq, %max3A_362, %get3A_342 : vector<192x640xf32>
    %jit3A_364 = arith.constant 0.000000e+00 : f32
    %broadcast_in_dim3A_365 = vector.broadcast %jit3A_364 : f32 to vector<192x640xf32>
    %select_n3A_366 = arith.select %eq3A_363, %get3A_342, %broadcast_in_dim3A_365 : vector<192x640xi1>, vector<192x640xf32>
    %reshape3A_367 = vector.shape_cast %select_n3A_366 : vector<192x640xf32> to vector<24x8x640xf32>
    %reduce_max3A_368 = arith.constant dense<0xFF800000> : vector<24x8xf32>
    %reduce_max3A_369 = vector.multi_reduction <maximumf>, %reshape3A_367, %reduce_max3A_368 [2] : vector<24x8x640xf32> to vector<24x8xf32>
    %broadcast_in_dim3A_370 = vector.shape_cast %reduce_max3A_369 : vector<24x8xf32> to vector<24x8x1xf32>
    %eq3A_371 = vector.broadcast %broadcast_in_dim3A_370 : vector<24x8x1xf32> to vector<24x8x640xf32>
    %eq3A_372 = arith.cmpf oeq, %reshape3A_367, %eq3A_371 : vector<24x8x640xf32>
    %jit3A_373 = arith.constant 1073741824 : i32
    %broadcast_in_dim3A_374 = vector.broadcast %jit3A_373 : i32 to vector<24x8x640xi32>
    %select_n3A_375 = arith.select %eq3A_372, %iota3A, %broadcast_in_dim3A_374 : vector<24x8x640xi1>, vector<24x8x640xi32>
    %reduce_min3A_376 = arith.constant dense<2147483647> : vector<24x8xi32>
    %reduce_min3A_377 = vector.multi_reduction <minsi>, %select_n3A_375, %reduce_min3A_376 [2] : vector<24x8x640xi32> to vector<24x8xi32>
    %broadcast_in_dim3A_378 = vector.shape_cast %reduce_min3A_377 : vector<24x8xi32> to vector<24x8x1xi32>
    %eq3A_379 = vector.broadcast %broadcast_in_dim3A_378 : vector<24x8x1xi32> to vector<24x8x640xi32>
    %eq3A_380 = arith.cmpi eq, %iota3A, %eq3A_379 : vector<24x8x640xi32>
    %and3A_381 = arith.andi %eq3A_372, %eq3A_380 : vector<24x8x640xi1>
    %jit3A_382 = arith.constant -2.000000e+00 : f32
    %broadcast_in_dim3A_383 = vector.broadcast %jit3A_382 : f32 to vector<24x8x640xf32>
    %select_n3A_384 = arith.select %and3A_381, %broadcast_in_dim3A_383, %reshape3A_367 : vector<24x8x640xi1>, vector<24x8x640xf32>
    %reduce_max3A_385 = arith.constant dense<0xFF800000> : vector<24x8xf32>
    %reduce_max3A_386 = vector.multi_reduction <maximumf>, %select_n3A_384, %reduce_max3A_385 [2] : vector<24x8x640xf32> to vector<24x8xf32>
    %broadcast_in_dim3A_387 = vector.shape_cast %reduce_max3A_386 : vector<24x8xf32> to vector<24x8x1xf32>
    %eq3A_388 = vector.broadcast %broadcast_in_dim3A_387 : vector<24x8x1xf32> to vector<24x8x640xf32>
    %eq3A_389 = arith.cmpf oeq, %select_n3A_384, %eq3A_388 : vector<24x8x640xf32>
    %jit3A_390 = arith.constant 1073741824 : i32
    %broadcast_in_dim3A_391 = vector.broadcast %jit3A_390 : i32 to vector<24x8x640xi32>
    %select_n3A_392 = arith.select %eq3A_389, %iota3A, %broadcast_in_dim3A_391 : vector<24x8x640xi1>, vector<24x8x640xi32>
    %reduce_min3A_393 = arith.constant dense<2147483647> : vector<24x8xi32>
    %reduce_min3A_394 = vector.multi_reduction <minsi>, %select_n3A_392, %reduce_min3A_393 [2] : vector<24x8x640xi32> to vector<24x8xi32>
    %broadcast_in_dim3A_395 = vector.shape_cast %reduce_min3A_394 : vector<24x8xi32> to vector<24x8x1xi32>
    %eq3A_396 = vector.broadcast %broadcast_in_dim3A_395 : vector<24x8x1xi32> to vector<24x8x640xi32>
    %eq3A_397 = arith.cmpi eq, %iota3A, %eq3A_396 : vector<24x8x640xi32>
    %and3A_398 = arith.andi %eq3A_389, %eq3A_397 : vector<24x8x640xi1>
    %jit3A_399 = arith.constant -2.000000e+00 : f32
    %broadcast_in_dim3A_400 = vector.broadcast %jit3A_399 : f32 to vector<24x8x640xf32>
    %select_n3A_401 = arith.select %and3A_398, %broadcast_in_dim3A_400, %select_n3A_384 : vector<24x8x640xi1>, vector<24x8x640xf32>
    %reduce_max3A_402 = arith.constant dense<0xFF800000> : vector<24x8xf32>
    %reduce_max3A_403 = vector.multi_reduction <maximumf>, %select_n3A_401, %reduce_max3A_402 [2] : vector<24x8x640xf32> to vector<24x8xf32>
    %broadcast_in_dim3A_404 = vector.shape_cast %reduce_max3A_403 : vector<24x8xf32> to vector<24x8x1xf32>
    %eq3A_405 = vector.broadcast %broadcast_in_dim3A_404 : vector<24x8x1xf32> to vector<24x8x640xf32>
    %eq3A_406 = arith.cmpf oeq, %select_n3A_401, %eq3A_405 : vector<24x8x640xf32>
    %jit3A_407 = arith.constant 1073741824 : i32
    %broadcast_in_dim3A_408 = vector.broadcast %jit3A_407 : i32 to vector<24x8x640xi32>
    %select_n3A_409 = arith.select %eq3A_406, %iota3A, %broadcast_in_dim3A_408 : vector<24x8x640xi1>, vector<24x8x640xi32>
    %reduce_min3A_410 = arith.constant dense<2147483647> : vector<24x8xi32>
    %reduce_min3A_411 = vector.multi_reduction <minsi>, %select_n3A_409, %reduce_min3A_410 [2] : vector<24x8x640xi32> to vector<24x8xi32>
    %broadcast_in_dim3A_412 = vector.shape_cast %reduce_min3A_411 : vector<24x8xi32> to vector<24x8x1xi32>
    %eq3A_413 = vector.broadcast %broadcast_in_dim3A_412 : vector<24x8x1xi32> to vector<24x8x640xi32>
    %eq3A_414 = arith.cmpi eq, %iota3A, %eq3A_413 : vector<24x8x640xi32>
    %and3A_415 = arith.andi %eq3A_406, %eq3A_414 : vector<24x8x640xi1>
    %jit3A_416 = arith.constant -2.000000e+00 : f32
    %broadcast_in_dim3A_417 = vector.broadcast %jit3A_416 : f32 to vector<24x8x640xf32>
    %select_n3A_418 = arith.select %and3A_415, %broadcast_in_dim3A_417, %select_n3A_401 : vector<24x8x640xi1>, vector<24x8x640xf32>
    %reshape3A_419 = vector.shape_cast %select_n3A_418 : vector<24x8x640xf32> to vector<192x640xf32>
    %swap3A_420 = arith.constant 192 : index
    %swap3A_421 = arith.constant 0 : index
    %swap3A_422 = vector.load %arg5[%swap3A_420, %swap3A_421] : memref<576x640xf32, #tpu.memory_space<vmem>>, vector<192x640xf32>
    tpu.vector_store %arg5[%swap3A_420, %swap3A_421], %reshape3A_419 {strides = array<i32>} : memref<576x640xf32, #tpu.memory_space<vmem>>, vector<192x640xf32>,
    %get3A_423 = arith.constant 1 : index
    %get3A_424 = arith.constant 2 : index
    %get3A_425 = arith.constant 0 : index
    %get3A_426 = arith.constant 0 : index
    %get3A_427 = vector.load %arg0[%get3A_423, %get3A_424, %get3A_425, %get3A_426] : memref<4x3x192x640xf32, #tpu.memory_space<vmem>>, vector<1x1x192x640xf32>
    %get3A_428 = vector.shape_cast %get3A_427 : vector<1x1x192x640xf32> to vector<192x640xf32>
    %slice3A_429 = vector.extract_strided_slice %get3A_428 {offsets = [0, 1], sizes = [192, 639], strides = [1, 1]} : vector<192x640xf32> to vector<192x639xf32>
    %broadcast_in_dim3A_430 = arith.constant 0xFF800000 : f32
    %broadcast_in_dim3A_431 = vector.broadcast %broadcast_in_dim3A_430 : f32 to vector<192x1xf32>
    %concatenate3A_432 = tpu.concatenate %slice3A_429, %broadcast_in_dim3A_431 in 1 : vector<192x639xf32>, vector<192x1xf32> -> vector<192x640xf32>
    %broadcast_in_dim3A_433 = arith.constant 0xFF800000 : f32
    %broadcast_in_dim3A_434 = vector.broadcast %broadcast_in_dim3A_433 : f32 to vector<192x1xf32>
    %slice3A_435 = vector.extract_strided_slice %get3A_428 {offsets = [0, 0], sizes = [192, 639], strides = [1, 1]} : vector<192x640xf32> to vector<192x639xf32>
    %concatenate3A_436 = tpu.concatenate %broadcast_in_dim3A_434, %slice3A_435 in 1 : vector<192x1xf32>, vector<192x639xf32> -> vector<192x640xf32>
    %max3A_437 = arith.maximumf %concatenate3A_432, %concatenate3A_436 : vector<192x640xf32>
    %max3A_438 = arith.maximumf %max3A_437, %get3A_428 : vector<192x640xf32>
    %slice3A_439 = vector.extract_strided_slice %max3A_438 {offsets = [1, 0], sizes = [191, 640], strides = [1, 1]} : vector<192x640xf32> to vector<191x640xf32>
    %broadcast_in_dim3A_440 = arith.constant 0xFF800000 : f32
    %broadcast_in_dim3A_441 = vector.broadcast %broadcast_in_dim3A_440 : f32 to vector<1x640xf32>
    %concatenate3A_442 = tpu.concatenate %slice3A_439, %broadcast_in_dim3A_441 in 0 : vector<191x640xf32>, vector<1x640xf32> -> vector<192x640xf32>
    %broadcast_in_dim3A_443 = arith.constant 0xFF800000 : f32
    %broadcast_in_dim3A_444 = vector.broadcast %broadcast_in_dim3A_443 : f32 to vector<1x640xf32>
    %slice3A_445 = vector.extract_strided_slice %max3A_438 {offsets = [0, 0], sizes = [191, 640], strides = [1, 1]} : vector<192x640xf32> to vector<191x640xf32>
    %concatenate3A_446 = tpu.concatenate %broadcast_in_dim3A_444, %slice3A_445 in 0 : vector<1x640xf32>, vector<191x640xf32> -> vector<192x640xf32>
    %max3A_447 = arith.maximumf %concatenate3A_442, %concatenate3A_446 : vector<192x640xf32>
    %max3A_448 = arith.maximumf %max3A_447, %max3A_438 : vector<192x640xf32>
    %eq3A_449 = arith.cmpf oeq, %max3A_448, %get3A_428 : vector<192x640xf32>
    %jit3A_450 = arith.constant 0.000000e+00 : f32
    %broadcast_in_dim3A_451 = vector.broadcast %jit3A_450 : f32 to vector<192x640xf32>
    %select_n3A_452 = arith.select %eq3A_449, %get3A_428, %broadcast_in_dim3A_451 : vector<192x640xi1>, vector<192x640xf32>
    %reshape3A_453 = vector.shape_cast %select_n3A_452 : vector<192x640xf32> to vector<24x8x640xf32>
    %reduce_max3A_454 = arith.constant dense<0xFF800000> : vector<24x8xf32>
    %reduce_max3A_455 = vector.multi_reduction <maximumf>, %reshape3A_453, %reduce_max3A_454 [2] : vector<24x8x640xf32> to vector<24x8xf32>
    %broadcast_in_dim3A_456 = vector.shape_cast %reduce_max3A_455 : vector<24x8xf32> to vector<24x8x1xf32>
    %eq3A_457 = vector.broadcast %broadcast_in_dim3A_456 : vector<24x8x1xf32> to vector<24x8x640xf32>
    %eq3A_458 = arith.cmpf oeq, %reshape3A_453, %eq3A_457 : vector<24x8x640xf32>
    %jit3A_459 = arith.constant 1073741824 : i32
    %broadcast_in_dim3A_460 = vector.broadcast %jit3A_459 : i32 to vector<24x8x640xi32>
    %select_n3A_461 = arith.select %eq3A_458, %iota3A, %broadcast_in_dim3A_460 : vector<24x8x640xi1>, vector<24x8x640xi32>
    %reduce_min3A_462 = arith.constant dense<2147483647> : vector<24x8xi32>
    %reduce_min3A_463 = vector.multi_reduction <minsi>, %select_n3A_461, %reduce_min3A_462 [2] : vector<24x8x640xi32> to vector<24x8xi32>
    %broadcast_in_dim3A_464 = vector.shape_cast %reduce_min3A_463 : vector<24x8xi32> to vector<24x8x1xi32>
    %eq3A_465 = vector.broadcast %broadcast_in_dim3A_464 : vector<24x8x1xi32> to vector<24x8x640xi32>
    %eq3A_466 = arith.cmpi eq, %iota3A, %eq3A_465 : vector<24x8x640xi32>
    %and3A_467 = arith.andi %eq3A_458, %eq3A_466 : vector<24x8x640xi1>
    %jit3A_468 = arith.constant -2.000000e+00 : f32
    %broadcast_in_dim3A_469 = vector.broadcast %jit3A_468 : f32 to vector<24x8x640xf32>
    %select_n3A_470 = arith.select %and3A_467, %broadcast_in_dim3A_469, %reshape3A_453 : vector<24x8x640xi1>, vector<24x8x640xf32>
    %reduce_max3A_471 = arith.constant dense<0xFF800000> : vector<24x8xf32>
    %reduce_max3A_472 = vector.multi_reduction <maximumf>, %select_n3A_470, %reduce_max3A_471 [2] : vector<24x8x640xf32> to vector<24x8xf32>
    %broadcast_in_dim3A_473 = vector.shape_cast %reduce_max3A_472 : vector<24x8xf32> to vector<24x8x1xf32>
    %eq3A_474 = vector.broadcast %broadcast_in_dim3A_473 : vector<24x8x1xf32> to vector<24x8x640xf32>
    %eq3A_475 = arith.cmpf oeq, %select_n3A_470, %eq3A_474 : vector<24x8x640xf32>
    %jit3A_476 = arith.constant 1073741824 : i32
    %broadcast_in_dim3A_477 = vector.broadcast %jit3A_476 : i32 to vector<24x8x640xi32>
    %select_n3A_478 = arith.select %eq3A_475, %iota3A, %broadcast_in_dim3A_477 : vector<24x8x640xi1>, vector<24x8x640xi32>
    %reduce_min3A_479 = arith.constant dense<2147483647> : vector<24x8xi32>
    %reduce_min3A_480 = vector.multi_reduction <minsi>, %select_n3A_478, %reduce_min3A_479 [2] : vector<24x8x640xi32> to vector<24x8xi32>
    %broadcast_in_dim3A_481 = vector.shape_cast %reduce_min3A_480 : vector<24x8xi32> to vector<24x8x1xi32>
    %eq3A_482 = vector.broadcast %broadcast_in_dim3A_481 : vector<24x8x1xi32> to vector<24x8x640xi32>
    %eq3A_483 = arith.cmpi eq, %iota3A, %eq3A_482 : vector<24x8x640xi32>
    %and3A_484 = arith.andi %eq3A_475, %eq3A_483 : vector<24x8x640xi1>
    %jit3A_485 = arith.constant -2.000000e+00 : f32
    %broadcast_in_dim3A_486 = vector.broadcast %jit3A_485 : f32 to vector<24x8x640xf32>
    %select_n3A_487 = arith.select %and3A_484, %broadcast_in_dim3A_486, %select_n3A_470 : vector<24x8x640xi1>, vector<24x8x640xf32>
    %reduce_max3A_488 = arith.constant dense<0xFF800000> : vector<24x8xf32>
    %reduce_max3A_489 = vector.multi_reduction <maximumf>, %select_n3A_487, %reduce_max3A_488 [2] : vector<24x8x640xf32> to vector<24x8xf32>
    %broadcast_in_dim3A_490 = vector.shape_cast %reduce_max3A_489 : vector<24x8xf32> to vector<24x8x1xf32>
    %eq3A_491 = vector.broadcast %broadcast_in_dim3A_490 : vector<24x8x1xf32> to vector<24x8x640xf32>
    %eq3A_492 = arith.cmpf oeq, %select_n3A_487, %eq3A_491 : vector<24x8x640xf32>
    %jit3A_493 = arith.constant 1073741824 : i32
    %broadcast_in_dim3A_494 = vector.broadcast %jit3A_493 : i32 to vector<24x8x640xi32>
    %select_n3A_495 = arith.select %eq3A_492, %iota3A, %broadcast_in_dim3A_494 : vector<24x8x640xi1>, vector<24x8x640xi32>
    %reduce_min3A_496 = arith.constant dense<2147483647> : vector<24x8xi32>
    %reduce_min3A_497 = vector.multi_reduction <minsi>, %select_n3A_495, %reduce_min3A_496 [2] : vector<24x8x640xi32> to vector<24x8xi32>
    %broadcast_in_dim3A_498 = vector.shape_cast %reduce_min3A_497 : vector<24x8xi32> to vector<24x8x1xi32>
    %eq3A_499 = vector.broadcast %broadcast_in_dim3A_498 : vector<24x8x1xi32> to vector<24x8x640xi32>
    %eq3A_500 = arith.cmpi eq, %iota3A, %eq3A_499 : vector<24x8x640xi32>
    %and3A_501 = arith.andi %eq3A_492, %eq3A_500 : vector<24x8x640xi1>
    %jit3A_502 = arith.constant -2.000000e+00 : f32
    %broadcast_in_dim3A_503 = vector.broadcast %jit3A_502 : f32 to vector<24x8x640xf32>
    %select_n3A_504 = arith.select %and3A_501, %broadcast_in_dim3A_503, %select_n3A_487 : vector<24x8x640xi1>, vector<24x8x640xf32>
    %reshape3A_505 = vector.shape_cast %select_n3A_504 : vector<24x8x640xf32> to vector<192x640xf32>
    %swap3A_506 = arith.constant 384 : index
    %swap3A_507 = arith.constant 0 : index
    %swap3A_508 = vector.load %arg5[%swap3A_506, %swap3A_507] : memref<576x640xf32, #tpu.memory_space<vmem>>, vector<192x640xf32>
    tpu.vector_store %arg5[%swap3A_506, %swap3A_507], %reshape3A_505 {strides = array<i32>} : memref<576x640xf32, #tpu.memory_space<vmem>>, vector<192x640xf32>,
    %concatenate3A_509 = tpu.concatenate %reduce_max3A_283, %reduce_max3A_369, %reduce_max3A_455 in 0 : vector<24x8xf32>, vector<24x8xf32>, vector<24x8xf32> -> vector<72x8xf32>
    %concatenate3A_510 = tpu.concatenate %reduce_max3A_300, %reduce_max3A_386, %reduce_max3A_472 in 0 : vector<24x8xf32>, vector<24x8xf32>, vector<24x8xf32> -> vector<72x8xf32>
    %concatenate3A_511 = tpu.concatenate %reduce_max3A_317, %reduce_max3A_403, %reduce_max3A_489 in 0 : vector<24x8xf32>, vector<24x8xf32>, vector<24x8xf32> -> vector<72x8xf32>
    %concatenate3A_512 = tpu.concatenate %reduce_min3A_291, %reduce_min3A_377, %reduce_min3A_463 in 0 : vector<24x8xi32>, vector<24x8xi32>, vector<24x8xi32> -> vector<72x8xi32>
    %concatenate3A_513 = tpu.concatenate %reduce_min3A_308, %reduce_min3A_394, %reduce_min3A_480 in 0 : vector<24x8xi32>, vector<24x8xi32>, vector<24x8xi32> -> vector<72x8xi32>
    %concatenate3A_514 = tpu.concatenate %reduce_min3A_325, %reduce_min3A_411, %reduce_min3A_497 in 0 : vector<24x8xi32>, vector<24x8xi32>, vector<24x8xi32> -> vector<72x8xi32>
    %get3A_515 = arith.constant 2 : index
    %get3A_516 = arith.constant 0 : index
    %get3A_517 = arith.constant 0 : index
    %get3A_518 = arith.constant 0 : index
    %get3A_519 = vector.load %arg0[%get3A_515, %get3A_516, %get3A_517, %get3A_518] : memref<4x3x192x640xf32, #tpu.memory_space<vmem>>, vector<1x1x192x640xf32>
    %get3A_520 = vector.shape_cast %get3A_519 : vector<1x1x192x640xf32> to vector<192x640xf32>
    %slice3A_521 = vector.extract_strided_slice %get3A_520 {offsets = [0, 1], sizes = [192, 639], strides = [1, 1]} : vector<192x640xf32> to vector<192x639xf32>
    %broadcast_in_dim3A_522 = arith.constant 0xFF800000 : f32
    %broadcast_in_dim3A_523 = vector.broadcast %broadcast_in_dim3A_522 : f32 to vector<192x1xf32>
    %concatenate3A_524 = tpu.concatenate %slice3A_521, %broadcast_in_dim3A_523 in 1 : vector<192x639xf32>, vector<192x1xf32> -> vector<192x640xf32>
    %broadcast_in_dim3A_525 = arith.constant 0xFF800000 : f32
    %broadcast_in_dim3A_526 = vector.broadcast %broadcast_in_dim3A_525 : f32 to vector<192x1xf32>
    %slice3A_527 = vector.extract_strided_slice %get3A_520 {offsets = [0, 0], sizes = [192, 639], strides = [1, 1]} : vector<192x640xf32> to vector<192x639xf32>
    %concatenate3A_528 = tpu.concatenate %broadcast_in_dim3A_526, %slice3A_527 in 1 : vector<192x1xf32>, vector<192x639xf32> -> vector<192x640xf32>
    %max3A_529 = arith.maximumf %concatenate3A_524, %concatenate3A_528 : vector<192x640xf32>
    %max3A_530 = arith.maximumf %max3A_529, %get3A_520 : vector<192x640xf32>
    %slice3A_531 = vector.extract_strided_slice %max3A_530 {offsets = [1, 0], sizes = [191, 640], strides = [1, 1]} : vector<192x640xf32> to vector<191x640xf32>
    %broadcast_in_dim3A_532 = arith.constant 0xFF800000 : f32
    %broadcast_in_dim3A_533 = vector.broadcast %broadcast_in_dim3A_532 : f32 to vector<1x640xf32>
    %concatenate3A_534 = tpu.concatenate %slice3A_531, %broadcast_in_dim3A_533 in 0 : vector<191x640xf32>, vector<1x640xf32> -> vector<192x640xf32>
    %broadcast_in_dim3A_535 = arith.constant 0xFF800000 : f32
    %broadcast_in_dim3A_536 = vector.broadcast %broadcast_in_dim3A_535 : f32 to vector<1x640xf32>
    %slice3A_537 = vector.extract_strided_slice %max3A_530 {offsets = [0, 0], sizes = [191, 640], strides = [1, 1]} : vector<192x640xf32> to vector<191x640xf32>
    %concatenate3A_538 = tpu.concatenate %broadcast_in_dim3A_536, %slice3A_537 in 0 : vector<1x640xf32>, vector<191x640xf32> -> vector<192x640xf32>
    %max3A_539 = arith.maximumf %concatenate3A_534, %concatenate3A_538 : vector<192x640xf32>
    %max3A_540 = arith.maximumf %max3A_539, %max3A_530 : vector<192x640xf32>
    %eq3A_541 = arith.cmpf oeq, %max3A_540, %get3A_520 : vector<192x640xf32>
    %jit3A_542 = arith.constant 0.000000e+00 : f32
    %broadcast_in_dim3A_543 = vector.broadcast %jit3A_542 : f32 to vector<192x640xf32>
    %select_n3A_544 = arith.select %eq3A_541, %get3A_520, %broadcast_in_dim3A_543 : vector<192x640xi1>, vector<192x640xf32>
    %reshape3A_545 = vector.shape_cast %select_n3A_544 : vector<192x640xf32> to vector<24x8x640xf32>
    %reduce_max3A_546 = arith.constant dense<0xFF800000> : vector<24x8xf32>
    %reduce_max3A_547 = vector.multi_reduction <maximumf>, %reshape3A_545, %reduce_max3A_546 [2] : vector<24x8x640xf32> to vector<24x8xf32>
    %broadcast_in_dim3A_548 = vector.shape_cast %reduce_max3A_547 : vector<24x8xf32> to vector<24x8x1xf32>
    %eq3A_549 = vector.broadcast %broadcast_in_dim3A_548 : vector<24x8x1xf32> to vector<24x8x640xf32>
    %eq3A_550 = arith.cmpf oeq, %reshape3A_545, %eq3A_549 : vector<24x8x640xf32>
    %jit3A_551 = arith.constant 1073741824 : i32
    %broadcast_in_dim3A_552 = vector.broadcast %jit3A_551 : i32 to vector<24x8x640xi32>
    %select_n3A_553 = arith.select %eq3A_550, %iota3A, %broadcast_in_dim3A_552 : vector<24x8x640xi1>, vector<24x8x640xi32>
    %reduce_min3A_554 = arith.constant dense<2147483647> : vector<24x8xi32>
    %reduce_min3A_555 = vector.multi_reduction <minsi>, %select_n3A_553, %reduce_min3A_554 [2] : vector<24x8x640xi32> to vector<24x8xi32>
    %broadcast_in_dim3A_556 = vector.shape_cast %reduce_min3A_555 : vector<24x8xi32> to vector<24x8x1xi32>
    %eq3A_557 = vector.broadcast %broadcast_in_dim3A_556 : vector<24x8x1xi32> to vector<24x8x640xi32>
    %eq3A_558 = arith.cmpi eq, %iota3A, %eq3A_557 : vector<24x8x640xi32>
    %and3A_559 = arith.andi %eq3A_550, %eq3A_558 : vector<24x8x640xi1>
    %jit3A_560 = arith.constant -2.000000e+00 : f32
    %broadcast_in_dim3A_561 = vector.broadcast %jit3A_560 : f32 to vector<24x8x640xf32>
    %select_n3A_562 = arith.select %and3A_559, %broadcast_in_dim3A_561, %reshape3A_545 : vector<24x8x640xi1>, vector<24x8x640xf32>
    %reduce_max3A_563 = arith.constant dense<0xFF800000> : vector<24x8xf32>
    %reduce_max3A_564 = vector.multi_reduction <maximumf>, %select_n3A_562, %reduce_max3A_563 [2] : vector<24x8x640xf32> to vector<24x8xf32>
    %broadcast_in_dim3A_565 = vector.shape_cast %reduce_max3A_564 : vector<24x8xf32> to vector<24x8x1xf32>
    %eq3A_566 = vector.broadcast %broadcast_in_dim3A_565 : vector<24x8x1xf32> to vector<24x8x640xf32>
    %eq3A_567 = arith.cmpf oeq, %select_n3A_562, %eq3A_566 : vector<24x8x640xf32>
    %jit3A_568 = arith.constant 1073741824 : i32
    %broadcast_in_dim3A_569 = vector.broadcast %jit3A_568 : i32 to vector<24x8x640xi32>
    %select_n3A_570 = arith.select %eq3A_567, %iota3A, %broadcast_in_dim3A_569 : vector<24x8x640xi1>, vector<24x8x640xi32>
    %reduce_min3A_571 = arith.constant dense<2147483647> : vector<24x8xi32>
    %reduce_min3A_572 = vector.multi_reduction <minsi>, %select_n3A_570, %reduce_min3A_571 [2] : vector<24x8x640xi32> to vector<24x8xi32>
    %broadcast_in_dim3A_573 = vector.shape_cast %reduce_min3A_572 : vector<24x8xi32> to vector<24x8x1xi32>
    %eq3A_574 = vector.broadcast %broadcast_in_dim3A_573 : vector<24x8x1xi32> to vector<24x8x640xi32>
    %eq3A_575 = arith.cmpi eq, %iota3A, %eq3A_574 : vector<24x8x640xi32>
    %and3A_576 = arith.andi %eq3A_567, %eq3A_575 : vector<24x8x640xi1>
    %jit3A_577 = arith.constant -2.000000e+00 : f32
    %broadcast_in_dim3A_578 = vector.broadcast %jit3A_577 : f32 to vector<24x8x640xf32>
    %select_n3A_579 = arith.select %and3A_576, %broadcast_in_dim3A_578, %select_n3A_562 : vector<24x8x640xi1>, vector<24x8x640xf32>
    %reduce_max3A_580 = arith.constant dense<0xFF800000> : vector<24x8xf32>
    %reduce_max3A_581 = vector.multi_reduction <maximumf>, %select_n3A_579, %reduce_max3A_580 [2] : vector<24x8x640xf32> to vector<24x8xf32>
    %broadcast_in_dim3A_582 = vector.shape_cast %reduce_max3A_581 : vector<24x8xf32> to vector<24x8x1xf32>
    %eq3A_583 = vector.broadcast %broadcast_in_dim3A_582 : vector<24x8x1xf32> to vector<24x8x640xf32>
    %eq3A_584 = arith.cmpf oeq, %select_n3A_579, %eq3A_583 : vector<24x8x640xf32>
    %jit3A_585 = arith.constant 1073741824 : i32
    %broadcast_in_dim3A_586 = vector.broadcast %jit3A_585 : i32 to vector<24x8x640xi32>
    %select_n3A_587 = arith.select %eq3A_584, %iota3A, %broadcast_in_dim3A_586 : vector<24x8x640xi1>, vector<24x8x640xi32>
    %reduce_min3A_588 = arith.constant dense<2147483647> : vector<24x8xi32>
    %reduce_min3A_589 = vector.multi_reduction <minsi>, %select_n3A_587, %reduce_min3A_588 [2] : vector<24x8x640xi32> to vector<24x8xi32>
    %broadcast_in_dim3A_590 = vector.shape_cast %reduce_min3A_589 : vector<24x8xi32> to vector<24x8x1xi32>
    %eq3A_591 = vector.broadcast %broadcast_in_dim3A_590 : vector<24x8x1xi32> to vector<24x8x640xi32>
    %eq3A_592 = arith.cmpi eq, %iota3A, %eq3A_591 : vector<24x8x640xi32>
    %and3A_593 = arith.andi %eq3A_584, %eq3A_592 : vector<24x8x640xi1>
    %jit3A_594 = arith.constant -2.000000e+00 : f32
    %broadcast_in_dim3A_595 = vector.broadcast %jit3A_594 : f32 to vector<24x8x640xf32>
    %select_n3A_596 = arith.select %and3A_593, %broadcast_in_dim3A_595, %select_n3A_579 : vector<24x8x640xi1>, vector<24x8x640xf32>
    %reshape3A_597 = vector.shape_cast %select_n3A_596 : vector<24x8x640xf32> to vector<192x640xf32>
    %swap3A_598 = arith.constant 0 : index
    %swap3A_599 = arith.constant 0 : index
    %swap3A_600 = vector.load %arg6[%swap3A_598, %swap3A_599] : memref<576x640xf32, #tpu.memory_space<vmem>>, vector<192x640xf32>
    tpu.vector_store %arg6[%swap3A_598, %swap3A_599], %reshape3A_597 {strides = array<i32>} : memref<576x640xf32, #tpu.memory_space<vmem>>, vector<192x640xf32>,
    %get3A_601 = arith.constant 2 : index
    %get3A_602 = arith.constant 1 : index
    %get3A_603 = arith.constant 0 : index
    %get3A_604 = arith.constant 0 : index
    %get3A_605 = vector.load %arg0[%get3A_601, %get3A_602, %get3A_603, %get3A_604] : memref<4x3x192x640xf32, #tpu.memory_space<vmem>>, vector<1x1x192x640xf32>
    %get3A_606 = vector.shape_cast %get3A_605 : vector<1x1x192x640xf32> to vector<192x640xf32>
    %slice3A_607 = vector.extract_strided_slice %get3A_606 {offsets = [0, 1], sizes = [192, 639], strides = [1, 1]} : vector<192x640xf32> to vector<192x639xf32>
    %broadcast_in_dim3A_608 = arith.constant 0xFF800000 : f32
    %broadcast_in_dim3A_609 = vector.broadcast %broadcast_in_dim3A_608 : f32 to vector<192x1xf32>
    %concatenate3A_610 = tpu.concatenate %slice3A_607, %broadcast_in_dim3A_609 in 1 : vector<192x639xf32>, vector<192x1xf32> -> vector<192x640xf32>
    %broadcast_in_dim3A_611 = arith.constant 0xFF800000 : f32
    %broadcast_in_dim3A_612 = vector.broadcast %broadcast_in_dim3A_611 : f32 to vector<192x1xf32>
    %slice3A_613 = vector.extract_strided_slice %get3A_606 {offsets = [0, 0], sizes = [192, 639], strides = [1, 1]} : vector<192x640xf32> to vector<192x639xf32>
    %concatenate3A_614 = tpu.concatenate %broadcast_in_dim3A_612, %slice3A_613 in 1 : vector<192x1xf32>, vector<192x639xf32> -> vector<192x640xf32>
    %max3A_615 = arith.maximumf %concatenate3A_610, %concatenate3A_614 : vector<192x640xf32>
    %max3A_616 = arith.maximumf %max3A_615, %get3A_606 : vector<192x640xf32>
    %slice3A_617 = vector.extract_strided_slice %max3A_616 {offsets = [1, 0], sizes = [191, 640], strides = [1, 1]} : vector<192x640xf32> to vector<191x640xf32>
    %broadcast_in_dim3A_618 = arith.constant 0xFF800000 : f32
    %broadcast_in_dim3A_619 = vector.broadcast %broadcast_in_dim3A_618 : f32 to vector<1x640xf32>
    %concatenate3A_620 = tpu.concatenate %slice3A_617, %broadcast_in_dim3A_619 in 0 : vector<191x640xf32>, vector<1x640xf32> -> vector<192x640xf32>
    %broadcast_in_dim3A_621 = arith.constant 0xFF800000 : f32
    %broadcast_in_dim3A_622 = vector.broadcast %broadcast_in_dim3A_621 : f32 to vector<1x640xf32>
    %slice3A_623 = vector.extract_strided_slice %max3A_616 {offsets = [0, 0], sizes = [191, 640], strides = [1, 1]} : vector<192x640xf32> to vector<191x640xf32>
    %concatenate3A_624 = tpu.concatenate %broadcast_in_dim3A_622, %slice3A_623 in 0 : vector<1x640xf32>, vector<191x640xf32> -> vector<192x640xf32>
    %max3A_625 = arith.maximumf %concatenate3A_620, %concatenate3A_624 : vector<192x640xf32>
    %max3A_626 = arith.maximumf %max3A_625, %max3A_616 : vector<192x640xf32>
    %eq3A_627 = arith.cmpf oeq, %max3A_626, %get3A_606 : vector<192x640xf32>
    %jit3A_628 = arith.constant 0.000000e+00 : f32
    %broadcast_in_dim3A_629 = vector.broadcast %jit3A_628 : f32 to vector<192x640xf32>
    %select_n3A_630 = arith.select %eq3A_627, %get3A_606, %broadcast_in_dim3A_629 : vector<192x640xi1>, vector<192x640xf32>
    %reshape3A_631 = vector.shape_cast %select_n3A_630 : vector<192x640xf32> to vector<24x8x640xf32>
    %reduce_max3A_632 = arith.constant dense<0xFF800000> : vector<24x8xf32>
    %reduce_max3A_633 = vector.multi_reduction <maximumf>, %reshape3A_631, %reduce_max3A_632 [2] : vector<24x8x640xf32> to vector<24x8xf32>
    %broadcast_in_dim3A_634 = vector.shape_cast %reduce_max3A_633 : vector<24x8xf32> to vector<24x8x1xf32>
    %eq3A_635 = vector.broadcast %broadcast_in_dim3A_634 : vector<24x8x1xf32> to vector<24x8x640xf32>
    %eq3A_636 = arith.cmpf oeq, %reshape3A_631, %eq3A_635 : vector<24x8x640xf32>
    %jit3A_637 = arith.constant 1073741824 : i32
    %broadcast_in_dim3A_638 = vector.broadcast %jit3A_637 : i32 to vector<24x8x640xi32>
    %select_n3A_639 = arith.select %eq3A_636, %iota3A, %broadcast_in_dim3A_638 : vector<24x8x640xi1>, vector<24x8x640xi32>
    %reduce_min3A_640 = arith.constant dense<2147483647> : vector<24x8xi32>
    %reduce_min3A_641 = vector.multi_reduction <minsi>, %select_n3A_639, %reduce_min3A_640 [2] : vector<24x8x640xi32> to vector<24x8xi32>
    %broadcast_in_dim3A_642 = vector.shape_cast %reduce_min3A_641 : vector<24x8xi32> to vector<24x8x1xi32>
    %eq3A_643 = vector.broadcast %broadcast_in_dim3A_642 : vector<24x8x1xi32> to vector<24x8x640xi32>
    %eq3A_644 = arith.cmpi eq, %iota3A, %eq3A_643 : vector<24x8x640xi32>
    %and3A_645 = arith.andi %eq3A_636, %eq3A_644 : vector<24x8x640xi1>
    %jit3A_646 = arith.constant -2.000000e+00 : f32
    %broadcast_in_dim3A_647 = vector.broadcast %jit3A_646 : f32 to vector<24x8x640xf32>
    %select_n3A_648 = arith.select %and3A_645, %broadcast_in_dim3A_647, %reshape3A_631 : vector<24x8x640xi1>, vector<24x8x640xf32>
    %reduce_max3A_649 = arith.constant dense<0xFF800000> : vector<24x8xf32>
    %reduce_max3A_650 = vector.multi_reduction <maximumf>, %select_n3A_648, %reduce_max3A_649 [2] : vector<24x8x640xf32> to vector<24x8xf32>
    %broadcast_in_dim3A_651 = vector.shape_cast %reduce_max3A_650 : vector<24x8xf32> to vector<24x8x1xf32>
    %eq3A_652 = vector.broadcast %broadcast_in_dim3A_651 : vector<24x8x1xf32> to vector<24x8x640xf32>
    %eq3A_653 = arith.cmpf oeq, %select_n3A_648, %eq3A_652 : vector<24x8x640xf32>
    %jit3A_654 = arith.constant 1073741824 : i32
    %broadcast_in_dim3A_655 = vector.broadcast %jit3A_654 : i32 to vector<24x8x640xi32>
    %select_n3A_656 = arith.select %eq3A_653, %iota3A, %broadcast_in_dim3A_655 : vector<24x8x640xi1>, vector<24x8x640xi32>
    %reduce_min3A_657 = arith.constant dense<2147483647> : vector<24x8xi32>
    %reduce_min3A_658 = vector.multi_reduction <minsi>, %select_n3A_656, %reduce_min3A_657 [2] : vector<24x8x640xi32> to vector<24x8xi32>
    %broadcast_in_dim3A_659 = vector.shape_cast %reduce_min3A_658 : vector<24x8xi32> to vector<24x8x1xi32>
    %eq3A_660 = vector.broadcast %broadcast_in_dim3A_659 : vector<24x8x1xi32> to vector<24x8x640xi32>
    %eq3A_661 = arith.cmpi eq, %iota3A, %eq3A_660 : vector<24x8x640xi32>
    %and3A_662 = arith.andi %eq3A_653, %eq3A_661 : vector<24x8x640xi1>
    %jit3A_663 = arith.constant -2.000000e+00 : f32
    %broadcast_in_dim3A_664 = vector.broadcast %jit3A_663 : f32 to vector<24x8x640xf32>
    %select_n3A_665 = arith.select %and3A_662, %broadcast_in_dim3A_664, %select_n3A_648 : vector<24x8x640xi1>, vector<24x8x640xf32>
    %reduce_max3A_666 = arith.constant dense<0xFF800000> : vector<24x8xf32>
    %reduce_max3A_667 = vector.multi_reduction <maximumf>, %select_n3A_665, %reduce_max3A_666 [2] : vector<24x8x640xf32> to vector<24x8xf32>
    %broadcast_in_dim3A_668 = vector.shape_cast %reduce_max3A_667 : vector<24x8xf32> to vector<24x8x1xf32>
    %eq3A_669 = vector.broadcast %broadcast_in_dim3A_668 : vector<24x8x1xf32> to vector<24x8x640xf32>
    %eq3A_670 = arith.cmpf oeq, %select_n3A_665, %eq3A_669 : vector<24x8x640xf32>
    %jit3A_671 = arith.constant 1073741824 : i32
    %broadcast_in_dim3A_672 = vector.broadcast %jit3A_671 : i32 to vector<24x8x640xi32>
    %select_n3A_673 = arith.select %eq3A_670, %iota3A, %broadcast_in_dim3A_672 : vector<24x8x640xi1>, vector<24x8x640xi32>
    %reduce_min3A_674 = arith.constant dense<2147483647> : vector<24x8xi32>
    %reduce_min3A_675 = vector.multi_reduction <minsi>, %select_n3A_673, %reduce_min3A_674 [2] : vector<24x8x640xi32> to vector<24x8xi32>
    %broadcast_in_dim3A_676 = vector.shape_cast %reduce_min3A_675 : vector<24x8xi32> to vector<24x8x1xi32>
    %eq3A_677 = vector.broadcast %broadcast_in_dim3A_676 : vector<24x8x1xi32> to vector<24x8x640xi32>
    %eq3A_678 = arith.cmpi eq, %iota3A, %eq3A_677 : vector<24x8x640xi32>
    %and3A_679 = arith.andi %eq3A_670, %eq3A_678 : vector<24x8x640xi1>
    %jit3A_680 = arith.constant -2.000000e+00 : f32
    %broadcast_in_dim3A_681 = vector.broadcast %jit3A_680 : f32 to vector<24x8x640xf32>
    %select_n3A_682 = arith.select %and3A_679, %broadcast_in_dim3A_681, %select_n3A_665 : vector<24x8x640xi1>, vector<24x8x640xf32>
    %reshape3A_683 = vector.shape_cast %select_n3A_682 : vector<24x8x640xf32> to vector<192x640xf32>
    %swap3A_684 = arith.constant 192 : index
    %swap3A_685 = arith.constant 0 : index
    %swap3A_686 = vector.load %arg6[%swap3A_684, %swap3A_685] : memref<576x640xf32, #tpu.memory_space<vmem>>, vector<192x640xf32>
    tpu.vector_store %arg6[%swap3A_684, %swap3A_685], %reshape3A_683 {strides = array<i32>} : memref<576x640xf32, #tpu.memory_space<vmem>>, vector<192x640xf32>,
    %get3A_687 = arith.constant 2 : index
    %get3A_688 = arith.constant 2 : index
    %get3A_689 = arith.constant 0 : index
    %get3A_690 = arith.constant 0 : index
    %get3A_691 = vector.load %arg0[%get3A_687, %get3A_688, %get3A_689, %get3A_690] : memref<4x3x192x640xf32, #tpu.memory_space<vmem>>, vector<1x1x192x640xf32>
    %get3A_692 = vector.shape_cast %get3A_691 : vector<1x1x192x640xf32> to vector<192x640xf32>
    %slice3A_693 = vector.extract_strided_slice %get3A_692 {offsets = [0, 1], sizes = [192, 639], strides = [1, 1]} : vector<192x640xf32> to vector<192x639xf32>
    %broadcast_in_dim3A_694 = arith.constant 0xFF800000 : f32
    %broadcast_in_dim3A_695 = vector.broadcast %broadcast_in_dim3A_694 : f32 to vector<192x1xf32>
    %concatenate3A_696 = tpu.concatenate %slice3A_693, %broadcast_in_dim3A_695 in 1 : vector<192x639xf32>, vector<192x1xf32> -> vector<192x640xf32>
    %broadcast_in_dim3A_697 = arith.constant 0xFF800000 : f32
    %broadcast_in_dim3A_698 = vector.broadcast %broadcast_in_dim3A_697 : f32 to vector<192x1xf32>
    %slice3A_699 = vector.extract_strided_slice %get3A_692 {offsets = [0, 0], sizes = [192, 639], strides = [1, 1]} : vector<192x640xf32> to vector<192x639xf32>
    %concatenate3A_700 = tpu.concatenate %broadcast_in_dim3A_698, %slice3A_699 in 1 : vector<192x1xf32>, vector<192x639xf32> -> vector<192x640xf32>
    %max3A_701 = arith.maximumf %concatenate3A_696, %concatenate3A_700 : vector<192x640xf32>
    %max3A_702 = arith.maximumf %max3A_701, %get3A_692 : vector<192x640xf32>
    %slice3A_703 = vector.extract_strided_slice %max3A_702 {offsets = [1, 0], sizes = [191, 640], strides = [1, 1]} : vector<192x640xf32> to vector<191x640xf32>
    %broadcast_in_dim3A_704 = arith.constant 0xFF800000 : f32
    %broadcast_in_dim3A_705 = vector.broadcast %broadcast_in_dim3A_704 : f32 to vector<1x640xf32>
    %concatenate3A_706 = tpu.concatenate %slice3A_703, %broadcast_in_dim3A_705 in 0 : vector<191x640xf32>, vector<1x640xf32> -> vector<192x640xf32>
    %broadcast_in_dim3A_707 = arith.constant 0xFF800000 : f32
    %broadcast_in_dim3A_708 = vector.broadcast %broadcast_in_dim3A_707 : f32 to vector<1x640xf32>
    %slice3A_709 = vector.extract_strided_slice %max3A_702 {offsets = [0, 0], sizes = [191, 640], strides = [1, 1]} : vector<192x640xf32> to vector<191x640xf32>
    %concatenate3A_710 = tpu.concatenate %broadcast_in_dim3A_708, %slice3A_709 in 0 : vector<1x640xf32>, vector<191x640xf32> -> vector<192x640xf32>
    %max3A_711 = arith.maximumf %concatenate3A_706, %concatenate3A_710 : vector<192x640xf32>
    %max3A_712 = arith.maximumf %max3A_711, %max3A_702 : vector<192x640xf32>
    %eq3A_713 = arith.cmpf oeq, %max3A_712, %get3A_692 : vector<192x640xf32>
    %jit3A_714 = arith.constant 0.000000e+00 : f32
    %broadcast_in_dim3A_715 = vector.broadcast %jit3A_714 : f32 to vector<192x640xf32>
    %select_n3A_716 = arith.select %eq3A_713, %get3A_692, %broadcast_in_dim3A_715 : vector<192x640xi1>, vector<192x640xf32>
    %reshape3A_717 = vector.shape_cast %select_n3A_716 : vector<192x640xf32> to vector<24x8x640xf32>
    %reduce_max3A_718 = arith.constant dense<0xFF800000> : vector<24x8xf32>
    %reduce_max3A_719 = vector.multi_reduction <maximumf>, %reshape3A_717, %reduce_max3A_718 [2] : vector<24x8x640xf32> to vector<24x8xf32>
    %broadcast_in_dim3A_720 = vector.shape_cast %reduce_max3A_719 : vector<24x8xf32> to vector<24x8x1xf32>
    %eq3A_721 = vector.broadcast %broadcast_in_dim3A_720 : vector<24x8x1xf32> to vector<24x8x640xf32>
    %eq3A_722 = arith.cmpf oeq, %reshape3A_717, %eq3A_721 : vector<24x8x640xf32>
    %jit3A_723 = arith.constant 1073741824 : i32
    %broadcast_in_dim3A_724 = vector.broadcast %jit3A_723 : i32 to vector<24x8x640xi32>
    %select_n3A_725 = arith.select %eq3A_722, %iota3A, %broadcast_in_dim3A_724 : vector<24x8x640xi1>, vector<24x8x640xi32>
    %reduce_min3A_726 = arith.constant dense<2147483647> : vector<24x8xi32>
    %reduce_min3A_727 = vector.multi_reduction <minsi>, %select_n3A_725, %reduce_min3A_726 [2] : vector<24x8x640xi32> to vector<24x8xi32>
    %broadcast_in_dim3A_728 = vector.shape_cast %reduce_min3A_727 : vector<24x8xi32> to vector<24x8x1xi32>
    %eq3A_729 = vector.broadcast %broadcast_in_dim3A_728 : vector<24x8x1xi32> to vector<24x8x640xi32>
    %eq3A_730 = arith.cmpi eq, %iota3A, %eq3A_729 : vector<24x8x640xi32>
    %and3A_731 = arith.andi %eq3A_722, %eq3A_730 : vector<24x8x640xi1>
    %jit3A_732 = arith.constant -2.000000e+00 : f32
    %broadcast_in_dim3A_733 = vector.broadcast %jit3A_732 : f32 to vector<24x8x640xf32>
    %select_n3A_734 = arith.select %and3A_731, %broadcast_in_dim3A_733, %reshape3A_717 : vector<24x8x640xi1>, vector<24x8x640xf32>
    %reduce_max3A_735 = arith.constant dense<0xFF800000> : vector<24x8xf32>
    %reduce_max3A_736 = vector.multi_reduction <maximumf>, %select_n3A_734, %reduce_max3A_735 [2] : vector<24x8x640xf32> to vector<24x8xf32>
    %broadcast_in_dim3A_737 = vector.shape_cast %reduce_max3A_736 : vector<24x8xf32> to vector<24x8x1xf32>
    %eq3A_738 = vector.broadcast %broadcast_in_dim3A_737 : vector<24x8x1xf32> to vector<24x8x640xf32>
    %eq3A_739 = arith.cmpf oeq, %select_n3A_734, %eq3A_738 : vector<24x8x640xf32>
    %jit3A_740 = arith.constant 1073741824 : i32
    %broadcast_in_dim3A_741 = vector.broadcast %jit3A_740 : i32 to vector<24x8x640xi32>
    %select_n3A_742 = arith.select %eq3A_739, %iota3A, %broadcast_in_dim3A_741 : vector<24x8x640xi1>, vector<24x8x640xi32>
    %reduce_min3A_743 = arith.constant dense<2147483647> : vector<24x8xi32>
    %reduce_min3A_744 = vector.multi_reduction <minsi>, %select_n3A_742, %reduce_min3A_743 [2] : vector<24x8x640xi32> to vector<24x8xi32>
    %broadcast_in_dim3A_745 = vector.shape_cast %reduce_min3A_744 : vector<24x8xi32> to vector<24x8x1xi32>
    %eq3A_746 = vector.broadcast %broadcast_in_dim3A_745 : vector<24x8x1xi32> to vector<24x8x640xi32>
    %eq3A_747 = arith.cmpi eq, %iota3A, %eq3A_746 : vector<24x8x640xi32>
    %and3A_748 = arith.andi %eq3A_739, %eq3A_747 : vector<24x8x640xi1>
    %jit3A_749 = arith.constant -2.000000e+00 : f32
    %broadcast_in_dim3A_750 = vector.broadcast %jit3A_749 : f32 to vector<24x8x640xf32>
    %select_n3A_751 = arith.select %and3A_748, %broadcast_in_dim3A_750, %select_n3A_734 : vector<24x8x640xi1>, vector<24x8x640xf32>
    %reduce_max3A_752 = arith.constant dense<0xFF800000> : vector<24x8xf32>
    %reduce_max3A_753 = vector.multi_reduction <maximumf>, %select_n3A_751, %reduce_max3A_752 [2] : vector<24x8x640xf32> to vector<24x8xf32>
    %broadcast_in_dim3A_754 = vector.shape_cast %reduce_max3A_753 : vector<24x8xf32> to vector<24x8x1xf32>
    %eq3A_755 = vector.broadcast %broadcast_in_dim3A_754 : vector<24x8x1xf32> to vector<24x8x640xf32>
    %eq3A_756 = arith.cmpf oeq, %select_n3A_751, %eq3A_755 : vector<24x8x640xf32>
    %jit3A_757 = arith.constant 1073741824 : i32
    %broadcast_in_dim3A_758 = vector.broadcast %jit3A_757 : i32 to vector<24x8x640xi32>
    %select_n3A_759 = arith.select %eq3A_756, %iota3A, %broadcast_in_dim3A_758 : vector<24x8x640xi1>, vector<24x8x640xi32>
    %reduce_min3A_760 = arith.constant dense<2147483647> : vector<24x8xi32>
    %reduce_min3A_761 = vector.multi_reduction <minsi>, %select_n3A_759, %reduce_min3A_760 [2] : vector<24x8x640xi32> to vector<24x8xi32>
    %broadcast_in_dim3A_762 = vector.shape_cast %reduce_min3A_761 : vector<24x8xi32> to vector<24x8x1xi32>
    %eq3A_763 = vector.broadcast %broadcast_in_dim3A_762 : vector<24x8x1xi32> to vector<24x8x640xi32>
    %eq3A_764 = arith.cmpi eq, %iota3A, %eq3A_763 : vector<24x8x640xi32>
    %and3A_765 = arith.andi %eq3A_756, %eq3A_764 : vector<24x8x640xi1>
    %jit3A_766 = arith.constant -2.000000e+00 : f32
    %broadcast_in_dim3A_767 = vector.broadcast %jit3A_766 : f32 to vector<24x8x640xf32>
    %select_n3A_768 = arith.select %and3A_765, %broadcast_in_dim3A_767, %select_n3A_751 : vector<24x8x640xi1>, vector<24x8x640xf32>
    %reshape3A_769 = vector.shape_cast %select_n3A_768 : vector<24x8x640xf32> to vector<192x640xf32>
    %swap3A_770 = arith.constant 384 : index
    %swap3A_771 = arith.constant 0 : index
    %swap3A_772 = vector.load %arg6[%swap3A_770, %swap3A_771] : memref<576x640xf32, #tpu.memory_space<vmem>>, vector<192x640xf32>
    tpu.vector_store %arg6[%swap3A_770, %swap3A_771], %reshape3A_769 {strides = array<i32>} : memref<576x640xf32, #tpu.memory_space<vmem>>, vector<192x640xf32>,
    %concatenate3A_773 = tpu.concatenate %reduce_max3A_547, %reduce_max3A_633, %reduce_max3A_719 in 0 : vector<24x8xf32>, vector<24x8xf32>, vector<24x8xf32> -> vector<72x8xf32>
    %concatenate3A_774 = tpu.concatenate %reduce_max3A_564, %reduce_max3A_650, %reduce_max3A_736 in 0 : vector<24x8xf32>, vector<24x8xf32>, vector<24x8xf32> -> vector<72x8xf32>
    %concatenate3A_775 = tpu.concatenate %reduce_max3A_581, %reduce_max3A_667, %reduce_max3A_753 in 0 : vector<24x8xf32>, vector<24x8xf32>, vector<24x8xf32> -> vector<72x8xf32>
    %concatenate3A_776 = tpu.concatenate %reduce_min3A_555, %reduce_min3A_641, %reduce_min3A_727 in 0 : vector<24x8xi32>, vector<24x8xi32>, vector<24x8xi32> -> vector<72x8xi32>
    %concatenate3A_777 = tpu.concatenate %reduce_min3A_572, %reduce_min3A_658, %reduce_min3A_744 in 0 : vector<24x8xi32>, vector<24x8xi32>, vector<24x8xi32> -> vector<72x8xi32>
    %concatenate3A_778 = tpu.concatenate %reduce_min3A_589, %reduce_min3A_675, %reduce_min3A_761 in 0 : vector<24x8xi32>, vector<24x8xi32>, vector<24x8xi32> -> vector<72x8xi32>
    %get3A_779 = arith.constant 3 : index
    %get3A_780 = arith.constant 0 : index
    %get3A_781 = arith.constant 0 : index
    %get3A_782 = arith.constant 0 : index
    %get3A_783 = vector.load %arg0[%get3A_779, %get3A_780, %get3A_781, %get3A_782] : memref<4x3x192x640xf32, #tpu.memory_space<vmem>>, vector<1x1x192x640xf32>
    %get3A_784 = vector.shape_cast %get3A_783 : vector<1x1x192x640xf32> to vector<192x640xf32>
    %slice3A_785 = vector.extract_strided_slice %get3A_784 {offsets = [0, 1], sizes = [192, 639], strides = [1, 1]} : vector<192x640xf32> to vector<192x639xf32>
    %broadcast_in_dim3A_786 = arith.constant 0xFF800000 : f32
    %broadcast_in_dim3A_787 = vector.broadcast %broadcast_in_dim3A_786 : f32 to vector<192x1xf32>
    %concatenate3A_788 = tpu.concatenate %slice3A_785, %broadcast_in_dim3A_787 in 1 : vector<192x639xf32>, vector<192x1xf32> -> vector<192x640xf32>
    %broadcast_in_dim3A_789 = arith.constant 0xFF800000 : f32
    %broadcast_in_dim3A_790 = vector.broadcast %broadcast_in_dim3A_789 : f32 to vector<192x1xf32>
    %slice3A_791 = vector.extract_strided_slice %get3A_784 {offsets = [0, 0], sizes = [192, 639], strides = [1, 1]} : vector<192x640xf32> to vector<192x639xf32>
    %concatenate3A_792 = tpu.concatenate %broadcast_in_dim3A_790, %slice3A_791 in 1 : vector<192x1xf32>, vector<192x639xf32> -> vector<192x640xf32>
    %max3A_793 = arith.maximumf %concatenate3A_788, %concatenate3A_792 : vector<192x640xf32>
    %max3A_794 = arith.maximumf %max3A_793, %get3A_784 : vector<192x640xf32>
    %slice3A_795 = vector.extract_strided_slice %max3A_794 {offsets = [1, 0], sizes = [191, 640], strides = [1, 1]} : vector<192x640xf32> to vector<191x640xf32>
    %broadcast_in_dim3A_796 = arith.constant 0xFF800000 : f32
    %broadcast_in_dim3A_797 = vector.broadcast %broadcast_in_dim3A_796 : f32 to vector<1x640xf32>
    %concatenate3A_798 = tpu.concatenate %slice3A_795, %broadcast_in_dim3A_797 in 0 : vector<191x640xf32>, vector<1x640xf32> -> vector<192x640xf32>
    %broadcast_in_dim3A_799 = arith.constant 0xFF800000 : f32
    %broadcast_in_dim3A_800 = vector.broadcast %broadcast_in_dim3A_799 : f32 to vector<1x640xf32>
    %slice3A_801 = vector.extract_strided_slice %max3A_794 {offsets = [0, 0], sizes = [191, 640], strides = [1, 1]} : vector<192x640xf32> to vector<191x640xf32>
    %concatenate3A_802 = tpu.concatenate %broadcast_in_dim3A_800, %slice3A_801 in 0 : vector<1x640xf32>, vector<191x640xf32> -> vector<192x640xf32>
    %max3A_803 = arith.maximumf %concatenate3A_798, %concatenate3A_802 : vector<192x640xf32>
    %max3A_804 = arith.maximumf %max3A_803, %max3A_794 : vector<192x640xf32>
    %eq3A_805 = arith.cmpf oeq, %max3A_804, %get3A_784 : vector<192x640xf32>
    %jit3A_806 = arith.constant 0.000000e+00 : f32
    %broadcast_in_dim3A_807 = vector.broadcast %jit3A_806 : f32 to vector<192x640xf32>
    %select_n3A_808 = arith.select %eq3A_805, %get3A_784, %broadcast_in_dim3A_807 : vector<192x640xi1>, vector<192x640xf32>
    %reshape3A_809 = vector.shape_cast %select_n3A_808 : vector<192x640xf32> to vector<24x8x640xf32>
    %reduce_max3A_810 = arith.constant dense<0xFF800000> : vector<24x8xf32>
    %reduce_max3A_811 = vector.multi_reduction <maximumf>, %reshape3A_809, %reduce_max3A_810 [2] : vector<24x8x640xf32> to vector<24x8xf32>
    %broadcast_in_dim3A_812 = vector.shape_cast %reduce_max3A_811 : vector<24x8xf32> to vector<24x8x1xf32>
    %eq3A_813 = vector.broadcast %broadcast_in_dim3A_812 : vector<24x8x1xf32> to vector<24x8x640xf32>
    %eq3A_814 = arith.cmpf oeq, %reshape3A_809, %eq3A_813 : vector<24x8x640xf32>
    %jit3A_815 = arith.constant 1073741824 : i32
    %broadcast_in_dim3A_816 = vector.broadcast %jit3A_815 : i32 to vector<24x8x640xi32>
    %select_n3A_817 = arith.select %eq3A_814, %iota3A, %broadcast_in_dim3A_816 : vector<24x8x640xi1>, vector<24x8x640xi32>
    %reduce_min3A_818 = arith.constant dense<2147483647> : vector<24x8xi32>
    %reduce_min3A_819 = vector.multi_reduction <minsi>, %select_n3A_817, %reduce_min3A_818 [2] : vector<24x8x640xi32> to vector<24x8xi32>
    %broadcast_in_dim3A_820 = vector.shape_cast %reduce_min3A_819 : vector<24x8xi32> to vector<24x8x1xi32>
    %eq3A_821 = vector.broadcast %broadcast_in_dim3A_820 : vector<24x8x1xi32> to vector<24x8x640xi32>
    %eq3A_822 = arith.cmpi eq, %iota3A, %eq3A_821 : vector<24x8x640xi32>
    %and3A_823 = arith.andi %eq3A_814, %eq3A_822 : vector<24x8x640xi1>
    %jit3A_824 = arith.constant -2.000000e+00 : f32
    %broadcast_in_dim3A_825 = vector.broadcast %jit3A_824 : f32 to vector<24x8x640xf32>
    %select_n3A_826 = arith.select %and3A_823, %broadcast_in_dim3A_825, %reshape3A_809 : vector<24x8x640xi1>, vector<24x8x640xf32>
    %reduce_max3A_827 = arith.constant dense<0xFF800000> : vector<24x8xf32>
    %reduce_max3A_828 = vector.multi_reduction <maximumf>, %select_n3A_826, %reduce_max3A_827 [2] : vector<24x8x640xf32> to vector<24x8xf32>
    %broadcast_in_dim3A_829 = vector.shape_cast %reduce_max3A_828 : vector<24x8xf32> to vector<24x8x1xf32>
    %eq3A_830 = vector.broadcast %broadcast_in_dim3A_829 : vector<24x8x1xf32> to vector<24x8x640xf32>
    %eq3A_831 = arith.cmpf oeq, %select_n3A_826, %eq3A_830 : vector<24x8x640xf32>
    %jit3A_832 = arith.constant 1073741824 : i32
    %broadcast_in_dim3A_833 = vector.broadcast %jit3A_832 : i32 to vector<24x8x640xi32>
    %select_n3A_834 = arith.select %eq3A_831, %iota3A, %broadcast_in_dim3A_833 : vector<24x8x640xi1>, vector<24x8x640xi32>
    %reduce_min3A_835 = arith.constant dense<2147483647> : vector<24x8xi32>
    %reduce_min3A_836 = vector.multi_reduction <minsi>, %select_n3A_834, %reduce_min3A_835 [2] : vector<24x8x640xi32> to vector<24x8xi32>
    %broadcast_in_dim3A_837 = vector.shape_cast %reduce_min3A_836 : vector<24x8xi32> to vector<24x8x1xi32>
    %eq3A_838 = vector.broadcast %broadcast_in_dim3A_837 : vector<24x8x1xi32> to vector<24x8x640xi32>
    %eq3A_839 = arith.cmpi eq, %iota3A, %eq3A_838 : vector<24x8x640xi32>
    %and3A_840 = arith.andi %eq3A_831, %eq3A_839 : vector<24x8x640xi1>
    %jit3A_841 = arith.constant -2.000000e+00 : f32
    %broadcast_in_dim3A_842 = vector.broadcast %jit3A_841 : f32 to vector<24x8x640xf32>
    %select_n3A_843 = arith.select %and3A_840, %broadcast_in_dim3A_842, %select_n3A_826 : vector<24x8x640xi1>, vector<24x8x640xf32>
    %reduce_max3A_844 = arith.constant dense<0xFF800000> : vector<24x8xf32>
    %reduce_max3A_845 = vector.multi_reduction <maximumf>, %select_n3A_843, %reduce_max3A_844 [2] : vector<24x8x640xf32> to vector<24x8xf32>
    %broadcast_in_dim3A_846 = vector.shape_cast %reduce_max3A_845 : vector<24x8xf32> to vector<24x8x1xf32>
    %eq3A_847 = vector.broadcast %broadcast_in_dim3A_846 : vector<24x8x1xf32> to vector<24x8x640xf32>
    %eq3A_848 = arith.cmpf oeq, %select_n3A_843, %eq3A_847 : vector<24x8x640xf32>
    %jit3A_849 = arith.constant 1073741824 : i32
    %broadcast_in_dim3A_850 = vector.broadcast %jit3A_849 : i32 to vector<24x8x640xi32>
    %select_n3A_851 = arith.select %eq3A_848, %iota3A, %broadcast_in_dim3A_850 : vector<24x8x640xi1>, vector<24x8x640xi32>
    %reduce_min3A_852 = arith.constant dense<2147483647> : vector<24x8xi32>
    %reduce_min3A_853 = vector.multi_reduction <minsi>, %select_n3A_851, %reduce_min3A_852 [2] : vector<24x8x640xi32> to vector<24x8xi32>
    %broadcast_in_dim3A_854 = vector.shape_cast %reduce_min3A_853 : vector<24x8xi32> to vector<24x8x1xi32>
    %eq3A_855 = vector.broadcast %broadcast_in_dim3A_854 : vector<24x8x1xi32> to vector<24x8x640xi32>
    %eq3A_856 = arith.cmpi eq, %iota3A, %eq3A_855 : vector<24x8x640xi32>
    %and3A_857 = arith.andi %eq3A_848, %eq3A_856 : vector<24x8x640xi1>
    %jit3A_858 = arith.constant -2.000000e+00 : f32
    %broadcast_in_dim3A_859 = vector.broadcast %jit3A_858 : f32 to vector<24x8x640xf32>
    %select_n3A_860 = arith.select %and3A_857, %broadcast_in_dim3A_859, %select_n3A_843 : vector<24x8x640xi1>, vector<24x8x640xf32>
    %reshape3A_861 = vector.shape_cast %select_n3A_860 : vector<24x8x640xf32> to vector<192x640xf32>
    %swap3A_862 = arith.constant 0 : index
    %swap3A_863 = arith.constant 0 : index
    %swap3A_864 = vector.load %arg7[%swap3A_862, %swap3A_863] : memref<576x640xf32, #tpu.memory_space<vmem>>, vector<192x640xf32>
    tpu.vector_store %arg7[%swap3A_862, %swap3A_863], %reshape3A_861 {strides = array<i32>} : memref<576x640xf32, #tpu.memory_space<vmem>>, vector<192x640xf32>,
    %get3A_865 = arith.constant 3 : index
    %get3A_866 = arith.constant 1 : index
    %get3A_867 = arith.constant 0 : index
    %get3A_868 = arith.constant 0 : index
    %get3A_869 = vector.load %arg0[%get3A_865, %get3A_866, %get3A_867, %get3A_868] : memref<4x3x192x640xf32, #tpu.memory_space<vmem>>, vector<1x1x192x640xf32>
    %get3A_870 = vector.shape_cast %get3A_869 : vector<1x1x192x640xf32> to vector<192x640xf32>
    %slice3A_871 = vector.extract_strided_slice %get3A_870 {offsets = [0, 1], sizes = [192, 639], strides = [1, 1]} : vector<192x640xf32> to vector<192x639xf32>
    %broadcast_in_dim3A_872 = arith.constant 0xFF800000 : f32
    %broadcast_in_dim3A_873 = vector.broadcast %broadcast_in_dim3A_872 : f32 to vector<192x1xf32>
    %concatenate3A_874 = tpu.concatenate %slice3A_871, %broadcast_in_dim3A_873 in 1 : vector<192x639xf32>, vector<192x1xf32> -> vector<192x640xf32>
    %broadcast_in_dim3A_875 = arith.constant 0xFF800000 : f32
    %broadcast_in_dim3A_876 = vector.broadcast %broadcast_in_dim3A_875 : f32 to vector<192x1xf32>
    %slice3A_877 = vector.extract_strided_slice %get3A_870 {offsets = [0, 0], sizes = [192, 639], strides = [1, 1]} : vector<192x640xf32> to vector<192x639xf32>
    %concatenate3A_878 = tpu.concatenate %broadcast_in_dim3A_876, %slice3A_877 in 1 : vector<192x1xf32>, vector<192x639xf32> -> vector<192x640xf32>
    %max3A_879 = arith.maximumf %concatenate3A_874, %concatenate3A_878 : vector<192x640xf32>
    %max3A_880 = arith.maximumf %max3A_879, %get3A_870 : vector<192x640xf32>
    %slice3A_881 = vector.extract_strided_slice %max3A_880 {offsets = [1, 0], sizes = [191, 640], strides = [1, 1]} : vector<192x640xf32> to vector<191x640xf32>
    %broadcast_in_dim3A_882 = arith.constant 0xFF800000 : f32
    %broadcast_in_dim3A_883 = vector.broadcast %broadcast_in_dim3A_882 : f32 to vector<1x640xf32>
    %concatenate3A_884 = tpu.concatenate %slice3A_881, %broadcast_in_dim3A_883 in 0 : vector<191x640xf32>, vector<1x640xf32> -> vector<192x640xf32>
    %broadcast_in_dim3A_885 = arith.constant 0xFF800000 : f32
    %broadcast_in_dim3A_886 = vector.broadcast %broadcast_in_dim3A_885 : f32 to vector<1x640xf32>
    %slice3A_887 = vector.extract_strided_slice %max3A_880 {offsets = [0, 0], sizes = [191, 640], strides = [1, 1]} : vector<192x640xf32> to vector<191x640xf32>
    %concatenate3A_888 = tpu.concatenate %broadcast_in_dim3A_886, %slice3A_887 in 0 : vector<1x640xf32>, vector<191x640xf32> -> vector<192x640xf32>
    %max3A_889 = arith.maximumf %concatenate3A_884, %concatenate3A_888 : vector<192x640xf32>
    %max3A_890 = arith.maximumf %max3A_889, %max3A_880 : vector<192x640xf32>
    %eq3A_891 = arith.cmpf oeq, %max3A_890, %get3A_870 : vector<192x640xf32>
    %jit3A_892 = arith.constant 0.000000e+00 : f32
    %broadcast_in_dim3A_893 = vector.broadcast %jit3A_892 : f32 to vector<192x640xf32>
    %select_n3A_894 = arith.select %eq3A_891, %get3A_870, %broadcast_in_dim3A_893 : vector<192x640xi1>, vector<192x640xf32>
    %reshape3A_895 = vector.shape_cast %select_n3A_894 : vector<192x640xf32> to vector<24x8x640xf32>
    %reduce_max3A_896 = arith.constant dense<0xFF800000> : vector<24x8xf32>
    %reduce_max3A_897 = vector.multi_reduction <maximumf>, %reshape3A_895, %reduce_max3A_896 [2] : vector<24x8x640xf32> to vector<24x8xf32>
    %broadcast_in_dim3A_898 = vector.shape_cast %reduce_max3A_897 : vector<24x8xf32> to vector<24x8x1xf32>
    %eq3A_899 = vector.broadcast %broadcast_in_dim3A_898 : vector<24x8x1xf32> to vector<24x8x640xf32>
    %eq3A_900 = arith.cmpf oeq, %reshape3A_895, %eq3A_899 : vector<24x8x640xf32>
    %jit3A_901 = arith.constant 1073741824 : i32
    %broadcast_in_dim3A_902 = vector.broadcast %jit3A_901 : i32 to vector<24x8x640xi32>
    %select_n3A_903 = arith.select %eq3A_900, %iota3A, %broadcast_in_dim3A_902 : vector<24x8x640xi1>, vector<24x8x640xi32>
    %reduce_min3A_904 = arith.constant dense<2147483647> : vector<24x8xi32>
    %reduce_min3A_905 = vector.multi_reduction <minsi>, %select_n3A_903, %reduce_min3A_904 [2] : vector<24x8x640xi32> to vector<24x8xi32>
    %broadcast_in_dim3A_906 = vector.shape_cast %reduce_min3A_905 : vector<24x8xi32> to vector<24x8x1xi32>
    %eq3A_907 = vector.broadcast %broadcast_in_dim3A_906 : vector<24x8x1xi32> to vector<24x8x640xi32>
    %eq3A_908 = arith.cmpi eq, %iota3A, %eq3A_907 : vector<24x8x640xi32>
    %and3A_909 = arith.andi %eq3A_900, %eq3A_908 : vector<24x8x640xi1>
    %jit3A_910 = arith.constant -2.000000e+00 : f32
    %broadcast_in_dim3A_911 = vector.broadcast %jit3A_910 : f32 to vector<24x8x640xf32>
    %select_n3A_912 = arith.select %and3A_909, %broadcast_in_dim3A_911, %reshape3A_895 : vector<24x8x640xi1>, vector<24x8x640xf32>
    %reduce_max3A_913 = arith.constant dense<0xFF800000> : vector<24x8xf32>
    %reduce_max3A_914 = vector.multi_reduction <maximumf>, %select_n3A_912, %reduce_max3A_913 [2] : vector<24x8x640xf32> to vector<24x8xf32>
    %broadcast_in_dim3A_915 = vector.shape_cast %reduce_max3A_914 : vector<24x8xf32> to vector<24x8x1xf32>
    %eq3A_916 = vector.broadcast %broadcast_in_dim3A_915 : vector<24x8x1xf32> to vector<24x8x640xf32>
    %eq3A_917 = arith.cmpf oeq, %select_n3A_912, %eq3A_916 : vector<24x8x640xf32>
    %jit3A_918 = arith.constant 1073741824 : i32
    %broadcast_in_dim3A_919 = vector.broadcast %jit3A_918 : i32 to vector<24x8x640xi32>
    %select_n3A_920 = arith.select %eq3A_917, %iota3A, %broadcast_in_dim3A_919 : vector<24x8x640xi1>, vector<24x8x640xi32>
    %reduce_min3A_921 = arith.constant dense<2147483647> : vector<24x8xi32>
    %reduce_min3A_922 = vector.multi_reduction <minsi>, %select_n3A_920, %reduce_min3A_921 [2] : vector<24x8x640xi32> to vector<24x8xi32>
    %broadcast_in_dim3A_923 = vector.shape_cast %reduce_min3A_922 : vector<24x8xi32> to vector<24x8x1xi32>
    %eq3A_924 = vector.broadcast %broadcast_in_dim3A_923 : vector<24x8x1xi32> to vector<24x8x640xi32>
    %eq3A_925 = arith.cmpi eq, %iota3A, %eq3A_924 : vector<24x8x640xi32>
    %and3A_926 = arith.andi %eq3A_917, %eq3A_925 : vector<24x8x640xi1>
    %jit3A_927 = arith.constant -2.000000e+00 : f32
    %broadcast_in_dim3A_928 = vector.broadcast %jit3A_927 : f32 to vector<24x8x640xf32>
    %select_n3A_929 = arith.select %and3A_926, %broadcast_in_dim3A_928, %select_n3A_912 : vector<24x8x640xi1>, vector<24x8x640xf32>
    %reduce_max3A_930 = arith.constant dense<0xFF800000> : vector<24x8xf32>
    %reduce_max3A_931 = vector.multi_reduction <maximumf>, %select_n3A_929, %reduce_max3A_930 [2] : vector<24x8x640xf32> to vector<24x8xf32>
    %broadcast_in_dim3A_932 = vector.shape_cast %reduce_max3A_931 : vector<24x8xf32> to vector<24x8x1xf32>
    %eq3A_933 = vector.broadcast %broadcast_in_dim3A_932 : vector<24x8x1xf32> to vector<24x8x640xf32>
    %eq3A_934 = arith.cmpf oeq, %select_n3A_929, %eq3A_933 : vector<24x8x640xf32>
    %jit3A_935 = arith.constant 1073741824 : i32
    %broadcast_in_dim3A_936 = vector.broadcast %jit3A_935 : i32 to vector<24x8x640xi32>
    %select_n3A_937 = arith.select %eq3A_934, %iota3A, %broadcast_in_dim3A_936 : vector<24x8x640xi1>, vector<24x8x640xi32>
    %reduce_min3A_938 = arith.constant dense<2147483647> : vector<24x8xi32>
    %reduce_min3A_939 = vector.multi_reduction <minsi>, %select_n3A_937, %reduce_min3A_938 [2] : vector<24x8x640xi32> to vector<24x8xi32>
    %broadcast_in_dim3A_940 = vector.shape_cast %reduce_min3A_939 : vector<24x8xi32> to vector<24x8x1xi32>
    %eq3A_941 = vector.broadcast %broadcast_in_dim3A_940 : vector<24x8x1xi32> to vector<24x8x640xi32>
    %eq3A_942 = arith.cmpi eq, %iota3A, %eq3A_941 : vector<24x8x640xi32>
    %and3A_943 = arith.andi %eq3A_934, %eq3A_942 : vector<24x8x640xi1>
    %jit3A_944 = arith.constant -2.000000e+00 : f32
    %broadcast_in_dim3A_945 = vector.broadcast %jit3A_944 : f32 to vector<24x8x640xf32>
    %select_n3A_946 = arith.select %and3A_943, %broadcast_in_dim3A_945, %select_n3A_929 : vector<24x8x640xi1>, vector<24x8x640xf32>
    %reshape3A_947 = vector.shape_cast %select_n3A_946 : vector<24x8x640xf32> to vector<192x640xf32>
    %swap3A_948 = arith.constant 192 : index
    %swap3A_949 = arith.constant 0 : index
    %swap3A_950 = vector.load %arg7[%swap3A_948, %swap3A_949] : memref<576x640xf32, #tpu.memory_space<vmem>>, vector<192x640xf32>
    tpu.vector_store %arg7[%swap3A_948, %swap3A_949], %reshape3A_947 {strides = array<i32>} : memref<576x640xf32, #tpu.memory_space<vmem>>, vector<192x640xf32>,
    %get3A_951 = arith.constant 3 : index
    %get3A_952 = arith.constant 2 : index
    %get3A_953 = arith.constant 0 : index
    %get3A_954 = arith.constant 0 : index
    %get3A_955 = vector.load %arg0[%get3A_951, %get3A_952, %get3A_953, %get3A_954] : memref<4x3x192x640xf32, #tpu.memory_space<vmem>>, vector<1x1x192x640xf32>
    %get3A_956 = vector.shape_cast %get3A_955 : vector<1x1x192x640xf32> to vector<192x640xf32>
    %slice3A_957 = vector.extract_strided_slice %get3A_956 {offsets = [0, 1], sizes = [192, 639], strides = [1, 1]} : vector<192x640xf32> to vector<192x639xf32>
    %broadcast_in_dim3A_958 = arith.constant 0xFF800000 : f32
    %broadcast_in_dim3A_959 = vector.broadcast %broadcast_in_dim3A_958 : f32 to vector<192x1xf32>
    %concatenate3A_960 = tpu.concatenate %slice3A_957, %broadcast_in_dim3A_959 in 1 : vector<192x639xf32>, vector<192x1xf32> -> vector<192x640xf32>
    %broadcast_in_dim3A_961 = arith.constant 0xFF800000 : f32
    %broadcast_in_dim3A_962 = vector.broadcast %broadcast_in_dim3A_961 : f32 to vector<192x1xf32>
    %slice3A_963 = vector.extract_strided_slice %get3A_956 {offsets = [0, 0], sizes = [192, 639], strides = [1, 1]} : vector<192x640xf32> to vector<192x639xf32>
    %concatenate3A_964 = tpu.concatenate %broadcast_in_dim3A_962, %slice3A_963 in 1 : vector<192x1xf32>, vector<192x639xf32> -> vector<192x640xf32>
    %max3A_965 = arith.maximumf %concatenate3A_960, %concatenate3A_964 : vector<192x640xf32>
    %max3A_966 = arith.maximumf %max3A_965, %get3A_956 : vector<192x640xf32>
    %slice3A_967 = vector.extract_strided_slice %max3A_966 {offsets = [1, 0], sizes = [191, 640], strides = [1, 1]} : vector<192x640xf32> to vector<191x640xf32>
    %broadcast_in_dim3A_968 = arith.constant 0xFF800000 : f32
    %broadcast_in_dim3A_969 = vector.broadcast %broadcast_in_dim3A_968 : f32 to vector<1x640xf32>
    %concatenate3A_970 = tpu.concatenate %slice3A_967, %broadcast_in_dim3A_969 in 0 : vector<191x640xf32>, vector<1x640xf32> -> vector<192x640xf32>
    %broadcast_in_dim3A_971 = arith.constant 0xFF800000 : f32
    %broadcast_in_dim3A_972 = vector.broadcast %broadcast_in_dim3A_971 : f32 to vector<1x640xf32>
    %slice3A_973 = vector.extract_strided_slice %max3A_966 {offsets = [0, 0], sizes = [191, 640], strides = [1, 1]} : vector<192x640xf32> to vector<191x640xf32>
    %concatenate3A_974 = tpu.concatenate %broadcast_in_dim3A_972, %slice3A_973 in 0 : vector<1x640xf32>, vector<191x640xf32> -> vector<192x640xf32>
    %max3A_975 = arith.maximumf %concatenate3A_970, %concatenate3A_974 : vector<192x640xf32>
    %max3A_976 = arith.maximumf %max3A_975, %max3A_966 : vector<192x640xf32>
    %eq3A_977 = arith.cmpf oeq, %max3A_976, %get3A_956 : vector<192x640xf32>
    %jit3A_978 = arith.constant 0.000000e+00 : f32
    %broadcast_in_dim3A_979 = vector.broadcast %jit3A_978 : f32 to vector<192x640xf32>
    %select_n3A_980 = arith.select %eq3A_977, %get3A_956, %broadcast_in_dim3A_979 : vector<192x640xi1>, vector<192x640xf32>
    %reshape3A_981 = vector.shape_cast %select_n3A_980 : vector<192x640xf32> to vector<24x8x640xf32>
    %reduce_max3A_982 = arith.constant dense<0xFF800000> : vector<24x8xf32>
    %reduce_max3A_983 = vector.multi_reduction <maximumf>, %reshape3A_981, %reduce_max3A_982 [2] : vector<24x8x640xf32> to vector<24x8xf32>
    %broadcast_in_dim3A_984 = vector.shape_cast %reduce_max3A_983 : vector<24x8xf32> to vector<24x8x1xf32>
    %eq3A_985 = vector.broadcast %broadcast_in_dim3A_984 : vector<24x8x1xf32> to vector<24x8x640xf32>
    %eq3A_986 = arith.cmpf oeq, %reshape3A_981, %eq3A_985 : vector<24x8x640xf32>
    %jit3A_987 = arith.constant 1073741824 : i32
    %broadcast_in_dim3A_988 = vector.broadcast %jit3A_987 : i32 to vector<24x8x640xi32>
    %select_n3A_989 = arith.select %eq3A_986, %iota3A, %broadcast_in_dim3A_988 : vector<24x8x640xi1>, vector<24x8x640xi32>
    %reduce_min3A_990 = arith.constant dense<2147483647> : vector<24x8xi32>
    %reduce_min3A_991 = vector.multi_reduction <minsi>, %select_n3A_989, %reduce_min3A_990 [2] : vector<24x8x640xi32> to vector<24x8xi32>
    %broadcast_in_dim3A_992 = vector.shape_cast %reduce_min3A_991 : vector<24x8xi32> to vector<24x8x1xi32>
    %eq3A_993 = vector.broadcast %broadcast_in_dim3A_992 : vector<24x8x1xi32> to vector<24x8x640xi32>
    %eq3A_994 = arith.cmpi eq, %iota3A, %eq3A_993 : vector<24x8x640xi32>
    %and3A_995 = arith.andi %eq3A_986, %eq3A_994 : vector<24x8x640xi1>
    %jit3A_996 = arith.constant -2.000000e+00 : f32
    %broadcast_in_dim3A_997 = vector.broadcast %jit3A_996 : f32 to vector<24x8x640xf32>
    %select_n3A_998 = arith.select %and3A_995, %broadcast_in_dim3A_997, %reshape3A_981 : vector<24x8x640xi1>, vector<24x8x640xf32>
    %reduce_max3A_999 = arith.constant dense<0xFF800000> : vector<24x8xf32>
    %reduce_max3A_1000 = vector.multi_reduction <maximumf>, %select_n3A_998, %reduce_max3A_999 [2] : vector<24x8x640xf32> to vector<24x8xf32>
    %broadcast_in_dim3A_1001 = vector.shape_cast %reduce_max3A_1000 : vector<24x8xf32> to vector<24x8x1xf32>
    %eq3A_1002 = vector.broadcast %broadcast_in_dim3A_1001 : vector<24x8x1xf32> to vector<24x8x640xf32>
    %eq3A_1003 = arith.cmpf oeq, %select_n3A_998, %eq3A_1002 : vector<24x8x640xf32>
    %jit3A_1004 = arith.constant 1073741824 : i32
    %broadcast_in_dim3A_1005 = vector.broadcast %jit3A_1004 : i32 to vector<24x8x640xi32>
    %select_n3A_1006 = arith.select %eq3A_1003, %iota3A, %broadcast_in_dim3A_1005 : vector<24x8x640xi1>, vector<24x8x640xi32>
    %reduce_min3A_1007 = arith.constant dense<2147483647> : vector<24x8xi32>
    %reduce_min3A_1008 = vector.multi_reduction <minsi>, %select_n3A_1006, %reduce_min3A_1007 [2] : vector<24x8x640xi32> to vector<24x8xi32>
    %broadcast_in_dim3A_1009 = vector.shape_cast %reduce_min3A_1008 : vector<24x8xi32> to vector<24x8x1xi32>
    %eq3A_1010 = vector.broadcast %broadcast_in_dim3A_1009 : vector<24x8x1xi32> to vector<24x8x640xi32>
    %eq3A_1011 = arith.cmpi eq, %iota3A, %eq3A_1010 : vector<24x8x640xi32>
    %and3A_1012 = arith.andi %eq3A_1003, %eq3A_1011 : vector<24x8x640xi1>
    %jit3A_1013 = arith.constant -2.000000e+00 : f32
    %broadcast_in_dim3A_1014 = vector.broadcast %jit3A_1013 : f32 to vector<24x8x640xf32>
    %select_n3A_1015 = arith.select %and3A_1012, %broadcast_in_dim3A_1014, %select_n3A_998 : vector<24x8x640xi1>, vector<24x8x640xf32>
    %reduce_max3A_1016 = arith.constant dense<0xFF800000> : vector<24x8xf32>
    %reduce_max3A_1017 = vector.multi_reduction <maximumf>, %select_n3A_1015, %reduce_max3A_1016 [2] : vector<24x8x640xf32> to vector<24x8xf32>
    %broadcast_in_dim3A_1018 = vector.shape_cast %reduce_max3A_1017 : vector<24x8xf32> to vector<24x8x1xf32>
    %eq3A_1019 = vector.broadcast %broadcast_in_dim3A_1018 : vector<24x8x1xf32> to vector<24x8x640xf32>
    %eq3A_1020 = arith.cmpf oeq, %select_n3A_1015, %eq3A_1019 : vector<24x8x640xf32>
    %jit3A_1021 = arith.constant 1073741824 : i32
    %broadcast_in_dim3A_1022 = vector.broadcast %jit3A_1021 : i32 to vector<24x8x640xi32>
    %select_n3A_1023 = arith.select %eq3A_1020, %iota3A, %broadcast_in_dim3A_1022 : vector<24x8x640xi1>, vector<24x8x640xi32>
    %reduce_min3A_1024 = arith.constant dense<2147483647> : vector<24x8xi32>
    %reduce_min3A_1025 = vector.multi_reduction <minsi>, %select_n3A_1023, %reduce_min3A_1024 [2] : vector<24x8x640xi32> to vector<24x8xi32>
    %broadcast_in_dim3A_1026 = vector.shape_cast %reduce_min3A_1025 : vector<24x8xi32> to vector<24x8x1xi32>
    %eq3A_1027 = vector.broadcast %broadcast_in_dim3A_1026 : vector<24x8x1xi32> to vector<24x8x640xi32>
    %eq3A_1028 = arith.cmpi eq, %iota3A, %eq3A_1027 : vector<24x8x640xi32>
    %and3A_1029 = arith.andi %eq3A_1020, %eq3A_1028 : vector<24x8x640xi1>
    %jit3A_1030 = arith.constant -2.000000e+00 : f32
    %broadcast_in_dim3A_1031 = vector.broadcast %jit3A_1030 : f32 to vector<24x8x640xf32>
    %select_n3A_1032 = arith.select %and3A_1029, %broadcast_in_dim3A_1031, %select_n3A_1015 : vector<24x8x640xi1>, vector<24x8x640xf32>
    %reshape3A_1033 = vector.shape_cast %select_n3A_1032 : vector<24x8x640xf32> to vector<192x640xf32>
    %swap3A_1034 = arith.constant 384 : index
    %swap3A_1035 = arith.constant 0 : index
    %swap3A_1036 = vector.load %arg7[%swap3A_1034, %swap3A_1035] : memref<576x640xf32, #tpu.memory_space<vmem>>, vector<192x640xf32>
    tpu.vector_store %arg7[%swap3A_1034, %swap3A_1035], %reshape3A_1033 {strides = array<i32>} : memref<576x640xf32, #tpu.memory_space<vmem>>, vector<192x640xf32>,
    %concatenate3A_1037 = tpu.concatenate %reduce_max3A_811, %reduce_max3A_897, %reduce_max3A_983 in 0 : vector<24x8xf32>, vector<24x8xf32>, vector<24x8xf32> -> vector<72x8xf32>
    %concatenate3A_1038 = tpu.concatenate %reduce_max3A_828, %reduce_max3A_914, %reduce_max3A_1000 in 0 : vector<24x8xf32>, vector<24x8xf32>, vector<24x8xf32> -> vector<72x8xf32>
    %concatenate3A_1039 = tpu.concatenate %reduce_max3A_845, %reduce_max3A_931, %reduce_max3A_1017 in 0 : vector<24x8xf32>, vector<24x8xf32>, vector<24x8xf32> -> vector<72x8xf32>
    %concatenate3A_1040 = tpu.concatenate %reduce_min3A_819, %reduce_min3A_905, %reduce_min3A_991 in 0 : vector<24x8xi32>, vector<24x8xi32>, vector<24x8xi32> -> vector<72x8xi32>
    %concatenate3A_1041 = tpu.concatenate %reduce_min3A_836, %reduce_min3A_922, %reduce_min3A_1008 in 0 : vector<24x8xi32>, vector<24x8xi32>, vector<24x8xi32> -> vector<72x8xi32>
    %concatenate3A_1042 = tpu.concatenate %reduce_min3A_853, %reduce_min3A_939, %reduce_min3A_1025 in 0 : vector<24x8xi32>, vector<24x8xi32>, vector<24x8xi32> -> vector<72x8xi32>
    %iota3A_1043 = tpu.iota {dimensions = array<i32: 0>} : vector<72x8xi32>
    %mul3A = arith.constant 8 : i32
    %mul3A_1044 = vector.broadcast %mul3A : i32 to vector<72x8xi32>
    %mul3A_1045 = arith.muli %iota3A_1043, %mul3A_1044 : vector<72x8xi32>
    %iota3A_1046 = tpu.iota {dimensions = array<i32: 1>} : vector<72x8xi32>
    %add3A = arith.addi %mul3A_1045, %iota3A_1046 : vector<72x8xi32>
    %iota3A_1047 = tpu.iota {dimensions = array<i32: 1>} : vector<1x640xi32>
    %iota3A_1048 = tpu.iota {dimensions = array<i32: 1>} : vector<1x128xi32>
    %broadcast_in_dim3A_1049 = arith.constant -2.000000e+00 : f32
    %broadcast_in_dim3A_1050 = vector.broadcast %broadcast_in_dim3A_1049 : f32 to vector<1x128xf32>
    %broadcast_in_dim3A_1051 = arith.constant 0 : i32
    %broadcast_in_dim3A_1052 = vector.broadcast %broadcast_in_dim3A_1051 : i32 to vector<1x128xi32>
    %scan3A = arith.constant -2.000000e+00 : f32
    %scan3A_1053 = arith.constant 0 : i32
    %scan3A_1054 = arith.constant 100 : i32
    %scan3A_1055 = arith.addi %scan3A_1053, %scan3A_1054 : i32
    %scan3A_1056 = arith.constant 1 : i32
    %scan3A_1057:32 = scf.for %scan3A_1498 = %scan3A_1053 to %scan3A_1055 step %scan3A_1056 iter_args(%scan3A_1499 = %concatenate3A_245, %scan3A_1500 = %concatenate3A_246, %scan3A_1501 = %concatenate3A_247, %scan3A_1502 = %concatenate3A_248, %scan3A_1503 = %concatenate3A_249, %scan3A_1504 = %concatenate3A_250, %scan3A_1505 = %broadcast_in_dim3A_1050, %scan3A_1506 = %broadcast_in_dim3A_1052, %scan3A_1507 = %concatenate3A_509, %scan3A_1508 = %concatenate3A_510, %scan3A_1509 = %concatenate3A_511, %scan3A_1510 = %concatenate3A_512, %scan3A_1511 = %concatenate3A_513, %scan3A_1512 = %concatenate3A_514, %scan3A_1513 = %broadcast_in_dim3A_1050, %scan3A_1514 = %broadcast_in_dim3A_1052, %scan3A_1515 = %concatenate3A_773, %scan3A_1516 = %concatenate3A_774, %scan3A_1517 = %concatenate3A_775, %scan3A_1518 = %concatenate3A_776, %scan3A_1519 = %concatenate3A_777, %scan3A_1520 = %concatenate3A_778, %scan3A_1521 = %broadcast_in_dim3A_1050, %scan3A_1522 = %broadcast_in_dim3A_1052, %scan3A_1523 = %concatenate3A_1037, %scan3A_1524 = %concatenate3A_1038, %scan3A_1525 = %concatenate3A_1039, %scan3A_1526 = %concatenate3A_1040, %scan3A_1527 = %concatenate3A_1041, %scan3A_1528 = %concatenate3A_1042, %scan3A_1529 = %broadcast_in_dim3A_1050, %scan3A_1530 = %broadcast_in_dim3A_1052) -> (vector<72x8xf32>, vector<72x8xf32>, vector<72x8xf32>, vector<72x8xi32>, vector<72x8xi32>, vector<72x8xi32>, vector<1x128xf32>, vector<1x128xi32>, vector<72x8xf32>, vector<72x8xf32>, vector<72x8xf32>, vector<72x8xi32>, vector<72x8xi32>, vector<72x8xi32>, vector<1x128xf32>, vector<1x128xi32>, vector<72x8xf32>, vector<72x8xf32>, vector<72x8xf32>, vector<72x8xi32>, vector<72x8xi32>, vector<72x8xi32>, vector<1x128xf32>, vector<1x128xi32>, vector<72x8xf32>, vector<72x8xf32>, vector<72x8xf32>, vector<72x8xi32>, vector<72x8xi32>, vector<72x8xi32>, vector<1x128xf32>, vector<1x128xi32>)  : i32 {
      %reduce_max3A_1531 = vector.shape_cast %scan3A_1499 : vector<72x8xf32> to vector<1x72x8xf32>
      %reduce_max3A_1532 = arith.constant dense<0xFF800000> : vector<1xf32>
      %reduce_max3A_1533 = vector.multi_reduction <maximumf>, %reduce_max3A_1531, %reduce_max3A_1532 [1, 2] : vector<1x72x8xf32> to vector<1xf32>
      %reduce_max3A_1534 = vector.shape_cast %reduce_max3A_1533 : vector<1xf32> to vector<1x1x1xf32>
      %reduce_max3A_1535 = vector.extract %reduce_max3A_1534[0, 0, 0] : f32 from vector<1x1x1xf32>
      %broadcast_in_dim3A_1536 = vector.broadcast %reduce_max3A_1535 : f32 to vector<1x1xf32>
      %eq3A_1537 = vector.broadcast %broadcast_in_dim3A_1536 : vector<1x1xf32> to vector<72x8xf32>
      %eq3A_1538 = arith.cmpf oeq, %scan3A_1499, %eq3A_1537 : vector<72x8xf32>
      %jit3A_1539 = arith.constant 1073741824 : i32
      %broadcast_in_dim3A_1540 = vector.broadcast %jit3A_1539 : i32 to vector<72x8xi32>
      %select_n3A_1541 = arith.select %eq3A_1538, %add3A, %broadcast_in_dim3A_1540 : vector<72x8xi1>, vector<72x8xi32>
      %reduce_min3A_1542 = vector.shape_cast %select_n3A_1541 : vector<72x8xi32> to vector<1x72x8xi32>
      %reduce_min3A_1543 = arith.constant dense<2147483647> : vector<1xi32>
      %reduce_min3A_1544 = vector.multi_reduction <minsi>, %reduce_min3A_1542, %reduce_min3A_1543 [1, 2] : vector<1x72x8xi32> to vector<1xi32>
      %reduce_min3A_1545 = vector.shape_cast %reduce_min3A_1544 : vector<1xi32> to vector<1x1x1xi32>
      %reduce_min3A_1546 = vector.extract %reduce_min3A_1545[0, 0, 0] : i32 from vector<1x1x1xi32>
      %broadcast_in_dim3A_1547 = vector.broadcast %reduce_min3A_1546 : i32 to vector<1x1xi32>
      %eq3A_1548 = vector.broadcast %broadcast_in_dim3A_1547 : vector<1x1xi32> to vector<72x8xi32>
      %eq3A_1549 = arith.cmpi eq, %add3A, %eq3A_1548 : vector<72x8xi32>
      %jit3A_1550 = arith.constant 0 : i32
      %broadcast_in_dim3A_1551 = vector.broadcast %jit3A_1550 : i32 to vector<72x8xi32>
      %select_n3A_1552 = arith.select %eq3A_1549, %scan3A_1502, %broadcast_in_dim3A_1551 : vector<72x8xi1>, vector<72x8xi32>
      %reduce_sum3A = vector.shape_cast %select_n3A_1552 : vector<72x8xi32> to vector<1x72x8xi32>
      %reduce_sum3A_1553 = arith.constant dense<0> : vector<1xi32>
      %reduce_sum3A_1554 = vector.multi_reduction <add>, %reduce_sum3A, %reduce_sum3A_1553 [1, 2] : vector<1x72x8xi32> to vector<1xi32>
      %reduce_sum3A_1555 = vector.shape_cast %reduce_sum3A_1554 : vector<1xi32> to vector<1x1x1xi32>
      %reduce_sum3A_1556 = vector.extract %reduce_sum3A_1555[0, 0, 0] : i32 from vector<1x1x1xi32>
      %broadcast_in_dim3A_1557 = vector.broadcast %reduce_sum3A_1556 : i32 to vector<1x1xi32>
      %mul3A_1558 = arith.constant 640 : i32
      %mul3A_1559 = vector.broadcast %mul3A_1558 : i32 to vector<1x1xi32>
      %mul3A_1560 = arith.muli %broadcast_in_dim3A_1547, %mul3A_1559 : vector<1x1xi32>
      %add3A_1561 = arith.addi %mul3A_1560, %broadcast_in_dim3A_1557 : vector<1x1xi32>
      %select_n3A_1562 = arith.select %eq3A_1549, %scan3A_1500, %scan3A_1499 : vector<72x8xi1>, vector<72x8xf32>
      %select_n3A_1563 = arith.select %eq3A_1549, %scan3A_1501, %scan3A_1500 : vector<72x8xi1>, vector<72x8xf32>
      %broadcast_in_dim3A_1564 = vector.broadcast %scan3A : f32 to vector<72x8xf32>
      %select_n3A_1565 = arith.select %eq3A_1549, %broadcast_in_dim3A_1564, %scan3A_1501 : vector<72x8xi1>, vector<72x8xf32>
      %select_n3A_1566 = arith.select %eq3A_1549, %scan3A_1503, %scan3A_1502 : vector<72x8xi1>, vector<72x8xi32>
      %select_n3A_1567 = arith.select %eq3A_1549, %scan3A_1504, %scan3A_1503 : vector<72x8xi1>, vector<72x8xi32>
      %eq3A_1568 = vector.broadcast %scan3A : f32 to vector<72x8xf32>
      %eq3A_1569 = arith.cmpf oeq, %select_n3A_1562, %eq3A_1568 : vector<72x8xf32>
      %and3A_1570 = arith.andi %eq3A_1549, %eq3A_1569 : vector<72x8xi1>
      %eq3A_1571 = vector.broadcast %scan3A_1498 : i32 to vector<1x128xi32>
      %eq3A_1572 = arith.cmpi eq, %iota3A_1048, %eq3A_1571 : vector<1x128xi32>
      %broadcast_in_dim3A_1573 = vector.shape_cast %broadcast_in_dim3A_1536 : vector<1x1xf32> to vector<1x1xf32>
      %broadcast_in_dim3A_1574 = vector.broadcast %broadcast_in_dim3A_1573 : vector<1x1xf32> to vector<1x128xf32>
      %select_n3A_1575 = arith.select %eq3A_1572, %broadcast_in_dim3A_1574, %scan3A_1505 : vector<1x128xi1>, vector<1x128xf32>
      %eq3A_1576 = vector.broadcast %scan3A_1498 : i32 to vector<1x128xi32>
      %eq3A_1577 = arith.cmpi eq, %iota3A_1048, %eq3A_1576 : vector<1x128xi32>
      %broadcast_in_dim3A_1578 = vector.shape_cast %add3A_1561 : vector<1x1xi32> to vector<1x1xi32>
      %broadcast_in_dim3A_1579 = vector.broadcast %broadcast_in_dim3A_1578 : vector<1x1xi32> to vector<1x128xi32>
      %select_n3A_1580 = arith.select %eq3A_1577, %broadcast_in_dim3A_1579, %scan3A_1506 : vector<1x128xi1>, vector<1x128xi32>
      %reduce_max3A_1581 = vector.shape_cast %scan3A_1507 : vector<72x8xf32> to vector<1x72x8xf32>
      %reduce_max3A_1582 = arith.constant dense<0xFF800000> : vector<1xf32>
      %reduce_max3A_1583 = vector.multi_reduction <maximumf>, %reduce_max3A_1581, %reduce_max3A_1582 [1, 2] : vector<1x72x8xf32> to vector<1xf32>
      %reduce_max3A_1584 = vector.shape_cast %reduce_max3A_1583 : vector<1xf32> to vector<1x1x1xf32>
      %reduce_max3A_1585 = vector.extract %reduce_max3A_1584[0, 0, 0] : f32 from vector<1x1x1xf32>
      %broadcast_in_dim3A_1586 = vector.broadcast %reduce_max3A_1585 : f32 to vector<1x1xf32>
      %eq3A_1587 = vector.broadcast %broadcast_in_dim3A_1586 : vector<1x1xf32> to vector<72x8xf32>
      %eq3A_1588 = arith.cmpf oeq, %scan3A_1507, %eq3A_1587 : vector<72x8xf32>
      %jit3A_1589 = arith.constant 1073741824 : i32
      %broadcast_in_dim3A_1590 = vector.broadcast %jit3A_1589 : i32 to vector<72x8xi32>
      %select_n3A_1591 = arith.select %eq3A_1588, %add3A, %broadcast_in_dim3A_1590 : vector<72x8xi1>, vector<72x8xi32>
      %reduce_min3A_1592 = vector.shape_cast %select_n3A_1591 : vector<72x8xi32> to vector<1x72x8xi32>
      %reduce_min3A_1593 = arith.constant dense<2147483647> : vector<1xi32>
      %reduce_min3A_1594 = vector.multi_reduction <minsi>, %reduce_min3A_1592, %reduce_min3A_1593 [1, 2] : vector<1x72x8xi32> to vector<1xi32>
      %reduce_min3A_1595 = vector.shape_cast %reduce_min3A_1594 : vector<1xi32> to vector<1x1x1xi32>
      %reduce_min3A_1596 = vector.extract %reduce_min3A_1595[0, 0, 0] : i32 from vector<1x1x1xi32>
      %broadcast_in_dim3A_1597 = vector.broadcast %reduce_min3A_1596 : i32 to vector<1x1xi32>
      %eq3A_1598 = vector.broadcast %broadcast_in_dim3A_1597 : vector<1x1xi32> to vector<72x8xi32>
      %eq3A_1599 = arith.cmpi eq, %add3A, %eq3A_1598 : vector<72x8xi32>
      %jit3A_1600 = arith.constant 0 : i32
      %broadcast_in_dim3A_1601 = vector.broadcast %jit3A_1600 : i32 to vector<72x8xi32>
      %select_n3A_1602 = arith.select %eq3A_1599, %scan3A_1510, %broadcast_in_dim3A_1601 : vector<72x8xi1>, vector<72x8xi32>
      %reduce_sum3A_1603 = vector.shape_cast %select_n3A_1602 : vector<72x8xi32> to vector<1x72x8xi32>
      %reduce_sum3A_1604 = arith.constant dense<0> : vector<1xi32>
      %reduce_sum3A_1605 = vector.multi_reduction <add>, %reduce_sum3A_1603, %reduce_sum3A_1604 [1, 2] : vector<1x72x8xi32> to vector<1xi32>
      %reduce_sum3A_1606 = vector.shape_cast %reduce_sum3A_1605 : vector<1xi32> to vector<1x1x1xi32>
      %reduce_sum3A_1607 = vector.extract %reduce_sum3A_1606[0, 0, 0] : i32 from vector<1x1x1xi32>
      %broadcast_in_dim3A_1608 = vector.broadcast %reduce_sum3A_1607 : i32 to vector<1x1xi32>
      %mul3A_1609 = arith.constant 640 : i32
      %mul3A_1610 = vector.broadcast %mul3A_1609 : i32 to vector<1x1xi32>
      %mul3A_1611 = arith.muli %broadcast_in_dim3A_1597, %mul3A_1610 : vector<1x1xi32>
      %add3A_1612 = arith.addi %mul3A_1611, %broadcast_in_dim3A_1608 : vector<1x1xi32>
      %select_n3A_1613 = arith.select %eq3A_1599, %scan3A_1508, %scan3A_1507 : vector<72x8xi1>, vector<72x8xf32>
      %select_n3A_1614 = arith.select %eq3A_1599, %scan3A_1509, %scan3A_1508 : vector<72x8xi1>, vector<72x8xf32>
      %broadcast_in_dim3A_1615 = vector.broadcast %scan3A : f32 to vector<72x8xf32>
      %select_n3A_1616 = arith.select %eq3A_1599, %broadcast_in_dim3A_1615, %scan3A_1509 : vector<72x8xi1>, vector<72x8xf32>
      %select_n3A_1617 = arith.select %eq3A_1599, %scan3A_1511, %scan3A_1510 : vector<72x8xi1>, vector<72x8xi32>
      %select_n3A_1618 = arith.select %eq3A_1599, %scan3A_1512, %scan3A_1511 : vector<72x8xi1>, vector<72x8xi32>
      %eq3A_1619 = vector.broadcast %scan3A : f32 to vector<72x8xf32>
      %eq3A_1620 = arith.cmpf oeq, %select_n3A_1613, %eq3A_1619 : vector<72x8xf32>
      %and3A_1621 = arith.andi %eq3A_1599, %eq3A_1620 : vector<72x8xi1>
      %eq3A_1622 = vector.broadcast %scan3A_1498 : i32 to vector<1x128xi32>
      %eq3A_1623 = arith.cmpi eq, %iota3A_1048, %eq3A_1622 : vector<1x128xi32>
      %broadcast_in_dim3A_1624 = vector.shape_cast %broadcast_in_dim3A_1586 : vector<1x1xf32> to vector<1x1xf32>
      %broadcast_in_dim3A_1625 = vector.broadcast %broadcast_in_dim3A_1624 : vector<1x1xf32> to vector<1x128xf32>
      %select_n3A_1626 = arith.select %eq3A_1623, %broadcast_in_dim3A_1625, %scan3A_1513 : vector<1x128xi1>, vector<1x128xf32>
      %eq3A_1627 = vector.broadcast %scan3A_1498 : i32 to vector<1x128xi32>
      %eq3A_1628 = arith.cmpi eq, %iota3A_1048, %eq3A_1627 : vector<1x128xi32>
      %broadcast_in_dim3A_1629 = vector.shape_cast %add3A_1612 : vector<1x1xi32> to vector<1x1xi32>
      %broadcast_in_dim3A_1630 = vector.broadcast %broadcast_in_dim3A_1629 : vector<1x1xi32> to vector<1x128xi32>
      %select_n3A_1631 = arith.select %eq3A_1628, %broadcast_in_dim3A_1630, %scan3A_1514 : vector<1x128xi1>, vector<1x128xi32>
      %reduce_max3A_1632 = vector.shape_cast %scan3A_1515 : vector<72x8xf32> to vector<1x72x8xf32>
      %reduce_max3A_1633 = arith.constant dense<0xFF800000> : vector<1xf32>
      %reduce_max3A_1634 = vector.multi_reduction <maximumf>, %reduce_max3A_1632, %reduce_max3A_1633 [1, 2] : vector<1x72x8xf32> to vector<1xf32>
      %reduce_max3A_1635 = vector.shape_cast %reduce_max3A_1634 : vector<1xf32> to vector<1x1x1xf32>
      %reduce_max3A_1636 = vector.extract %reduce_max3A_1635[0, 0, 0] : f32 from vector<1x1x1xf32>
      %broadcast_in_dim3A_1637 = vector.broadcast %reduce_max3A_1636 : f32 to vector<1x1xf32>
      %eq3A_1638 = vector.broadcast %broadcast_in_dim3A_1637 : vector<1x1xf32> to vector<72x8xf32>
      %eq3A_1639 = arith.cmpf oeq, %scan3A_1515, %eq3A_1638 : vector<72x8xf32>
      %jit3A_1640 = arith.constant 1073741824 : i32
      %broadcast_in_dim3A_1641 = vector.broadcast %jit3A_1640 : i32 to vector<72x8xi32>
      %select_n3A_1642 = arith.select %eq3A_1639, %add3A, %broadcast_in_dim3A_1641 : vector<72x8xi1>, vector<72x8xi32>
      %reduce_min3A_1643 = vector.shape_cast %select_n3A_1642 : vector<72x8xi32> to vector<1x72x8xi32>
      %reduce_min3A_1644 = arith.constant dense<2147483647> : vector<1xi32>
      %reduce_min3A_1645 = vector.multi_reduction <minsi>, %reduce_min3A_1643, %reduce_min3A_1644 [1, 2] : vector<1x72x8xi32> to vector<1xi32>
      %reduce_min3A_1646 = vector.shape_cast %reduce_min3A_1645 : vector<1xi32> to vector<1x1x1xi32>
      %reduce_min3A_1647 = vector.extract %reduce_min3A_1646[0, 0, 0] : i32 from vector<1x1x1xi32>
      %broadcast_in_dim3A_1648 = vector.broadcast %reduce_min3A_1647 : i32 to vector<1x1xi32>
      %eq3A_1649 = vector.broadcast %broadcast_in_dim3A_1648 : vector<1x1xi32> to vector<72x8xi32>
      %eq3A_1650 = arith.cmpi eq, %add3A, %eq3A_1649 : vector<72x8xi32>
      %jit3A_1651 = arith.constant 0 : i32
      %broadcast_in_dim3A_1652 = vector.broadcast %jit3A_1651 : i32 to vector<72x8xi32>
      %select_n3A_1653 = arith.select %eq3A_1650, %scan3A_1518, %broadcast_in_dim3A_1652 : vector<72x8xi1>, vector<72x8xi32>
      %reduce_sum3A_1654 = vector.shape_cast %select_n3A_1653 : vector<72x8xi32> to vector<1x72x8xi32>
      %reduce_sum3A_1655 = arith.constant dense<0> : vector<1xi32>
      %reduce_sum3A_1656 = vector.multi_reduction <add>, %reduce_sum3A_1654, %reduce_sum3A_1655 [1, 2] : vector<1x72x8xi32> to vector<1xi32>
      %reduce_sum3A_1657 = vector.shape_cast %reduce_sum3A_1656 : vector<1xi32> to vector<1x1x1xi32>
      %reduce_sum3A_1658 = vector.extract %reduce_sum3A_1657[0, 0, 0] : i32 from vector<1x1x1xi32>
      %broadcast_in_dim3A_1659 = vector.broadcast %reduce_sum3A_1658 : i32 to vector<1x1xi32>
      %mul3A_1660 = arith.constant 640 : i32
      %mul3A_1661 = vector.broadcast %mul3A_1660 : i32 to vector<1x1xi32>
      %mul3A_1662 = arith.muli %broadcast_in_dim3A_1648, %mul3A_1661 : vector<1x1xi32>
      %add3A_1663 = arith.addi %mul3A_1662, %broadcast_in_dim3A_1659 : vector<1x1xi32>
      %select_n3A_1664 = arith.select %eq3A_1650, %scan3A_1516, %scan3A_1515 : vector<72x8xi1>, vector<72x8xf32>
      %select_n3A_1665 = arith.select %eq3A_1650, %scan3A_1517, %scan3A_1516 : vector<72x8xi1>, vector<72x8xf32>
      %broadcast_in_dim3A_1666 = vector.broadcast %scan3A : f32 to vector<72x8xf32>
      %select_n3A_1667 = arith.select %eq3A_1650, %broadcast_in_dim3A_1666, %scan3A_1517 : vector<72x8xi1>, vector<72x8xf32>
      %select_n3A_1668 = arith.select %eq3A_1650, %scan3A_1519, %scan3A_1518 : vector<72x8xi1>, vector<72x8xi32>
      %select_n3A_1669 = arith.select %eq3A_1650, %scan3A_1520, %scan3A_1519 : vector<72x8xi1>, vector<72x8xi32>
      %eq3A_1670 = vector.broadcast %scan3A : f32 to vector<72x8xf32>
      %eq3A_1671 = arith.cmpf oeq, %select_n3A_1664, %eq3A_1670 : vector<72x8xf32>
      %and3A_1672 = arith.andi %eq3A_1650, %eq3A_1671 : vector<72x8xi1>
      %eq3A_1673 = vector.broadcast %scan3A_1498 : i32 to vector<1x128xi32>
      %eq3A_1674 = arith.cmpi eq, %iota3A_1048, %eq3A_1673 : vector<1x128xi32>
      %broadcast_in_dim3A_1675 = vector.shape_cast %broadcast_in_dim3A_1637 : vector<1x1xf32> to vector<1x1xf32>
      %broadcast_in_dim3A_1676 = vector.broadcast %broadcast_in_dim3A_1675 : vector<1x1xf32> to vector<1x128xf32>
      %select_n3A_1677 = arith.select %eq3A_1674, %broadcast_in_dim3A_1676, %scan3A_1521 : vector<1x128xi1>, vector<1x128xf32>
      %eq3A_1678 = vector.broadcast %scan3A_1498 : i32 to vector<1x128xi32>
      %eq3A_1679 = arith.cmpi eq, %iota3A_1048, %eq3A_1678 : vector<1x128xi32>
      %broadcast_in_dim3A_1680 = vector.shape_cast %add3A_1663 : vector<1x1xi32> to vector<1x1xi32>
      %broadcast_in_dim3A_1681 = vector.broadcast %broadcast_in_dim3A_1680 : vector<1x1xi32> to vector<1x128xi32>
      %select_n3A_1682 = arith.select %eq3A_1679, %broadcast_in_dim3A_1681, %scan3A_1522 : vector<1x128xi1>, vector<1x128xi32>
      %reduce_max3A_1683 = vector.shape_cast %scan3A_1523 : vector<72x8xf32> to vector<1x72x8xf32>
      %reduce_max3A_1684 = arith.constant dense<0xFF800000> : vector<1xf32>
      %reduce_max3A_1685 = vector.multi_reduction <maximumf>, %reduce_max3A_1683, %reduce_max3A_1684 [1, 2] : vector<1x72x8xf32> to vector<1xf32>
      %reduce_max3A_1686 = vector.shape_cast %reduce_max3A_1685 : vector<1xf32> to vector<1x1x1xf32>
      %reduce_max3A_1687 = vector.extract %reduce_max3A_1686[0, 0, 0] : f32 from vector<1x1x1xf32>
      %broadcast_in_dim3A_1688 = vector.broadcast %reduce_max3A_1687 : f32 to vector<1x1xf32>
      %eq3A_1689 = vector.broadcast %broadcast_in_dim3A_1688 : vector<1x1xf32> to vector<72x8xf32>
      %eq3A_1690 = arith.cmpf oeq, %scan3A_1523, %eq3A_1689 : vector<72x8xf32>
      %jit3A_1691 = arith.constant 1073741824 : i32
      %broadcast_in_dim3A_1692 = vector.broadcast %jit3A_1691 : i32 to vector<72x8xi32>
      %select_n3A_1693 = arith.select %eq3A_1690, %add3A, %broadcast_in_dim3A_1692 : vector<72x8xi1>, vector<72x8xi32>
      %reduce_min3A_1694 = vector.shape_cast %select_n3A_1693 : vector<72x8xi32> to vector<1x72x8xi32>
      %reduce_min3A_1695 = arith.constant dense<2147483647> : vector<1xi32>
      %reduce_min3A_1696 = vector.multi_reduction <minsi>, %reduce_min3A_1694, %reduce_min3A_1695 [1, 2] : vector<1x72x8xi32> to vector<1xi32>
      %reduce_min3A_1697 = vector.shape_cast %reduce_min3A_1696 : vector<1xi32> to vector<1x1x1xi32>
      %reduce_min3A_1698 = vector.extract %reduce_min3A_1697[0, 0, 0] : i32 from vector<1x1x1xi32>
      %broadcast_in_dim3A_1699 = vector.broadcast %reduce_min3A_1698 : i32 to vector<1x1xi32>
      %eq3A_1700 = vector.broadcast %broadcast_in_dim3A_1699 : vector<1x1xi32> to vector<72x8xi32>
      %eq3A_1701 = arith.cmpi eq, %add3A, %eq3A_1700 : vector<72x8xi32>
      %jit3A_1702 = arith.constant 0 : i32
      %broadcast_in_dim3A_1703 = vector.broadcast %jit3A_1702 : i32 to vector<72x8xi32>
      %select_n3A_1704 = arith.select %eq3A_1701, %scan3A_1526, %broadcast_in_dim3A_1703 : vector<72x8xi1>, vector<72x8xi32>
      %reduce_sum3A_1705 = vector.shape_cast %select_n3A_1704 : vector<72x8xi32> to vector<1x72x8xi32>
      %reduce_sum3A_1706 = arith.constant dense<0> : vector<1xi32>
      %reduce_sum3A_1707 = vector.multi_reduction <add>, %reduce_sum3A_1705, %reduce_sum3A_1706 [1, 2] : vector<1x72x8xi32> to vector<1xi32>
      %reduce_sum3A_1708 = vector.shape_cast %reduce_sum3A_1707 : vector<1xi32> to vector<1x1x1xi32>
      %reduce_sum3A_1709 = vector.extract %reduce_sum3A_1708[0, 0, 0] : i32 from vector<1x1x1xi32>
      %broadcast_in_dim3A_1710 = vector.broadcast %reduce_sum3A_1709 : i32 to vector<1x1xi32>
      %mul3A_1711 = arith.constant 640 : i32
      %mul3A_1712 = vector.broadcast %mul3A_1711 : i32 to vector<1x1xi32>
      %mul3A_1713 = arith.muli %broadcast_in_dim3A_1699, %mul3A_1712 : vector<1x1xi32>
      %add3A_1714 = arith.addi %mul3A_1713, %broadcast_in_dim3A_1710 : vector<1x1xi32>
      %select_n3A_1715 = arith.select %eq3A_1701, %scan3A_1524, %scan3A_1523 : vector<72x8xi1>, vector<72x8xf32>
      %select_n3A_1716 = arith.select %eq3A_1701, %scan3A_1525, %scan3A_1524 : vector<72x8xi1>, vector<72x8xf32>
      %broadcast_in_dim3A_1717 = vector.broadcast %scan3A : f32 to vector<72x8xf32>
      %select_n3A_1718 = arith.select %eq3A_1701, %broadcast_in_dim3A_1717, %scan3A_1525 : vector<72x8xi1>, vector<72x8xf32>
      %select_n3A_1719 = arith.select %eq3A_1701, %scan3A_1527, %scan3A_1526 : vector<72x8xi1>, vector<72x8xi32>
      %select_n3A_1720 = arith.select %eq3A_1701, %scan3A_1528, %scan3A_1527 : vector<72x8xi1>, vector<72x8xi32>
      %eq3A_1721 = vector.broadcast %scan3A : f32 to vector<72x8xf32>
      %eq3A_1722 = arith.cmpf oeq, %select_n3A_1715, %eq3A_1721 : vector<72x8xf32>
      %and3A_1723 = arith.andi %eq3A_1701, %eq3A_1722 : vector<72x8xi1>
      %eq3A_1724 = vector.broadcast %scan3A_1498 : i32 to vector<1x128xi32>
      %eq3A_1725 = arith.cmpi eq, %iota3A_1048, %eq3A_1724 : vector<1x128xi32>
      %broadcast_in_dim3A_1726 = vector.shape_cast %broadcast_in_dim3A_1688 : vector<1x1xf32> to vector<1x1xf32>
      %broadcast_in_dim3A_1727 = vector.broadcast %broadcast_in_dim3A_1726 : vector<1x1xf32> to vector<1x128xf32>
      %select_n3A_1728 = arith.select %eq3A_1725, %broadcast_in_dim3A_1727, %scan3A_1529 : vector<1x128xi1>, vector<1x128xf32>
      %eq3A_1729 = vector.broadcast %scan3A_1498 : i32 to vector<1x128xi32>
      %eq3A_1730 = arith.cmpi eq, %iota3A_1048, %eq3A_1729 : vector<1x128xi32>
      %broadcast_in_dim3A_1731 = vector.shape_cast %add3A_1714 : vector<1x1xi32> to vector<1x1xi32>
      %broadcast_in_dim3A_1732 = vector.broadcast %broadcast_in_dim3A_1731 : vector<1x1xi32> to vector<1x128xi32>
      %select_n3A_1733 = arith.select %eq3A_1730, %broadcast_in_dim3A_1732, %scan3A_1530 : vector<1x128xi1>, vector<1x128xi32>
      %or3A = arith.ori %and3A_1570, %and3A_1621 : vector<72x8xi1>
      %or3A_1734 = arith.ori %or3A, %and3A_1672 : vector<72x8xi1>
      %or3A_1735 = arith.ori %or3A_1734, %and3A_1723 : vector<72x8xi1>
      %jit3A_1736 = arith.constant 1 : i32
      %jit3A_1737 = arith.constant 0 : i32
      %broadcast_in_dim3A_1738 = vector.broadcast %jit3A_1736 : i32 to vector<72x8xi32>
      %broadcast_in_dim3A_1739 = vector.broadcast %jit3A_1737 : i32 to vector<72x8xi32>
      %select_n3A_1740 = arith.select %or3A_1735, %broadcast_in_dim3A_1738, %broadcast_in_dim3A_1739 : vector<72x8xi1>, vector<72x8xi32>
      %reduce_max3A_1741 = vector.shape_cast %select_n3A_1740 : vector<72x8xi32> to vector<1x72x8xi32>
      %reduce_max3A_1742 = arith.constant dense<-2147483648> : vector<1xi32>
      %reduce_max3A_1743 = vector.multi_reduction <maxsi>, %reduce_max3A_1741, %reduce_max3A_1742 [1, 2] : vector<1x72x8xi32> to vector<1xi32>
      %reduce_max3A_1744 = vector.shape_cast %reduce_max3A_1743 : vector<1xi32> to vector<1x1x1xi32>
      %reduce_max3A_1745 = vector.extract %reduce_max3A_1744[0, 0, 0] : i32 from vector<1x1x1xi32>
      %eq3A_1746 = arith.constant 1 : i32
      %eq3A_1747 = arith.cmpi eq, %reduce_max3A_1745, %eq3A_1746 : i32
      %convert_element_type3A = arith.extui %eq3A_1747 : i1 to i32
      %cond3A = arith.constant 0 : i32
      %cond3A_1748 = arith.cmpi ne, %convert_element_type3A, %cond3A : i32
      %cond3A_1749:24 = scf.if %cond3A_1748 -> (vector<72x8xf32>, vector<72x8xf32>, vector<72x8xf32>, vector<72x8xi32>, vector<72x8xi32>, vector<72x8xi32>, vector<72x8xf32>, vector<72x8xf32>, vector<72x8xf32>, vector<72x8xi32>, vector<72x8xi32>, vector<72x8xi32>, vector<72x8xf32>, vector<72x8xf32>, vector<72x8xf32>, vector<72x8xi32>, vector<72x8xi32>, vector<72x8xi32>, vector<72x8xf32>, vector<72x8xf32>, vector<72x8xf32>, vector<72x8xi32>, vector<72x8xi32>, vector<72x8xi32>) {
        %jit3A_1750 = arith.constant 1073741824 : i32
        %broadcast_in_dim3A_1751 = vector.broadcast %jit3A_1750 : i32 to vector<72x8xi32>
        %select_n3A_1752 = arith.select %and3A_1570, %add3A, %broadcast_in_dim3A_1751 : vector<72x8xi1>, vector<72x8xi32>
        %reduce_min3A_1753 = vector.shape_cast %select_n3A_1752 : vector<72x8xi32> to vector<1x72x8xi32>
        %reduce_min3A_1754 = arith.constant dense<2147483647> : vector<1xi32>
        %reduce_min3A_1755 = vector.multi_reduction <minsi>, %reduce_min3A_1753, %reduce_min3A_1754 [1, 2] : vector<1x72x8xi32> to vector<1xi32>
        %reduce_min3A_1756 = vector.shape_cast %reduce_min3A_1755 : vector<1xi32> to vector<1x1x1xi32>
        %reduce_min3A_1757 = vector.extract %reduce_min3A_1756[0, 0, 0] : i32 from vector<1x1x1xi32>
        %min3A = arith.constant 575 : i32
        %min3A_1758 = arith.minsi %reduce_min3A_1757, %min3A : i32
        %jit3A_1759 = arith.constant 1.000000e+00 : f32
        %jit3A_1760 = arith.constant 0.000000e+00 : f32
        %broadcast_in_dim3A_1761 = vector.broadcast %jit3A_1759 : f32 to vector<72x8xf32>
        %broadcast_in_dim3A_1762 = vector.broadcast %jit3A_1760 : f32 to vector<72x8xf32>
        %select_n3A_1763 = arith.select %and3A_1570, %broadcast_in_dim3A_1761, %broadcast_in_dim3A_1762 : vector<72x8xi1>, vector<72x8xf32>
        %reduce_max3A_1764 = vector.shape_cast %select_n3A_1763 : vector<72x8xf32> to vector<1x72x8xf32>
        %reduce_max3A_1765 = arith.constant dense<0xFF800000> : vector<1xf32>
        %reduce_max3A_1766 = vector.multi_reduction <maximumf>, %reduce_max3A_1764, %reduce_max3A_1765 [1, 2] : vector<1x72x8xf32> to vector<1xf32>
        %reduce_max3A_1767 = vector.shape_cast %reduce_max3A_1766 : vector<1xf32> to vector<1x1x1xf32>
        %reduce_max3A_1768 = vector.extract %reduce_max3A_1767[0, 0, 0] : f32 from vector<1x1x1xf32>
        %broadcast_in_dim3A_1769 = vector.broadcast %reduce_max3A_1768 : f32 to vector<1x1xf32>
        %get3A_1770 = arith.index_cast %min3A_1758 : i32 to index
        %get3A_1771 = arith.constant 0 : index
        %get3A_1772 = vector.load %arg4[%get3A_1770, %get3A_1771] : memref<576x640xf32, #tpu.memory_space<vmem>>, vector<1x640xf32>
        %reduce_max3A_1773 = vector.shape_cast %get3A_1772 : vector<1x640xf32> to vector<1x1x640xf32>
        %reduce_max3A_1774 = arith.constant dense<0xFF800000> : vector<1xf32>
        %reduce_max3A_1775 = vector.multi_reduction <maximumf>, %reduce_max3A_1773, %reduce_max3A_1774 [1, 2] : vector<1x1x640xf32> to vector<1xf32>
        %reduce_max3A_1776 = vector.shape_cast %reduce_max3A_1775 : vector<1xf32> to vector<1x1x1xf32>
        %reduce_max3A_1777 = vector.extract %reduce_max3A_1776[0, 0, 0] : f32 from vector<1x1x1xf32>
        %eq3A_1778 = vector.broadcast %reduce_max3A_1777 : f32 to vector<1x640xf32>
        %eq3A_1779 = arith.cmpf oeq, %get3A_1772, %eq3A_1778 : vector<1x640xf32>
        %jit3A_1780 = arith.constant 1073741824 : i32
        %broadcast_in_dim3A_1781 = vector.broadcast %jit3A_1780 : i32 to vector<1x640xi32>
        %select_n3A_1782 = arith.select %eq3A_1779, %iota3A_1047, %broadcast_in_dim3A_1781 : vector<1x640xi1>, vector<1x640xi32>
        %reduce_min3A_1783 = vector.shape_cast %select_n3A_1782 : vector<1x640xi32> to vector<1x1x640xi32>
        %reduce_min3A_1784 = arith.constant dense<2147483647> : vector<1xi32>
        %reduce_min3A_1785 = vector.multi_reduction <minsi>, %reduce_min3A_1783, %reduce_min3A_1784 [1, 2] : vector<1x1x640xi32> to vector<1xi32>
        %reduce_min3A_1786 = vector.shape_cast %reduce_min3A_1785 : vector<1xi32> to vector<1x1x1xi32>
        %reduce_min3A_1787 = vector.extract %reduce_min3A_1786[0, 0, 0] : i32 from vector<1x1x1xi32>
        %eq3A_1788 = vector.broadcast %reduce_min3A_1787 : i32 to vector<1x640xi32>
        %eq3A_1789 = arith.cmpi eq, %iota3A_1047, %eq3A_1788 : vector<1x640xi32>
        %and3A_1790 = arith.andi %eq3A_1779, %eq3A_1789 : vector<1x640xi1>
        %broadcast_in_dim3A_1791 = vector.broadcast %scan3A : f32 to vector<1x640xf32>
        %select_n3A_1792 = arith.select %and3A_1790, %broadcast_in_dim3A_1791, %get3A_1772 : vector<1x640xi1>, vector<1x640xf32>
        %reduce_max3A_1793 = vector.shape_cast %select_n3A_1792 : vector<1x640xf32> to vector<1x1x640xf32>
        %reduce_max3A_1794 = arith.constant dense<0xFF800000> : vector<1xf32>
        %reduce_max3A_1795 = vector.multi_reduction <maximumf>, %reduce_max3A_1793, %reduce_max3A_1794 [1, 2] : vector<1x1x640xf32> to vector<1xf32>
        %reduce_max3A_1796 = vector.shape_cast %reduce_max3A_1795 : vector<1xf32> to vector<1x1x1xf32>
        %reduce_max3A_1797 = vector.extract %reduce_max3A_1796[0, 0, 0] : f32 from vector<1x1x1xf32>
        %eq3A_1798 = vector.broadcast %reduce_max3A_1797 : f32 to vector<1x640xf32>
        %eq3A_1799 = arith.cmpf oeq, %select_n3A_1792, %eq3A_1798 : vector<1x640xf32>
        %jit3A_1800 = arith.constant 1073741824 : i32
        %broadcast_in_dim3A_1801 = vector.broadcast %jit3A_1800 : i32 to vector<1x640xi32>
        %select_n3A_1802 = arith.select %eq3A_1799, %iota3A_1047, %broadcast_in_dim3A_1801 : vector<1x640xi1>, vector<1x640xi32>
        %reduce_min3A_1803 = vector.shape_cast %select_n3A_1802 : vector<1x640xi32> to vector<1x1x640xi32>
        %reduce_min3A_1804 = arith.constant dense<2147483647> : vector<1xi32>
        %reduce_min3A_1805 = vector.multi_reduction <minsi>, %reduce_min3A_1803, %reduce_min3A_1804 [1, 2] : vector<1x1x640xi32> to vector<1xi32>
        %reduce_min3A_1806 = vector.shape_cast %reduce_min3A_1805 : vector<1xi32> to vector<1x1x1xi32>
        %reduce_min3A_1807 = vector.extract %reduce_min3A_1806[0, 0, 0] : i32 from vector<1x1x1xi32>
        %eq3A_1808 = vector.broadcast %reduce_min3A_1807 : i32 to vector<1x640xi32>
        %eq3A_1809 = arith.cmpi eq, %iota3A_1047, %eq3A_1808 : vector<1x640xi32>
        %and3A_1810 = arith.andi %eq3A_1799, %eq3A_1809 : vector<1x640xi1>
        %broadcast_in_dim3A_1811 = vector.broadcast %scan3A : f32 to vector<1x640xf32>
        %select_n3A_1812 = arith.select %and3A_1810, %broadcast_in_dim3A_1811, %select_n3A_1792 : vector<1x640xi1>, vector<1x640xf32>
        %reduce_max3A_1813 = vector.shape_cast %select_n3A_1812 : vector<1x640xf32> to vector<1x1x640xf32>
        %reduce_max3A_1814 = arith.constant dense<0xFF800000> : vector<1xf32>
        %reduce_max3A_1815 = vector.multi_reduction <maximumf>, %reduce_max3A_1813, %reduce_max3A_1814 [1, 2] : vector<1x1x640xf32> to vector<1xf32>
        %reduce_max3A_1816 = vector.shape_cast %reduce_max3A_1815 : vector<1xf32> to vector<1x1x1xf32>
        %reduce_max3A_1817 = vector.extract %reduce_max3A_1816[0, 0, 0] : f32 from vector<1x1x1xf32>
        %eq3A_1818 = vector.broadcast %reduce_max3A_1817 : f32 to vector<1x640xf32>
        %eq3A_1819 = arith.cmpf oeq, %select_n3A_1812, %eq3A_1818 : vector<1x640xf32>
        %jit3A_1820 = arith.constant 1073741824 : i32
        %broadcast_in_dim3A_1821 = vector.broadcast %jit3A_1820 : i32 to vector<1x640xi32>
        %select_n3A_1822 = arith.select %eq3A_1819, %iota3A_1047, %broadcast_in_dim3A_1821 : vector<1x640xi1>, vector<1x640xi32>
        %reduce_min3A_1823 = vector.shape_cast %select_n3A_1822 : vector<1x640xi32> to vector<1x1x640xi32>
        %reduce_min3A_1824 = arith.constant dense<2147483647> : vector<1xi32>
        %reduce_min3A_1825 = vector.multi_reduction <minsi>, %reduce_min3A_1823, %reduce_min3A_1824 [1, 2] : vector<1x1x640xi32> to vector<1xi32>
        %reduce_min3A_1826 = vector.shape_cast %reduce_min3A_1825 : vector<1xi32> to vector<1x1x1xi32>
        %reduce_min3A_1827 = vector.extract %reduce_min3A_1826[0, 0, 0] : i32 from vector<1x1x1xi32>
        %eq3A_1828 = vector.broadcast %reduce_min3A_1827 : i32 to vector<1x640xi32>
        %eq3A_1829 = arith.cmpi eq, %iota3A_1047, %eq3A_1828 : vector<1x640xi32>
        %and3A_1830 = arith.andi %eq3A_1819, %eq3A_1829 : vector<1x640xi1>
        %broadcast_in_dim3A_1831 = vector.broadcast %scan3A : f32 to vector<1x640xf32>
        %select_n3A_1832 = arith.select %and3A_1830, %broadcast_in_dim3A_1831, %select_n3A_1812 : vector<1x640xi1>, vector<1x640xf32>
        %eq3A_1833 = arith.constant 1.000000e+00 : f32
        %eq3A_1834 = vector.broadcast %eq3A_1833 : f32 to vector<1x1xf32>
        %eq3A_1835 = arith.cmpf oeq, %broadcast_in_dim3A_1769, %eq3A_1834 : vector<1x1xf32>
        %broadcast_in_dim3A_1836 = vector.shape_cast %eq3A_1835 : vector<1x1xi1> to vector<1x1xi1>
        %broadcast_in_dim3A_1837 = vector.broadcast %broadcast_in_dim3A_1836 : vector<1x1xi1> to vector<1x640xi1>
        %select_n3A_1838 = arith.select %broadcast_in_dim3A_1837, %select_n3A_1832, %get3A_1772 : vector<1x640xi1>, vector<1x640xf32>
        %swap3A_1839 = arith.index_cast %min3A_1758 : i32 to index
        %swap3A_1840 = arith.constant 0 : index
        %swap3A_1841 = vector.load %arg4[%swap3A_1839, %swap3A_1840] : memref<576x640xf32, #tpu.memory_space<vmem>>, vector<1x640xf32>
        tpu.vector_store %arg4[%swap3A_1839, %swap3A_1840], %select_n3A_1838 {strides = array<i32>} : memref<576x640xf32, #tpu.memory_space<vmem>>, vector<1x640xf32>,
        %broadcast_in_dim3A_1842 = vector.broadcast %reduce_max3A_1777 : f32 to vector<72x8xf32>
        %select_n3A_1843 = arith.select %and3A_1570, %broadcast_in_dim3A_1842, %select_n3A_1562 : vector<72x8xi1>, vector<72x8xf32>
        %broadcast_in_dim3A_1844 = vector.broadcast %reduce_max3A_1797 : f32 to vector<72x8xf32>
        %select_n3A_1845 = arith.select %and3A_1570, %broadcast_in_dim3A_1844, %select_n3A_1563 : vector<72x8xi1>, vector<72x8xf32>
        %broadcast_in_dim3A_1846 = vector.broadcast %reduce_max3A_1817 : f32 to vector<72x8xf32>
        %select_n3A_1847 = arith.select %and3A_1570, %broadcast_in_dim3A_1846, %select_n3A_1565 : vector<72x8xi1>, vector<72x8xf32>
        %broadcast_in_dim3A_1848 = vector.broadcast %reduce_min3A_1787 : i32 to vector<72x8xi32>
        %select_n3A_1849 = arith.select %and3A_1570, %broadcast_in_dim3A_1848, %select_n3A_1566 : vector<72x8xi1>, vector<72x8xi32>
        %broadcast_in_dim3A_1850 = vector.broadcast %reduce_min3A_1807 : i32 to vector<72x8xi32>
        %select_n3A_1851 = arith.select %and3A_1570, %broadcast_in_dim3A_1850, %select_n3A_1567 : vector<72x8xi1>, vector<72x8xi32>
        %broadcast_in_dim3A_1852 = vector.broadcast %reduce_min3A_1827 : i32 to vector<72x8xi32>
        %select_n3A_1853 = arith.select %and3A_1570, %broadcast_in_dim3A_1852, %scan3A_1504 : vector<72x8xi1>, vector<72x8xi32>
        %jit3A_1854 = arith.constant 1073741824 : i32
        %broadcast_in_dim3A_1855 = vector.broadcast %jit3A_1854 : i32 to vector<72x8xi32>
        %select_n3A_1856 = arith.select %and3A_1621, %add3A, %broadcast_in_dim3A_1855 : vector<72x8xi1>, vector<72x8xi32>
        %reduce_min3A_1857 = vector.shape_cast %select_n3A_1856 : vector<72x8xi32> to vector<1x72x8xi32>
        %reduce_min3A_1858 = arith.constant dense<2147483647> : vector<1xi32>
        %reduce_min3A_1859 = vector.multi_reduction <minsi>, %reduce_min3A_1857, %reduce_min3A_1858 [1, 2] : vector<1x72x8xi32> to vector<1xi32>
        %reduce_min3A_1860 = vector.shape_cast %reduce_min3A_1859 : vector<1xi32> to vector<1x1x1xi32>
        %reduce_min3A_1861 = vector.extract %reduce_min3A_1860[0, 0, 0] : i32 from vector<1x1x1xi32>
        %min3A_1862 = arith.constant 575 : i32
        %min3A_1863 = arith.minsi %reduce_min3A_1861, %min3A_1862 : i32
        %jit3A_1864 = arith.constant 1.000000e+00 : f32
        %jit3A_1865 = arith.constant 0.000000e+00 : f32
        %broadcast_in_dim3A_1866 = vector.broadcast %jit3A_1864 : f32 to vector<72x8xf32>
        %broadcast_in_dim3A_1867 = vector.broadcast %jit3A_1865 : f32 to vector<72x8xf32>
        %select_n3A_1868 = arith.select %and3A_1621, %broadcast_in_dim3A_1866, %broadcast_in_dim3A_1867 : vector<72x8xi1>, vector<72x8xf32>
        %reduce_max3A_1869 = vector.shape_cast %select_n3A_1868 : vector<72x8xf32> to vector<1x72x8xf32>
        %reduce_max3A_1870 = arith.constant dense<0xFF800000> : vector<1xf32>
        %reduce_max3A_1871 = vector.multi_reduction <maximumf>, %reduce_max3A_1869, %reduce_max3A_1870 [1, 2] : vector<1x72x8xf32> to vector<1xf32>
        %reduce_max3A_1872 = vector.shape_cast %reduce_max3A_1871 : vector<1xf32> to vector<1x1x1xf32>
        %reduce_max3A_1873 = vector.extract %reduce_max3A_1872[0, 0, 0] : f32 from vector<1x1x1xf32>
        %broadcast_in_dim3A_1874 = vector.broadcast %reduce_max3A_1873 : f32 to vector<1x1xf32>
        %get3A_1875 = arith.index_cast %min3A_1863 : i32 to index
        %get3A_1876 = arith.constant 0 : index
        %get3A_1877 = vector.load %arg5[%get3A_1875, %get3A_1876] : memref<576x640xf32, #tpu.memory_space<vmem>>, vector<1x640xf32>
        %reduce_max3A_1878 = vector.shape_cast %get3A_1877 : vector<1x640xf32> to vector<1x1x640xf32>
        %reduce_max3A_1879 = arith.constant dense<0xFF800000> : vector<1xf32>
        %reduce_max3A_1880 = vector.multi_reduction <maximumf>, %reduce_max3A_1878, %reduce_max3A_1879 [1, 2] : vector<1x1x640xf32> to vector<1xf32>
        %reduce_max3A_1881 = vector.shape_cast %reduce_max3A_1880 : vector<1xf32> to vector<1x1x1xf32>
        %reduce_max3A_1882 = vector.extract %reduce_max3A_1881[0, 0, 0] : f32 from vector<1x1x1xf32>
        %eq3A_1883 = vector.broadcast %reduce_max3A_1882 : f32 to vector<1x640xf32>
        %eq3A_1884 = arith.cmpf oeq, %get3A_1877, %eq3A_1883 : vector<1x640xf32>
        %jit3A_1885 = arith.constant 1073741824 : i32
        %broadcast_in_dim3A_1886 = vector.broadcast %jit3A_1885 : i32 to vector<1x640xi32>
        %select_n3A_1887 = arith.select %eq3A_1884, %iota3A_1047, %broadcast_in_dim3A_1886 : vector<1x640xi1>, vector<1x640xi32>
        %reduce_min3A_1888 = vector.shape_cast %select_n3A_1887 : vector<1x640xi32> to vector<1x1x640xi32>
        %reduce_min3A_1889 = arith.constant dense<2147483647> : vector<1xi32>
        %reduce_min3A_1890 = vector.multi_reduction <minsi>, %reduce_min3A_1888, %reduce_min3A_1889 [1, 2] : vector<1x1x640xi32> to vector<1xi32>
        %reduce_min3A_1891 = vector.shape_cast %reduce_min3A_1890 : vector<1xi32> to vector<1x1x1xi32>
        %reduce_min3A_1892 = vector.extract %reduce_min3A_1891[0, 0, 0] : i32 from vector<1x1x1xi32>
        %eq3A_1893 = vector.broadcast %reduce_min3A_1892 : i32 to vector<1x640xi32>
        %eq3A_1894 = arith.cmpi eq, %iota3A_1047, %eq3A_1893 : vector<1x640xi32>
        %and3A_1895 = arith.andi %eq3A_1884, %eq3A_1894 : vector<1x640xi1>
        %broadcast_in_dim3A_1896 = vector.broadcast %scan3A : f32 to vector<1x640xf32>
        %select_n3A_1897 = arith.select %and3A_1895, %broadcast_in_dim3A_1896, %get3A_1877 : vector<1x640xi1>, vector<1x640xf32>
        %reduce_max3A_1898 = vector.shape_cast %select_n3A_1897 : vector<1x640xf32> to vector<1x1x640xf32>
        %reduce_max3A_1899 = arith.constant dense<0xFF800000> : vector<1xf32>
        %reduce_max3A_1900 = vector.multi_reduction <maximumf>, %reduce_max3A_1898, %reduce_max3A_1899 [1, 2] : vector<1x1x640xf32> to vector<1xf32>
        %reduce_max3A_1901 = vector.shape_cast %reduce_max3A_1900 : vector<1xf32> to vector<1x1x1xf32>
        %reduce_max3A_1902 = vector.extract %reduce_max3A_1901[0, 0, 0] : f32 from vector<1x1x1xf32>
        %eq3A_1903 = vector.broadcast %reduce_max3A_1902 : f32 to vector<1x640xf32>
        %eq3A_1904 = arith.cmpf oeq, %select_n3A_1897, %eq3A_1903 : vector<1x640xf32>
        %jit3A_1905 = arith.constant 1073741824 : i32
        %broadcast_in_dim3A_1906 = vector.broadcast %jit3A_1905 : i32 to vector<1x640xi32>
        %select_n3A_1907 = arith.select %eq3A_1904, %iota3A_1047, %broadcast_in_dim3A_1906 : vector<1x640xi1>, vector<1x640xi32>
        %reduce_min3A_1908 = vector.shape_cast %select_n3A_1907 : vector<1x640xi32> to vector<1x1x640xi32>
        %reduce_min3A_1909 = arith.constant dense<2147483647> : vector<1xi32>
        %reduce_min3A_1910 = vector.multi_reduction <minsi>, %reduce_min3A_1908, %reduce_min3A_1909 [1, 2] : vector<1x1x640xi32> to vector<1xi32>
        %reduce_min3A_1911 = vector.shape_cast %reduce_min3A_1910 : vector<1xi32> to vector<1x1x1xi32>
        %reduce_min3A_1912 = vector.extract %reduce_min3A_1911[0, 0, 0] : i32 from vector<1x1x1xi32>
        %eq3A_1913 = vector.broadcast %reduce_min3A_1912 : i32 to vector<1x640xi32>
        %eq3A_1914 = arith.cmpi eq, %iota3A_1047, %eq3A_1913 : vector<1x640xi32>
        %and3A_1915 = arith.andi %eq3A_1904, %eq3A_1914 : vector<1x640xi1>
        %broadcast_in_dim3A_1916 = vector.broadcast %scan3A : f32 to vector<1x640xf32>
        %select_n3A_1917 = arith.select %and3A_1915, %broadcast_in_dim3A_1916, %select_n3A_1897 : vector<1x640xi1>, vector<1x640xf32>
        %reduce_max3A_1918 = vector.shape_cast %select_n3A_1917 : vector<1x640xf32> to vector<1x1x640xf32>
        %reduce_max3A_1919 = arith.constant dense<0xFF800000> : vector<1xf32>
        %reduce_max3A_1920 = vector.multi_reduction <maximumf>, %reduce_max3A_1918, %reduce_max3A_1919 [1, 2] : vector<1x1x640xf32> to vector<1xf32>
        %reduce_max3A_1921 = vector.shape_cast %reduce_max3A_1920 : vector<1xf32> to vector<1x1x1xf32>
        %reduce_max3A_1922 = vector.extract %reduce_max3A_1921[0, 0, 0] : f32 from vector<1x1x1xf32>
        %eq3A_1923 = vector.broadcast %reduce_max3A_1922 : f32 to vector<1x640xf32>
        %eq3A_1924 = arith.cmpf oeq, %select_n3A_1917, %eq3A_1923 : vector<1x640xf32>
        %jit3A_1925 = arith.constant 1073741824 : i32
        %broadcast_in_dim3A_1926 = vector.broadcast %jit3A_1925 : i32 to vector<1x640xi32>
        %select_n3A_1927 = arith.select %eq3A_1924, %iota3A_1047, %broadcast_in_dim3A_1926 : vector<1x640xi1>, vector<1x640xi32>
        %reduce_min3A_1928 = vector.shape_cast %select_n3A_1927 : vector<1x640xi32> to vector<1x1x640xi32>
        %reduce_min3A_1929 = arith.constant dense<2147483647> : vector<1xi32>
        %reduce_min3A_1930 = vector.multi_reduction <minsi>, %reduce_min3A_1928, %reduce_min3A_1929 [1, 2] : vector<1x1x640xi32> to vector<1xi32>
        %reduce_min3A_1931 = vector.shape_cast %reduce_min3A_1930 : vector<1xi32> to vector<1x1x1xi32>
        %reduce_min3A_1932 = vector.extract %reduce_min3A_1931[0, 0, 0] : i32 from vector<1x1x1xi32>
        %eq3A_1933 = vector.broadcast %reduce_min3A_1932 : i32 to vector<1x640xi32>
        %eq3A_1934 = arith.cmpi eq, %iota3A_1047, %eq3A_1933 : vector<1x640xi32>
        %and3A_1935 = arith.andi %eq3A_1924, %eq3A_1934 : vector<1x640xi1>
        %broadcast_in_dim3A_1936 = vector.broadcast %scan3A : f32 to vector<1x640xf32>
        %select_n3A_1937 = arith.select %and3A_1935, %broadcast_in_dim3A_1936, %select_n3A_1917 : vector<1x640xi1>, vector<1x640xf32>
        %eq3A_1938 = arith.constant 1.000000e+00 : f32
        %eq3A_1939 = vector.broadcast %eq3A_1938 : f32 to vector<1x1xf32>
        %eq3A_1940 = arith.cmpf oeq, %broadcast_in_dim3A_1874, %eq3A_1939 : vector<1x1xf32>
        %broadcast_in_dim3A_1941 = vector.shape_cast %eq3A_1940 : vector<1x1xi1> to vector<1x1xi1>
        %broadcast_in_dim3A_1942 = vector.broadcast %broadcast_in_dim3A_1941 : vector<1x1xi1> to vector<1x640xi1>
        %select_n3A_1943 = arith.select %broadcast_in_dim3A_1942, %select_n3A_1937, %get3A_1877 : vector<1x640xi1>, vector<1x640xf32>
        %swap3A_1944 = arith.index_cast %min3A_1863 : i32 to index
        %swap3A_1945 = arith.constant 0 : index
        %swap3A_1946 = vector.load %arg5[%swap3A_1944, %swap3A_1945] : memref<576x640xf32, #tpu.memory_space<vmem>>, vector<1x640xf32>
        tpu.vector_store %arg5[%swap3A_1944, %swap3A_1945], %select_n3A_1943 {strides = array<i32>} : memref<576x640xf32, #tpu.memory_space<vmem>>, vector<1x640xf32>,
        %broadcast_in_dim3A_1947 = vector.broadcast %reduce_max3A_1882 : f32 to vector<72x8xf32>
        %select_n3A_1948 = arith.select %and3A_1621, %broadcast_in_dim3A_1947, %select_n3A_1613 : vector<72x8xi1>, vector<72x8xf32>
        %broadcast_in_dim3A_1949 = vector.broadcast %reduce_max3A_1902 : f32 to vector<72x8xf32>
        %select_n3A_1950 = arith.select %and3A_1621, %broadcast_in_dim3A_1949, %select_n3A_1614 : vector<72x8xi1>, vector<72x8xf32>
        %broadcast_in_dim3A_1951 = vector.broadcast %reduce_max3A_1922 : f32 to vector<72x8xf32>
        %select_n3A_1952 = arith.select %and3A_1621, %broadcast_in_dim3A_1951, %select_n3A_1616 : vector<72x8xi1>, vector<72x8xf32>
        %broadcast_in_dim3A_1953 = vector.broadcast %reduce_min3A_1892 : i32 to vector<72x8xi32>
        %select_n3A_1954 = arith.select %and3A_1621, %broadcast_in_dim3A_1953, %select_n3A_1617 : vector<72x8xi1>, vector<72x8xi32>
        %broadcast_in_dim3A_1955 = vector.broadcast %reduce_min3A_1912 : i32 to vector<72x8xi32>
        %select_n3A_1956 = arith.select %and3A_1621, %broadcast_in_dim3A_1955, %select_n3A_1618 : vector<72x8xi1>, vector<72x8xi32>
        %broadcast_in_dim3A_1957 = vector.broadcast %reduce_min3A_1932 : i32 to vector<72x8xi32>
        %select_n3A_1958 = arith.select %and3A_1621, %broadcast_in_dim3A_1957, %scan3A_1512 : vector<72x8xi1>, vector<72x8xi32>
        %jit3A_1959 = arith.constant 1073741824 : i32
        %broadcast_in_dim3A_1960 = vector.broadcast %jit3A_1959 : i32 to vector<72x8xi32>
        %select_n3A_1961 = arith.select %and3A_1672, %add3A, %broadcast_in_dim3A_1960 : vector<72x8xi1>, vector<72x8xi32>
        %reduce_min3A_1962 = vector.shape_cast %select_n3A_1961 : vector<72x8xi32> to vector<1x72x8xi32>
        %reduce_min3A_1963 = arith.constant dense<2147483647> : vector<1xi32>
        %reduce_min3A_1964 = vector.multi_reduction <minsi>, %reduce_min3A_1962, %reduce_min3A_1963 [1, 2] : vector<1x72x8xi32> to vector<1xi32>
        %reduce_min3A_1965 = vector.shape_cast %reduce_min3A_1964 : vector<1xi32> to vector<1x1x1xi32>
        %reduce_min3A_1966 = vector.extract %reduce_min3A_1965[0, 0, 0] : i32 from vector<1x1x1xi32>
        %min3A_1967 = arith.constant 575 : i32
        %min3A_1968 = arith.minsi %reduce_min3A_1966, %min3A_1967 : i32
        %jit3A_1969 = arith.constant 1.000000e+00 : f32
        %jit3A_1970 = arith.constant 0.000000e+00 : f32
        %broadcast_in_dim3A_1971 = vector.broadcast %jit3A_1969 : f32 to vector<72x8xf32>
        %broadcast_in_dim3A_1972 = vector.broadcast %jit3A_1970 : f32 to vector<72x8xf32>
        %select_n3A_1973 = arith.select %and3A_1672, %broadcast_in_dim3A_1971, %broadcast_in_dim3A_1972 : vector<72x8xi1>, vector<72x8xf32>
        %reduce_max3A_1974 = vector.shape_cast %select_n3A_1973 : vector<72x8xf32> to vector<1x72x8xf32>
        %reduce_max3A_1975 = arith.constant dense<0xFF800000> : vector<1xf32>
        %reduce_max3A_1976 = vector.multi_reduction <maximumf>, %reduce_max3A_1974, %reduce_max3A_1975 [1, 2] : vector<1x72x8xf32> to vector<1xf32>
        %reduce_max3A_1977 = vector.shape_cast %reduce_max3A_1976 : vector<1xf32> to vector<1x1x1xf32>
        %reduce_max3A_1978 = vector.extract %reduce_max3A_1977[0, 0, 0] : f32 from vector<1x1x1xf32>
        %broadcast_in_dim3A_1979 = vector.broadcast %reduce_max3A_1978 : f32 to vector<1x1xf32>
        %get3A_1980 = arith.index_cast %min3A_1968 : i32 to index
        %get3A_1981 = arith.constant 0 : index
        %get3A_1982 = vector.load %arg6[%get3A_1980, %get3A_1981] : memref<576x640xf32, #tpu.memory_space<vmem>>, vector<1x640xf32>
        %reduce_max3A_1983 = vector.shape_cast %get3A_1982 : vector<1x640xf32> to vector<1x1x640xf32>
        %reduce_max3A_1984 = arith.constant dense<0xFF800000> : vector<1xf32>
        %reduce_max3A_1985 = vector.multi_reduction <maximumf>, %reduce_max3A_1983, %reduce_max3A_1984 [1, 2] : vector<1x1x640xf32> to vector<1xf32>
        %reduce_max3A_1986 = vector.shape_cast %reduce_max3A_1985 : vector<1xf32> to vector<1x1x1xf32>
        %reduce_max3A_1987 = vector.extract %reduce_max3A_1986[0, 0, 0] : f32 from vector<1x1x1xf32>
        %eq3A_1988 = vector.broadcast %reduce_max3A_1987 : f32 to vector<1x640xf32>
        %eq3A_1989 = arith.cmpf oeq, %get3A_1982, %eq3A_1988 : vector<1x640xf32>
        %jit3A_1990 = arith.constant 1073741824 : i32
        %broadcast_in_dim3A_1991 = vector.broadcast %jit3A_1990 : i32 to vector<1x640xi32>
        %select_n3A_1992 = arith.select %eq3A_1989, %iota3A_1047, %broadcast_in_dim3A_1991 : vector<1x640xi1>, vector<1x640xi32>
        %reduce_min3A_1993 = vector.shape_cast %select_n3A_1992 : vector<1x640xi32> to vector<1x1x640xi32>
        %reduce_min3A_1994 = arith.constant dense<2147483647> : vector<1xi32>
        %reduce_min3A_1995 = vector.multi_reduction <minsi>, %reduce_min3A_1993, %reduce_min3A_1994 [1, 2] : vector<1x1x640xi32> to vector<1xi32>
        %reduce_min3A_1996 = vector.shape_cast %reduce_min3A_1995 : vector<1xi32> to vector<1x1x1xi32>
        %reduce_min3A_1997 = vector.extract %reduce_min3A_1996[0, 0, 0] : i32 from vector<1x1x1xi32>
        %eq3A_1998 = vector.broadcast %reduce_min3A_1997 : i32 to vector<1x640xi32>
        %eq3A_1999 = arith.cmpi eq, %iota3A_1047, %eq3A_1998 : vector<1x640xi32>
        %and3A_2000 = arith.andi %eq3A_1989, %eq3A_1999 : vector<1x640xi1>
        %broadcast_in_dim3A_2001 = vector.broadcast %scan3A : f32 to vector<1x640xf32>
        %select_n3A_2002 = arith.select %and3A_2000, %broadcast_in_dim3A_2001, %get3A_1982 : vector<1x640xi1>, vector<1x640xf32>
        %reduce_max3A_2003 = vector.shape_cast %select_n3A_2002 : vector<1x640xf32> to vector<1x1x640xf32>
        %reduce_max3A_2004 = arith.constant dense<0xFF800000> : vector<1xf32>
        %reduce_max3A_2005 = vector.multi_reduction <maximumf>, %reduce_max3A_2003, %reduce_max3A_2004 [1, 2] : vector<1x1x640xf32> to vector<1xf32>
        %reduce_max3A_2006 = vector.shape_cast %reduce_max3A_2005 : vector<1xf32> to vector<1x1x1xf32>
        %reduce_max3A_2007 = vector.extract %reduce_max3A_2006[0, 0, 0] : f32 from vector<1x1x1xf32>
        %eq3A_2008 = vector.broadcast %reduce_max3A_2007 : f32 to vector<1x640xf32>
        %eq3A_2009 = arith.cmpf oeq, %select_n3A_2002, %eq3A_2008 : vector<1x640xf32>
        %jit3A_2010 = arith.constant 1073741824 : i32
        %broadcast_in_dim3A_2011 = vector.broadcast %jit3A_2010 : i32 to vector<1x640xi32>
        %select_n3A_2012 = arith.select %eq3A_2009, %iota3A_1047, %broadcast_in_dim3A_2011 : vector<1x640xi1>, vector<1x640xi32>
        %reduce_min3A_2013 = vector.shape_cast %select_n3A_2012 : vector<1x640xi32> to vector<1x1x640xi32>
        %reduce_min3A_2014 = arith.constant dense<2147483647> : vector<1xi32>
        %reduce_min3A_2015 = vector.multi_reduction <minsi>, %reduce_min3A_2013, %reduce_min3A_2014 [1, 2] : vector<1x1x640xi32> to vector<1xi32>
        %reduce_min3A_2016 = vector.shape_cast %reduce_min3A_2015 : vector<1xi32> to vector<1x1x1xi32>
        %reduce_min3A_2017 = vector.extract %reduce_min3A_2016[0, 0, 0] : i32 from vector<1x1x1xi32>
        %eq3A_2018 = vector.broadcast %reduce_min3A_2017 : i32 to vector<1x640xi32>
        %eq3A_2019 = arith.cmpi eq, %iota3A_1047, %eq3A_2018 : vector<1x640xi32>
        %and3A_2020 = arith.andi %eq3A_2009, %eq3A_2019 : vector<1x640xi1>
        %broadcast_in_dim3A_2021 = vector.broadcast %scan3A : f32 to vector<1x640xf32>
        %select_n3A_2022 = arith.select %and3A_2020, %broadcast_in_dim3A_2021, %select_n3A_2002 : vector<1x640xi1>, vector<1x640xf32>
        %reduce_max3A_2023 = vector.shape_cast %select_n3A_2022 : vector<1x640xf32> to vector<1x1x640xf32>
        %reduce_max3A_2024 = arith.constant dense<0xFF800000> : vector<1xf32>
        %reduce_max3A_2025 = vector.multi_reduction <maximumf>, %reduce_max3A_2023, %reduce_max3A_2024 [1, 2] : vector<1x1x640xf32> to vector<1xf32>
        %reduce_max3A_2026 = vector.shape_cast %reduce_max3A_2025 : vector<1xf32> to vector<1x1x1xf32>
        %reduce_max3A_2027 = vector.extract %reduce_max3A_2026[0, 0, 0] : f32 from vector<1x1x1xf32>
        %eq3A_2028 = vector.broadcast %reduce_max3A_2027 : f32 to vector<1x640xf32>
        %eq3A_2029 = arith.cmpf oeq, %select_n3A_2022, %eq3A_2028 : vector<1x640xf32>
        %jit3A_2030 = arith.constant 1073741824 : i32
        %broadcast_in_dim3A_2031 = vector.broadcast %jit3A_2030 : i32 to vector<1x640xi32>
        %select_n3A_2032 = arith.select %eq3A_2029, %iota3A_1047, %broadcast_in_dim3A_2031 : vector<1x640xi1>, vector<1x640xi32>
        %reduce_min3A_2033 = vector.shape_cast %select_n3A_2032 : vector<1x640xi32> to vector<1x1x640xi32>
        %reduce_min3A_2034 = arith.constant dense<2147483647> : vector<1xi32>
        %reduce_min3A_2035 = vector.multi_reduction <minsi>, %reduce_min3A_2033, %reduce_min3A_2034 [1, 2] : vector<1x1x640xi32> to vector<1xi32>
        %reduce_min3A_2036 = vector.shape_cast %reduce_min3A_2035 : vector<1xi32> to vector<1x1x1xi32>
        %reduce_min3A_2037 = vector.extract %reduce_min3A_2036[0, 0, 0] : i32 from vector<1x1x1xi32>
        %eq3A_2038 = vector.broadcast %reduce_min3A_2037 : i32 to vector<1x640xi32>
        %eq3A_2039 = arith.cmpi eq, %iota3A_1047, %eq3A_2038 : vector<1x640xi32>
        %and3A_2040 = arith.andi %eq3A_2029, %eq3A_2039 : vector<1x640xi1>
        %broadcast_in_dim3A_2041 = vector.broadcast %scan3A : f32 to vector<1x640xf32>
        %select_n3A_2042 = arith.select %and3A_2040, %broadcast_in_dim3A_2041, %select_n3A_2022 : vector<1x640xi1>, vector<1x640xf32>
        %eq3A_2043 = arith.constant 1.000000e+00 : f32
        %eq3A_2044 = vector.broadcast %eq3A_2043 : f32 to vector<1x1xf32>
        %eq3A_2045 = arith.cmpf oeq, %broadcast_in_dim3A_1979, %eq3A_2044 : vector<1x1xf32>
        %broadcast_in_dim3A_2046 = vector.shape_cast %eq3A_2045 : vector<1x1xi1> to vector<1x1xi1>
        %broadcast_in_dim3A_2047 = vector.broadcast %broadcast_in_dim3A_2046 : vector<1x1xi1> to vector<1x640xi1>
        %select_n3A_2048 = arith.select %broadcast_in_dim3A_2047, %select_n3A_2042, %get3A_1982 : vector<1x640xi1>, vector<1x640xf32>
        %swap3A_2049 = arith.index_cast %min3A_1968 : i32 to index
        %swap3A_2050 = arith.constant 0 : index
        %swap3A_2051 = vector.load %arg6[%swap3A_2049, %swap3A_2050] : memref<576x640xf32, #tpu.memory_space<vmem>>, vector<1x640xf32>
        tpu.vector_store %arg6[%swap3A_2049, %swap3A_2050], %select_n3A_2048 {strides = array<i32>} : memref<576x640xf32, #tpu.memory_space<vmem>>, vector<1x640xf32>,
        %broadcast_in_dim3A_2052 = vector.broadcast %reduce_max3A_1987 : f32 to vector<72x8xf32>
        %select_n3A_2053 = arith.select %and3A_1672, %broadcast_in_dim3A_2052, %select_n3A_1664 : vector<72x8xi1>, vector<72x8xf32>
        %broadcast_in_dim3A_2054 = vector.broadcast %reduce_max3A_2007 : f32 to vector<72x8xf32>
        %select_n3A_2055 = arith.select %and3A_1672, %broadcast_in_dim3A_2054, %select_n3A_1665 : vector<72x8xi1>, vector<72x8xf32>
        %broadcast_in_dim3A_2056 = vector.broadcast %reduce_max3A_2027 : f32 to vector<72x8xf32>
        %select_n3A_2057 = arith.select %and3A_1672, %broadcast_in_dim3A_2056, %select_n3A_1667 : vector<72x8xi1>, vector<72x8xf32>
        %broadcast_in_dim3A_2058 = vector.broadcast %reduce_min3A_1997 : i32 to vector<72x8xi32>
        %select_n3A_2059 = arith.select %and3A_1672, %broadcast_in_dim3A_2058, %select_n3A_1668 : vector<72x8xi1>, vector<72x8xi32>
        %broadcast_in_dim3A_2060 = vector.broadcast %reduce_min3A_2017 : i32 to vector<72x8xi32>
        %select_n3A_2061 = arith.select %and3A_1672, %broadcast_in_dim3A_2060, %select_n3A_1669 : vector<72x8xi1>, vector<72x8xi32>
        %broadcast_in_dim3A_2062 = vector.broadcast %reduce_min3A_2037 : i32 to vector<72x8xi32>
        %select_n3A_2063 = arith.select %and3A_1672, %broadcast_in_dim3A_2062, %scan3A_1520 : vector<72x8xi1>, vector<72x8xi32>
        %jit3A_2064 = arith.constant 1073741824 : i32
        %broadcast_in_dim3A_2065 = vector.broadcast %jit3A_2064 : i32 to vector<72x8xi32>
        %select_n3A_2066 = arith.select %and3A_1723, %add3A, %broadcast_in_dim3A_2065 : vector<72x8xi1>, vector<72x8xi32>
        %reduce_min3A_2067 = vector.shape_cast %select_n3A_2066 : vector<72x8xi32> to vector<1x72x8xi32>
        %reduce_min3A_2068 = arith.constant dense<2147483647> : vector<1xi32>
        %reduce_min3A_2069 = vector.multi_reduction <minsi>, %reduce_min3A_2067, %reduce_min3A_2068 [1, 2] : vector<1x72x8xi32> to vector<1xi32>
        %reduce_min3A_2070 = vector.shape_cast %reduce_min3A_2069 : vector<1xi32> to vector<1x1x1xi32>
        %reduce_min3A_2071 = vector.extract %reduce_min3A_2070[0, 0, 0] : i32 from vector<1x1x1xi32>
        %min3A_2072 = arith.constant 575 : i32
        %min3A_2073 = arith.minsi %reduce_min3A_2071, %min3A_2072 : i32
        %jit3A_2074 = arith.constant 1.000000e+00 : f32
        %jit3A_2075 = arith.constant 0.000000e+00 : f32
        %broadcast_in_dim3A_2076 = vector.broadcast %jit3A_2074 : f32 to vector<72x8xf32>
        %broadcast_in_dim3A_2077 = vector.broadcast %jit3A_2075 : f32 to vector<72x8xf32>
        %select_n3A_2078 = arith.select %and3A_1723, %broadcast_in_dim3A_2076, %broadcast_in_dim3A_2077 : vector<72x8xi1>, vector<72x8xf32>
        %reduce_max3A_2079 = vector.shape_cast %select_n3A_2078 : vector<72x8xf32> to vector<1x72x8xf32>
        %reduce_max3A_2080 = arith.constant dense<0xFF800000> : vector<1xf32>
        %reduce_max3A_2081 = vector.multi_reduction <maximumf>, %reduce_max3A_2079, %reduce_max3A_2080 [1, 2] : vector<1x72x8xf32> to vector<1xf32>
        %reduce_max3A_2082 = vector.shape_cast %reduce_max3A_2081 : vector<1xf32> to vector<1x1x1xf32>
        %reduce_max3A_2083 = vector.extract %reduce_max3A_2082[0, 0, 0] : f32 from vector<1x1x1xf32>
        %broadcast_in_dim3A_2084 = vector.broadcast %reduce_max3A_2083 : f32 to vector<1x1xf32>
        %get3A_2085 = arith.index_cast %min3A_2073 : i32 to index
        %get3A_2086 = arith.constant 0 : index
        %get3A_2087 = vector.load %arg7[%get3A_2085, %get3A_2086] : memref<576x640xf32, #tpu.memory_space<vmem>>, vector<1x640xf32>
        %reduce_max3A_2088 = vector.shape_cast %get3A_2087 : vector<1x640xf32> to vector<1x1x640xf32>
        %reduce_max3A_2089 = arith.constant dense<0xFF800000> : vector<1xf32>
        %reduce_max3A_2090 = vector.multi_reduction <maximumf>, %reduce_max3A_2088, %reduce_max3A_2089 [1, 2] : vector<1x1x640xf32> to vector<1xf32>
        %reduce_max3A_2091 = vector.shape_cast %reduce_max3A_2090 : vector<1xf32> to vector<1x1x1xf32>
        %reduce_max3A_2092 = vector.extract %reduce_max3A_2091[0, 0, 0] : f32 from vector<1x1x1xf32>
        %eq3A_2093 = vector.broadcast %reduce_max3A_2092 : f32 to vector<1x640xf32>
        %eq3A_2094 = arith.cmpf oeq, %get3A_2087, %eq3A_2093 : vector<1x640xf32>
        %jit3A_2095 = arith.constant 1073741824 : i32
        %broadcast_in_dim3A_2096 = vector.broadcast %jit3A_2095 : i32 to vector<1x640xi32>
        %select_n3A_2097 = arith.select %eq3A_2094, %iota3A_1047, %broadcast_in_dim3A_2096 : vector<1x640xi1>, vector<1x640xi32>
        %reduce_min3A_2098 = vector.shape_cast %select_n3A_2097 : vector<1x640xi32> to vector<1x1x640xi32>
        %reduce_min3A_2099 = arith.constant dense<2147483647> : vector<1xi32>
        %reduce_min3A_2100 = vector.multi_reduction <minsi>, %reduce_min3A_2098, %reduce_min3A_2099 [1, 2] : vector<1x1x640xi32> to vector<1xi32>
        %reduce_min3A_2101 = vector.shape_cast %reduce_min3A_2100 : vector<1xi32> to vector<1x1x1xi32>
        %reduce_min3A_2102 = vector.extract %reduce_min3A_2101[0, 0, 0] : i32 from vector<1x1x1xi32>
        %eq3A_2103 = vector.broadcast %reduce_min3A_2102 : i32 to vector<1x640xi32>
        %eq3A_2104 = arith.cmpi eq, %iota3A_1047, %eq3A_2103 : vector<1x640xi32>
        %and3A_2105 = arith.andi %eq3A_2094, %eq3A_2104 : vector<1x640xi1>
        %broadcast_in_dim3A_2106 = vector.broadcast %scan3A : f32 to vector<1x640xf32>
        %select_n3A_2107 = arith.select %and3A_2105, %broadcast_in_dim3A_2106, %get3A_2087 : vector<1x640xi1>, vector<1x640xf32>
        %reduce_max3A_2108 = vector.shape_cast %select_n3A_2107 : vector<1x640xf32> to vector<1x1x640xf32>
        %reduce_max3A_2109 = arith.constant dense<0xFF800000> : vector<1xf32>
        %reduce_max3A_2110 = vector.multi_reduction <maximumf>, %reduce_max3A_2108, %reduce_max3A_2109 [1, 2] : vector<1x1x640xf32> to vector<1xf32>
        %reduce_max3A_2111 = vector.shape_cast %reduce_max3A_2110 : vector<1xf32> to vector<1x1x1xf32>
        %reduce_max3A_2112 = vector.extract %reduce_max3A_2111[0, 0, 0] : f32 from vector<1x1x1xf32>
        %eq3A_2113 = vector.broadcast %reduce_max3A_2112 : f32 to vector<1x640xf32>
        %eq3A_2114 = arith.cmpf oeq, %select_n3A_2107, %eq3A_2113 : vector<1x640xf32>
        %jit3A_2115 = arith.constant 1073741824 : i32
        %broadcast_in_dim3A_2116 = vector.broadcast %jit3A_2115 : i32 to vector<1x640xi32>
        %select_n3A_2117 = arith.select %eq3A_2114, %iota3A_1047, %broadcast_in_dim3A_2116 : vector<1x640xi1>, vector<1x640xi32>
        %reduce_min3A_2118 = vector.shape_cast %select_n3A_2117 : vector<1x640xi32> to vector<1x1x640xi32>
        %reduce_min3A_2119 = arith.constant dense<2147483647> : vector<1xi32>
        %reduce_min3A_2120 = vector.multi_reduction <minsi>, %reduce_min3A_2118, %reduce_min3A_2119 [1, 2] : vector<1x1x640xi32> to vector<1xi32>
        %reduce_min3A_2121 = vector.shape_cast %reduce_min3A_2120 : vector<1xi32> to vector<1x1x1xi32>
        %reduce_min3A_2122 = vector.extract %reduce_min3A_2121[0, 0, 0] : i32 from vector<1x1x1xi32>
        %eq3A_2123 = vector.broadcast %reduce_min3A_2122 : i32 to vector<1x640xi32>
        %eq3A_2124 = arith.cmpi eq, %iota3A_1047, %eq3A_2123 : vector<1x640xi32>
        %and3A_2125 = arith.andi %eq3A_2114, %eq3A_2124 : vector<1x640xi1>
        %broadcast_in_dim3A_2126 = vector.broadcast %scan3A : f32 to vector<1x640xf32>
        %select_n3A_2127 = arith.select %and3A_2125, %broadcast_in_dim3A_2126, %select_n3A_2107 : vector<1x640xi1>, vector<1x640xf32>
        %reduce_max3A_2128 = vector.shape_cast %select_n3A_2127 : vector<1x640xf32> to vector<1x1x640xf32>
        %reduce_max3A_2129 = arith.constant dense<0xFF800000> : vector<1xf32>
        %reduce_max3A_2130 = vector.multi_reduction <maximumf>, %reduce_max3A_2128, %reduce_max3A_2129 [1, 2] : vector<1x1x640xf32> to vector<1xf32>
        %reduce_max3A_2131 = vector.shape_cast %reduce_max3A_2130 : vector<1xf32> to vector<1x1x1xf32>
        %reduce_max3A_2132 = vector.extract %reduce_max3A_2131[0, 0, 0] : f32 from vector<1x1x1xf32>
        %eq3A_2133 = vector.broadcast %reduce_max3A_2132 : f32 to vector<1x640xf32>
        %eq3A_2134 = arith.cmpf oeq, %select_n3A_2127, %eq3A_2133 : vector<1x640xf32>
        %jit3A_2135 = arith.constant 1073741824 : i32
        %broadcast_in_dim3A_2136 = vector.broadcast %jit3A_2135 : i32 to vector<1x640xi32>
        %select_n3A_2137 = arith.select %eq3A_2134, %iota3A_1047, %broadcast_in_dim3A_2136 : vector<1x640xi1>, vector<1x640xi32>
        %reduce_min3A_2138 = vector.shape_cast %select_n3A_2137 : vector<1x640xi32> to vector<1x1x640xi32>
        %reduce_min3A_2139 = arith.constant dense<2147483647> : vector<1xi32>
        %reduce_min3A_2140 = vector.multi_reduction <minsi>, %reduce_min3A_2138, %reduce_min3A_2139 [1, 2] : vector<1x1x640xi32> to vector<1xi32>
        %reduce_min3A_2141 = vector.shape_cast %reduce_min3A_2140 : vector<1xi32> to vector<1x1x1xi32>
        %reduce_min3A_2142 = vector.extract %reduce_min3A_2141[0, 0, 0] : i32 from vector<1x1x1xi32>
        %eq3A_2143 = vector.broadcast %reduce_min3A_2142 : i32 to vector<1x640xi32>
        %eq3A_2144 = arith.cmpi eq, %iota3A_1047, %eq3A_2143 : vector<1x640xi32>
        %and3A_2145 = arith.andi %eq3A_2134, %eq3A_2144 : vector<1x640xi1>
        %broadcast_in_dim3A_2146 = vector.broadcast %scan3A : f32 to vector<1x640xf32>
        %select_n3A_2147 = arith.select %and3A_2145, %broadcast_in_dim3A_2146, %select_n3A_2127 : vector<1x640xi1>, vector<1x640xf32>
        %eq3A_2148 = arith.constant 1.000000e+00 : f32
        %eq3A_2149 = vector.broadcast %eq3A_2148 : f32 to vector<1x1xf32>
        %eq3A_2150 = arith.cmpf oeq, %broadcast_in_dim3A_2084, %eq3A_2149 : vector<1x1xf32>
        %broadcast_in_dim3A_2151 = vector.shape_cast %eq3A_2150 : vector<1x1xi1> to vector<1x1xi1>
        %broadcast_in_dim3A_2152 = vector.broadcast %broadcast_in_dim3A_2151 : vector<1x1xi1> to vector<1x640xi1>
        %select_n3A_2153 = arith.select %broadcast_in_dim3A_2152, %select_n3A_2147, %get3A_2087 : vector<1x640xi1>, vector<1x640xf32>
        %swap3A_2154 = arith.index_cast %min3A_2073 : i32 to index
        %swap3A_2155 = arith.constant 0 : index
        %swap3A_2156 = vector.load %arg7[%swap3A_2154, %swap3A_2155] : memref<576x640xf32, #tpu.memory_space<vmem>>, vector<1x640xf32>
        tpu.vector_store %arg7[%swap3A_2154, %swap3A_2155], %select_n3A_2153 {strides = array<i32>} : memref<576x640xf32, #tpu.memory_space<vmem>>, vector<1x640xf32>,
        %broadcast_in_dim3A_2157 = vector.broadcast %reduce_max3A_2092 : f32 to vector<72x8xf32>
        %select_n3A_2158 = arith.select %and3A_1723, %broadcast_in_dim3A_2157, %select_n3A_1715 : vector<72x8xi1>, vector<72x8xf32>
        %broadcast_in_dim3A_2159 = vector.broadcast %reduce_max3A_2112 : f32 to vector<72x8xf32>
        %select_n3A_2160 = arith.select %and3A_1723, %broadcast_in_dim3A_2159, %select_n3A_1716 : vector<72x8xi1>, vector<72x8xf32>
        %broadcast_in_dim3A_2161 = vector.broadcast %reduce_max3A_2132 : f32 to vector<72x8xf32>
        %select_n3A_2162 = arith.select %and3A_1723, %broadcast_in_dim3A_2161, %select_n3A_1718 : vector<72x8xi1>, vector<72x8xf32>
        %broadcast_in_dim3A_2163 = vector.broadcast %reduce_min3A_2102 : i32 to vector<72x8xi32>
        %select_n3A_2164 = arith.select %and3A_1723, %broadcast_in_dim3A_2163, %select_n3A_1719 : vector<72x8xi1>, vector<72x8xi32>
        %broadcast_in_dim3A_2165 = vector.broadcast %reduce_min3A_2122 : i32 to vector<72x8xi32>
        %select_n3A_2166 = arith.select %and3A_1723, %broadcast_in_dim3A_2165, %select_n3A_1720 : vector<72x8xi1>, vector<72x8xi32>
        %broadcast_in_dim3A_2167 = vector.broadcast %reduce_min3A_2142 : i32 to vector<72x8xi32>
        %select_n3A_2168 = arith.select %and3A_1723, %broadcast_in_dim3A_2167, %scan3A_1528 : vector<72x8xi1>, vector<72x8xi32>
        scf.yield %select_n3A_1843, %select_n3A_1845, %select_n3A_1847, %select_n3A_1849, %select_n3A_1851, %select_n3A_1853, %select_n3A_1948, %select_n3A_1950, %select_n3A_1952, %select_n3A_1954, %select_n3A_1956, %select_n3A_1958, %select_n3A_2053, %select_n3A_2055, %select_n3A_2057, %select_n3A_2059, %select_n3A_2061, %select_n3A_2063, %select_n3A_2158, %select_n3A_2160, %select_n3A_2162, %select_n3A_2164, %select_n3A_2166, %select_n3A_2168 : vector<72x8xf32>, vector<72x8xf32>, vector<72x8xf32>, vector<72x8xi32>, vector<72x8xi32>, vector<72x8xi32>, vector<72x8xf32>, vector<72x8xf32>, vector<72x8xf32>, vector<72x8xi32>, vector<72x8xi32>, vector<72x8xi32>, vector<72x8xf32>, vector<72x8xf32>, vector<72x8xf32>, vector<72x8xi32>, vector<72x8xi32>, vector<72x8xi32>, vector<72x8xf32>, vector<72x8xf32>, vector<72x8xf32>, vector<72x8xi32>, vector<72x8xi32>, vector<72x8xi32>
      } else {
        scf.yield %select_n3A_1562, %select_n3A_1563, %select_n3A_1565, %select_n3A_1566, %select_n3A_1567, %scan3A_1504, %select_n3A_1613, %select_n3A_1614, %select_n3A_1616, %select_n3A_1617, %select_n3A_1618, %scan3A_1512, %select_n3A_1664, %select_n3A_1665, %select_n3A_1667, %select_n3A_1668, %select_n3A_1669, %scan3A_1520, %select_n3A_1715, %select_n3A_1716, %select_n3A_1718, %select_n3A_1719, %select_n3A_1720, %scan3A_1528 : vector<72x8xf32>, vector<72x8xf32>, vector<72x8xf32>, vector<72x8xi32>, vector<72x8xi32>, vector<72x8xi32>, vector<72x8xf32>, vector<72x8xf32>, vector<72x8xf32>, vector<72x8xi32>, vector<72x8xi32>, vector<72x8xi32>, vector<72x8xf32>, vector<72x8xf32>, vector<72x8xf32>, vector<72x8xi32>, vector<72x8xi32>, vector<72x8xi32>, vector<72x8xf32>, vector<72x8xf32>, vector<72x8xf32>, vector<72x8xi32>, vector<72x8xi32>, vector<72x8xi32>
      }
      scf.yield %cond3A_1749#0, %cond3A_1749#1, %cond3A_1749#2, %cond3A_1749#3, %cond3A_1749#4, %cond3A_1749#5, %select_n3A_1575, %select_n3A_1580, %cond3A_1749#6, %cond3A_1749#7, %cond3A_1749#8, %cond3A_1749#9, %cond3A_1749#10, %cond3A_1749#11, %select_n3A_1626, %select_n3A_1631, %cond3A_1749#12, %cond3A_1749#13, %cond3A_1749#14, %cond3A_1749#15, %cond3A_1749#16, %cond3A_1749#17, %select_n3A_1677, %select_n3A_1682, %cond3A_1749#18, %cond3A_1749#19, %cond3A_1749#20, %cond3A_1749#21, %cond3A_1749#22, %cond3A_1749#23, %select_n3A_1728, %select_n3A_1733 : vector<72x8xf32>, vector<72x8xf32>, vector<72x8xf32>, vector<72x8xi32>, vector<72x8xi32>, vector<72x8xi32>, vector<1x128xf32>, vector<1x128xi32>, vector<72x8xf32>, vector<72x8xf32>, vector<72x8xf32>, vector<72x8xi32>, vector<72x8xi32>, vector<72x8xi32>, vector<1x128xf32>, vector<1x128xi32>, vector<72x8xf32>, vector<72x8xf32>, vector<72x8xf32>, vector<72x8xi32>, vector<72x8xi32>, vector<72x8xi32>, vector<1x128xf32>, vector<1x128xi32>, vector<72x8xf32>, vector<72x8xf32>, vector<72x8xf32>, vector<72x8xi32>, vector<72x8xi32>, vector<72x8xi32>, vector<1x128xf32>, vector<1x128xi32>
    }
    %scan3A_1058 = arith.constant 100 : i32
    %iota3A_1059 = tpu.iota {dimensions = array<i32: 0>} : vector<50x128xi32>
    %swap3A_1060 = arith.constant 0 : index
    %swap3A_1061 = arith.constant 0 : index
    %swap3A_1062 = arith.constant 0 : index
    %swap3A_1063 = vector.load %arg1[%swap3A_1060, %swap3A_1061, %swap3A_1062] : memref<4x1x128xf32, #tpu.memory_space<vmem>>, vector<1x1x128xf32>
    %swap3A_1064 = vector.shape_cast %swap3A_1063 : vector<1x1x128xf32> to vector<1x128xf32>
    %swap3A_1065 = vector.shape_cast %scan3A_1057#6 : vector<1x128xf32> to vector<1x1x128xf32>
    tpu.vector_store %arg1[%swap3A_1060, %swap3A_1061, %swap3A_1062], %swap3A_1065 {strides = array<i32>} : memref<4x1x128xf32, #tpu.memory_space<vmem>>, vector<1x1x128xf32>,
    %swap3A_1066 = arith.constant 0 : index
    %swap3A_1067 = arith.constant 0 : index
    %swap3A_1068 = arith.constant 0 : index
    %swap3A_1069 = vector.load %arg2[%swap3A_1066, %swap3A_1067, %swap3A_1068] : memref<4x1x128xi32, #tpu.memory_space<vmem>>, vector<1x1x128xi32>
    %swap3A_1070 = vector.shape_cast %swap3A_1069 : vector<1x1x128xi32> to vector<1x128xi32>
    %swap3A_1071 = vector.shape_cast %scan3A_1057#7 : vector<1x128xi32> to vector<1x1x128xi32>
    tpu.vector_store %arg2[%swap3A_1066, %swap3A_1067, %swap3A_1068], %swap3A_1071 {strides = array<i32>} : memref<4x1x128xi32, #tpu.memory_space<vmem>>, vector<1x1x128xi32>,
    %jit3A_1072 = arith.constant 122880 : i32
    %eq3A_1073 = arith.constant 0 : i32
    %eq3A_1074 = arith.cmpi eq, %jit3A_1072, %eq3A_1073 : i32
    %jit3A_1075 = arith.constant 1 : i32
    %select_n3A_1076 = arith.select %eq3A_1074, %jit3A_1075, %jit3A_1072 : i32
    %rem3A = vector.broadcast %select_n3A_1076 : i32 to vector<1x128xi32>
    %rem3A_1077 = arith.remsi %scan3A_1057#7, %rem3A : vector<1x128xi32>
    %ne3A = arith.constant 0 : i32
    %ne3A_1078 = vector.broadcast %ne3A : i32 to vector<1x128xi32>
    %ne3A_1079 = arith.cmpi ne, %rem3A_1077, %ne3A_1078 : vector<1x128xi32>
    %lt3A = arith.constant 0 : i32
    %lt3A_1080 = vector.broadcast %lt3A : i32 to vector<1x128xi32>
    %lt3A_1081 = arith.cmpi slt, %rem3A_1077, %lt3A_1080 : vector<1x128xi32>
    %lt3A_1082 = arith.constant 0 : i32
    %lt3A_1083 = arith.cmpi slt, %select_n3A_1076, %lt3A_1082 : i32
    %ne3A_1084 = vector.broadcast %lt3A_1083 : i1 to vector<1x128xi1>
    %ne3A_1085 = vector.broadcast %ne3A_1084 : vector<1x128xi1> to vector<1x128xi1>
    %ne3A_1086 = arith.xori %lt3A_1081, %ne3A_1085 : vector<1x128xi1>
    %and3A_1087 = arith.andi %ne3A_1086, %ne3A_1079 : vector<1x128xi1>
    %add3A_1088 = vector.broadcast %select_n3A_1076 : i32 to vector<1x128xi32>
    %add3A_1089 = arith.addi %rem3A_1077, %add3A_1088 : vector<1x128xi32>
    %select_n3A_1090 = arith.select %and3A_1087, %add3A_1089, %rem3A_1077 : vector<1x128xi1>, vector<1x128xi32>
    %jit3A_1091 = arith.constant 640 : i32
    %div3A = vector.broadcast %jit3A_1091 : i32 to vector<1x128xi32>
    %div3A_1092 = arith.divsi %select_n3A_1090, %div3A : vector<1x128xi32>
    %sign3A = arith.constant 0 : i32
    %sign3A_1093 = vector.broadcast %sign3A : i32 to vector<1x128xi32>
    %sign3A_1094 = arith.cmpi sgt, %select_n3A_1090, %sign3A_1093 : vector<1x128xi32>
    %sign3A_1095 = arith.extui %sign3A_1094 : vector<1x128xi1> to vector<1x128xi32>
    %sign3A_1096 = arith.constant 0 : i32
    %sign3A_1097 = vector.broadcast %sign3A_1096 : i32 to vector<1x128xi32>
    %sign3A_1098 = arith.cmpi slt, %select_n3A_1090, %sign3A_1097 : vector<1x128xi32>
    %sign3A_1099 = arith.extui %sign3A_1098 : vector<1x128xi1> to vector<1x128xi32>
    %sign3A_1100 = arith.subi %sign3A_1095, %sign3A_1099 : vector<1x128xi32>
    %sign3A_1101 = arith.constant 0 : i32
    %sign3A_1102 = arith.cmpi sgt, %jit3A_1091, %sign3A_1101 : i32
    %sign3A_1103 = arith.extui %sign3A_1102 : i1 to i32
    %sign3A_1104 = arith.constant 0 : i32
    %sign3A_1105 = arith.cmpi slt, %jit3A_1091, %sign3A_1104 : i32
    %sign3A_1106 = arith.extui %sign3A_1105 : i1 to i32
    %sign3A_1107 = arith.subi %sign3A_1103, %sign3A_1106 : i32
    %ne3A_1108 = vector.broadcast %sign3A_1107 : i32 to vector<1x128xi32>
    %ne3A_1109 = arith.cmpi ne, %sign3A_1100, %ne3A_1108 : vector<1x128xi32>
    %rem3A_1110 = vector.broadcast %jit3A_1091 : i32 to vector<1x128xi32>
    %rem3A_1111 = arith.remsi %select_n3A_1090, %rem3A_1110 : vector<1x128xi32>
    %ne3A_1112 = arith.constant 0 : i32
    %ne3A_1113 = vector.broadcast %ne3A_1112 : i32 to vector<1x128xi32>
    %ne3A_1114 = arith.cmpi ne, %rem3A_1111, %ne3A_1113 : vector<1x128xi32>
    %and3A_1115 = arith.andi %ne3A_1109, %ne3A_1114 : vector<1x128xi1>
    %sub3A = arith.constant 1 : i32
    %sub3A_1116 = vector.broadcast %sub3A : i32 to vector<1x128xi32>
    %sub3A_1117 = arith.subi %div3A_1092, %sub3A_1116 : vector<1x128xi32>
    %select_n3A_1118 = arith.select %and3A_1115, %sub3A_1117, %div3A_1092 : vector<1x128xi1>, vector<1x128xi32>
    %jit3A_1119 = arith.constant 640 : i32
    %eq3A_1120 = arith.constant 0 : i32
    %eq3A_1121 = arith.cmpi eq, %jit3A_1119, %eq3A_1120 : i32
    %jit3A_1122 = arith.constant 1 : i32
    %select_n3A_1123 = arith.select %eq3A_1121, %jit3A_1122, %jit3A_1119 : i32
    %rem3A_1124 = vector.broadcast %select_n3A_1123 : i32 to vector<1x128xi32>
    %rem3A_1125 = arith.remsi %select_n3A_1090, %rem3A_1124 : vector<1x128xi32>
    %ne3A_1126 = arith.constant 0 : i32
    %ne3A_1127 = vector.broadcast %ne3A_1126 : i32 to vector<1x128xi32>
    %ne3A_1128 = arith.cmpi ne, %rem3A_1125, %ne3A_1127 : vector<1x128xi32>
    %lt3A_1129 = arith.constant 0 : i32
    %lt3A_1130 = vector.broadcast %lt3A_1129 : i32 to vector<1x128xi32>
    %lt3A_1131 = arith.cmpi slt, %rem3A_1125, %lt3A_1130 : vector<1x128xi32>
    %lt3A_1132 = arith.constant 0 : i32
    %lt3A_1133 = arith.cmpi slt, %select_n3A_1123, %lt3A_1132 : i32
    %ne3A_1134 = vector.broadcast %lt3A_1133 : i1 to vector<1x128xi1>
    %ne3A_1135 = vector.broadcast %ne3A_1134 : vector<1x128xi1> to vector<1x128xi1>
    %ne3A_1136 = arith.xori %lt3A_1131, %ne3A_1135 : vector<1x128xi1>
    %and3A_1137 = arith.andi %ne3A_1136, %ne3A_1128 : vector<1x128xi1>
    %add3A_1138 = vector.broadcast %select_n3A_1123 : i32 to vector<1x128xi32>
    %add3A_1139 = arith.addi %rem3A_1125, %add3A_1138 : vector<1x128xi32>
    %select_n3A_1140 = arith.select %and3A_1137, %add3A_1139, %rem3A_1125 : vector<1x128xi1>, vector<1x128xi32>
    %mul3A_1141 = arith.constant 192 : i32
    %mul3A_1142 = vector.broadcast %mul3A_1141 : i32 to vector<50x128xi32>
    %mul3A_1143 = arith.muli %iota3A_1059, %mul3A_1142 : vector<50x128xi32>
    %add3A_1144 = vector.broadcast %select_n3A_1118 : vector<1x128xi32> to vector<50x128xi32>
    %add3A_1145 = arith.addi %add3A_1144, %mul3A_1143 : vector<50x128xi32>
    %add3A_1146 = arith.constant 0 : i32
    %add3A_1147 = vector.broadcast %add3A_1146 : i32 to vector<50x128xi32>
    %add3A_1148 = arith.addi %add3A_1145, %add3A_1147 : vector<50x128xi32>
    %swap3A_1149 = arith.constant 0 : index
    %swap3A_1150 = arith.constant 0 : index
    %swap3A_1151 = arith.constant 0 : index
    %swap3A_1152 = arith.constant 0 : index
    %swap3A_1153 = vector.load %arg3[%swap3A_1149, %swap3A_1150, %swap3A_1151, %swap3A_1152] : memref<2x4x50x128xi32, #tpu.memory_space<vmem>>, vector<1x1x50x128xi32>
    %swap3A_1154 = vector.shape_cast %swap3A_1153 : vector<1x1x50x128xi32> to vector<50x128xi32>
    %swap3A_1155 = vector.shape_cast %add3A_1148 : vector<50x128xi32> to vector<1x1x50x128xi32>
    tpu.vector_store %arg3[%swap3A_1149, %swap3A_1150, %swap3A_1151, %swap3A_1152], %swap3A_1155 {strides = array<i32>} : memref<2x4x50x128xi32, #tpu.memory_space<vmem>>, vector<1x1x50x128xi32>,
    %broadcast_in_dim3A_1156 = vector.shape_cast %select_n3A_1140 : vector<1x128xi32> to vector<1x128xi32>
    %broadcast_in_dim3A_1157 = vector.broadcast %broadcast_in_dim3A_1156 : vector<1x128xi32> to vector<50x128xi32>
    %swap3A_1158 = arith.constant 1 : index
    %swap3A_1159 = arith.constant 0 : index
    %swap3A_1160 = arith.constant 0 : index
    %swap3A_1161 = arith.constant 0 : index
    %swap3A_1162 = vector.load %arg3[%swap3A_1158, %swap3A_1159, %swap3A_1160, %swap3A_1161] : memref<2x4x50x128xi32, #tpu.memory_space<vmem>>, vector<1x1x50x128xi32>
    %swap3A_1163 = vector.shape_cast %swap3A_1162 : vector<1x1x50x128xi32> to vector<50x128xi32>
    %swap3A_1164 = vector.shape_cast %broadcast_in_dim3A_1157 : vector<50x128xi32> to vector<1x1x50x128xi32>
    tpu.vector_store %arg3[%swap3A_1158, %swap3A_1159, %swap3A_1160, %swap3A_1161], %swap3A_1164 {strides = array<i32>} : memref<2x4x50x128xi32, #tpu.memory_space<vmem>>, vector<1x1x50x128xi32>,
    %swap3A_1165 = arith.constant 1 : index
    %swap3A_1166 = arith.constant 0 : index
    %swap3A_1167 = arith.constant 0 : index
    %swap3A_1168 = vector.load %arg1[%swap3A_1165, %swap3A_1166, %swap3A_1167] : memref<4x1x128xf32, #tpu.memory_space<vmem>>, vector<1x1x128xf32>
    %swap3A_1169 = vector.shape_cast %swap3A_1168 : vector<1x1x128xf32> to vector<1x128xf32>
    %swap3A_1170 = vector.shape_cast %scan3A_1057#14 : vector<1x128xf32> to vector<1x1x128xf32>
    tpu.vector_store %arg1[%swap3A_1165, %swap3A_1166, %swap3A_1167], %swap3A_1170 {strides = array<i32>} : memref<4x1x128xf32, #tpu.memory_space<vmem>>, vector<1x1x128xf32>,
    %swap3A_1171 = arith.constant 1 : index
    %swap3A_1172 = arith.constant 0 : index
    %swap3A_1173 = arith.constant 0 : index
    %swap3A_1174 = vector.load %arg2[%swap3A_1171, %swap3A_1172, %swap3A_1173] : memref<4x1x128xi32, #tpu.memory_space<vmem>>, vector<1x1x128xi32>
    %swap3A_1175 = vector.shape_cast %swap3A_1174 : vector<1x1x128xi32> to vector<1x128xi32>
    %swap3A_1176 = vector.shape_cast %scan3A_1057#15 : vector<1x128xi32> to vector<1x1x128xi32>
    tpu.vector_store %arg2[%swap3A_1171, %swap3A_1172, %swap3A_1173], %swap3A_1176 {strides = array<i32>} : memref<4x1x128xi32, #tpu.memory_space<vmem>>, vector<1x1x128xi32>,
    %jit3A_1177 = arith.constant 122880 : i32
    %eq3A_1178 = arith.constant 0 : i32
    %eq3A_1179 = arith.cmpi eq, %jit3A_1177, %eq3A_1178 : i32
    %jit3A_1180 = arith.constant 1 : i32
    %select_n3A_1181 = arith.select %eq3A_1179, %jit3A_1180, %jit3A_1177 : i32
    %rem3A_1182 = vector.broadcast %select_n3A_1181 : i32 to vector<1x128xi32>
    %rem3A_1183 = arith.remsi %scan3A_1057#15, %rem3A_1182 : vector<1x128xi32>
    %ne3A_1184 = arith.constant 0 : i32
    %ne3A_1185 = vector.broadcast %ne3A_1184 : i32 to vector<1x128xi32>
    %ne3A_1186 = arith.cmpi ne, %rem3A_1183, %ne3A_1185 : vector<1x128xi32>
    %lt3A_1187 = arith.constant 0 : i32
    %lt3A_1188 = vector.broadcast %lt3A_1187 : i32 to vector<1x128xi32>
    %lt3A_1189 = arith.cmpi slt, %rem3A_1183, %lt3A_1188 : vector<1x128xi32>
    %lt3A_1190 = arith.constant 0 : i32
    %lt3A_1191 = arith.cmpi slt, %select_n3A_1181, %lt3A_1190 : i32
    %ne3A_1192 = vector.broadcast %lt3A_1191 : i1 to vector<1x128xi1>
    %ne3A_1193 = vector.broadcast %ne3A_1192 : vector<1x128xi1> to vector<1x128xi1>
    %ne3A_1194 = arith.xori %lt3A_1189, %ne3A_1193 : vector<1x128xi1>
    %and3A_1195 = arith.andi %ne3A_1194, %ne3A_1186 : vector<1x128xi1>
    %add3A_1196 = vector.broadcast %select_n3A_1181 : i32 to vector<1x128xi32>
    %add3A_1197 = arith.addi %rem3A_1183, %add3A_1196 : vector<1x128xi32>
    %select_n3A_1198 = arith.select %and3A_1195, %add3A_1197, %rem3A_1183 : vector<1x128xi1>, vector<1x128xi32>
    %jit3A_1199 = arith.constant 640 : i32
    %div3A_1200 = vector.broadcast %jit3A_1199 : i32 to vector<1x128xi32>
    %div3A_1201 = arith.divsi %select_n3A_1198, %div3A_1200 : vector<1x128xi32>
    %sign3A_1202 = arith.constant 0 : i32
    %sign3A_1203 = vector.broadcast %sign3A_1202 : i32 to vector<1x128xi32>
    %sign3A_1204 = arith.cmpi sgt, %select_n3A_1198, %sign3A_1203 : vector<1x128xi32>
    %sign3A_1205 = arith.extui %sign3A_1204 : vector<1x128xi1> to vector<1x128xi32>
    %sign3A_1206 = arith.constant 0 : i32
    %sign3A_1207 = vector.broadcast %sign3A_1206 : i32 to vector<1x128xi32>
    %sign3A_1208 = arith.cmpi slt, %select_n3A_1198, %sign3A_1207 : vector<1x128xi32>
    %sign3A_1209 = arith.extui %sign3A_1208 : vector<1x128xi1> to vector<1x128xi32>
    %sign3A_1210 = arith.subi %sign3A_1205, %sign3A_1209 : vector<1x128xi32>
    %sign3A_1211 = arith.constant 0 : i32
    %sign3A_1212 = arith.cmpi sgt, %jit3A_1199, %sign3A_1211 : i32
    %sign3A_1213 = arith.extui %sign3A_1212 : i1 to i32
    %sign3A_1214 = arith.constant 0 : i32
    %sign3A_1215 = arith.cmpi slt, %jit3A_1199, %sign3A_1214 : i32
    %sign3A_1216 = arith.extui %sign3A_1215 : i1 to i32
    %sign3A_1217 = arith.subi %sign3A_1213, %sign3A_1216 : i32
    %ne3A_1218 = vector.broadcast %sign3A_1217 : i32 to vector<1x128xi32>
    %ne3A_1219 = arith.cmpi ne, %sign3A_1210, %ne3A_1218 : vector<1x128xi32>
    %rem3A_1220 = vector.broadcast %jit3A_1199 : i32 to vector<1x128xi32>
    %rem3A_1221 = arith.remsi %select_n3A_1198, %rem3A_1220 : vector<1x128xi32>
    %ne3A_1222 = arith.constant 0 : i32
    %ne3A_1223 = vector.broadcast %ne3A_1222 : i32 to vector<1x128xi32>
    %ne3A_1224 = arith.cmpi ne, %rem3A_1221, %ne3A_1223 : vector<1x128xi32>
    %and3A_1225 = arith.andi %ne3A_1219, %ne3A_1224 : vector<1x128xi1>
    %sub3A_1226 = arith.constant 1 : i32
    %sub3A_1227 = vector.broadcast %sub3A_1226 : i32 to vector<1x128xi32>
    %sub3A_1228 = arith.subi %div3A_1201, %sub3A_1227 : vector<1x128xi32>
    %select_n3A_1229 = arith.select %and3A_1225, %sub3A_1228, %div3A_1201 : vector<1x128xi1>, vector<1x128xi32>
    %jit3A_1230 = arith.constant 640 : i32
    %eq3A_1231 = arith.constant 0 : i32
    %eq3A_1232 = arith.cmpi eq, %jit3A_1230, %eq3A_1231 : i32
    %jit3A_1233 = arith.constant 1 : i32
    %select_n3A_1234 = arith.select %eq3A_1232, %jit3A_1233, %jit3A_1230 : i32
    %rem3A_1235 = vector.broadcast %select_n3A_1234 : i32 to vector<1x128xi32>
    %rem3A_1236 = arith.remsi %select_n3A_1198, %rem3A_1235 : vector<1x128xi32>
    %ne3A_1237 = arith.constant 0 : i32
    %ne3A_1238 = vector.broadcast %ne3A_1237 : i32 to vector<1x128xi32>
    %ne3A_1239 = arith.cmpi ne, %rem3A_1236, %ne3A_1238 : vector<1x128xi32>
    %lt3A_1240 = arith.constant 0 : i32
    %lt3A_1241 = vector.broadcast %lt3A_1240 : i32 to vector<1x128xi32>
    %lt3A_1242 = arith.cmpi slt, %rem3A_1236, %lt3A_1241 : vector<1x128xi32>
    %lt3A_1243 = arith.constant 0 : i32
    %lt3A_1244 = arith.cmpi slt, %select_n3A_1234, %lt3A_1243 : i32
    %ne3A_1245 = vector.broadcast %lt3A_1244 : i1 to vector<1x128xi1>
    %ne3A_1246 = vector.broadcast %ne3A_1245 : vector<1x128xi1> to vector<1x128xi1>
    %ne3A_1247 = arith.xori %lt3A_1242, %ne3A_1246 : vector<1x128xi1>
    %and3A_1248 = arith.andi %ne3A_1247, %ne3A_1239 : vector<1x128xi1>
    %add3A_1249 = vector.broadcast %select_n3A_1234 : i32 to vector<1x128xi32>
    %add3A_1250 = arith.addi %rem3A_1236, %add3A_1249 : vector<1x128xi32>
    %select_n3A_1251 = arith.select %and3A_1248, %add3A_1250, %rem3A_1236 : vector<1x128xi1>, vector<1x128xi32>
    %mul3A_1252 = arith.constant 192 : i32
    %mul3A_1253 = vector.broadcast %mul3A_1252 : i32 to vector<50x128xi32>
    %mul3A_1254 = arith.muli %iota3A_1059, %mul3A_1253 : vector<50x128xi32>
    %add3A_1255 = vector.broadcast %select_n3A_1229 : vector<1x128xi32> to vector<50x128xi32>
    %add3A_1256 = arith.addi %add3A_1255, %mul3A_1254 : vector<50x128xi32>
    %add3A_1257 = arith.constant 9600 : i32
    %add3A_1258 = vector.broadcast %add3A_1257 : i32 to vector<50x128xi32>
    %add3A_1259 = arith.addi %add3A_1256, %add3A_1258 : vector<50x128xi32>
    %swap3A_1260 = arith.constant 0 : index
    %swap3A_1261 = arith.constant 1 : index
    %swap3A_1262 = arith.constant 0 : index
    %swap3A_1263 = arith.constant 0 : index
    %swap3A_1264 = vector.load %arg3[%swap3A_1260, %swap3A_1261, %swap3A_1262, %swap3A_1263] : memref<2x4x50x128xi32, #tpu.memory_space<vmem>>, vector<1x1x50x128xi32>
    %swap3A_1265 = vector.shape_cast %swap3A_1264 : vector<1x1x50x128xi32> to vector<50x128xi32>
    %swap3A_1266 = vector.shape_cast %add3A_1259 : vector<50x128xi32> to vector<1x1x50x128xi32>
    tpu.vector_store %arg3[%swap3A_1260, %swap3A_1261, %swap3A_1262, %swap3A_1263], %swap3A_1266 {strides = array<i32>} : memref<2x4x50x128xi32, #tpu.memory_space<vmem>>, vector<1x1x50x128xi32>,
    %broadcast_in_dim3A_1267 = vector.shape_cast %select_n3A_1251 : vector<1x128xi32> to vector<1x128xi32>
    %broadcast_in_dim3A_1268 = vector.broadcast %broadcast_in_dim3A_1267 : vector<1x128xi32> to vector<50x128xi32>
    %swap3A_1269 = arith.constant 1 : index
    %swap3A_1270 = arith.constant 1 : index
    %swap3A_1271 = arith.constant 0 : index
    %swap3A_1272 = arith.constant 0 : index
    %swap3A_1273 = vector.load %arg3[%swap3A_1269, %swap3A_1270, %swap3A_1271, %swap3A_1272] : memref<2x4x50x128xi32, #tpu.memory_space<vmem>>, vector<1x1x50x128xi32>
    %swap3A_1274 = vector.shape_cast %swap3A_1273 : vector<1x1x50x128xi32> to vector<50x128xi32>
    %swap3A_1275 = vector.shape_cast %broadcast_in_dim3A_1268 : vector<50x128xi32> to vector<1x1x50x128xi32>
    tpu.vector_store %arg3[%swap3A_1269, %swap3A_1270, %swap3A_1271, %swap3A_1272], %swap3A_1275 {strides = array<i32>} : memref<2x4x50x128xi32, #tpu.memory_space<vmem>>, vector<1x1x50x128xi32>,
    %swap3A_1276 = arith.constant 2 : index
    %swap3A_1277 = arith.constant 0 : index
    %swap3A_1278 = arith.constant 0 : index
    %swap3A_1279 = vector.load %arg1[%swap3A_1276, %swap3A_1277, %swap3A_1278] : memref<4x1x128xf32, #tpu.memory_space<vmem>>, vector<1x1x128xf32>
    %swap3A_1280 = vector.shape_cast %swap3A_1279 : vector<1x1x128xf32> to vector<1x128xf32>
    %swap3A_1281 = vector.shape_cast %scan3A_1057#22 : vector<1x128xf32> to vector<1x1x128xf32>
    tpu.vector_store %arg1[%swap3A_1276, %swap3A_1277, %swap3A_1278], %swap3A_1281 {strides = array<i32>} : memref<4x1x128xf32, #tpu.memory_space<vmem>>, vector<1x1x128xf32>,
    %swap3A_1282 = arith.constant 2 : index
    %swap3A_1283 = arith.constant 0 : index
    %swap3A_1284 = arith.constant 0 : index
    %swap3A_1285 = vector.load %arg2[%swap3A_1282, %swap3A_1283, %swap3A_1284] : memref<4x1x128xi32, #tpu.memory_space<vmem>>, vector<1x1x128xi32>
    %swap3A_1286 = vector.shape_cast %swap3A_1285 : vector<1x1x128xi32> to vector<1x128xi32>
    %swap3A_1287 = vector.shape_cast %scan3A_1057#23 : vector<1x128xi32> to vector<1x1x128xi32>
    tpu.vector_store %arg2[%swap3A_1282, %swap3A_1283, %swap3A_1284], %swap3A_1287 {strides = array<i32>} : memref<4x1x128xi32, #tpu.memory_space<vmem>>, vector<1x1x128xi32>,
    %jit3A_1288 = arith.constant 122880 : i32
    %eq3A_1289 = arith.constant 0 : i32
    %eq3A_1290 = arith.cmpi eq, %jit3A_1288, %eq3A_1289 : i32
    %jit3A_1291 = arith.constant 1 : i32
    %select_n3A_1292 = arith.select %eq3A_1290, %jit3A_1291, %jit3A_1288 : i32
    %rem3A_1293 = vector.broadcast %select_n3A_1292 : i32 to vector<1x128xi32>
    %rem3A_1294 = arith.remsi %scan3A_1057#23, %rem3A_1293 : vector<1x128xi32>
    %ne3A_1295 = arith.constant 0 : i32
    %ne3A_1296 = vector.broadcast %ne3A_1295 : i32 to vector<1x128xi32>
    %ne3A_1297 = arith.cmpi ne, %rem3A_1294, %ne3A_1296 : vector<1x128xi32>
    %lt3A_1298 = arith.constant 0 : i32
    %lt3A_1299 = vector.broadcast %lt3A_1298 : i32 to vector<1x128xi32>
    %lt3A_1300 = arith.cmpi slt, %rem3A_1294, %lt3A_1299 : vector<1x128xi32>
    %lt3A_1301 = arith.constant 0 : i32
    %lt3A_1302 = arith.cmpi slt, %select_n3A_1292, %lt3A_1301 : i32
    %ne3A_1303 = vector.broadcast %lt3A_1302 : i1 to vector<1x128xi1>
    %ne3A_1304 = vector.broadcast %ne3A_1303 : vector<1x128xi1> to vector<1x128xi1>
    %ne3A_1305 = arith.xori %lt3A_1300, %ne3A_1304 : vector<1x128xi1>
    %and3A_1306 = arith.andi %ne3A_1305, %ne3A_1297 : vector<1x128xi1>
    %add3A_1307 = vector.broadcast %select_n3A_1292 : i32 to vector<1x128xi32>
    %add3A_1308 = arith.addi %rem3A_1294, %add3A_1307 : vector<1x128xi32>
    %select_n3A_1309 = arith.select %and3A_1306, %add3A_1308, %rem3A_1294 : vector<1x128xi1>, vector<1x128xi32>
    %jit3A_1310 = arith.constant 640 : i32
    %div3A_1311 = vector.broadcast %jit3A_1310 : i32 to vector<1x128xi32>
    %div3A_1312 = arith.divsi %select_n3A_1309, %div3A_1311 : vector<1x128xi32>
    %sign3A_1313 = arith.constant 0 : i32
    %sign3A_1314 = vector.broadcast %sign3A_1313 : i32 to vector<1x128xi32>
    %sign3A_1315 = arith.cmpi sgt, %select_n3A_1309, %sign3A_1314 : vector<1x128xi32>
    %sign3A_1316 = arith.extui %sign3A_1315 : vector<1x128xi1> to vector<1x128xi32>
    %sign3A_1317 = arith.constant 0 : i32
    %sign3A_1318 = vector.broadcast %sign3A_1317 : i32 to vector<1x128xi32>
    %sign3A_1319 = arith.cmpi slt, %select_n3A_1309, %sign3A_1318 : vector<1x128xi32>
    %sign3A_1320 = arith.extui %sign3A_1319 : vector<1x128xi1> to vector<1x128xi32>
    %sign3A_1321 = arith.subi %sign3A_1316, %sign3A_1320 : vector<1x128xi32>
    %sign3A_1322 = arith.constant 0 : i32
    %sign3A_1323 = arith.cmpi sgt, %jit3A_1310, %sign3A_1322 : i32
    %sign3A_1324 = arith.extui %sign3A_1323 : i1 to i32
    %sign3A_1325 = arith.constant 0 : i32
    %sign3A_1326 = arith.cmpi slt, %jit3A_1310, %sign3A_1325 : i32
    %sign3A_1327 = arith.extui %sign3A_1326 : i1 to i32
    %sign3A_1328 = arith.subi %sign3A_1324, %sign3A_1327 : i32
    %ne3A_1329 = vector.broadcast %sign3A_1328 : i32 to vector<1x128xi32>
    %ne3A_1330 = arith.cmpi ne, %sign3A_1321, %ne3A_1329 : vector<1x128xi32>
    %rem3A_1331 = vector.broadcast %jit3A_1310 : i32 to vector<1x128xi32>
    %rem3A_1332 = arith.remsi %select_n3A_1309, %rem3A_1331 : vector<1x128xi32>
    %ne3A_1333 = arith.constant 0 : i32
    %ne3A_1334 = vector.broadcast %ne3A_1333 : i32 to vector<1x128xi32>
    %ne3A_1335 = arith.cmpi ne, %rem3A_1332, %ne3A_1334 : vector<1x128xi32>
    %and3A_1336 = arith.andi %ne3A_1330, %ne3A_1335 : vector<1x128xi1>
    %sub3A_1337 = arith.constant 1 : i32
    %sub3A_1338 = vector.broadcast %sub3A_1337 : i32 to vector<1x128xi32>
    %sub3A_1339 = arith.subi %div3A_1312, %sub3A_1338 : vector<1x128xi32>
    %select_n3A_1340 = arith.select %and3A_1336, %sub3A_1339, %div3A_1312 : vector<1x128xi1>, vector<1x128xi32>
    %jit3A_1341 = arith.constant 640 : i32
    %eq3A_1342 = arith.constant 0 : i32
    %eq3A_1343 = arith.cmpi eq, %jit3A_1341, %eq3A_1342 : i32
    %jit3A_1344 = arith.constant 1 : i32
    %select_n3A_1345 = arith.select %eq3A_1343, %jit3A_1344, %jit3A_1341 : i32
    %rem3A_1346 = vector.broadcast %select_n3A_1345 : i32 to vector<1x128xi32>
    %rem3A_1347 = arith.remsi %select_n3A_1309, %rem3A_1346 : vector<1x128xi32>
    %ne3A_1348 = arith.constant 0 : i32
    %ne3A_1349 = vector.broadcast %ne3A_1348 : i32 to vector<1x128xi32>
    %ne3A_1350 = arith.cmpi ne, %rem3A_1347, %ne3A_1349 : vector<1x128xi32>
    %lt3A_1351 = arith.constant 0 : i32
    %lt3A_1352 = vector.broadcast %lt3A_1351 : i32 to vector<1x128xi32>
    %lt3A_1353 = arith.cmpi slt, %rem3A_1347, %lt3A_1352 : vector<1x128xi32>
    %lt3A_1354 = arith.constant 0 : i32
    %lt3A_1355 = arith.cmpi slt, %select_n3A_1345, %lt3A_1354 : i32
    %ne3A_1356 = vector.broadcast %lt3A_1355 : i1 to vector<1x128xi1>
    %ne3A_1357 = vector.broadcast %ne3A_1356 : vector<1x128xi1> to vector<1x128xi1>
    %ne3A_1358 = arith.xori %lt3A_1353, %ne3A_1357 : vector<1x128xi1>
    %and3A_1359 = arith.andi %ne3A_1358, %ne3A_1350 : vector<1x128xi1>
    %add3A_1360 = vector.broadcast %select_n3A_1345 : i32 to vector<1x128xi32>
    %add3A_1361 = arith.addi %rem3A_1347, %add3A_1360 : vector<1x128xi32>
    %select_n3A_1362 = arith.select %and3A_1359, %add3A_1361, %rem3A_1347 : vector<1x128xi1>, vector<1x128xi32>
    %mul3A_1363 = arith.constant 192 : i32
    %mul3A_1364 = vector.broadcast %mul3A_1363 : i32 to vector<50x128xi32>
    %mul3A_1365 = arith.muli %iota3A_1059, %mul3A_1364 : vector<50x128xi32>
    %add3A_1366 = vector.broadcast %select_n3A_1340 : vector<1x128xi32> to vector<50x128xi32>
    %add3A_1367 = arith.addi %add3A_1366, %mul3A_1365 : vector<50x128xi32>
    %add3A_1368 = arith.constant 19200 : i32
    %add3A_1369 = vector.broadcast %add3A_1368 : i32 to vector<50x128xi32>
    %add3A_1370 = arith.addi %add3A_1367, %add3A_1369 : vector<50x128xi32>
    %swap3A_1371 = arith.constant 0 : index
    %swap3A_1372 = arith.constant 2 : index
    %swap3A_1373 = arith.constant 0 : index
    %swap3A_1374 = arith.constant 0 : index
    %swap3A_1375 = vector.load %arg3[%swap3A_1371, %swap3A_1372, %swap3A_1373, %swap3A_1374] : memref<2x4x50x128xi32, #tpu.memory_space<vmem>>, vector<1x1x50x128xi32>
    %swap3A_1376 = vector.shape_cast %swap3A_1375 : vector<1x1x50x128xi32> to vector<50x128xi32>
    %swap3A_1377 = vector.shape_cast %add3A_1370 : vector<50x128xi32> to vector<1x1x50x128xi32>
    tpu.vector_store %arg3[%swap3A_1371, %swap3A_1372, %swap3A_1373, %swap3A_1374], %swap3A_1377 {strides = array<i32>} : memref<2x4x50x128xi32, #tpu.memory_space<vmem>>, vector<1x1x50x128xi32>,
    %broadcast_in_dim3A_1378 = vector.shape_cast %select_n3A_1362 : vector<1x128xi32> to vector<1x128xi32>
    %broadcast_in_dim3A_1379 = vector.broadcast %broadcast_in_dim3A_1378 : vector<1x128xi32> to vector<50x128xi32>
    %swap3A_1380 = arith.constant 1 : index
    %swap3A_1381 = arith.constant 2 : index
    %swap3A_1382 = arith.constant 0 : index
    %swap3A_1383 = arith.constant 0 : index
    %swap3A_1384 = vector.load %arg3[%swap3A_1380, %swap3A_1381, %swap3A_1382, %swap3A_1383] : memref<2x4x50x128xi32, #tpu.memory_space<vmem>>, vector<1x1x50x128xi32>
    %swap3A_1385 = vector.shape_cast %swap3A_1384 : vector<1x1x50x128xi32> to vector<50x128xi32>
    %swap3A_1386 = vector.shape_cast %broadcast_in_dim3A_1379 : vector<50x128xi32> to vector<1x1x50x128xi32>
    tpu.vector_store %arg3[%swap3A_1380, %swap3A_1381, %swap3A_1382, %swap3A_1383], %swap3A_1386 {strides = array<i32>} : memref<2x4x50x128xi32, #tpu.memory_space<vmem>>, vector<1x1x50x128xi32>,
    %swap3A_1387 = arith.constant 3 : index
    %swap3A_1388 = arith.constant 0 : index
    %swap3A_1389 = arith.constant 0 : index
    %swap3A_1390 = vector.load %arg1[%swap3A_1387, %swap3A_1388, %swap3A_1389] : memref<4x1x128xf32, #tpu.memory_space<vmem>>, vector<1x1x128xf32>
    %swap3A_1391 = vector.shape_cast %swap3A_1390 : vector<1x1x128xf32> to vector<1x128xf32>
    %swap3A_1392 = vector.shape_cast %scan3A_1057#30 : vector<1x128xf32> to vector<1x1x128xf32>
    tpu.vector_store %arg1[%swap3A_1387, %swap3A_1388, %swap3A_1389], %swap3A_1392 {strides = array<i32>} : memref<4x1x128xf32, #tpu.memory_space<vmem>>, vector<1x1x128xf32>,
    %swap3A_1393 = arith.constant 3 : index
    %swap3A_1394 = arith.constant 0 : index
    %swap3A_1395 = arith.constant 0 : index
    %swap3A_1396 = vector.load %arg2[%swap3A_1393, %swap3A_1394, %swap3A_1395] : memref<4x1x128xi32, #tpu.memory_space<vmem>>, vector<1x1x128xi32>
    %swap3A_1397 = vector.shape_cast %swap3A_1396 : vector<1x1x128xi32> to vector<1x128xi32>
    %swap3A_1398 = vector.shape_cast %scan3A_1057#31 : vector<1x128xi32> to vector<1x1x128xi32>
    tpu.vector_store %arg2[%swap3A_1393, %swap3A_1394, %swap3A_1395], %swap3A_1398 {strides = array<i32>} : memref<4x1x128xi32, #tpu.memory_space<vmem>>, vector<1x1x128xi32>,
    %jit3A_1399 = arith.constant 122880 : i32
    %eq3A_1400 = arith.constant 0 : i32
    %eq3A_1401 = arith.cmpi eq, %jit3A_1399, %eq3A_1400 : i32
    %jit3A_1402 = arith.constant 1 : i32
    %select_n3A_1403 = arith.select %eq3A_1401, %jit3A_1402, %jit3A_1399 : i32
    %rem3A_1404 = vector.broadcast %select_n3A_1403 : i32 to vector<1x128xi32>
    %rem3A_1405 = arith.remsi %scan3A_1057#31, %rem3A_1404 : vector<1x128xi32>
    %ne3A_1406 = arith.constant 0 : i32
    %ne3A_1407 = vector.broadcast %ne3A_1406 : i32 to vector<1x128xi32>
    %ne3A_1408 = arith.cmpi ne, %rem3A_1405, %ne3A_1407 : vector<1x128xi32>
    %lt3A_1409 = arith.constant 0 : i32
    %lt3A_1410 = vector.broadcast %lt3A_1409 : i32 to vector<1x128xi32>
    %lt3A_1411 = arith.cmpi slt, %rem3A_1405, %lt3A_1410 : vector<1x128xi32>
    %lt3A_1412 = arith.constant 0 : i32
    %lt3A_1413 = arith.cmpi slt, %select_n3A_1403, %lt3A_1412 : i32
    %ne3A_1414 = vector.broadcast %lt3A_1413 : i1 to vector<1x128xi1>
    %ne3A_1415 = vector.broadcast %ne3A_1414 : vector<1x128xi1> to vector<1x128xi1>
    %ne3A_1416 = arith.xori %lt3A_1411, %ne3A_1415 : vector<1x128xi1>
    %and3A_1417 = arith.andi %ne3A_1416, %ne3A_1408 : vector<1x128xi1>
    %add3A_1418 = vector.broadcast %select_n3A_1403 : i32 to vector<1x128xi32>
    %add3A_1419 = arith.addi %rem3A_1405, %add3A_1418 : vector<1x128xi32>
    %select_n3A_1420 = arith.select %and3A_1417, %add3A_1419, %rem3A_1405 : vector<1x128xi1>, vector<1x128xi32>
    %jit3A_1421 = arith.constant 640 : i32
    %div3A_1422 = vector.broadcast %jit3A_1421 : i32 to vector<1x128xi32>
    %div3A_1423 = arith.divsi %select_n3A_1420, %div3A_1422 : vector<1x128xi32>
    %sign3A_1424 = arith.constant 0 : i32
    %sign3A_1425 = vector.broadcast %sign3A_1424 : i32 to vector<1x128xi32>
    %sign3A_1426 = arith.cmpi sgt, %select_n3A_1420, %sign3A_1425 : vector<1x128xi32>
    %sign3A_1427 = arith.extui %sign3A_1426 : vector<1x128xi1> to vector<1x128xi32>
    %sign3A_1428 = arith.constant 0 : i32
    %sign3A_1429 = vector.broadcast %sign3A_1428 : i32 to vector<1x128xi32>
    %sign3A_1430 = arith.cmpi slt, %select_n3A_1420, %sign3A_1429 : vector<1x128xi32>
    %sign3A_1431 = arith.extui %sign3A_1430 : vector<1x128xi1> to vector<1x128xi32>
    %sign3A_1432 = arith.subi %sign3A_1427, %sign3A_1431 : vector<1x128xi32>
    %sign3A_1433 = arith.constant 0 : i32
    %sign3A_1434 = arith.cmpi sgt, %jit3A_1421, %sign3A_1433 : i32
    %sign3A_1435 = arith.extui %sign3A_1434 : i1 to i32
    %sign3A_1436 = arith.constant 0 : i32
    %sign3A_1437 = arith.cmpi slt, %jit3A_1421, %sign3A_1436 : i32
    %sign3A_1438 = arith.extui %sign3A_1437 : i1 to i32
    %sign3A_1439 = arith.subi %sign3A_1435, %sign3A_1438 : i32
    %ne3A_1440 = vector.broadcast %sign3A_1439 : i32 to vector<1x128xi32>
    %ne3A_1441 = arith.cmpi ne, %sign3A_1432, %ne3A_1440 : vector<1x128xi32>
    %rem3A_1442 = vector.broadcast %jit3A_1421 : i32 to vector<1x128xi32>
    %rem3A_1443 = arith.remsi %select_n3A_1420, %rem3A_1442 : vector<1x128xi32>
    %ne3A_1444 = arith.constant 0 : i32
    %ne3A_1445 = vector.broadcast %ne3A_1444 : i32 to vector<1x128xi32>
    %ne3A_1446 = arith.cmpi ne, %rem3A_1443, %ne3A_1445 : vector<1x128xi32>
    %and3A_1447 = arith.andi %ne3A_1441, %ne3A_1446 : vector<1x128xi1>
    %sub3A_1448 = arith.constant 1 : i32
    %sub3A_1449 = vector.broadcast %sub3A_1448 : i32 to vector<1x128xi32>
    %sub3A_1450 = arith.subi %div3A_1423, %sub3A_1449 : vector<1x128xi32>
    %select_n3A_1451 = arith.select %and3A_1447, %sub3A_1450, %div3A_1423 : vector<1x128xi1>, vector<1x128xi32>
    %jit3A_1452 = arith.constant 640 : i32
    %eq3A_1453 = arith.constant 0 : i32
    %eq3A_1454 = arith.cmpi eq, %jit3A_1452, %eq3A_1453 : i32
    %jit3A_1455 = arith.constant 1 : i32
    %select_n3A_1456 = arith.select %eq3A_1454, %jit3A_1455, %jit3A_1452 : i32
    %rem3A_1457 = vector.broadcast %select_n3A_1456 : i32 to vector<1x128xi32>
    %rem3A_1458 = arith.remsi %select_n3A_1420, %rem3A_1457 : vector<1x128xi32>
    %ne3A_1459 = arith.constant 0 : i32
    %ne3A_1460 = vector.broadcast %ne3A_1459 : i32 to vector<1x128xi32>
    %ne3A_1461 = arith.cmpi ne, %rem3A_1458, %ne3A_1460 : vector<1x128xi32>
    %lt3A_1462 = arith.constant 0 : i32
    %lt3A_1463 = vector.broadcast %lt3A_1462 : i32 to vector<1x128xi32>
    %lt3A_1464 = arith.cmpi slt, %rem3A_1458, %lt3A_1463 : vector<1x128xi32>
    %lt3A_1465 = arith.constant 0 : i32
    %lt3A_1466 = arith.cmpi slt, %select_n3A_1456, %lt3A_1465 : i32
    %ne3A_1467 = vector.broadcast %lt3A_1466 : i1 to vector<1x128xi1>
    %ne3A_1468 = vector.broadcast %ne3A_1467 : vector<1x128xi1> to vector<1x128xi1>
    %ne3A_1469 = arith.xori %lt3A_1464, %ne3A_1468 : vector<1x128xi1>
    %and3A_1470 = arith.andi %ne3A_1469, %ne3A_1461 : vector<1x128xi1>
    %add3A_1471 = vector.broadcast %select_n3A_1456 : i32 to vector<1x128xi32>
    %add3A_1472 = arith.addi %rem3A_1458, %add3A_1471 : vector<1x128xi32>
    %select_n3A_1473 = arith.select %and3A_1470, %add3A_1472, %rem3A_1458 : vector<1x128xi1>, vector<1x128xi32>
    %mul3A_1474 = arith.constant 192 : i32
    %mul3A_1475 = vector.broadcast %mul3A_1474 : i32 to vector<50x128xi32>
    %mul3A_1476 = arith.muli %iota3A_1059, %mul3A_1475 : vector<50x128xi32>
    %add3A_1477 = vector.broadcast %select_n3A_1451 : vector<1x128xi32> to vector<50x128xi32>
    %add3A_1478 = arith.addi %add3A_1477, %mul3A_1476 : vector<50x128xi32>
    %add3A_1479 = arith.constant 28800 : i32
    %add3A_1480 = vector.broadcast %add3A_1479 : i32 to vector<50x128xi32>
    %add3A_1481 = arith.addi %add3A_1478, %add3A_1480 : vector<50x128xi32>
    %swap3A_1482 = arith.constant 0 : index
    %swap3A_1483 = arith.constant 3 : index
    %swap3A_1484 = arith.constant 0 : index
    %swap3A_1485 = arith.constant 0 : index
    %swap3A_1486 = vector.load %arg3[%swap3A_1482, %swap3A_1483, %swap3A_1484, %swap3A_1485] : memref<2x4x50x128xi32, #tpu.memory_space<vmem>>, vector<1x1x50x128xi32>
    %swap3A_1487 = vector.shape_cast %swap3A_1486 : vector<1x1x50x128xi32> to vector<50x128xi32>
    %swap3A_1488 = vector.shape_cast %add3A_1481 : vector<50x128xi32> to vector<1x1x50x128xi32>
    tpu.vector_store %arg3[%swap3A_1482, %swap3A_1483, %swap3A_1484, %swap3A_1485], %swap3A_1488 {strides = array<i32>} : memref<2x4x50x128xi32, #tpu.memory_space<vmem>>, vector<1x1x50x128xi32>,
    %broadcast_in_dim3A_1489 = vector.shape_cast %select_n3A_1473 : vector<1x128xi32> to vector<1x128xi32>
    %broadcast_in_dim3A_1490 = vector.broadcast %broadcast_in_dim3A_1489 : vector<1x128xi32> to vector<50x128xi32>
    %swap3A_1491 = arith.constant 1 : index
    %swap3A_1492 = arith.constant 3 : index
    %swap3A_1493 = arith.constant 0 : index
    %swap3A_1494 = arith.constant 0 : index
    %swap3A_1495 = vector.load %arg3[%swap3A_1491, %swap3A_1492, %swap3A_1493, %swap3A_1494] : memref<2x4x50x128xi32, #tpu.memory_space<vmem>>, vector<1x1x50x128xi32>
    %swap3A_1496 = vector.shape_cast %swap3A_1495 : vector<1x1x50x128xi32> to vector<50x128xi32>
    %swap3A_1497 = vector.shape_cast %broadcast_in_dim3A_1490 : vector<50x128xi32> to vector<1x1x50x128xi32>
    tpu.vector_store %arg3[%swap3A_1491, %swap3A_1492, %swap3A_1493, %swap3A_1494], %swap3A_1497 {strides = array<i32>} : memref<2x4x50x128xi32, #tpu.memory_space<vmem>>, vector<1x1x50x128xi32>,
    return
  }
}

</mosaic_0001>

<sc_bundles>
// kernel: kernel.5.cloned.1.call-start
scs
__scs_entry_jumppad:
0x0: {  	(pc) =	sbr.rel $0x88, $3  }
0x1: {  	(tag) =	ssettag $0x0;
	lr =	simm.s32 $0x1  }
0x2: {  	[smem:$0x3F9F] =	sst lr;
	_ =	strace $0xD0000000  }
0x3: {  	_ = 	snop  }
0x4: {  	_ = 	snop  }
0x5: {  	_ = 	snop  }
0x6: {  	_ = 	snop  }
0x7: {  	_ = 	snop  }
__scs_overlays_trampoline_lowered:
0x8: {  	[smem:$0x3FAE] =	sst s0  }
0x9: {  	[smem:$0x3FAF] =	sst s1  }
0xa: {  	[smem:$0x3FB0] =	sst s2  }
0xb: {  	[smem:$0x3FB1] =	sst s3  }
0xc: {  	[smem:$0x3FB2] =	sst s4  }
0xd: {  	[smem:$0x3FB3] =	sst s5  }
0xe: {  	[smem:$0x3FB4] =	sst s6  }
0xf: {  	[smem:$0x3FB5] =	sst s7  }
0x10: {  	[smem:$0x3FB6] =	sst s8  }
0x11: {  	[smem:$0x3FB7] =	sst s9;
	s0 =	simm.s32 @!p0 $0x0  }
0x12: {  	s1 =	sld [smem:$0x3F9D];
	s0 =	simm.s32 @p0 $0x1  }
0x13: {  	[smem:$0x3FB8] =	sst s0;
	s0 =	simm.s32 @!p1 $0x0  }
0x14: {  	s2 =	sld [smem:$0x3F9C];
	s0 =	simm.s32 @p1 $0x1  }
0x15: {  	[smem:$0x3FB9] =	sst s0;
	s0 =	simm.s32 @!p2 $0x0  }
0x16: {  	s3 =	sld [smem:$0x3FDB];
	s0 =	simm.s32 @p2 $0x1  }
0x17: {  	s4 =	simm.s32 $0x1BF5;
	[smem:$0x3FBB] =	sst s0  }
0x18: {  	s0 =	sld [smem:$0x3F9E];
	_ =	swait.ge [sflag:s4], $0x0  }
0x19: {  	s7 =	sld [smem:$0x3F9F]  }
0x1a: {  	s8 =	sadd.s32 $0xFFFFE003, lr  }
0x1b: {  	s9 =	sadd.s32 $0xFFFFFEF7, lr;
	s5 =	simm.s32 $0xFFFFFFFF;
	p2 =	slt.u32 s8, $0xFFFFF086  }
0x1c: {  	p1 =	slt.u32 s9, $0xF7A;
	s5 =	simm.s32 @!p2 $0x0  }
0x1d: {  	s5 =	simm.s32 @p1 $0x1;
	p0 =	seq.s32 s7, s2  }
0x1e: {  	s7 =	smul.u32 @!p0 $0xF7A, s2;
	p2 =	seq.s32 @!p0 s5, $0x0  }
0x1f: {  	s9 =	smul.u32 $0xF7A, s1;
	s8 =	simm.s32 @!p0 $0x1BF5;
	p2 =	por !p2, p0  }
0x20: {  	[sflag:s8] =	ssyncset.s32 @!p0 $0xFFFFF086;
	s6 =	sadd.s32 @!p0 s3, s7;
	s7 =	simm.s32 @!p0 $0x108  }
0x21: {  	s3 =	sadd.s32 s3, s9;
	s6 =	sadd.s32 @!p0 $0x88, s6;
	s7 =	simm.s32 @p2 $0x1082  }
0x22: {  	[simem:s7], [sflag:s8] =	dma.local @!p0 [hbm:s6], $0xF7A  }
0x23: {  	s9 =	sor.u32 $0xD0000000, s2;
	s6 =	simm.s32 $0x108;
	_ =	swait.ge @!p0 [sflag:s8], $0x0  }
0x24: {  	s3 =	sadd.s32 $0x88, s3;
	s6 =	simm.s32 @!p1 $0x1082;
	[sflag:s4] =	ssyncset.s32 $0xFFFFF086  }
0x25: {  	[simem:s6], [sflag:s4] =	dma.local [hbm:s3], $0xF7A  }
0x26: {  	[smem:$0x3F9F] =	sst s1;
	(tag) =	ssettag s2;
	_ =	strace s9  }
0x27: {  	s1 =	sld [smem:$0x3FAF]  }
0x28: {  	s2 =	sld [smem:$0x3FB0]  }
0x29: {  	s4 =	sld [smem:$0x3FB2]  }
0x2a: {  	p0 =	seq.s32 s5, $0x0;
	s5 =	sld [smem:$0x3FB3]  }
0x2b: {  	s6 =	sld [smem:$0x3FB4]  }
0x2c: {  	s7 =	sld [smem:$0x3FB5]  }
0x2d: {  	s3 =	simm.s32 $0x108;
	s8 =	sld [smem:$0x3FB6]  }
0x2e: {  	s3 =	simm.s32 @!p0 $0x1082;
	s9 =	sld [smem:$0x3FB7]  }
0x2f: {  	lr =	sadd.s32 s0, s3;
	s0 =	sld [smem:$0x3FAE]  }
0x30: {  	s3 =	sld [smem:$0x3FB1]  }
0x31: {  	[smem:$0x3FBA] =	sst s10  }
0x32: {  	s10 =	sld [smem:$0x3FB8];
	_ =	sdelay $0x3  }
0x33: {  	p0 =	seq.s32 s10, $0x1;
	s10 =	sld [smem:$0x3FBA];
	_ =	sdelay $0x3  }
0x34: {  	[smem:$0x3FBA] =	sst s10  }
0x35: {  	s10 =	sld [smem:$0x3FB9];
	_ =	sdelay $0x3  }
0x36: {  	p1 =	seq.s32 s10, $0x1;
	s10 =	sld [smem:$0x3FBA];
	_ =	sdelay $0x3  }
0x37: {  	[smem:$0x3FBA] =	sst s10  }
0x38: {  	s10 =	sld [smem:$0x3FBB]  }
0x39: {  	_ = 	snop;
	(pc) =	sbr.ind lr, $3  }
0x3a: {  	_ = 	snop  }
0x3b: {  	_ = 	snop  }
0x3c: {  	p2 =	seq.s32 s10, $0x1;
	s10 =	sld [smem:$0x3FBA]  }
0x3d: {  	_ =	shalt  }
0x3e: {  	_ =	shalt  }
0x3f: {  	_ =	shalt  }
0x40: {  	_ =	shalt  }
0x41: {  	_ =	shalt  }
0x42: {  	_ =	shalt  }
0x43: {  	_ =	shalt  }
0x44: {  	_ =	shalt  }
0x45: {  	_ =	shalt  }
0x46: {  	_ =	shalt  }
0x47: {  	_ =	shalt  }
0x48: {  	_ =	shalt  }
0x49: {  	_ =	shalt  }
0x4a: {  	_ =	shalt  }
0x4b: {  	_ =	shalt  }
0x4c: {  	_ =	shalt  }
0x4d: {  	_ =	shalt  }
0x4e: {  	_ =	shalt  }
0x4f: {  	_ =	shalt  }
0x50: {  	_ =	shalt  }
0x51: {  	_ =	shalt  }
0x52: {  	_ =	shalt  }
0x53: {  	_ =	shalt  }
0x54: {  	_ =	shalt  }
0x55: {  	_ =	shalt  }
0x56: {  	_ =	shalt  }
0x57: {  	_ =	shalt  }
0x58: {  	_ =	shalt  }
0x59: {  	_ =	shalt  }
0x5a: {  	_ =	shalt  }
0x5b: {  	_ =	shalt  }
0x5c: {  	_ =	shalt  }
0x5d: {  	_ =	shalt  }
0x5e: {  	_ =	shalt  }
0x5f: {  	_ =	shalt  }
0x60: {  	_ =	shalt  }
0x61: {  	_ =	shalt  }
0x62: {  	_ =	shalt  }
0x63: {  	_ =	shalt  }
0x64: {  	_ =	shalt  }
0x65: {  	_ =	shalt  }
0x66: {  	_ =	shalt  }
0x67: {  	_ =	shalt  }
0x68: {  	_ =	shalt  }
0x69: {  	_ =	shalt  }
0x6a: {  	_ =	shalt  }
0x6b: {  	_ =	shalt  }
0x6c: {  	_ =	shalt  }
0x6d: {  	_ =	shalt  }
0x6e: {  	_ =	shalt  }
0x6f: {  	_ =	shalt  }
0x70: {  	_ =	shalt  }
0x71: {  	_ =	shalt  }
0x72: {  	_ =	shalt  }
0x73: {  	_ =	shalt  }
0x74: {  	_ =	shalt  }
0x75: {  	_ =	shalt  }
0x76: {  	_ =	shalt  }
0x77: {  	_ =	shalt  }
0x78: {  	_ =	shalt  }
0x79: {  	_ =	shalt  }
0x7a: {  	_ =	shalt  }
0x7b: {  	_ =	shalt  }
0x7c: {  	_ =	shalt  }
0x7d: {  	_ =	shalt  }
0x7e: {  	_ =	shalt  }
0x7f: {  	_ =	shalt  }
0x80: {  	_ =	shalt  }
0x81: {  	_ =	shalt  }
0x82: {  	_ =	shalt  }
0x83: {  	_ =	shalt  }
0x84: {  	_ =	shalt  }
0x85: {  	_ =	shalt  }
0x86: {  	_ =	shalt  }
0x87: {  	_ =	shalt  }
.Lfunc_end0:
.L_simem_size_0:
called_computation_lowered:
.L_overlay_start_0:
0x88: {  	s2 =	sld [smem:$0x3FD9]  }
0x89: {  	s3 =	sld [smem:$0x3FFE];
	_ =	sdelay $0x1  }
0x8a: {  	s1 =	srdreg.scid  }
0x8b: {  	s0 =	sand.u32 $0x1, s1  }
0x8c: {  	s17 =	sshll.u32 s0, $0xA;
	s2 =	sadd.s32 s3, s2  }
0x8d: {  	s2 =	sadd.s32 s2, s17  }
0x8e: {  	[smem:$0x3FC6] =	sst s2  }
0x8f: {  	_ = 	snop  }
0x90: {  	s2 =	sld [smem:$0x3FC8];
	(tm) =	ssettm $0x1  }
0x91: {  	s18 =	sld [smem:$0x3FFB];
	_ =	sdelay $0x3  }
0x92: {  	_ =	strace s18  }
0x93: {  	s3 =	sld [smem:$0x3FFC];
	_ =	sdelay $0x3  }
0x94: {  	_ =	strace s3  }
0x95: {  	s3 =	sld [smem:$0x3FFD];
	_ =	sdelay $0x3  }
0x96: {  	_ =	strace s3  }
0x97: {  	_ =	strace $0x8FFFFFFF  }
0x98: {  	s19 =	sld [smem:$0x3FDB];
	_ =	sdelay $0x1  }
0x99: {  	s4 =	simm.s32 $_scs_section_size  }
0x9a: {  	s5 =	simm.s32 $_size__tile_overlayer_lowered;
	s6 =	simm.s32 $_tile_overlayer_lowered  }
0x9b: {  	s22 =	simm.s32 $0x1BFF;
	s21 =	sshll.u32 s6, $0x1;
	s3 =	sadd.s32 s4, s19  }
0x9c: {  	s7 =	simm.s32 $0x0;
	s20 =	sshll.u32 s5, $0x1;
	s5 =	sadd.s32 s21, s3  }
0x9d: {  	[timem:s7], [sflag:s22] =	dma.local [hbm:s5], s20  }
0x9e: {  	_ =	swait.ge [sflag:s22], s20  }
0x9f: {  	s4 =	ssub.s32 $0x0, s20;
	[sflag:s22] =	ssyncset.done $0x0  }
0xa0: {  	[sflag:s22] =	ssyncadd.s32 s4;
	_ =	sdelay $0x1  }
0xa1: {  	s23 =	simm.s32 $0x1B8B  }
0xa2: {  	_ =	swait.ge [sflag:s23], $0x1  }
0xa3: {  	[sflag:s23] =	ssyncset.done $0x0  }
0xa4: {  	s25 =	simm.s32 $0x1B8E;
	s24 =	sld [smem:$0x3FFE];
	[sflag:s23] =	ssyncadd.s32 $0xFFFFFFFF  }
0xa5: {  	s26 =	simm.s32 $execute0_lowered;
	[smem:$0x3FD2] =	sst s25  }
0xa6: {  	s5 =	sshll.u32 s26, $0x1;
	_ =	strace $0x80000046;
	[dreg:$0x1] =	wrdreg $0xFFFFFFFF  }
0xa7: {  	s28 =	simm.s32 $_size_execute0_lowered;
	s3 =	sadd.s32 s3, s5;
	[dreg:$0x0] =	wrdreg $0x0  }
0xa8: {  	s5 =	sshll.u32 s28, $0x1;
	[dreg:$0x2] =	wrdreg s3  }
0xa9: {  	[dreg:$0x3] =	wrdreg s5  }
0xaa: {  	[dreg:$0x4] =	wrdreg $0xC0  }
0xab: {  	_ =	task [dreg:s7], $0x5FFFF  }
0xac: {  	[dreg:$0x1] =	wrdreg $0xFFFFFFFF  }
0xad: {  	[dreg:$0x0] =	wrdreg $0x60  }
0xae: {  	[dreg:$0x2] =	wrdreg s2  }
0xaf: {  	[dreg:$0x3] =	wrdreg s24  }
0xb0: {  	[dreg:$0x4] =	wrdreg $0x9  }
0xb1: {  	_ =	task.clear_ibuf [dreg:s7], $0x5FFFF;
	_ =	strace $0x90000046  }
0xb2: {  	s29 =	simm.s32 $0x9;
	_ =	strace $0x80000048  }
0xb3: {  	_ =	swait.ge [sflag:s29], $0x1  }
0xb4: {  	[sflag:s29] =	ssyncadd.s32 $0xFFFFFFFF  }
0xb5: {  	_ =	strace $0x90000048  }
0xb6: {  	_ =	sfence  }
0xb7: {  	s30 =	sld [smem:$0x0];
	_ =	sdelay $0x2  }
0xb8: {  	s31 =	sshll.u32 s1, $0xD;
	s1 =	sshrl.u32 s1, $0x2  }
0xb9: {  	s3 =	sand.u32 $0x4000, s31;
	s1 =	sadd.s32 s1, s30  }
0xba: {  	s0 =	sor.u32 s3, s0;
	s1 =	sshll.u32 s1, $0x11  }
0xbb: {  	s0 =	sor.u32 s1, s0  }
0xbc: {  	s0 =	sadd.s32 $0x8F2B, s0  }
0xbd: {  	[sflag:s0] =	ssyncadd.remote.s32 $0x1  }
0xbe: {  	_ =	sfence.sel $0xFFFF  }
0xbf: {  	[dreg:$0x0] =	wrdreg $0xFFFFFFFF;
	(pc) =	sbr.abs _section_cstart, $3  }
0xc0: {  	[dreg:$0x1] =	wrdreg $0xFFFFFFFF  }
0xc1: {  	_ =	task.clear_ibuf [dreg:s7], $0x2FFFF;
	_ =	strace $0x9FFFFFFF  }
0xc2: {  	(tm) =	ssettm $0x7FFFFFFF  }
0xc3: {  	_ =	shalt  }
tec
execute0_lowered:
.L_overlay_start_1:
0x0: {  	(tag) =	ssettag $0x1  }
0x1: {  	v7 =	vlaneseq.u32;
	v2 =	vimm.s32 $0x1780;
	vm0 =	vcmask $0x300  }
0x2: {  	vm1 =	vcmask $0x704;
	v3 =	vimm.s32 $0x3F80;
	v4 =	vimm.s32 $0x6780  }
0x3: {  	v5 =	vimm.s32 $0x8F80;
	v6 =	vimm.s32 $0xB780;
	vm2 =	vcmask $0x3B38  }
0x4: {  	v0 =	vand.u32 $0x7, v7;
	v1 =	vshrl.u32 v7, $0x3;
	v2 =	vsel vm0, $0x0, v2  }
0x5: {  	v3 =	vsel vm0, $0x2800, v3;
	v4 =	vsel vm0, $0x5000, v4;
	v5 =	vsel vm0, $0x7800, v5  }
0x6: {  	v6 =	vsel vm0, $0xA000, v6;
	vm0 =	vcmask $0xB08;
	v7 =	vor.u32 $0x8, v7  }
0x7: {  	v1 =	vmul.u32 $0x8, v1;
	v2 =	vsel vm1, $0x80, v2;
	v3 =	vsel vm1, $0x2880, v3  }
0x8: {  	v4 =	vsel vm1, $0x5080, v4;
	v5 =	vsel vm1, $0x7880, v5;
	v6 =	vsel vm1, $0xA080, v6  }
0x9: {  	vm1 =	vcmask $0xF0C;
	v2 =	vsel vm0, $0x100, v2;
	v3 =	vsel vm0, $0x2900, v3  }
0xa: {  	v4 =	vsel vm0, $0x5100, v4;
	v5 =	vsel vm0, $0x7900, v5;
	v6 =	vsel vm0, $0xA100, v6  }
0xb: {  	vm0 =	vcmask $0x1310;
	v2 =	vsel vm1, $0x180, v2;
	v3 =	vsel vm1, $0x2980, v3  }
0xc: {  	v4 =	vsel vm1, $0x5180, v4;
	v5 =	vsel vm1, $0x7980, v5;
	v6 =	vsel vm1, $0xA180, v6  }
0xd: {  	vm1 =	vcmask $0x1714;
	v2 =	vsel vm0, $0x200, v2;
	v3 =	vsel vm0, $0x2A00, v3  }
0xe: {  	v4 =	vsel vm0, $0x5200, v4;
	v5 =	vsel vm0, $0x7A00, v5;
	v6 =	vsel vm0, $0xA200, v6  }
0xf: {  	s0 =	srdreg.scid;
	s1 =	stileid.u32;
	vm0 =	vcmask $0x1B18;
	v2 =	vsel vm1, $0x280, v2;
	v3 =	vsel vm1, $0x2A80, v3  }
0x10: {  	s0 =	sand.u32 $0x1, s0;
	s1 =	sshll.u32 s1, $0x1;
	v4 =	vsel vm1, $0x5280, v4;
	v5 =	vsel vm1, $0x7A80, v5;
	v6 =	vsel vm1, $0xA280, v6  }
0x11: {  	s2 =	sor.u32 s0, s1;
	vm1 =	vcmask $0x1F1C;
	v2 =	vsel vm0, $0x300, v2;
	v3 =	vsel vm0, $0x2B00, v3  }
0x12: {  	s4 =	rddreg [dreg:$0x1];
	s3 =	simm.s32 $0x0;
	s2 =	smul.u32 $0x320, s2;
	v4 =	vsel vm0, $0x5300, v4;
	v5 =	vsel vm0, $0x7B00, v5;
	v6 =	vsel vm0, $0xA300, v6  }
0x13: {  	s30 =	simm.s32 $0x80;
	[smem:$0x7FF] =	sst s3;
	vm0 =	vcmask $0x2320;
	v2 =	vsel vm1, $0x380, v2;
	v3 =	vsel vm1, $0x2B80, v3  }
0x14: {  	s31 =	simm.s32 $0xCC00;
	s1 =	rddreg [dreg:$0x0];
	s2 =	sshrl.u32 s2, $0x3;
	v4 =	vsel vm1, $0x5380, v4;
	v5 =	vsel vm1, $0x7B80, v5;
	v6 =	vsel vm1, $0xA380, v6  }
0x15: {  	_ =	strace $0x80000047;
	[dreg:$0xf] =	wrdreg s30;
	s2 =	sadd.s32 s2, s4;
	vm1 =	vcmask $0x2724;
	v2 =	vsel vm0, $0x1400, v2;
	v3 =	vsel vm0, $0x3C00, v3  }
0x16: {  	[dreg:$0x10] =	wrdreg s31;
	s4 =	sadd.s32 $0xA00, s2;
	v4 =	vsel vm0, $0x6400, v4;
	v5 =	vsel vm0, $0x8C00, v5;
	v6 =	vsel vm0, $0xB400, v6  }
0x17: {  	s19 =	sadd.s32 $0x1800, s2;
	[dreg:$0x3] =	wrdreg s4;
	vm0 =	vcmask $0x2B28;
	v2 =	vsel vm1, $0x1480, v2;
	v3 =	vsel vm1, $0x3C80, v3  }
0x18: {  	s20 =	sadd.s32 $0x180A, s2;
	[dreg:$0x4] =	wrdreg s19;
	v4 =	vsel vm1, $0x6480, v4;
	v5 =	vsel vm1, $0x8C80, v5;
	v6 =	vsel vm1, $0xB480, v6  }
0x19: {  	s21 =	sadd.s32 $0x1814, s2;
	[dreg:$0x5] =	wrdreg s20;
	vm1 =	vcmask $0x2F2C;
	v2 =	vsel vm0, $0x1500, v2;
	v3 =	vsel vm0, $0x3D00, v3  }
0x1a: {  	s22 =	sadd.s32 $0x181E, s2;
	[dreg:$0x6] =	wrdreg s21;
	v4 =	vsel vm0, $0x6500, v4;
	v5 =	vsel vm0, $0x8D00, v5;
	v6 =	vsel vm0, $0xB500, v6  }
0x1b: {  	s7 =	simm.s32 $0x2;
	s23 =	sadd.s32 $0x1828, s2;
	[dreg:$0x7] =	wrdreg s22;
	vm0 =	vcmask $0x3330;
	v2 =	vsel vm1, $0x1580, v2;
	v3 =	vsel vm1, $0x3D80, v3  }
0x1c: {  	s8 =	simm.s32 $0x400;
	s24 =	sadd.s32 $0x1832, s2;
	[dreg:$0x8] =	wrdreg s23;
	v4 =	vsel vm1, $0x6580, v4;
	v5 =	vsel vm1, $0x8D80, v5;
	v6 =	vsel vm1, $0xB580, v6  }
0x1d: {  	s14 =	simm.s32 $0x1;
	s25 =	sadd.s32 $0x183C, s2;
	[dreg:$0x9] =	wrdreg s24;
	vm1 =	vcmask $0x3734;
	v2 =	vsel vm0, $0x1600, v2;
	v3 =	vsel vm0, $0x3E00, v3  }
0x1e: {  	s0 =	ssub.s32 $0x2, s0;
	s26 =	sadd.s32 $0x1846, s2;
	[dreg:$0xa] =	wrdreg s25;
	v4 =	vsel vm0, $0x6600, v4;
	v5 =	vsel vm0, $0x8E00, v5;
	v6 =	vsel vm0, $0xB600, v6  }
0x1f: {  	s5 =	sshrl.u32 s0, $0x1;
	s28 =	sadd.s32 $0x1850, s2;
	[dreg:$0xb] =	wrdreg s26;
	vm0 =	vmmov $0xffff;
	v2 =	vsel vm1, $0x1680, v2;
	v3 =	vsel vm1, $0x3E80, v3  }
0x20: {  	s0 =	ssub.s32 s0, s5;
	s29 =	sadd.s32 $0x185A, s2;
	[dreg:$0xc] =	wrdreg s28;
	v4 =	vsel vm1, $0x6680, v4;
	v5 =	vsel vm1, $0x8E80, v5;
	v6 =	vsel vm1, $0xB680, v6  }
0x21: {  	s5 =	sadd.s32 $0x200, s1;
	s2 =	sadd.s32 $0x2600, s2;
	[dreg:$0xd] =	wrdreg s29;
	vm1 =	vmmov $0xff;
	v2 =	vsel vm2, $0x1700, v2;
	v3 =	vsel vm2, $0x3F00, v3  }
0x22: {  	s6 =	smax.u32 s0, $0x1;
	s4 =	sadd.s32 $0x100, s1;
	[dreg:$0xe] =	wrdreg s2;
	v4 =	vsel vm2, $0x6700, v4;
	v5 =	vsel vm2, $0x8F00, v5;
	v6 =	vsel vm2, $0xB700, v6  }
.LBB2_1:
0x23: {  	[dreg:$0x11] =	wrdreg s6  }
0x24: {  	s15 =	rddreg [dreg:$0x3]  }
0x25: {  	s16 =	rddreg [dreg:$0xf]  }
0x26: {  	[tilespmem:s16], [sflag:$0x2] =	stream.linear.gather [hbm4b:s15+s3], $0x320, $0x38;
	[tilespmem:$0xCF80] =	vst v63  }
0x27: {  	_ =	swait.ge [sflag:s7], $0x320  }
0x28: {  	[sflag:s7] =	ssyncset.done $0x0  }
0x29: {  	s18 =	rddreg [dreg:$0x4];
	[sflag:s7] =	ssyncadd.s32 $0xFFFFFCE0  }
0x2a: {  	[tilespmem:s3], [sflag:$0x2] =	stream.linear.gather [hbm4b:s18+s3], $0x50, $0x38;
	[tilespmem:$0xCF80] =	vst v63  }
0x2b: {  	_ =	swait.ge [sflag:s7], $0x50  }
0x2c: {  	[sflag:s7] =	ssyncset.done $0x0  }
0x2d: {  	[sflag:s7] =	ssyncadd.s32 $0xFFFFFFB0  }
0x2e: {  	v8 =	vld [tilespmem:$0x0];
	_ =	sdelay $0x4  }
0x2f: {  	v9 =	vshrl.u32 v8, $0x3  }
0x30: {  	v9 =	vmul.u32 $0x28, v9  }
0x31: {  	v8 =	vand.u32 $0x7, v8  }
0x32: {  	v8 =	vor.u32 v8, v9  }
0x33: {  	v9 =	vperm.xlane v8, v0;
	_ =	sdelay $0x1  }
0x34: {  	v9 =	vadd.s32 v1, v9;
	_ =	sdelay $0x3  }
0x35: {  	v8 =	vperm.xlane v8, v7  }
0x36: {  	[tilespmem:s8], [sflag:$0x1] =	stream.indirect_vreg.gather [hbm4b:s1+s3], $0x80, v9, vm0, $0xb8;
	[tilespmem:$0xCF80] =	vst v63  }
0x37: {  	s0 =	simm.s32 $0xC00;
	v8 =	vadd.s32 v1, v8  }
0x38: {  	[tilespmem:s0], [sflag:$0x1] =	stream.indirect_vreg.gather [hbm4b:s4+s3], $0x80, v9, vm0, $0xb8;
	[tilespmem:$0xCF80] =	vst v63  }
0x39: {  	s19 =	simm.s32 $0x1400  }
0x3a: {  	[tilespmem:s19], [sflag:$0x1] =	stream.indirect_vreg.gather [hbm4b:s5+s3], $0x80, v9, vm1, $0xb8;
	[tilespmem:$0xCF80] =	vst v63  }
0x3b: {  	s20 =	simm.s32 $0x1800  }
0x3c: {  	[tilespmem:s20], [sflag:$0x1] =	stream.indirect_vreg.gather [hbm4b:s1+s3], $0x80, v8, vm0, $0xb8;
	[tilespmem:$0xCF80] =	vst v63  }
0x3d: {  	s21 =	simm.s32 $0x2000  }
0x3e: {  	[tilespmem:s21], [sflag:$0x1] =	stream.indirect_vreg.gather [hbm4b:s4+s3], $0x80, v8, vm0, $0xb8;
	[tilespmem:$0xCF80] =	vst v63  }
0x3f: {  	s22 =	simm.s32 $0x2800  }
0x40: {  	[tilespmem:s22], [sflag:$0x1] =	stream.indirect_vreg.gather [hbm4b:s5+s3], $0x80, v8, vm1, $0xb8;
	[tilespmem:$0xCF80] =	vst v63  }
0x41: {  	v8 =	vld [tilespmem:$0x10];
	_ =	sdelay $0x4  }
0x42: {  	v21 =	vshrl.u32 v8, $0x3  }
0x43: {  	v9 =	vmul.u32 $0x28, v21  }
0x44: {  	v8 =	vand.u32 $0x7, v8  }
0x45: {  	v8 =	vor.u32 v8, v9  }
0x46: {  	v9 =	vperm.xlane v8, v0;
	_ =	sdelay $0x1  }
0x47: {  	v9 =	vadd.s32 v1, v9;
	_ =	sdelay $0x3  }
0x48: {  	s23 =	simm.s32 $0x2C00;
	v8 =	vperm.xlane v8, v7  }
0x49: {  	[tilespmem:s23], [sflag:$0x1] =	stream.indirect_vreg.gather [hbm4b:s1+s3], $0x80, v9, vm0, $0xb8;
	[tilespmem:$0xCF80] =	vst v63  }
0x4a: {  	s24 =	simm.s32 $0x3400;
	v8 =	vadd.s32 v1, v8  }
0x4b: {  	[tilespmem:s24], [sflag:$0x1] =	stream.indirect_vreg.gather [hbm4b:s4+s3], $0x80, v9, vm0, $0xb8;
	[tilespmem:$0xCF80] =	vst v63  }
0x4c: {  	s25 =	simm.s32 $0x3C00  }
0x4d: {  	[tilespmem:s25], [sflag:$0x1] =	stream.indirect_vreg.gather [hbm4b:s5+s3], $0x80, v9, vm1, $0xb8;
	[tilespmem:$0xCF80] =	vst v63  }
0x4e: {  	s26 =	simm.s32 $0x4000  }
0x4f: {  	[tilespmem:s26], [sflag:$0x1] =	stream.indirect_vreg.gather [hbm4b:s1+s3], $0x80, v8, vm0, $0xb8;
	[tilespmem:$0xCF80] =	vst v63  }
0x50: {  	s28 =	simm.s32 $0x4800  }
0x51: {  	[tilespmem:s28], [sflag:$0x1] =	stream.indirect_vreg.gather [hbm4b:s4+s3], $0x80, v8, vm0, $0xb8;
	[tilespmem:$0xCF80] =	vst v63  }
0x52: {  	s29 =	simm.s32 $0x5000  }
0x53: {  	[tilespmem:s29], [sflag:$0x1] =	stream.indirect_vreg.gather [hbm4b:s5+s3], $0x80, v8, vm1, $0xb8;
	[tilespmem:$0xCF80] =	vst v63  }
0x54: {  	v8 =	vld [tilespmem:$0x20];
	_ =	sdelay $0x4  }
0x55: {  	v22 =	vshrl.u32 v8, $0x3  }
0x56: {  	v9 =	vmul.u32 $0x28, v22  }
0x57: {  	v8 =	vand.u32 $0x7, v8  }
0x58: {  	v8 =	vor.u32 v8, v9  }
0x59: {  	v9 =	vperm.xlane v8, v0;
	_ =	sdelay $0x1  }
0x5a: {  	v9 =	vadd.s32 v1, v9;
	_ =	sdelay $0x3  }
0x5b: {  	s30 =	simm.s32 $0x5400;
	v8 =	vperm.xlane v8, v7  }
0x5c: {  	[tilespmem:s30], [sflag:$0x1] =	stream.indirect_vreg.gather [hbm4b:s1+s3], $0x80, v9, vm0, $0xb8;
	[tilespmem:$0xCF80] =	vst v63  }
0x5d: {  	s31 =	simm.s32 $0x5C00;
	v8 =	vadd.s32 v1, v8  }
0x5e: {  	[tilespmem:s31], [sflag:$0x1] =	stream.indirect_vreg.gather [hbm4b:s4+s3], $0x80, v9, vm0, $0xb8;
	[tilespmem:$0xCF80] =	vst v63  }
0x5f: {  	s2 =	simm.s32 $0x6400  }
0x60: {  	[tilespmem:s2], [sflag:$0x1] =	stream.indirect_vreg.gather [hbm4b:s5+s3], $0x80, v9, vm1, $0xb8;
	[tilespmem:$0xCF80] =	vst v63  }
0x61: {  	s6 =	simm.s32 $0x6800  }
0x62: {  	[tilespmem:s6], [sflag:$0x1] =	stream.indirect_vreg.gather [hbm4b:s1+s3], $0x80, v8, vm0, $0xb8;
	[tilespmem:$0xCF80] =	vst v63  }
0x63: {  	s9 =	simm.s32 $0x7000  }
0x64: {  	[tilespmem:s9], [sflag:$0x1] =	stream.indirect_vreg.gather [hbm4b:s4+s3], $0x80, v8, vm0, $0xb8;
	[tilespmem:$0xCF80] =	vst v63  }
0x65: {  	s15 =	simm.s32 $0x7800  }
0x66: {  	[tilespmem:s15], [sflag:$0x1] =	stream.indirect_vreg.gather [hbm4b:s5+s3], $0x80, v8, vm1, $0xb8;
	[tilespmem:$0xCF80] =	vst v63  }
0x67: {  	v8 =	vld [tilespmem:$0x30];
	_ =	sdelay $0x4  }
0x68: {  	v23 =	vshrl.u32 v8, $0x3  }
0x69: {  	v9 =	vmul.u32 $0x28, v23  }
0x6a: {  	v8 =	vand.u32 $0x7, v8  }
0x6b: {  	v8 =	vor.u32 v8, v9  }
0x6c: {  	v9 =	vperm.xlane v8, v0;
	_ =	sdelay $0x1  }
0x6d: {  	v9 =	vadd.s32 v1, v9;
	_ =	sdelay $0x3  }
0x6e: {  	s16 =	simm.s32 $0x7C00;
	v8 =	vperm.xlane v8, v7  }
0x6f: {  	[tilespmem:s16], [sflag:$0x1] =	stream.indirect_vreg.gather [hbm4b:s1+s3], $0x80, v9, vm0, $0xb8;
	[tilespmem:$0xCF80] =	vst v63  }
0x70: {  	s17 =	simm.s32 $0x8400;
	v8 =	vadd.s32 v1, v8  }
0x71: {  	[tilespmem:s17], [sflag:$0x1] =	stream.indirect_vreg.gather [hbm4b:s4+s3], $0x80, v9, vm0, $0xb8;
	[tilespmem:$0xCF80] =	vst v63  }
0x72: {  	s18 =	simm.s32 $0x8C00  }
0x73: {  	[tilespmem:s18], [sflag:$0x1] =	stream.indirect_vreg.gather [hbm4b:s5+s3], $0x80, v9, vm1, $0xb8;
	[tilespmem:$0xCF80] =	vst v63  }
0x74: {  	s19 =	simm.s32 $0x9000  }
0x75: {  	[tilespmem:s19], [sflag:$0x1] =	stream.indirect_vreg.gather [hbm4b:s1+s3], $0x80, v8, vm0, $0xb8;
	[tilespmem:$0xCF80] =	vst v63  }
0x76: {  	s22 =	simm.s32 $0x9800  }
0x77: {  	[tilespmem:s22], [sflag:$0x1] =	stream.indirect_vreg.gather [hbm4b:s4+s3], $0x80, v8, vm0, $0xb8;
	[tilespmem:$0xCF80] =	vst v63  }
0x78: {  	s23 =	simm.s32 $0xA000  }
0x79: {  	[tilespmem:s23], [sflag:$0x1] =	stream.indirect_vreg.gather [hbm4b:s5+s3], $0x80, v8, vm1, $0xb8;
	[tilespmem:$0xCF80] =	vst v63  }
0x7a: {  	v8 =	vld [tilespmem:$0x40];
	_ =	sdelay $0x4  }
0x7b: {  	v24 =	vshrl.u32 v8, $0x3  }
0x7c: {  	v9 =	vmul.u32 $0x28, v24  }
0x7d: {  	v8 =	vand.u32 $0x7, v8  }
0x7e: {  	v8 =	vor.u32 v8, v9  }
0x7f: {  	v9 =	vperm.xlane v8, v0;
	_ =	sdelay $0x1  }
0x80: {  	v9 =	vadd.s32 v1, v9;
	_ =	sdelay $0x3  }
0x81: {  	s24 =	simm.s32 $0xA400;
	v8 =	vperm.xlane v8, v7  }
0x82: {  	[tilespmem:s24], [sflag:$0x1] =	stream.indirect_vreg.gather [hbm4b:s1+s3], $0x80, v9, vm0, $0xb8;
	[tilespmem:$0xCF80] =	vst v63  }
0x83: {  	s25 =	simm.s32 $0xAC00;
	v8 =	vadd.s32 v1, v8  }
0x84: {  	[tilespmem:s25], [sflag:$0x1] =	stream.indirect_vreg.gather [hbm4b:s4+s3], $0x80, v9, vm0, $0xb8;
	[tilespmem:$0xCF80] =	vst v63  }
0x85: {  	s26 =	simm.s32 $0xB400  }
0x86: {  	[tilespmem:s26], [sflag:$0x1] =	stream.indirect_vreg.gather [hbm4b:s5+s3], $0x80, v9, vm1, $0xb8;
	[tilespmem:$0xCF80] =	vst v63  }
0x87: {  	s28 =	simm.s32 $0xB800  }
0x88: {  	[tilespmem:s28], [sflag:$0x1] =	stream.indirect_vreg.gather [hbm4b:s1+s3], $0x80, v8, vm0, $0xb8;
	[tilespmem:$0xCF80] =	vst v63  }
0x89: {  	s29 =	simm.s32 $0xC000  }
0x8a: {  	[tilespmem:s29], [sflag:$0x1] =	stream.indirect_vreg.gather [hbm4b:s4+s3], $0x80, v8, vm0, $0xb8;
	[tilespmem:$0xCF80] =	vst v63  }
0x8b: {  	s30 =	simm.s32 $0xC800  }
0x8c: {  	[tilespmem:s30], [sflag:$0x1] =	stream.indirect_vreg.gather [hbm4b:s5+s3], $0x80, v8, vm1, $0xb8;
	[tilespmem:$0xCF80] =	vst v63  }
0x8d: {  	_ =	swait.ge [sflag:s14], $0xC800  }
0x8e: {  	[sflag:s14] =	ssyncset.done $0x0  }
0x8f: {  	[sflag:s14] =	ssyncadd.s32 $0xFFFF3800  }
0x90: {  	v8 =	vld [tilespmem:$0x80];
	_ =	sdelay $0x4  }
0x91: {  	v25 =	vshll.u32 v8, $0x3  }
0x92: {  	v10 =	vld [tilespmem:$0x90];
	v8 =	vand.u32 $0x7F, v8;
	v9 =	vand.u32 $0xFFFFFC00, v25  }
0x93: {  	v8 =	vor.u32 v8, v9  }
0x94: {  	v8 =	vadd.s32 v2, v8;
	_ =	sdelay $0x2  }
0x95: {  	v26 =	vshll.u32 v10, $0x3  }
0x96: {  	v11 =	vld [tilespmem:$0xA0];
	v10 =	vand.u32 $0x7F, v10;
	v9 =	vand.u32 $0xFFFFFC00, v26  }
0x97: {  	v9 =	vor.u32 v10, v9;
	v8 =	vld.idx.msk [tilespmem:v8+s8+$0x0], $0xffff  }
0x98: {  	v9 =	vadd.s32 v3, v9;
	_ =	sdelay $0x2  }
0x99: {  	v27 =	vshll.u32 v11, $0x3  }
0x9a: {  	v28 =	vld [tilespmem:$0xB0];
	v10 =	vand.u32 $0xFFFFFC00, v27;
	[tilespmem:$0xCC00] =	vst v8;
	v8 =	vand.u32 $0x7F, v11  }
0x9b: {  	v9 =	vld.idx.msk [tilespmem:v9+s8+$0x0], $0xffff;
	v8 =	vor.u32 v8, v10  }
0x9c: {  	v8 =	vadd.s32 v4, v8;
	_ =	sdelay $0x2  }
0x9d: {  	v29 =	vshll.u32 v28, $0x3  }
0x9e: {  	v31 =	vld [tilespmem:$0xC0];
	v30 =	vand.u32 $0x7F, v28;
	v10 =	vand.u32 $0xFFFFFC00, v29;
	[tilespmem:$0xCC10] =	vst v9  }
0x9f: {  	v9 =	vor.u32 v30, v10;
	v8 =	vld.idx.msk [tilespmem:v8+s8+$0x0], $0xffff  }
0xa0: {  	v9 =	vadd.s32 v5, v9;
	_ =	sdelay $0x2  }
0xa1: {  	v32 =	vshll.u32 v31, $0x3  }
0xa2: {  	v10 =	vand.u32 $0xFFFFFC00, v32;
	[tilespmem:$0xCC20] =	vst v8;
	v8 =	vand.u32 $0x7F, v31  }
0xa3: {  	v9 =	vld.idx.msk [tilespmem:v9+s8+$0x0], $0xffff;
	v8 =	vor.u32 v8, v10  }
0xa4: {  	v8 =	vadd.s32 v6, v8;
	_ =	sdelay $0x3  }
0xa5: {  	[tilespmem:$0xCC30] =	vst v9  }
0xa6: {  	v8 =	vld.idx.msk [tilespmem:v8+s8+$0x0], $0xffff;
	_ =	sdelay $0x4  }
0xa7: {  	s31 =	rddreg [dreg:$0x5];
	[tilespmem:$0xCC40] =	vst v8  }
0xa8: {  	[tilespmem:s3], [sflag:$0x2] =	stream.linear.gather [hbm4b:s31+s3], $0x50, $0x38;
	[tilespmem:$0xCF80] =	vst v63  }
0xa9: {  	_ =	swait.ge [sflag:s7], $0x50  }
0xaa: {  	[sflag:s7] =	ssyncset.done $0x0  }
0xab: {  	[sflag:s7] =	ssyncadd.s32 $0xFFFFFFB0  }
0xac: {  	v8 =	vld [tilespmem:$0x0];
	_ =	sdelay $0x4  }
0xad: {  	v33 =	vshrl.u32 v8, $0x3  }
0xae: {  	v9 =	vmul.u32 $0x28, v33  }
0xaf: {  	v8 =	vand.u32 $0x7, v8  }
0xb0: {  	v8 =	vor.u32 v8, v9  }
0xb1: {  	v9 =	vperm.xlane v8, v0;
	_ =	sdelay $0x1  }
0xb2: {  	v9 =	vadd.s32 v1, v9;
	_ =	sdelay $0x3  }
0xb3: {  	v8 =	vperm.xlane v8, v7  }
0xb4: {  	[tilespmem:s8], [sflag:$0x1] =	stream.indirect_vreg.gather [hbm4b:s1+s3], $0x80, v9, vm0, $0xb8;
	[tilespmem:$0xCF80] =	vst v63  }
0xb5: {  	s11 =	simm.s32 $0xC00;
	v8 =	vadd.s32 v1, v8  }
0xb6: {  	[tilespmem:s11], [sflag:$0x1] =	stream.indirect_vreg.gather [hbm4b:s4+s3], $0x80, v9, vm0, $0xb8;
	[tilespmem:$0xCF80] =	vst v63  }
0xb7: {  	s10 =	simm.s32 $0x1400  }
0xb8: {  	[tilespmem:s10], [sflag:$0x1] =	stream.indirect_vreg.gather [hbm4b:s5+s3], $0x80, v9, vm1, $0xb8;
	[tilespmem:$0xCF80] =	vst v63  }
0xb9: {  	s12 =	simm.s32 $0x1800  }
0xba: {  	[tilespmem:s12], [sflag:$0x1] =	stream.indirect_vreg.gather [hbm4b:s1+s3], $0x80, v8, vm0, $0xb8;
	[tilespmem:$0xCF80] =	vst v63  }
0xbb: {  	s13 =	simm.s32 $0x2000  }
0xbc: {  	[tilespmem:s13], [sflag:$0x1] =	stream.indirect_vreg.gather [hbm4b:s4+s3], $0x80, v8, vm0, $0xb8;
	[tilespmem:$0xCF80] =	vst v63  }
0xbd: {  	s21 =	simm.s32 $0x2800  }
0xbe: {  	[tilespmem:s21], [sflag:$0x1] =	stream.indirect_vreg.gather [hbm4b:s5+s3], $0x80, v8, vm1, $0xb8;
	[tilespmem:$0xCF80] =	vst v63  }
0xbf: {  	v8 =	vld [tilespmem:$0x10];
	_ =	sdelay $0x4  }
0xc0: {  	v34 =	vshrl.u32 v8, $0x3  }
0xc1: {  	v9 =	vmul.u32 $0x28, v34  }
0xc2: {  	v8 =	vand.u32 $0x7, v8  }
0xc3: {  	v8 =	vor.u32 v8, v9  }
0xc4: {  	v9 =	vperm.xlane v8, v0;
	_ =	sdelay $0x1  }
0xc5: {  	v9 =	vadd.s32 v1, v9;
	_ =	sdelay $0x3  }
0xc6: {  	s22 =	simm.s32 $0x2C00;
	v8 =	vperm.xlane v8, v7  }
0xc7: {  	[tilespmem:s22], [sflag:$0x1] =	stream.indirect_vreg.gather [hbm4b:s1+s3], $0x80, v9, vm0, $0xb8;
	[tilespmem:$0xCF80] =	vst v63  }
0xc8: {  	s20 =	simm.s32 $0x3400;
	v8 =	vadd.s32 v1, v8  }
0xc9: {  	[tilespmem:s20], [sflag:$0x1] =	stream.indirect_vreg.gather [hbm4b:s4+s3], $0x80, v9, vm0, $0xb8;
	[tilespmem:$0xCF80] =	vst v63  }
0xca: {  	s23 =	simm.s32 $0x3C00  }
0xcb: {  	[tilespmem:s23], [sflag:$0x1] =	stream.indirect_vreg.gather [hbm4b:s5+s3], $0x80, v9, vm1, $0xb8;
	[tilespmem:$0xCF80] =	vst v63  }
0xcc: {  	s24 =	simm.s32 $0x4000  }
0xcd: {  	[tilespmem:s24], [sflag:$0x1] =	stream.indirect_vreg.gather [hbm4b:s1+s3], $0x80, v8, vm0, $0xb8;
	[tilespmem:$0xCF80] =	vst v63  }
0xce: {  	s25 =	simm.s32 $0x4800  }
0xcf: {  	[tilespmem:s25], [sflag:$0x1] =	stream.indirect_vreg.gather [hbm4b:s4+s3], $0x80, v8, vm0, $0xb8;
	[tilespmem:$0xCF80] =	vst v63  }
0xd0: {  	s26 =	simm.s32 $0x5000  }
0xd1: {  	[tilespmem:s26], [sflag:$0x1] =	stream.indirect_vreg.gather [hbm4b:s5+s3], $0x80, v8, vm1, $0xb8;
	[tilespmem:$0xCF80] =	vst v63  }
0xd2: {  	v8 =	vld [tilespmem:$0x20];
	_ =	sdelay $0x4  }
0xd3: {  	v35 =	vshrl.u32 v8, $0x3  }
0xd4: {  	v9 =	vmul.u32 $0x28, v35  }
0xd5: {  	v8 =	vand.u32 $0x7, v8  }
0xd6: {  	v8 =	vor.u32 v8, v9  }
0xd7: {  	v9 =	vperm.xlane v8, v0;
	_ =	sdelay $0x1  }
0xd8: {  	v9 =	vadd.s32 v1, v9;
	_ =	sdelay $0x3  }
0xd9: {  	s28 =	simm.s32 $0x5400;
	v8 =	vperm.xlane v8, v7  }
0xda: {  	[tilespmem:s28], [sflag:$0x1] =	stream.indirect_vreg.gather [hbm4b:s1+s3], $0x80, v9, vm0, $0xb8;
	[tilespmem:$0xCF80] =	vst v63  }
0xdb: {  	s29 =	simm.s32 $0x5C00;
	v8 =	vadd.s32 v1, v8  }
0xdc: {  	[tilespmem:s29], [sflag:$0x1] =	stream.indirect_vreg.gather [hbm4b:s4+s3], $0x80, v9, vm0, $0xb8;
	[tilespmem:$0xCF80] =	vst v63  }
0xdd: {  	s30 =	simm.s32 $0x6400  }
0xde: {  	[tilespmem:s30], [sflag:$0x1] =	stream.indirect_vreg.gather [hbm4b:s5+s3], $0x80, v9, vm1, $0xb8;
	[tilespmem:$0xCF80] =	vst v63  }
0xdf: {  	s31 =	simm.s32 $0x6800  }
0xe0: {  	[tilespmem:s31], [sflag:$0x1] =	stream.indirect_vreg.gather [hbm4b:s1+s3], $0x80, v8, vm0, $0xb8;
	[tilespmem:$0xCF80] =	vst v63  }
0xe1: {  	s10 =	simm.s32 $0x7000  }
0xe2: {  	[tilespmem:s10], [sflag:$0x1] =	stream.indirect_vreg.gather [hbm4b:s4+s3], $0x80, v8, vm0, $0xb8;
	[tilespmem:$0xCF80] =	vst v63  }
0xe3: {  	s20 =	simm.s32 $0x7800  }
0xe4: {  	[tilespmem:s20], [sflag:$0x1] =	stream.indirect_vreg.gather [hbm4b:s5+s3], $0x80, v8, vm1, $0xb8;
	[tilespmem:$0xCF80] =	vst v63  }
0xe5: {  	v8 =	vld [tilespmem:$0x30];
	_ =	sdelay $0x4  }
0xe6: {  	v36 =	vshrl.u32 v8, $0x3  }
0xe7: {  	v9 =	vmul.u32 $0x28, v36  }
0xe8: {  	v8 =	vand.u32 $0x7, v8  }
0xe9: {  	v8 =	vor.u32 v8, v9  }
0xea: {  	v9 =	vperm.xlane v8, v0;
	_ =	sdelay $0x1  }
0xeb: {  	v9 =	vadd.s32 v1, v9;
	_ =	sdelay $0x3  }
0xec: {  	s21 =	simm.s32 $0x7C00;
	v8 =	vperm.xlane v8, v7  }
0xed: {  	[tilespmem:s21], [sflag:$0x1] =	stream.indirect_vreg.gather [hbm4b:s1+s3], $0x80, v9, vm0, $0xb8;
	[tilespmem:$0xCF80] =	vst v63  }
0xee: {  	s11 =	simm.s32 $0x8400;
	v8 =	vadd.s32 v1, v8  }
0xef: {  	[tilespmem:s11], [sflag:$0x1] =	stream.indirect_vreg.gather [hbm4b:s4+s3], $0x80, v9, vm0, $0xb8;
	[tilespmem:$0xCF80] =	vst v63  }
0xf0: {  	s12 =	simm.s32 $0x8C00  }
0xf1: {  	[tilespmem:s12], [sflag:$0x1] =	stream.indirect_vreg.gather [hbm4b:s5+s3], $0x80, v9, vm1, $0xb8;
	[tilespmem:$0xCF80] =	vst v63  }
0xf2: {  	s13 =	simm.s32 $0x9000  }
0xf3: {  	[tilespmem:s13], [sflag:$0x1] =	stream.indirect_vreg.gather [hbm4b:s1+s3], $0x80, v8, vm0, $0xb8;
	[tilespmem:$0xCF80] =	vst v63  }
0xf4: {  	s16 =	simm.s32 $0x9800  }
0xf5: {  	[tilespmem:s16], [sflag:$0x1] =	stream.indirect_vreg.gather [hbm4b:s4+s3], $0x80, v8, vm0, $0xb8;
	[tilespmem:$0xCF80] =	vst v63  }
0xf6: {  	s17 =	simm.s32 $0xA000  }
0xf7: {  	[tilespmem:s17], [sflag:$0x1] =	stream.indirect_vreg.gather [hbm4b:s5+s3], $0x80, v8, vm1, $0xb8;
	[tilespmem:$0xCF80] =	vst v63  }
0xf8: {  	v8 =	vld [tilespmem:$0x40];
	_ =	sdelay $0x4  }
0xf9: {  	v37 =	vshrl.u32 v8, $0x3  }
0xfa: {  	v9 =	vmul.u32 $0x28, v37  }
0xfb: {  	v8 =	vand.u32 $0x7, v8  }
0xfc: {  	v8 =	vor.u32 v8, v9  }
0xfd: {  	v9 =	vperm.xlane v8, v0;
	_ =	sdelay $0x1  }
0xfe: {  	v9 =	vadd.s32 v1, v9;
	_ =	sdelay $0x3  }
0xff: {  	s18 =	simm.s32 $0xA400;
	v8 =	vperm.xlane v8, v7  }
0x100: {  	[tilespmem:s18], [sflag:$0x1] =	stream.indirect_vreg.gather [hbm4b:s1+s3], $0x80, v9, vm0, $0xb8;
	[tilespmem:$0xCF80] =	vst v63  }
0x101: {  	s0 =	simm.s32 $0xAC00;
	v8 =	vadd.s32 v1, v8  }
0x102: {  	[tilespmem:s0], [sflag:$0x1] =	stream.indirect_vreg.gather [hbm4b:s4+s3], $0x80, v9, vm0, $0xb8;
	[tilespmem:$0xCF80] =	vst v63  }
0x103: {  	s2 =	simm.s32 $0xB400  }
0x104: {  	[tilespmem:s2], [sflag:$0x1] =	stream.indirect_vreg.gather [hbm4b:s5+s3], $0x80, v9, vm1, $0xb8;
	[tilespmem:$0xCF80] =	vst v63  }
0x105: {  	s6 =	simm.s32 $0xB800  }
0x106: {  	[tilespmem:s6], [sflag:$0x1] =	stream.indirect_vreg.gather [hbm4b:s1+s3], $0x80, v8, vm0, $0xb8;
	[tilespmem:$0xCF80] =	vst v63  }
0x107: {  	s9 =	simm.s32 $0xC000  }
0x108: {  	[tilespmem:s9], [sflag:$0x1] =	stream.indirect_vreg.gather [hbm4b:s4+s3], $0x80, v8, vm0, $0xb8;
	[tilespmem:$0xCF80] =	vst v63  }
0x109: {  	s19 =	simm.s32 $0xC800  }
0x10a: {  	[tilespmem:s19], [sflag:$0x1] =	stream.indirect_vreg.gather [hbm4b:s5+s3], $0x80, v8, vm1, $0xb8;
	[tilespmem:$0xCF80] =	vst v63  }
0x10b: {  	_ =	swait.ge [sflag:s14], $0xC800  }
0x10c: {  	[sflag:s14] =	ssyncset.done $0x0  }
0x10d: {  	[sflag:s14] =	ssyncadd.s32 $0xFFFF3800  }
0x10e: {  	v8 =	vld [tilespmem:$0xD0];
	_ =	sdelay $0x4  }
0x10f: {  	v38 =	vshll.u32 v8, $0x3  }
0x110: {  	v39 =	vld [tilespmem:$0xE0];
	v8 =	vand.u32 $0x7F, v8;
	v9 =	vand.u32 $0xFFFFFC00, v38  }
0x111: {  	v8 =	vor.u32 v8, v9  }
0x112: {  	v8 =	vadd.s32 v2, v8;
	_ =	sdelay $0x2  }
0x113: {  	v40 =	vshll.u32 v39, $0x3  }
0x114: {  	v41 =	vld [tilespmem:$0xF0];
	v10 =	vand.u32 $0x7F, v39;
	v9 =	vand.u32 $0xFFFFFC00, v40  }
0x115: {  	v9 =	vor.u32 v10, v9;
	v8 =	vld.idx.msk [tilespmem:v8+s8+$0x0], $0xffff  }
0x116: {  	v9 =	vadd.s32 v3, v9;
	_ =	sdelay $0x2  }
0x117: {  	v42 =	vshll.u32 v41, $0x3  }
0x118: {  	v43 =	vld [tilespmem:$0x100];
	v10 =	vand.u32 $0xFFFFFC00, v42;
	[tilespmem:$0xCC50] =	vst v8;
	v8 =	vand.u32 $0x7F, v41  }
0x119: {  	v9 =	vld.idx.msk [tilespmem:v9+s8+$0x0], $0xffff;
	v8 =	vor.u32 v8, v10  }
0x11a: {  	v8 =	vadd.s32 v4, v8;
	_ =	sdelay $0x2  }
0x11b: {  	v44 =	vshll.u32 v43, $0x3  }
0x11c: {  	v46 =	vld [tilespmem:$0x110];
	v45 =	vand.u32 $0x7F, v43;
	v10 =	vand.u32 $0xFFFFFC00, v44;
	[tilespmem:$0xCC60] =	vst v9  }
0x11d: {  	v9 =	vor.u32 v45, v10;
	v8 =	vld.idx.msk [tilespmem:v8+s8+$0x0], $0xffff  }
0x11e: {  	v9 =	vadd.s32 v5, v9;
	_ =	sdelay $0x2  }
0x11f: {  	v47 =	vshll.u32 v46, $0x3  }
0x120: {  	v10 =	vand.u32 $0xFFFFFC00, v47;
	[tilespmem:$0xCC70] =	vst v8;
	v8 =	vand.u32 $0x7F, v46  }
0x121: {  	v9 =	vld.idx.msk [tilespmem:v9+s8+$0x0], $0xffff;
	v8 =	vor.u32 v8, v10  }
0x122: {  	v8 =	vadd.s32 v6, v8;
	_ =	sdelay $0x3  }
0x123: {  	[tilespmem:$0xCC80] =	vst v9  }
0x124: {  	v8 =	vld.idx.msk [tilespmem:v8+s8+$0x0], $0xffff;
	_ =	sdelay $0x4  }
0x125: {  	s15 =	rddreg [dreg:$0x6];
	[tilespmem:$0xCC90] =	vst v8  }
0x126: {  	[tilespmem:s3], [sflag:$0x2] =	stream.linear.gather [hbm4b:s15+s3], $0x50, $0x38;
	[tilespmem:$0xCF80] =	vst v63  }
0x127: {  	_ =	swait.ge [sflag:s7], $0x50  }
0x128: {  	[sflag:s7] =	ssyncset.done $0x0  }
0x129: {  	[sflag:s7] =	ssyncadd.s32 $0xFFFFFFB0  }
0x12a: {  	v8 =	vld [tilespmem:$0x0];
	_ =	sdelay $0x4  }
0x12b: {  	v48 =	vshrl.u32 v8, $0x3  }
0x12c: {  	v9 =	vmul.u32 $0x28, v48  }
0x12d: {  	v8 =	vand.u32 $0x7, v8  }
0x12e: {  	v8 =	vor.u32 v8, v9  }
0x12f: {  	v9 =	vperm.xlane v8, v0;
	_ =	sdelay $0x1  }
0x130: {  	v9 =	vadd.s32 v1, v9;
	_ =	sdelay $0x3  }
0x131: {  	v8 =	vperm.xlane v8, v7  }
0x132: {  	[tilespmem:s8], [sflag:$0x1] =	stream.indirect_vreg.gather [hbm4b:s1+s3], $0x80, v9, vm0, $0xb8;
	[tilespmem:$0xCF80] =	vst v63  }
0x133: {  	s15 =	simm.s32 $0xC00;
	v8 =	vadd.s32 v1, v8  }
0x134: {  	[tilespmem:s15], [sflag:$0x1] =	stream.indirect_vreg.gather [hbm4b:s4+s3], $0x80, v9, vm0, $0xb8;
	[tilespmem:$0xCF80] =	vst v63  }
0x135: {  	s15 =	simm.s32 $0x1400  }
0x136: {  	[tilespmem:s15], [sflag:$0x1] =	stream.indirect_vreg.gather [hbm4b:s5+s3], $0x80, v9, vm1, $0xb8;
	[tilespmem:$0xCF80] =	vst v63  }
0x137: {  	s15 =	simm.s32 $0x1800  }
0x138: {  	[tilespmem:s15], [sflag:$0x1] =	stream.indirect_vreg.gather [hbm4b:s1+s3], $0x80, v8, vm0, $0xb8;
	[tilespmem:$0xCF80] =	vst v63  }
0x139: {  	s15 =	simm.s32 $0x2000  }
0x13a: {  	[tilespmem:s15], [sflag:$0x1] =	stream.indirect_vreg.gather [hbm4b:s4+s3], $0x80, v8, vm0, $0xb8;
	[tilespmem:$0xCF80] =	vst v63  }
0x13b: {  	s15 =	simm.s32 $0x2800  }
0x13c: {  	[tilespmem:s15], [sflag:$0x1] =	stream.indirect_vreg.gather [hbm4b:s5+s3], $0x80, v8, vm1, $0xb8;
	[tilespmem:$0xCF80] =	vst v63  }
0x13d: {  	v8 =	vld [tilespmem:$0x10];
	_ =	sdelay $0x4  }
0x13e: {  	v49 =	vshrl.u32 v8, $0x3  }
0x13f: {  	v9 =	vmul.u32 $0x28, v49  }
0x140: {  	v8 =	vand.u32 $0x7, v8  }
0x141: {  	v8 =	vor.u32 v8, v9  }
0x142: {  	v9 =	vperm.xlane v8, v0;
	_ =	sdelay $0x1  }
0x143: {  	v9 =	vadd.s32 v1, v9;
	_ =	sdelay $0x3  }
0x144: {  	v8 =	vperm.xlane v8, v7  }
0x145: {  	[tilespmem:s22], [sflag:$0x1] =	stream.indirect_vreg.gather [hbm4b:s1+s3], $0x80, v9, vm0, $0xb8;
	[tilespmem:$0xCF80] =	vst v63  }
0x146: {  	s15 =	simm.s32 $0x3400;
	v8 =	vadd.s32 v1, v8  }
0x147: {  	[tilespmem:s15], [sflag:$0x1] =	stream.indirect_vreg.gather [hbm4b:s4+s3], $0x80, v9, vm0, $0xb8;
	[tilespmem:$0xCF80] =	vst v63  }
0x148: {  	_ = 	snop  }
0x149: {  	[tilespmem:s23], [sflag:$0x1] =	stream.indirect_vreg.gather [hbm4b:s5+s3], $0x80, v9, vm1, $0xb8;
	[tilespmem:$0xCF80] =	vst v63  }
0x14a: {  	_ = 	snop  }
0x14b: {  	[tilespmem:s24], [sflag:$0x1] =	stream.indirect_vreg.gather [hbm4b:s1+s3], $0x80, v8, vm0, $0xb8;
	[tilespmem:$0xCF80] =	vst v63  }
0x14c: {  	_ = 	snop  }
0x14d: {  	[tilespmem:s25], [sflag:$0x1] =	stream.indirect_vreg.gather [hbm4b:s4+s3], $0x80, v8, vm0, $0xb8;
	[tilespmem:$0xCF80] =	vst v63  }
0x14e: {  	_ = 	snop  }
0x14f: {  	[tilespmem:s26], [sflag:$0x1] =	stream.indirect_vreg.gather [hbm4b:s5+s3], $0x80, v8, vm1, $0xb8;
	[tilespmem:$0xCF80] =	vst v63  }
0x150: {  	v8 =	vld [tilespmem:$0x20];
	_ =	sdelay $0x4  }
0x151: {  	v50 =	vshrl.u32 v8, $0x3  }
0x152: {  	v9 =	vmul.u32 $0x28, v50  }
0x153: {  	v8 =	vand.u32 $0x7, v8  }
0x154: {  	v8 =	vor.u32 v8, v9  }
0x155: {  	v9 =	vperm.xlane v8, v0;
	_ =	sdelay $0x1  }
0x156: {  	v9 =	vadd.s32 v1, v9;
	_ =	sdelay $0x3  }
0x157: {  	v8 =	vperm.xlane v8, v7  }
0x158: {  	[tilespmem:s28], [sflag:$0x1] =	stream.indirect_vreg.gather [hbm4b:s1+s3], $0x80, v9, vm0, $0xb8;
	[tilespmem:$0xCF80] =	vst v63  }
0x159: {  	v8 =	vadd.s32 v1, v8  }
0x15a: {  	[tilespmem:s29], [sflag:$0x1] =	stream.indirect_vreg.gather [hbm4b:s4+s3], $0x80, v9, vm0, $0xb8;
	[tilespmem:$0xCF80] =	vst v63  }
0x15b: {  	_ = 	snop  }
0x15c: {  	[tilespmem:s30], [sflag:$0x1] =	stream.indirect_vreg.gather [hbm4b:s5+s3], $0x80, v9, vm1, $0xb8;
	[tilespmem:$0xCF80] =	vst v63  }
0x15d: {  	_ = 	snop  }
0x15e: {  	[tilespmem:s31], [sflag:$0x1] =	stream.indirect_vreg.gather [hbm4b:s1+s3], $0x80, v8, vm0, $0xb8;
	[tilespmem:$0xCF80] =	vst v63  }
0x15f: {  	_ = 	snop  }
0x160: {  	[tilespmem:s10], [sflag:$0x1] =	stream.indirect_vreg.gather [hbm4b:s4+s3], $0x80, v8, vm0, $0xb8;
	[tilespmem:$0xCF80] =	vst v63  }
0x161: {  	_ = 	snop  }
0x162: {  	[tilespmem:s20], [sflag:$0x1] =	stream.indirect_vreg.gather [hbm4b:s5+s3], $0x80, v8, vm1, $0xb8;
	[tilespmem:$0xCF80] =	vst v63  }
0x163: {  	v8 =	vld [tilespmem:$0x30];
	_ =	sdelay $0x4  }
0x164: {  	v51 =	vshrl.u32 v8, $0x3  }
0x165: {  	v9 =	vmul.u32 $0x28, v51  }
0x166: {  	v8 =	vand.u32 $0x7, v8  }
0x167: {  	v8 =	vor.u32 v8, v9  }
0x168: {  	v9 =	vperm.xlane v8, v0;
	_ =	sdelay $0x1  }
0x169: {  	v9 =	vadd.s32 v1, v9;
	_ =	sdelay $0x3  }
0x16a: {  	v8 =	vperm.xlane v8, v7  }
0x16b: {  	[tilespmem:s21], [sflag:$0x1] =	stream.indirect_vreg.gather [hbm4b:s1+s3], $0x80, v9, vm0, $0xb8;
	[tilespmem:$0xCF80] =	vst v63  }
0x16c: {  	v8 =	vadd.s32 v1, v8  }
0x16d: {  	[tilespmem:s11], [sflag:$0x1] =	stream.indirect_vreg.gather [hbm4b:s4+s3], $0x80, v9, vm0, $0xb8;
	[tilespmem:$0xCF80] =	vst v63  }
0x16e: {  	_ = 	snop  }
0x16f: {  	[tilespmem:s12], [sflag:$0x1] =	stream.indirect_vreg.gather [hbm4b:s5+s3], $0x80, v9, vm1, $0xb8;
	[tilespmem:$0xCF80] =	vst v63  }
0x170: {  	_ = 	snop  }
0x171: {  	[tilespmem:s13], [sflag:$0x1] =	stream.indirect_vreg.gather [hbm4b:s1+s3], $0x80, v8, vm0, $0xb8;
	[tilespmem:$0xCF80] =	vst v63  }
0x172: {  	s16 =	simm.s32 $0x9800  }
0x173: {  	[tilespmem:s16], [sflag:$0x1] =	stream.indirect_vreg.gather [hbm4b:s4+s3], $0x80, v8, vm0, $0xb8;
	[tilespmem:$0xCF80] =	vst v63  }
0x174: {  	s17 =	simm.s32 $0xA000  }
0x175: {  	[tilespmem:s17], [sflag:$0x1] =	stream.indirect_vreg.gather [hbm4b:s5+s3], $0x80, v8, vm1, $0xb8;
	[tilespmem:$0xCF80] =	vst v63  }
0x176: {  	v8 =	vld [tilespmem:$0x40];
	_ =	sdelay $0x4  }
0x177: {  	v52 =	vshrl.u32 v8, $0x3  }
0x178: {  	v9 =	vmul.u32 $0x28, v52  }
0x179: {  	v8 =	vand.u32 $0x7, v8  }
0x17a: {  	v8 =	vor.u32 v8, v9  }
0x17b: {  	v9 =	vperm.xlane v8, v0;
	_ =	sdelay $0x1  }
0x17c: {  	v9 =	vadd.s32 v1, v9;
	_ =	sdelay $0x3  }
0x17d: {  	s18 =	simm.s32 $0xA400;
	v8 =	vperm.xlane v8, v7  }
0x17e: {  	[tilespmem:s18], [sflag:$0x1] =	stream.indirect_vreg.gather [hbm4b:s1+s3], $0x80, v9, vm0, $0xb8;
	[tilespmem:$0xCF80] =	vst v63  }
0x17f: {  	s0 =	simm.s32 $0xAC00;
	v8 =	vadd.s32 v1, v8  }
0x180: {  	[tilespmem:s0], [sflag:$0x1] =	stream.indirect_vreg.gather [hbm4b:s4+s3], $0x80, v9, vm0, $0xb8;
	[tilespmem:$0xCF80] =	vst v63  }
0x181: {  	s2 =	simm.s32 $0xB400  }
0x182: {  	[tilespmem:s2], [sflag:$0x1] =	stream.indirect_vreg.gather [hbm4b:s5+s3], $0x80, v9, vm1, $0xb8;
	[tilespmem:$0xCF80] =	vst v63  }
0x183: {  	s6 =	simm.s32 $0xB800  }
0x184: {  	[tilespmem:s6], [sflag:$0x1] =	stream.indirect_vreg.gather [hbm4b:s1+s3], $0x80, v8, vm0, $0xb8;
	[tilespmem:$0xCF80] =	vst v63  }
0x185: {  	s9 =	simm.s32 $0xC000  }
0x186: {  	[tilespmem:s9], [sflag:$0x1] =	stream.indirect_vreg.gather [hbm4b:s4+s3], $0x80, v8, vm0, $0xb8;
	[tilespmem:$0xCF80] =	vst v63  }
0x187: {  	s19 =	simm.s32 $0xC800  }
0x188: {  	[tilespmem:s19], [sflag:$0x1] =	stream.indirect_vreg.gather [hbm4b:s5+s3], $0x80, v8, vm1, $0xb8;
	[tilespmem:$0xCF80] =	vst v63  }
0x189: {  	_ =	swait.ge [sflag:s14], $0xC800  }
0x18a: {  	[sflag:s14] =	ssyncset.done $0x0  }
0x18b: {  	[sflag:s14] =	ssyncadd.s32 $0xFFFF3800  }
0x18c: {  	v8 =	vld [tilespmem:$0x120];
	_ =	sdelay $0x4  }
0x18d: {  	v53 =	vshll.u32 v8, $0x3  }
0x18e: {  	v54 =	vld [tilespmem:$0x130];
	v8 =	vand.u32 $0x7F, v8;
	v9 =	vand.u32 $0xFFFFFC00, v53  }
0x18f: {  	v8 =	vor.u32 v8, v9  }
0x190: {  	v8 =	vadd.s32 v2, v8;
	_ =	sdelay $0x2  }
0x191: {  	v55 =	vshll.u32 v54, $0x3  }
0x192: {  	v56 =	vld [tilespmem:$0x140];
	v10 =	vand.u32 $0x7F, v54;
	v9 =	vand.u32 $0xFFFFFC00, v55  }
0x193: {  	v9 =	vor.u32 v10, v9;
	v8 =	vld.idx.msk [tilespmem:v8+s8+$0x0], $0xffff  }
0x194: {  	v9 =	vadd.s32 v3, v9;
	_ =	sdelay $0x2  }
0x195: {  	v57 =	vshll.u32 v56, $0x3  }
0x196: {  	v58 =	vld [tilespmem:$0x150];
	v10 =	vand.u32 $0xFFFFFC00, v57;
	[tilespmem:$0xCCA0] =	vst v8;
	v8 =	vand.u32 $0x7F, v56  }
0x197: {  	v9 =	vld.idx.msk [tilespmem:v9+s8+$0x0], $0xffff;
	v8 =	vor.u32 v8, v10  }
0x198: {  	v8 =	vadd.s32 v4, v8;
	_ =	sdelay $0x2  }
0x199: {  	v59 =	vshll.u32 v58, $0x3  }
0x19a: {  	v61 =	vld [tilespmem:$0x160];
	v60 =	vand.u32 $0x7F, v58;
	v10 =	vand.u32 $0xFFFFFC00, v59;
	[tilespmem:$0xCCB0] =	vst v9  }
0x19b: {  	v9 =	vor.u32 v60, v10;
	v8 =	vld.idx.msk [tilespmem:v8+s8+$0x0], $0xffff  }
0x19c: {  	v9 =	vadd.s32 v5, v9;
	_ =	sdelay $0x2  }
0x19d: {  	v62 =	vshll.u32 v61, $0x3  }
0x19e: {  	v10 =	vand.u32 $0xFFFFFC00, v62;
	[tilespmem:$0xCCC0] =	vst v8;
	v8 =	vand.u32 $0x7F, v61  }
0x19f: {  	v9 =	vld.idx.msk [tilespmem:v9+s8+$0x0], $0xffff;
	v8 =	vor.u32 v8, v10  }
0x1a0: {  	v8 =	vadd.s32 v6, v8;
	_ =	sdelay $0x3  }
0x1a1: {  	[tilespmem:$0xCCD0] =	vst v9  }
0x1a2: {  	v8 =	vld.idx.msk [tilespmem:v8+s8+$0x0], $0xffff;
	_ =	sdelay $0x4  }
0x1a3: {  	s19 =	rddreg [dreg:$0x7];
	[tilespmem:$0xCCE0] =	vst v8  }
0x1a4: {  	[tilespmem:s3], [sflag:$0x2] =	stream.linear.gather [hbm4b:s19+s3], $0x50, $0x38;
	[tilespmem:$0xCF80] =	vst v63  }
0x1a5: {  	_ =	swait.ge [sflag:s7], $0x50  }
0x1a6: {  	[sflag:s7] =	ssyncset.done $0x0  }
0x1a7: {  	[sflag:s7] =	ssyncadd.s32 $0xFFFFFFB0  }
0x1a8: {  	v8 =	vld [tilespmem:$0x0];
	_ =	sdelay $0x4  }
0x1a9: {  	v63 =	vshrl.u32 v8, $0x3  }
0x1aa: {  	v9 =	vmul.u32 $0x28, v63  }
0x1ab: {  	v8 =	vand.u32 $0x7, v8  }
0x1ac: {  	v8 =	vor.u32 v8, v9  }
0x1ad: {  	v9 =	vperm.xlane v8, v0;
	_ =	sdelay $0x1  }
0x1ae: {  	v9 =	vadd.s32 v1, v9;
	_ =	sdelay $0x3  }
0x1af: {  	v8 =	vperm.xlane v8, v7  }
0x1b0: {  	[tilespmem:s8], [sflag:$0x1] =	stream.indirect_vreg.gather [hbm4b:s1+s3], $0x80, v9, vm0, $0xb8;
	[tilespmem:$0xCF80] =	vst v63  }
0x1b1: {  	s19 =	simm.s32 $0xC00;
	v8 =	vadd.s32 v1, v8  }
0x1b2: {  	[tilespmem:s19], [sflag:$0x1] =	stream.indirect_vreg.gather [hbm4b:s4+s3], $0x80, v9, vm0, $0xb8;
	[tilespmem:$0xCF80] =	vst v63  }
0x1b3: {  	s19 =	simm.s32 $0x1400  }
0x1b4: {  	[tilespmem:s19], [sflag:$0x1] =	stream.indirect_vreg.gather [hbm4b:s5+s3], $0x80, v9, vm1, $0xb8;
	[tilespmem:$0xCF80] =	vst v63  }
0x1b5: {  	s15 =	simm.s32 $0x1800  }
0x1b6: {  	[tilespmem:s15], [sflag:$0x1] =	stream.indirect_vreg.gather [hbm4b:s1+s3], $0x80, v8, vm0, $0xb8;
	[tilespmem:$0xCF80] =	vst v63  }
0x1b7: {  	s15 =	simm.s32 $0x2000  }
0x1b8: {  	[tilespmem:s15], [sflag:$0x1] =	stream.indirect_vreg.gather [hbm4b:s4+s3], $0x80, v8, vm0, $0xb8;
	[tilespmem:$0xCF80] =	vst v63  }
0x1b9: {  	s15 =	simm.s32 $0x2800  }
0x1ba: {  	[tilespmem:s15], [sflag:$0x1] =	stream.indirect_vreg.gather [hbm4b:s5+s3], $0x80, v8, vm1, $0xb8;
	[tilespmem:$0xCF80] =	vst v63  }
0x1bb: {  	v8 =	vld [tilespmem:$0x10];
	_ =	sdelay $0x4  }
0x1bc: {  	v12 =	vshrl.u32 v8, $0x3  }
0x1bd: {  	v9 =	vmul.u32 $0x28, v12  }
0x1be: {  	v8 =	vand.u32 $0x7, v8  }
0x1bf: {  	v8 =	vor.u32 v8, v9  }
0x1c0: {  	v9 =	vperm.xlane v8, v0;
	_ =	sdelay $0x1  }
0x1c1: {  	v9 =	vadd.s32 v1, v9;
	_ =	sdelay $0x3  }
0x1c2: {  	s22 =	simm.s32 $0x2C00;
	v8 =	vperm.xlane v8, v7  }
0x1c3: {  	[tilespmem:s22], [sflag:$0x1] =	stream.indirect_vreg.gather [hbm4b:s1+s3], $0x80, v9, vm0, $0xb8;
	[tilespmem:$0xCF80] =	vst v63  }
0x1c4: {  	s15 =	simm.s32 $0x3400;
	v8 =	vadd.s32 v1, v8  }
0x1c5: {  	[tilespmem:s15], [sflag:$0x1] =	stream.indirect_vreg.gather [hbm4b:s4+s3], $0x80, v9, vm0, $0xb8;
	[tilespmem:$0xCF80] =	vst v63  }
0x1c6: {  	s23 =	simm.s32 $0x3C00  }
0x1c7: {  	[tilespmem:s23], [sflag:$0x1] =	stream.indirect_vreg.gather [hbm4b:s5+s3], $0x80, v9, vm1, $0xb8;
	[tilespmem:$0xCF80] =	vst v63  }
0x1c8: {  	s24 =	simm.s32 $0x4000  }
0x1c9: {  	[tilespmem:s24], [sflag:$0x1] =	stream.indirect_vreg.gather [hbm4b:s1+s3], $0x80, v8, vm0, $0xb8;
	[tilespmem:$0xCF80] =	vst v63  }
0x1ca: {  	s25 =	simm.s32 $0x4800  }
0x1cb: {  	[tilespmem:s25], [sflag:$0x1] =	stream.indirect_vreg.gather [hbm4b:s4+s3], $0x80, v8, vm0, $0xb8;
	[tilespmem:$0xCF80] =	vst v63  }
0x1cc: {  	s26 =	simm.s32 $0x5000  }
0x1cd: {  	[tilespmem:s26], [sflag:$0x1] =	stream.indirect_vreg.gather [hbm4b:s5+s3], $0x80, v8, vm1, $0xb8;
	[tilespmem:$0xCF80] =	vst v63  }
0x1ce: {  	v8 =	vld [tilespmem:$0x20];
	_ =	sdelay $0x4  }
0x1cf: {  	v13 =	vshrl.u32 v8, $0x3  }
0x1d0: {  	v9 =	vmul.u32 $0x28, v13  }
0x1d1: {  	v8 =	vand.u32 $0x7, v8  }
0x1d2: {  	v8 =	vor.u32 v8, v9  }
0x1d3: {  	v9 =	vperm.xlane v8, v0;
	_ =	sdelay $0x1  }
0x1d4: {  	v9 =	vadd.s32 v1, v9;
	_ =	sdelay $0x3  }
0x1d5: {  	s28 =	simm.s32 $0x5400;
	v8 =	vperm.xlane v8, v7  }
0x1d6: {  	[tilespmem:s28], [sflag:$0x1] =	stream.indirect_vreg.gather [hbm4b:s1+s3], $0x80, v9, vm0, $0xb8;
	[tilespmem:$0xCF80] =	vst v63  }
0x1d7: {  	s29 =	simm.s32 $0x5C00;
	v8 =	vadd.s32 v1, v8  }
0x1d8: {  	[tilespmem:s29], [sflag:$0x1] =	stream.indirect_vreg.gather [hbm4b:s4+s3], $0x80, v9, vm0, $0xb8;
	[tilespmem:$0xCF80] =	vst v63  }
0x1d9: {  	s30 =	simm.s32 $0x6400  }
0x1da: {  	[tilespmem:s30], [sflag:$0x1] =	stream.indirect_vreg.gather [hbm4b:s5+s3], $0x80, v9, vm1, $0xb8;
	[tilespmem:$0xCF80] =	vst v63  }
0x1db: {  	s31 =	simm.s32 $0x6800  }
0x1dc: {  	[tilespmem:s31], [sflag:$0x1] =	stream.indirect_vreg.gather [hbm4b:s1+s3], $0x80, v8, vm0, $0xb8;
	[tilespmem:$0xCF80] =	vst v63  }
0x1dd: {  	s15 =	simm.s32 $0x7000  }
0x1de: {  	[tilespmem:s15], [sflag:$0x1] =	stream.indirect_vreg.gather [hbm4b:s4+s3], $0x80, v8, vm0, $0xb8;
	[tilespmem:$0xCF80] =	vst v63  }
0x1df: {  	s10 =	simm.s32 $0x7800  }
0x1e0: {  	[tilespmem:s10], [sflag:$0x1] =	stream.indirect_vreg.gather [hbm4b:s5+s3], $0x80, v8, vm1, $0xb8;
	[tilespmem:$0xCF80] =	vst v63  }
0x1e1: {  	v8 =	vld [tilespmem:$0x30];
	_ =	sdelay $0x4  }
0x1e2: {  	v14 =	vshrl.u32 v8, $0x3  }
0x1e3: {  	v9 =	vmul.u32 $0x28, v14  }
0x1e4: {  	v8 =	vand.u32 $0x7, v8  }
0x1e5: {  	v8 =	vor.u32 v8, v9  }
0x1e6: {  	v9 =	vperm.xlane v8, v0;
	_ =	sdelay $0x1  }
0x1e7: {  	v9 =	vadd.s32 v1, v9;
	_ =	sdelay $0x3  }
0x1e8: {  	s21 =	simm.s32 $0x7C00;
	v8 =	vperm.xlane v8, v7  }
0x1e9: {  	[tilespmem:s21], [sflag:$0x1] =	stream.indirect_vreg.gather [hbm4b:s1+s3], $0x80, v9, vm0, $0xb8;
	[tilespmem:$0xCF80] =	vst v63  }
0x1ea: {  	s11 =	simm.s32 $0x8400;
	v8 =	vadd.s32 v1, v8  }
0x1eb: {  	[tilespmem:s11], [sflag:$0x1] =	stream.indirect_vreg.gather [hbm4b:s4+s3], $0x80, v9, vm0, $0xb8;
	[tilespmem:$0xCF80] =	vst v63  }
0x1ec: {  	s12 =	simm.s32 $0x8C00  }
0x1ed: {  	[tilespmem:s12], [sflag:$0x1] =	stream.indirect_vreg.gather [hbm4b:s5+s3], $0x80, v9, vm1, $0xb8;
	[tilespmem:$0xCF80] =	vst v63  }
0x1ee: {  	s13 =	simm.s32 $0x9000  }
0x1ef: {  	[tilespmem:s13], [sflag:$0x1] =	stream.indirect_vreg.gather [hbm4b:s1+s3], $0x80, v8, vm0, $0xb8;
	[tilespmem:$0xCF80] =	vst v63  }
0x1f0: {  	s16 =	simm.s32 $0x9800  }
0x1f1: {  	[tilespmem:s16], [sflag:$0x1] =	stream.indirect_vreg.gather [hbm4b:s4+s3], $0x80, v8, vm0, $0xb8;
	[tilespmem:$0xCF80] =	vst v63  }
0x1f2: {  	s20 =	simm.s32 $0xA000  }
0x1f3: {  	[tilespmem:s20], [sflag:$0x1] =	stream.indirect_vreg.gather [hbm4b:s5+s3], $0x80, v8, vm1, $0xb8;
	[tilespmem:$0xCF80] =	vst v63  }
0x1f4: {  	v8 =	vld [tilespmem:$0x40];
	_ =	sdelay $0x4  }
0x1f5: {  	v15 =	vshrl.u32 v8, $0x3  }
0x1f6: {  	v9 =	vmul.u32 $0x28, v15  }
0x1f7: {  	v8 =	vand.u32 $0x7, v8  }
0x1f8: {  	v8 =	vor.u32 v8, v9  }
0x1f9: {  	v9 =	vperm.xlane v8, v0;
	_ =	sdelay $0x1  }
0x1fa: {  	v9 =	vadd.s32 v1, v9;
	_ =	sdelay $0x3  }
0x1fb: {  	s17 =	simm.s32 $0xA400;
	v8 =	vperm.xlane v8, v7  }
0x1fc: {  	[tilespmem:s17], [sflag:$0x1] =	stream.indirect_vreg.gather [hbm4b:s1+s3], $0x80, v9, vm0, $0xb8;
	[tilespmem:$0xCF80] =	vst v63  }
0x1fd: {  	s0 =	simm.s32 $0xAC00;
	v8 =	vadd.s32 v1, v8  }
0x1fe: {  	[tilespmem:s0], [sflag:$0x1] =	stream.indirect_vreg.gather [hbm4b:s4+s3], $0x80, v9, vm0, $0xb8;
	[tilespmem:$0xCF80] =	vst v63  }
0x1ff: {  	s2 =	simm.s32 $0xB400  }
0x200: {  	[tilespmem:s2], [sflag:$0x1] =	stream.indirect_vreg.gather [hbm4b:s5+s3], $0x80, v9, vm1, $0xb8;
	[tilespmem:$0xCF80] =	vst v63  }
0x201: {  	s6 =	simm.s32 $0xB800  }
0x202: {  	[tilespmem:s6], [sflag:$0x1] =	stream.indirect_vreg.gather [hbm4b:s1+s3], $0x80, v8, vm0, $0xb8;
	[tilespmem:$0xCF80] =	vst v63  }
0x203: {  	s9 =	simm.s32 $0xC000  }
0x204: {  	[tilespmem:s9], [sflag:$0x1] =	stream.indirect_vreg.gather [hbm4b:s4+s3], $0x80, v8, vm0, $0xb8;
	[tilespmem:$0xCF80] =	vst v63  }
0x205: {  	s18 =	simm.s32 $0xC800  }
0x206: {  	[tilespmem:s18], [sflag:$0x1] =	stream.indirect_vreg.gather [hbm4b:s5+s3], $0x80, v8, vm1, $0xb8;
	[tilespmem:$0xCF80] =	vst v63  }
0x207: {  	_ =	swait.ge [sflag:s14], $0xC800  }
0x208: {  	[sflag:s14] =	ssyncset.done $0x0  }
0x209: {  	[sflag:s14] =	ssyncadd.s32 $0xFFFF3800  }
0x20a: {  	v8 =	vld [tilespmem:$0x170];
	_ =	sdelay $0x4  }
0x20b: {  	v16 =	vshll.u32 v8, $0x3  }
0x20c: {  	v17 =	vld [tilespmem:$0x180];
	v8 =	vand.u32 $0x7F, v8;
	v9 =	vand.u32 $0xFFFFFC00, v16  }
0x20d: {  	v8 =	vor.u32 v8, v9  }
0x20e: {  	v8 =	vadd.s32 v2, v8;
	_ =	sdelay $0x2  }
0x20f: {  	v18 =	vshll.u32 v17, $0x3  }
0x210: {  	v19 =	vld [tilespmem:$0x190];
	v10 =	vand.u32 $0x7F, v17;
	v9 =	vand.u32 $0xFFFFFC00, v18  }
0x211: {  	v9 =	vor.u32 v10, v9;
	v8 =	vld.idx.msk [tilespmem:v8+s8+$0x0], $0xffff  }
0x212: {  	v9 =	vadd.s32 v3, v9;
	_ =	sdelay $0x2  }
0x213: {  	v20 =	vshll.u32 v19, $0x3  }
0x214: {  	v21 =	vld [tilespmem:$0x1A0];
	v10 =	vand.u32 $0xFFFFFC00, v20;
	[tilespmem:$0xCCF0] =	vst v8;
	v8 =	vand.u32 $0x7F, v19  }
0x215: {  	v9 =	vld.idx.msk [tilespmem:v9+s8+$0x0], $0xffff;
	v8 =	vor.u32 v8, v10  }
0x216: {  	v8 =	vadd.s32 v4, v8;
	_ =	sdelay $0x2  }
0x217: {  	v22 =	vshll.u32 v21, $0x3  }
0x218: {  	v24 =	vld [tilespmem:$0x1B0];
	v23 =	vand.u32 $0x7F, v21;
	v10 =	vand.u32 $0xFFFFFC00, v22;
	[tilespmem:$0xCD00] =	vst v9  }
0x219: {  	v9 =	vor.u32 v23, v10;
	v8 =	vld.idx.msk [tilespmem:v8+s8+$0x0], $0xffff  }
0x21a: {  	v9 =	vadd.s32 v5, v9;
	_ =	sdelay $0x2  }
0x21b: {  	v25 =	vshll.u32 v24, $0x3  }
0x21c: {  	v10 =	vand.u32 $0xFFFFFC00, v25;
	[tilespmem:$0xCD10] =	vst v8;
	v8 =	vand.u32 $0x7F, v24  }
0x21d: {  	v9 =	vld.idx.msk [tilespmem:v9+s8+$0x0], $0xffff;
	v8 =	vor.u32 v8, v10  }
0x21e: {  	v8 =	vadd.s32 v6, v8;
	_ =	sdelay $0x3  }
0x21f: {  	[tilespmem:$0xCD20] =	vst v9  }
0x220: {  	v8 =	vld.idx.msk [tilespmem:v8+s8+$0x0], $0xffff;
	_ =	sdelay $0x4  }
0x221: {  	s15 =	rddreg [dreg:$0x8];
	[tilespmem:$0xCD30] =	vst v8  }
0x222: {  	[tilespmem:s3], [sflag:$0x2] =	stream.linear.gather [hbm4b:s15+s3], $0x50, $0x38;
	[tilespmem:$0xCF80] =	vst v63  }
0x223: {  	_ =	swait.ge [sflag:s7], $0x50  }
0x224: {  	[sflag:s7] =	ssyncset.done $0x0  }
0x225: {  	[sflag:s7] =	ssyncadd.s32 $0xFFFFFFB0  }
0x226: {  	v8 =	vld [tilespmem:$0x0];
	_ =	sdelay $0x4  }
0x227: {  	v26 =	vshrl.u32 v8, $0x3  }
0x228: {  	v9 =	vmul.u32 $0x28, v26  }
0x229: {  	v8 =	vand.u32 $0x7, v8  }
0x22a: {  	v8 =	vor.u32 v8, v9  }
0x22b: {  	v9 =	vperm.xlane v8, v0;
	_ =	sdelay $0x1  }
0x22c: {  	v9 =	vadd.s32 v1, v9;
	_ =	sdelay $0x3  }
0x22d: {  	v8 =	vperm.xlane v8, v7  }
0x22e: {  	[tilespmem:s8], [sflag:$0x1] =	stream.indirect_vreg.gather [hbm4b:s1+s3], $0x80, v9, vm0, $0xb8;
	[tilespmem:$0xCF80] =	vst v63  }
0x22f: {  	s15 =	simm.s32 $0xC00;
	v8 =	vadd.s32 v1, v8  }
0x230: {  	[tilespmem:s15], [sflag:$0x1] =	stream.indirect_vreg.gather [hbm4b:s4+s3], $0x80, v9, vm0, $0xb8;
	[tilespmem:$0xCF80] =	vst v63  }
0x231: {  	s19 =	simm.s32 $0x1400  }
0x232: {  	[tilespmem:s19], [sflag:$0x1] =	stream.indirect_vreg.gather [hbm4b:s5+s3], $0x80, v9, vm1, $0xb8;
	[tilespmem:$0xCF80] =	vst v63  }
0x233: {  	s15 =	simm.s32 $0x1800  }
0x234: {  	[tilespmem:s15], [sflag:$0x1] =	stream.indirect_vreg.gather [hbm4b:s1+s3], $0x80, v8, vm0, $0xb8;
	[tilespmem:$0xCF80] =	vst v63  }
0x235: {  	s15 =	simm.s32 $0x2000  }
0x236: {  	[tilespmem:s15], [sflag:$0x1] =	stream.indirect_vreg.gather [hbm4b:s4+s3], $0x80, v8, vm0, $0xb8;
	[tilespmem:$0xCF80] =	vst v63  }
0x237: {  	s15 =	simm.s32 $0x2800  }
0x238: {  	[tilespmem:s15], [sflag:$0x1] =	stream.indirect_vreg.gather [hbm4b:s5+s3], $0x80, v8, vm1, $0xb8;
	[tilespmem:$0xCF80] =	vst v63  }
0x239: {  	v8 =	vld [tilespmem:$0x10];
	_ =	sdelay $0x4  }
0x23a: {  	v27 =	vshrl.u32 v8, $0x3  }
0x23b: {  	v9 =	vmul.u32 $0x28, v27  }
0x23c: {  	v8 =	vand.u32 $0x7, v8  }
0x23d: {  	v8 =	vor.u32 v8, v9  }
0x23e: {  	v9 =	vperm.xlane v8, v0;
	_ =	sdelay $0x1  }
0x23f: {  	v9 =	vadd.s32 v1, v9;
	_ =	sdelay $0x3  }
0x240: {  	s22 =	simm.s32 $0x2C00;
	v8 =	vperm.xlane v8, v7  }
0x241: {  	[tilespmem:s22], [sflag:$0x1] =	stream.indirect_vreg.gather [hbm4b:s1+s3], $0x80, v9, vm0, $0xb8;
	[tilespmem:$0xCF80] =	vst v63  }
0x242: {  	s15 =	simm.s32 $0x3400;
	v8 =	vadd.s32 v1, v8  }
0x243: {  	[tilespmem:s15], [sflag:$0x1] =	stream.indirect_vreg.gather [hbm4b:s4+s3], $0x80, v9, vm0, $0xb8;
	[tilespmem:$0xCF80] =	vst v63  }
0x244: {  	s23 =	simm.s32 $0x3C00  }
0x245: {  	[tilespmem:s23], [sflag:$0x1] =	stream.indirect_vreg.gather [hbm4b:s5+s3], $0x80, v9, vm1, $0xb8;
	[tilespmem:$0xCF80] =	vst v63  }
0x246: {  	s24 =	simm.s32 $0x4000  }
0x247: {  	[tilespmem:s24], [sflag:$0x1] =	stream.indirect_vreg.gather [hbm4b:s1+s3], $0x80, v8, vm0, $0xb8;
	[tilespmem:$0xCF80] =	vst v63  }
0x248: {  	s25 =	simm.s32 $0x4800  }
0x249: {  	[tilespmem:s25], [sflag:$0x1] =	stream.indirect_vreg.gather [hbm4b:s4+s3], $0x80, v8, vm0, $0xb8;
	[tilespmem:$0xCF80] =	vst v63  }
0x24a: {  	s26 =	simm.s32 $0x5000  }
0x24b: {  	[tilespmem:s26], [sflag:$0x1] =	stream.indirect_vreg.gather [hbm4b:s5+s3], $0x80, v8, vm1, $0xb8;
	[tilespmem:$0xCF80] =	vst v63  }
0x24c: {  	v8 =	vld [tilespmem:$0x20];
	_ =	sdelay $0x4  }
0x24d: {  	v28 =	vshrl.u32 v8, $0x3  }
0x24e: {  	v9 =	vmul.u32 $0x28, v28  }
0x24f: {  	v8 =	vand.u32 $0x7, v8  }
0x250: {  	v8 =	vor.u32 v8, v9  }
0x251: {  	v9 =	vperm.xlane v8, v0;
	_ =	sdelay $0x1  }
0x252: {  	v9 =	vadd.s32 v1, v9;
	_ =	sdelay $0x3  }
0x253: {  	s28 =	simm.s32 $0x5400;
	v8 =	vperm.xlane v8, v7  }
0x254: {  	[tilespmem:s28], [sflag:$0x1] =	stream.indirect_vreg.gather [hbm4b:s1+s3], $0x80, v9, vm0, $0xb8;
	[tilespmem:$0xCF80] =	vst v63  }
0x255: {  	s29 =	simm.s32 $0x5C00;
	v8 =	vadd.s32 v1, v8  }
0x256: {  	[tilespmem:s29], [sflag:$0x1] =	stream.indirect_vreg.gather [hbm4b:s4+s3], $0x80, v9, vm0, $0xb8;
	[tilespmem:$0xCF80] =	vst v63  }
0x257: {  	s30 =	simm.s32 $0x6400  }
0x258: {  	[tilespmem:s30], [sflag:$0x1] =	stream.indirect_vreg.gather [hbm4b:s5+s3], $0x80, v9, vm1, $0xb8;
	[tilespmem:$0xCF80] =	vst v63  }
0x259: {  	s31 =	simm.s32 $0x6800  }
0x25a: {  	[tilespmem:s31], [sflag:$0x1] =	stream.indirect_vreg.gather [hbm4b:s1+s3], $0x80, v8, vm0, $0xb8;
	[tilespmem:$0xCF80] =	vst v63  }
0x25b: {  	s15 =	simm.s32 $0x7000  }
0x25c: {  	[tilespmem:s15], [sflag:$0x1] =	stream.indirect_vreg.gather [hbm4b:s4+s3], $0x80, v8, vm0, $0xb8;
	[tilespmem:$0xCF80] =	vst v63  }
0x25d: {  	s10 =	simm.s32 $0x7800  }
0x25e: {  	[tilespmem:s10], [sflag:$0x1] =	stream.indirect_vreg.gather [hbm4b:s5+s3], $0x80, v8, vm1, $0xb8;
	[tilespmem:$0xCF80] =	vst v63  }
0x25f: {  	v8 =	vld [tilespmem:$0x30];
	_ =	sdelay $0x4  }
0x260: {  	v29 =	vshrl.u32 v8, $0x3  }
0x261: {  	v9 =	vmul.u32 $0x28, v29  }
0x262: {  	v8 =	vand.u32 $0x7, v8  }
0x263: {  	v8 =	vor.u32 v8, v9  }
0x264: {  	v9 =	vperm.xlane v8, v0;
	_ =	sdelay $0x1  }
0x265: {  	v9 =	vadd.s32 v1, v9;
	_ =	sdelay $0x3  }
0x266: {  	s21 =	simm.s32 $0x7C00;
	v8 =	vperm.xlane v8, v7  }
0x267: {  	[tilespmem:s21], [sflag:$0x1] =	stream.indirect_vreg.gather [hbm4b:s1+s3], $0x80, v9, vm0, $0xb8;
	[tilespmem:$0xCF80] =	vst v63  }
0x268: {  	s11 =	simm.s32 $0x8400;
	v8 =	vadd.s32 v1, v8  }
0x269: {  	[tilespmem:s11], [sflag:$0x1] =	stream.indirect_vreg.gather [hbm4b:s4+s3], $0x80, v9, vm0, $0xb8;
	[tilespmem:$0xCF80] =	vst v63  }
0x26a: {  	s12 =	simm.s32 $0x8C00  }
0x26b: {  	[tilespmem:s12], [sflag:$0x1] =	stream.indirect_vreg.gather [hbm4b:s5+s3], $0x80, v9, vm1, $0xb8;
	[tilespmem:$0xCF80] =	vst v63  }
0x26c: {  	s13 =	simm.s32 $0x9000  }
0x26d: {  	[tilespmem:s13], [sflag:$0x1] =	stream.indirect_vreg.gather [hbm4b:s1+s3], $0x80, v8, vm0, $0xb8;
	[tilespmem:$0xCF80] =	vst v63  }
0x26e: {  	s16 =	simm.s32 $0x9800  }
0x26f: {  	[tilespmem:s16], [sflag:$0x1] =	stream.indirect_vreg.gather [hbm4b:s4+s3], $0x80, v8, vm0, $0xb8;
	[tilespmem:$0xCF80] =	vst v63  }
0x270: {  	s20 =	simm.s32 $0xA000  }
0x271: {  	[tilespmem:s20], [sflag:$0x1] =	stream.indirect_vreg.gather [hbm4b:s5+s3], $0x80, v8, vm1, $0xb8;
	[tilespmem:$0xCF80] =	vst v63  }
0x272: {  	v8 =	vld [tilespmem:$0x40];
	_ =	sdelay $0x4  }
0x273: {  	v30 =	vshrl.u32 v8, $0x3  }
0x274: {  	v9 =	vmul.u32 $0x28, v30  }
0x275: {  	v8 =	vand.u32 $0x7, v8  }
0x276: {  	v8 =	vor.u32 v8, v9  }
0x277: {  	v9 =	vperm.xlane v8, v0;
	_ =	sdelay $0x1  }
0x278: {  	v9 =	vadd.s32 v1, v9;
	_ =	sdelay $0x3  }
0x279: {  	s17 =	simm.s32 $0xA400;
	v8 =	vperm.xlane v8, v7  }
0x27a: {  	[tilespmem:s17], [sflag:$0x1] =	stream.indirect_vreg.gather [hbm4b:s1+s3], $0x80, v9, vm0, $0xb8;
	[tilespmem:$0xCF80] =	vst v63  }
0x27b: {  	s0 =	simm.s32 $0xAC00;
	v8 =	vadd.s32 v1, v8  }
0x27c: {  	[tilespmem:s0], [sflag:$0x1] =	stream.indirect_vreg.gather [hbm4b:s4+s3], $0x80, v9, vm0, $0xb8;
	[tilespmem:$0xCF80] =	vst v63  }
0x27d: {  	s2 =	simm.s32 $0xB400  }
0x27e: {  	[tilespmem:s2], [sflag:$0x1] =	stream.indirect_vreg.gather [hbm4b:s5+s3], $0x80, v9, vm1, $0xb8;
	[tilespmem:$0xCF80] =	vst v63  }
0x27f: {  	s6 =	simm.s32 $0xB800  }
0x280: {  	[tilespmem:s6], [sflag:$0x1] =	stream.indirect_vreg.gather [hbm4b:s1+s3], $0x80, v8, vm0, $0xb8;
	[tilespmem:$0xCF80] =	vst v63  }
0x281: {  	s9 =	simm.s32 $0xC000  }
0x282: {  	[tilespmem:s9], [sflag:$0x1] =	stream.indirect_vreg.gather [hbm4b:s4+s3], $0x80, v8, vm0, $0xb8;
	[tilespmem:$0xCF80] =	vst v63  }
0x283: {  	s18 =	simm.s32 $0xC800  }
0x284: {  	[tilespmem:s18], [sflag:$0x1] =	stream.indirect_vreg.gather [hbm4b:s5+s3], $0x80, v8, vm1, $0xb8;
	[tilespmem:$0xCF80] =	vst v63  }
0x285: {  	_ =	swait.ge [sflag:s14], $0xC800  }
0x286: {  	[sflag:s14] =	ssyncset.done $0x0  }
0x287: {  	[sflag:s14] =	ssyncadd.s32 $0xFFFF3800  }
0x288: {  	v8 =	vld [tilespmem:$0x1C0];
	_ =	sdelay $0x4  }
0x289: {  	v31 =	vshll.u32 v8, $0x3  }
0x28a: {  	v32 =	vld [tilespmem:$0x1D0];
	v8 =	vand.u32 $0x7F, v8;
	v9 =	vand.u32 $0xFFFFFC00, v31  }
0x28b: {  	v8 =	vor.u32 v8, v9  }
0x28c: {  	v8 =	vadd.s32 v2, v8;
	_ =	sdelay $0x2  }
0x28d: {  	v33 =	vshll.u32 v32, $0x3  }
0x28e: {  	v34 =	vld [tilespmem:$0x1E0];
	v10 =	vand.u32 $0x7F, v32;
	v9 =	vand.u32 $0xFFFFFC00, v33  }
0x28f: {  	v9 =	vor.u32 v10, v9;
	v8 =	vld.idx.msk [tilespmem:v8+s8+$0x0], $0xffff  }
0x290: {  	v9 =	vadd.s32 v3, v9;
	_ =	sdelay $0x2  }
0x291: {  	v35 =	vshll.u32 v34, $0x3  }
0x292: {  	v36 =	vld [tilespmem:$0x1F0];
	v10 =	vand.u32 $0xFFFFFC00, v35;
	[tilespmem:$0xCD40] =	vst v8;
	v8 =	vand.u32 $0x7F, v34  }
0x293: {  	v9 =	vld.idx.msk [tilespmem:v9+s8+$0x0], $0xffff;
	v8 =	vor.u32 v8, v10  }
0x294: {  	v8 =	vadd.s32 v4, v8;
	_ =	sdelay $0x2  }
0x295: {  	v37 =	vshll.u32 v36, $0x3  }
0x296: {  	v39 =	vld [tilespmem:$0x200];
	v38 =	vand.u32 $0x7F, v36;
	v10 =	vand.u32 $0xFFFFFC00, v37;
	[tilespmem:$0xCD50] =	vst v9  }
0x297: {  	v9 =	vor.u32 v38, v10;
	v8 =	vld.idx.msk [tilespmem:v8+s8+$0x0], $0xffff  }
0x298: {  	v9 =	vadd.s32 v5, v9;
	_ =	sdelay $0x2  }
0x299: {  	v40 =	vshll.u32 v39, $0x3  }
0x29a: {  	v10 =	vand.u32 $0xFFFFFC00, v40;
	[tilespmem:$0xCD60] =	vst v8;
	v8 =	vand.u32 $0x7F, v39  }
0x29b: {  	v9 =	vld.idx.msk [tilespmem:v9+s8+$0x0], $0xffff;
	v8 =	vor.u32 v8, v10  }
0x29c: {  	v8 =	vadd.s32 v6, v8;
	_ =	sdelay $0x3  }
0x29d: {  	[tilespmem:$0xCD70] =	vst v9  }
0x29e: {  	v8 =	vld.idx.msk [tilespmem:v8+s8+$0x0], $0xffff;
	_ =	sdelay $0x4  }
0x29f: {  	s18 =	rddreg [dreg:$0x9];
	[tilespmem:$0xCD80] =	vst v8  }
0x2a0: {  	[tilespmem:s3], [sflag:$0x2] =	stream.linear.gather [hbm4b:s18+s3], $0x50, $0x38;
	[tilespmem:$0xCF80] =	vst v63  }
0x2a1: {  	_ =	swait.ge [sflag:s7], $0x50  }
0x2a2: {  	[sflag:s7] =	ssyncset.done $0x0  }
0x2a3: {  	[sflag:s7] =	ssyncadd.s32 $0xFFFFFFB0  }
0x2a4: {  	v8 =	vld [tilespmem:$0x0];
	_ =	sdelay $0x4  }
0x2a5: {  	v41 =	vshrl.u32 v8, $0x3  }
0x2a6: {  	v9 =	vmul.u32 $0x28, v41  }
0x2a7: {  	v8 =	vand.u32 $0x7, v8  }
0x2a8: {  	v8 =	vor.u32 v8, v9  }
0x2a9: {  	v9 =	vperm.xlane v8, v0;
	_ =	sdelay $0x1  }
0x2aa: {  	v9 =	vadd.s32 v1, v9;
	_ =	sdelay $0x3  }
0x2ab: {  	v8 =	vperm.xlane v8, v7  }
0x2ac: {  	[tilespmem:s8], [sflag:$0x1] =	stream.indirect_vreg.gather [hbm4b:s1+s3], $0x80, v9, vm0, $0xb8;
	[tilespmem:$0xCF80] =	vst v63  }
0x2ad: {  	s18 =	simm.s32 $0xC00;
	v8 =	vadd.s32 v1, v8  }
0x2ae: {  	[tilespmem:s18], [sflag:$0x1] =	stream.indirect_vreg.gather [hbm4b:s4+s3], $0x80, v9, vm0, $0xb8;
	[tilespmem:$0xCF80] =	vst v63  }
0x2af: {  	s19 =	simm.s32 $0x1400  }
0x2b0: {  	[tilespmem:s19], [sflag:$0x1] =	stream.indirect_vreg.gather [hbm4b:s5+s3], $0x80, v9, vm1, $0xb8;
	[tilespmem:$0xCF80] =	vst v63  }
0x2b1: {  	s15 =	simm.s32 $0x1800  }
0x2b2: {  	[tilespmem:s15], [sflag:$0x1] =	stream.indirect_vreg.gather [hbm4b:s1+s3], $0x80, v8, vm0, $0xb8;
	[tilespmem:$0xCF80] =	vst v63  }
0x2b3: {  	s15 =	simm.s32 $0x2000  }
0x2b4: {  	[tilespmem:s15], [sflag:$0x1] =	stream.indirect_vreg.gather [hbm4b:s4+s3], $0x80, v8, vm0, $0xb8;
	[tilespmem:$0xCF80] =	vst v63  }
0x2b5: {  	s15 =	simm.s32 $0x2800  }
0x2b6: {  	[tilespmem:s15], [sflag:$0x1] =	stream.indirect_vreg.gather [hbm4b:s5+s3], $0x80, v8, vm1, $0xb8;
	[tilespmem:$0xCF80] =	vst v63  }
0x2b7: {  	v8 =	vld [tilespmem:$0x10];
	_ =	sdelay $0x4  }
0x2b8: {  	v42 =	vshrl.u32 v8, $0x3  }
0x2b9: {  	v9 =	vmul.u32 $0x28, v42  }
0x2ba: {  	v8 =	vand.u32 $0x7, v8  }
0x2bb: {  	v8 =	vor.u32 v8, v9  }
0x2bc: {  	v9 =	vperm.xlane v8, v0;
	_ =	sdelay $0x1  }
0x2bd: {  	v9 =	vadd.s32 v1, v9;
	_ =	sdelay $0x3  }
0x2be: {  	s22 =	simm.s32 $0x2C00;
	v8 =	vperm.xlane v8, v7  }
0x2bf: {  	[tilespmem:s22], [sflag:$0x1] =	stream.indirect_vreg.gather [hbm4b:s1+s3], $0x80, v9, vm0, $0xb8;
	[tilespmem:$0xCF80] =	vst v63  }
0x2c0: {  	s15 =	simm.s32 $0x3400;
	v8 =	vadd.s32 v1, v8  }
0x2c1: {  	[tilespmem:s15], [sflag:$0x1] =	stream.indirect_vreg.gather [hbm4b:s4+s3], $0x80, v9, vm0, $0xb8;
	[tilespmem:$0xCF80] =	vst v63  }
0x2c2: {  	s23 =	simm.s32 $0x3C00  }
0x2c3: {  	[tilespmem:s23], [sflag:$0x1] =	stream.indirect_vreg.gather [hbm4b:s5+s3], $0x80, v9, vm1, $0xb8;
	[tilespmem:$0xCF80] =	vst v63  }
0x2c4: {  	s24 =	simm.s32 $0x4000  }
0x2c5: {  	[tilespmem:s24], [sflag:$0x1] =	stream.indirect_vreg.gather [hbm4b:s1+s3], $0x80, v8, vm0, $0xb8;
	[tilespmem:$0xCF80] =	vst v63  }
0x2c6: {  	s25 =	simm.s32 $0x4800  }
0x2c7: {  	[tilespmem:s25], [sflag:$0x1] =	stream.indirect_vreg.gather [hbm4b:s4+s3], $0x80, v8, vm0, $0xb8;
	[tilespmem:$0xCF80] =	vst v63  }
0x2c8: {  	s26 =	simm.s32 $0x5000  }
0x2c9: {  	[tilespmem:s26], [sflag:$0x1] =	stream.indirect_vreg.gather [hbm4b:s5+s3], $0x80, v8, vm1, $0xb8;
	[tilespmem:$0xCF80] =	vst v63  }
0x2ca: {  	v8 =	vld [tilespmem:$0x20];
	_ =	sdelay $0x4  }
0x2cb: {  	v43 =	vshrl.u32 v8, $0x3  }
0x2cc: {  	v9 =	vmul.u32 $0x28, v43  }
0x2cd: {  	v8 =	vand.u32 $0x7, v8  }
0x2ce: {  	v8 =	vor.u32 v8, v9  }
0x2cf: {  	v9 =	vperm.xlane v8, v0;
	_ =	sdelay $0x1  }
0x2d0: {  	v9 =	vadd.s32 v1, v9;
	_ =	sdelay $0x3  }
0x2d1: {  	s28 =	simm.s32 $0x5400;
	v8 =	vperm.xlane v8, v7  }
0x2d2: {  	[tilespmem:s28], [sflag:$0x1] =	stream.indirect_vreg.gather [hbm4b:s1+s3], $0x80, v9, vm0, $0xb8;
	[tilespmem:$0xCF80] =	vst v63  }
0x2d3: {  	s29 =	simm.s32 $0x5C00;
	v8 =	vadd.s32 v1, v8  }
0x2d4: {  	[tilespmem:s29], [sflag:$0x1] =	stream.indirect_vreg.gather [hbm4b:s4+s3], $0x80, v9, vm0, $0xb8;
	[tilespmem:$0xCF80] =	vst v63  }
0x2d5: {  	s30 =	simm.s32 $0x6400  }
0x2d6: {  	[tilespmem:s30], [sflag:$0x1] =	stream.indirect_vreg.gather [hbm4b:s5+s3], $0x80, v9, vm1, $0xb8;
	[tilespmem:$0xCF80] =	vst v63  }
0x2d7: {  	s31 =	simm.s32 $0x6800  }
0x2d8: {  	[tilespmem:s31], [sflag:$0x1] =	stream.indirect_vreg.gather [hbm4b:s1+s3], $0x80, v8, vm0, $0xb8;
	[tilespmem:$0xCF80] =	vst v63  }
0x2d9: {  	s15 =	simm.s32 $0x7000  }
0x2da: {  	[tilespmem:s15], [sflag:$0x1] =	stream.indirect_vreg.gather [hbm4b:s4+s3], $0x80, v8, vm0, $0xb8;
	[tilespmem:$0xCF80] =	vst v63  }
0x2db: {  	s10 =	simm.s32 $0x7800  }
0x2dc: {  	[tilespmem:s10], [sflag:$0x1] =	stream.indirect_vreg.gather [hbm4b:s5+s3], $0x80, v8, vm1, $0xb8;
	[tilespmem:$0xCF80] =	vst v63  }
0x2dd: {  	v8 =	vld [tilespmem:$0x30];
	_ =	sdelay $0x4  }
0x2de: {  	v44 =	vshrl.u32 v8, $0x3  }
0x2df: {  	v9 =	vmul.u32 $0x28, v44  }
0x2e0: {  	v8 =	vand.u32 $0x7, v8  }
0x2e1: {  	v8 =	vor.u32 v8, v9  }
0x2e2: {  	v9 =	vperm.xlane v8, v0;
	_ =	sdelay $0x1  }
0x2e3: {  	v9 =	vadd.s32 v1, v9;
	_ =	sdelay $0x3  }
0x2e4: {  	s21 =	simm.s32 $0x7C00;
	v8 =	vperm.xlane v8, v7  }
0x2e5: {  	[tilespmem:s21], [sflag:$0x1] =	stream.indirect_vreg.gather [hbm4b:s1+s3], $0x80, v9, vm0, $0xb8;
	[tilespmem:$0xCF80] =	vst v63  }
0x2e6: {  	v8 =	vadd.s32 v1, v8;
	s21 =	simm.s32 $0x8400  }
0x2e7: {  	[tilespmem:s21], [sflag:$0x1] =	stream.indirect_vreg.gather [hbm4b:s4+s3], $0x80, v9, vm0, $0xb8;
	[tilespmem:$0xCF80] =	vst v63  }
0x2e8: {  	s12 =	simm.s32 $0x8C00  }
0x2e9: {  	[tilespmem:s12], [sflag:$0x1] =	stream.indirect_vreg.gather [hbm4b:s5+s3], $0x80, v9, vm1, $0xb8;
	[tilespmem:$0xCF80] =	vst v63  }
0x2ea: {  	s13 =	simm.s32 $0x9000  }
0x2eb: {  	[tilespmem:s13], [sflag:$0x1] =	stream.indirect_vreg.gather [hbm4b:s1+s3], $0x80, v8, vm0, $0xb8;
	[tilespmem:$0xCF80] =	vst v63  }
0x2ec: {  	s11 =	simm.s32 $0x9800  }
0x2ed: {  	[tilespmem:s11], [sflag:$0x1] =	stream.indirect_vreg.gather [hbm4b:s4+s3], $0x80, v8, vm0, $0xb8;
	[tilespmem:$0xCF80] =	vst v63  }
0x2ee: {  	s20 =	simm.s32 $0xA000  }
0x2ef: {  	[tilespmem:s20], [sflag:$0x1] =	stream.indirect_vreg.gather [hbm4b:s5+s3], $0x80, v8, vm1, $0xb8;
	[tilespmem:$0xCF80] =	vst v63  }
0x2f0: {  	v8 =	vld [tilespmem:$0x40];
	_ =	sdelay $0x4  }
0x2f1: {  	v45 =	vshrl.u32 v8, $0x3  }
0x2f2: {  	v9 =	vmul.u32 $0x28, v45  }
0x2f3: {  	v8 =	vand.u32 $0x7, v8  }
0x2f4: {  	v8 =	vor.u32 v8, v9  }
0x2f5: {  	v9 =	vperm.xlane v8, v0;
	_ =	sdelay $0x1  }
0x2f6: {  	v9 =	vadd.s32 v1, v9;
	_ =	sdelay $0x3  }
0x2f7: {  	s17 =	simm.s32 $0xA400;
	v8 =	vperm.xlane v8, v7  }
0x2f8: {  	[tilespmem:s17], [sflag:$0x1] =	stream.indirect_vreg.gather [hbm4b:s1+s3], $0x80, v9, vm0, $0xb8;
	[tilespmem:$0xCF80] =	vst v63  }
0x2f9: {  	s16 =	simm.s32 $0xAC00;
	v8 =	vadd.s32 v1, v8  }
0x2fa: {  	[tilespmem:s16], [sflag:$0x1] =	stream.indirect_vreg.gather [hbm4b:s4+s3], $0x80, v9, vm0, $0xb8;
	[tilespmem:$0xCF80] =	vst v63  }
0x2fb: {  	s0 =	simm.s32 $0xB400  }
0x2fc: {  	[tilespmem:s0], [sflag:$0x1] =	stream.indirect_vreg.gather [hbm4b:s5+s3], $0x80, v9, vm1, $0xb8;
	[tilespmem:$0xCF80] =	vst v63  }
0x2fd: {  	s2 =	simm.s32 $0xB800  }
0x2fe: {  	[tilespmem:s2], [sflag:$0x1] =	stream.indirect_vreg.gather [hbm4b:s1+s3], $0x80, v8, vm0, $0xb8;
	[tilespmem:$0xCF80] =	vst v63  }
0x2ff: {  	s6 =	simm.s32 $0xC000  }
0x300: {  	[tilespmem:s6], [sflag:$0x1] =	stream.indirect_vreg.gather [hbm4b:s4+s3], $0x80, v8, vm0, $0xb8;
	[tilespmem:$0xCF80] =	vst v63  }
0x301: {  	s9 =	simm.s32 $0xC800  }
0x302: {  	[tilespmem:s9], [sflag:$0x1] =	stream.indirect_vreg.gather [hbm4b:s5+s3], $0x80, v8, vm1, $0xb8;
	[tilespmem:$0xCF80] =	vst v63  }
0x303: {  	_ =	swait.ge [sflag:s14], $0xC800  }
0x304: {  	[sflag:s14] =	ssyncset.done $0x0  }
0x305: {  	[sflag:s14] =	ssyncadd.s32 $0xFFFF3800  }
0x306: {  	v8 =	vld [tilespmem:$0x210];
	_ =	sdelay $0x4  }
0x307: {  	v46 =	vshll.u32 v8, $0x3  }
0x308: {  	v47 =	vld [tilespmem:$0x220];
	v8 =	vand.u32 $0x7F, v8;
	v9 =	vand.u32 $0xFFFFFC00, v46  }
0x309: {  	v8 =	vor.u32 v8, v9  }
0x30a: {  	v8 =	vadd.s32 v2, v8;
	_ =	sdelay $0x2  }
0x30b: {  	v48 =	vshll.u32 v47, $0x3  }
0x30c: {  	v49 =	vld [tilespmem:$0x230];
	v10 =	vand.u32 $0x7F, v47;
	v9 =	vand.u32 $0xFFFFFC00, v48  }
0x30d: {  	v9 =	vor.u32 v10, v9;
	v8 =	vld.idx.msk [tilespmem:v8+s8+$0x0], $0xffff  }
0x30e: {  	v9 =	vadd.s32 v3, v9;
	_ =	sdelay $0x2  }
0x30f: {  	v50 =	vshll.u32 v49, $0x3  }
0x310: {  	v51 =	vld [tilespmem:$0x240];
	v10 =	vand.u32 $0xFFFFFC00, v50;
	[tilespmem:$0xCD90] =	vst v8;
	v8 =	vand.u32 $0x7F, v49  }
0x311: {  	v9 =	vld.idx.msk [tilespmem:v9+s8+$0x0], $0xffff;
	v8 =	vor.u32 v8, v10  }
0x312: {  	v8 =	vadd.s32 v4, v8;
	_ =	sdelay $0x2  }
0x313: {  	v52 =	vshll.u32 v51, $0x3  }
0x314: {  	v54 =	vld [tilespmem:$0x250];
	v53 =	vand.u32 $0x7F, v51;
	v10 =	vand.u32 $0xFFFFFC00, v52;
	[tilespmem:$0xCDA0] =	vst v9  }
0x315: {  	v9 =	vor.u32 v53, v10;
	v8 =	vld.idx.msk [tilespmem:v8+s8+$0x0], $0xffff  }
0x316: {  	v9 =	vadd.s32 v5, v9;
	_ =	sdelay $0x2  }
0x317: {  	v55 =	vshll.u32 v54, $0x3  }
0x318: {  	v10 =	vand.u32 $0xFFFFFC00, v55;
	[tilespmem:$0xCDB0] =	vst v8;
	v8 =	vand.u32 $0x7F, v54  }
0x319: {  	v9 =	vld.idx.msk [tilespmem:v9+s8+$0x0], $0xffff;
	v8 =	vor.u32 v8, v10  }
0x31a: {  	v8 =	vadd.s32 v6, v8;
	_ =	sdelay $0x3  }
0x31b: {  	[tilespmem:$0xCDC0] =	vst v9  }
0x31c: {  	v8 =	vld.idx.msk [tilespmem:v8+s8+$0x0], $0xffff;
	_ =	sdelay $0x4  }
0x31d: {  	s16 =	rddreg [dreg:$0xa];
	[tilespmem:$0xCDD0] =	vst v8  }
0x31e: {  	[tilespmem:s3], [sflag:$0x2] =	stream.linear.gather [hbm4b:s16+s3], $0x50, $0x38;
	[tilespmem:$0xCF80] =	vst v63  }
0x31f: {  	_ =	swait.ge [sflag:s7], $0x50  }
0x320: {  	[sflag:s7] =	ssyncset.done $0x0  }
0x321: {  	[sflag:s7] =	ssyncadd.s32 $0xFFFFFFB0  }
0x322: {  	v8 =	vld [tilespmem:$0x0];
	_ =	sdelay $0x4  }
0x323: {  	v56 =	vshrl.u32 v8, $0x3  }
0x324: {  	v9 =	vmul.u32 $0x28, v56  }
0x325: {  	v8 =	vand.u32 $0x7, v8  }
0x326: {  	v8 =	vor.u32 v8, v9  }
0x327: {  	v9 =	vperm.xlane v8, v0;
	_ =	sdelay $0x1  }
0x328: {  	v9 =	vadd.s32 v1, v9;
	_ =	sdelay $0x3  }
0x329: {  	v8 =	vperm.xlane v8, v7  }
0x32a: {  	[tilespmem:s8], [sflag:$0x1] =	stream.indirect_vreg.gather [hbm4b:s1+s3], $0x80, v9, vm0, $0xb8;
	[tilespmem:$0xCF80] =	vst v63  }
0x32b: {  	s18 =	simm.s32 $0xC00;
	v8 =	vadd.s32 v1, v8  }
0x32c: {  	[tilespmem:s18], [sflag:$0x1] =	stream.indirect_vreg.gather [hbm4b:s4+s3], $0x80, v9, vm0, $0xb8;
	[tilespmem:$0xCF80] =	vst v63  }
0x32d: {  	s19 =	simm.s32 $0x1400  }
0x32e: {  	[tilespmem:s19], [sflag:$0x1] =	stream.indirect_vreg.gather [hbm4b:s5+s3], $0x80, v9, vm1, $0xb8;
	[tilespmem:$0xCF80] =	vst v63  }
0x32f: {  	s18 =	simm.s32 $0x1800  }
0x330: {  	[tilespmem:s18], [sflag:$0x1] =	stream.indirect_vreg.gather [hbm4b:s1+s3], $0x80, v8, vm0, $0xb8;
	[tilespmem:$0xCF80] =	vst v63  }
0x331: {  	s18 =	simm.s32 $0x2000  }
0x332: {  	[tilespmem:s18], [sflag:$0x1] =	stream.indirect_vreg.gather [hbm4b:s4+s3], $0x80, v8, vm0, $0xb8;
	[tilespmem:$0xCF80] =	vst v63  }
0x333: {  	s18 =	simm.s32 $0x2800  }
0x334: {  	[tilespmem:s18], [sflag:$0x1] =	stream.indirect_vreg.gather [hbm4b:s5+s3], $0x80, v8, vm1, $0xb8;
	[tilespmem:$0xCF80] =	vst v63  }
0x335: {  	v8 =	vld [tilespmem:$0x10];
	_ =	sdelay $0x4  }
0x336: {  	v57 =	vshrl.u32 v8, $0x3  }
0x337: {  	v9 =	vmul.u32 $0x28, v57  }
0x338: {  	v8 =	vand.u32 $0x7, v8  }
0x339: {  	v8 =	vor.u32 v8, v9  }
0x33a: {  	v9 =	vperm.xlane v8, v0;
	_ =	sdelay $0x1  }
0x33b: {  	v9 =	vadd.s32 v1, v9;
	_ =	sdelay $0x3  }
0x33c: {  	s22 =	simm.s32 $0x2C00;
	v8 =	vperm.xlane v8, v7  }
0x33d: {  	[tilespmem:s22], [sflag:$0x1] =	stream.indirect_vreg.gather [hbm4b:s1+s3], $0x80, v9, vm0, $0xb8;
	[tilespmem:$0xCF80] =	vst v63  }
0x33e: {  	s18 =	simm.s32 $0x3400;
	v8 =	vadd.s32 v1, v8  }
0x33f: {  	[tilespmem:s18], [sflag:$0x1] =	stream.indirect_vreg.gather [hbm4b:s4+s3], $0x80, v9, vm0, $0xb8;
	[tilespmem:$0xCF80] =	vst v63  }
0x340: {  	s23 =	simm.s32 $0x3C00  }
0x341: {  	[tilespmem:s23], [sflag:$0x1] =	stream.indirect_vreg.gather [hbm4b:s5+s3], $0x80, v9, vm1, $0xb8;
	[tilespmem:$0xCF80] =	vst v63  }
0x342: {  	s24 =	simm.s32 $0x4000  }
0x343: {  	[tilespmem:s24], [sflag:$0x1] =	stream.indirect_vreg.gather [hbm4b:s1+s3], $0x80, v8, vm0, $0xb8;
	[tilespmem:$0xCF80] =	vst v63  }
0x344: {  	s25 =	simm.s32 $0x4800  }
0x345: {  	[tilespmem:s25], [sflag:$0x1] =	stream.indirect_vreg.gather [hbm4b:s4+s3], $0x80, v8, vm0, $0xb8;
	[tilespmem:$0xCF80] =	vst v63  }
0x346: {  	s26 =	simm.s32 $0x5000  }
0x347: {  	[tilespmem:s26], [sflag:$0x1] =	stream.indirect_vreg.gather [hbm4b:s5+s3], $0x80, v8, vm1, $0xb8;
	[tilespmem:$0xCF80] =	vst v63  }
0x348: {  	v8 =	vld [tilespmem:$0x20];
	_ =	sdelay $0x4  }
0x349: {  	v58 =	vshrl.u32 v8, $0x3  }
0x34a: {  	v9 =	vmul.u32 $0x28, v58  }
0x34b: {  	v8 =	vand.u32 $0x7, v8  }
0x34c: {  	v8 =	vor.u32 v8, v9  }
0x34d: {  	v9 =	vperm.xlane v8, v0;
	_ =	sdelay $0x1  }
0x34e: {  	v9 =	vadd.s32 v1, v9;
	_ =	sdelay $0x3  }
0x34f: {  	s28 =	simm.s32 $0x5400;
	v8 =	vperm.xlane v8, v7  }
0x350: {  	[tilespmem:s28], [sflag:$0x1] =	stream.indirect_vreg.gather [hbm4b:s1+s3], $0x80, v9, vm0, $0xb8;
	[tilespmem:$0xCF80] =	vst v63  }
0x351: {  	s29 =	simm.s32 $0x5C00;
	v8 =	vadd.s32 v1, v8  }
0x352: {  	[tilespmem:s29], [sflag:$0x1] =	stream.indirect_vreg.gather [hbm4b:s4+s3], $0x80, v9, vm0, $0xb8;
	[tilespmem:$0xCF80] =	vst v63  }
0x353: {  	s30 =	simm.s32 $0x6400  }
0x354: {  	[tilespmem:s30], [sflag:$0x1] =	stream.indirect_vreg.gather [hbm4b:s5+s3], $0x80, v9, vm1, $0xb8;
	[tilespmem:$0xCF80] =	vst v63  }
0x355: {  	s31 =	simm.s32 $0x6800  }
0x356: {  	[tilespmem:s31], [sflag:$0x1] =	stream.indirect_vreg.gather [hbm4b:s1+s3], $0x80, v8, vm0, $0xb8;
	[tilespmem:$0xCF80] =	vst v63  }
0x357: {  	s18 =	simm.s32 $0x7000  }
0x358: {  	[tilespmem:s18], [sflag:$0x1] =	stream.indirect_vreg.gather [hbm4b:s4+s3], $0x80, v8, vm0, $0xb8;
	[tilespmem:$0xCF80] =	vst v63  }
0x359: {  	s10 =	simm.s32 $0x7800  }
0x35a: {  	[tilespmem:s10], [sflag:$0x1] =	stream.indirect_vreg.gather [hbm4b:s5+s3], $0x80, v8, vm1, $0xb8;
	[tilespmem:$0xCF80] =	vst v63  }
0x35b: {  	v8 =	vld [tilespmem:$0x30];
	_ =	sdelay $0x4  }
0x35c: {  	v59 =	vshrl.u32 v8, $0x3  }
0x35d: {  	v9 =	vmul.u32 $0x28, v59  }
0x35e: {  	v8 =	vand.u32 $0x7, v8  }
0x35f: {  	v8 =	vor.u32 v8, v9  }
0x360: {  	v9 =	vperm.xlane v8, v0;
	_ =	sdelay $0x1  }
0x361: {  	v9 =	vadd.s32 v1, v9;
	_ =	sdelay $0x3  }
0x362: {  	s18 =	simm.s32 $0x7C00;
	v8 =	vperm.xlane v8, v7  }
0x363: {  	[tilespmem:s18], [sflag:$0x1] =	stream.indirect_vreg.gather [hbm4b:s1+s3], $0x80, v9, vm0, $0xb8;
	[tilespmem:$0xCF80] =	vst v63  }
0x364: {  	v8 =	vadd.s32 v1, v8;
	s18 =	simm.s32 $0x8400  }
0x365: {  	[tilespmem:s18], [sflag:$0x1] =	stream.indirect_vreg.gather [hbm4b:s4+s3], $0x80, v9, vm0, $0xb8;
	[tilespmem:$0xCF80] =	vst v63  }
0x366: {  	s21 =	simm.s32 $0x8C00  }
0x367: {  	[tilespmem:s21], [sflag:$0x1] =	stream.indirect_vreg.gather [hbm4b:s5+s3], $0x80, v9, vm1, $0xb8;
	[tilespmem:$0xCF80] =	vst v63  }
0x368: {  	s13 =	simm.s32 $0x9000  }
0x369: {  	[tilespmem:s13], [sflag:$0x1] =	stream.indirect_vreg.gather [hbm4b:s1+s3], $0x80, v8, vm0, $0xb8;
	[tilespmem:$0xCF80] =	vst v63  }
0x36a: {  	s12 =	simm.s32 $0x9800  }
0x36b: {  	[tilespmem:s12], [sflag:$0x1] =	stream.indirect_vreg.gather [hbm4b:s4+s3], $0x80, v8, vm0, $0xb8;
	[tilespmem:$0xCF80] =	vst v63  }
0x36c: {  	s20 =	simm.s32 $0xA000  }
0x36d: {  	[tilespmem:s20], [sflag:$0x1] =	stream.indirect_vreg.gather [hbm4b:s5+s3], $0x80, v8, vm1, $0xb8;
	[tilespmem:$0xCF80] =	vst v63  }
0x36e: {  	v8 =	vld [tilespmem:$0x40];
	_ =	sdelay $0x4  }
0x36f: {  	v60 =	vshrl.u32 v8, $0x3  }
0x370: {  	v9 =	vmul.u32 $0x28, v60  }
0x371: {  	v8 =	vand.u32 $0x7, v8  }
0x372: {  	v8 =	vor.u32 v8, v9  }
0x373: {  	v9 =	vperm.xlane v8, v0;
	_ =	sdelay $0x1  }
0x374: {  	v9 =	vadd.s32 v1, v9;
	_ =	sdelay $0x3  }
0x375: {  	s17 =	simm.s32 $0xA400;
	v8 =	vperm.xlane v8, v7  }
0x376: {  	[tilespmem:s17], [sflag:$0x1] =	stream.indirect_vreg.gather [hbm4b:s1+s3], $0x80, v9, vm0, $0xb8;
	[tilespmem:$0xCF80] =	vst v63  }
0x377: {  	s11 =	simm.s32 $0xAC00;
	v8 =	vadd.s32 v1, v8  }
0x378: {  	[tilespmem:s11], [sflag:$0x1] =	stream.indirect_vreg.gather [hbm4b:s4+s3], $0x80, v9, vm0, $0xb8;
	[tilespmem:$0xCF80] =	vst v63  }
0x379: {  	s0 =	simm.s32 $0xB400  }
0x37a: {  	[tilespmem:s0], [sflag:$0x1] =	stream.indirect_vreg.gather [hbm4b:s5+s3], $0x80, v9, vm1, $0xb8;
	[tilespmem:$0xCF80] =	vst v63  }
0x37b: {  	s2 =	simm.s32 $0xB800  }
0x37c: {  	[tilespmem:s2], [sflag:$0x1] =	stream.indirect_vreg.gather [hbm4b:s1+s3], $0x80, v8, vm0, $0xb8;
	[tilespmem:$0xCF80] =	vst v63  }
0x37d: {  	s6 =	simm.s32 $0xC000  }
0x37e: {  	[tilespmem:s6], [sflag:$0x1] =	stream.indirect_vreg.gather [hbm4b:s4+s3], $0x80, v8, vm0, $0xb8;
	[tilespmem:$0xCF80] =	vst v63  }
0x37f: {  	s9 =	simm.s32 $0xC800  }
0x380: {  	[tilespmem:s9], [sflag:$0x1] =	stream.indirect_vreg.gather [hbm4b:s5+s3], $0x80, v8, vm1, $0xb8;
	[tilespmem:$0xCF80] =	vst v63  }
0x381: {  	_ =	swait.ge [sflag:s14], $0xC800  }
0x382: {  	[sflag:s14] =	ssyncset.done $0x0  }
0x383: {  	[sflag:s14] =	ssyncadd.s32 $0xFFFF3800  }
0x384: {  	v8 =	vld [tilespmem:$0x260];
	_ =	sdelay $0x4  }
0x385: {  	v61 =	vshll.u32 v8, $0x3  }
0x386: {  	v62 =	vld [tilespmem:$0x270];
	v8 =	vand.u32 $0x7F, v8;
	v9 =	vand.u32 $0xFFFFFC00, v61  }
0x387: {  	v8 =	vor.u32 v8, v9  }
0x388: {  	v8 =	vadd.s32 v2, v8;
	_ =	sdelay $0x2  }
0x389: {  	v63 =	vshll.u32 v62, $0x3  }
0x38a: {  	v12 =	vld [tilespmem:$0x280];
	v10 =	vand.u32 $0x7F, v62;
	v9 =	vand.u32 $0xFFFFFC00, v63  }
0x38b: {  	v9 =	vor.u32 v10, v9;
	v8 =	vld.idx.msk [tilespmem:v8+s8+$0x0], $0xffff  }
0x38c: {  	v9 =	vadd.s32 v3, v9;
	_ =	sdelay $0x2  }
0x38d: {  	v13 =	vshll.u32 v12, $0x3  }
0x38e: {  	v14 =	vld [tilespmem:$0x290];
	v10 =	vand.u32 $0xFFFFFC00, v13;
	[tilespmem:$0xCDE0] =	vst v8;
	v8 =	vand.u32 $0x7F, v12  }
0x38f: {  	v9 =	vld.idx.msk [tilespmem:v9+s8+$0x0], $0xffff;
	v8 =	vor.u32 v8, v10  }
0x390: {  	v8 =	vadd.s32 v4, v8;
	_ =	sdelay $0x2  }
0x391: {  	v15 =	vshll.u32 v14, $0x3  }
0x392: {  	v17 =	vld [tilespmem:$0x2A0];
	v16 =	vand.u32 $0x7F, v14;
	v10 =	vand.u32 $0xFFFFFC00, v15;
	[tilespmem:$0xCDF0] =	vst v9  }
0x393: {  	v9 =	vor.u32 v16, v10;
	v8 =	vld.idx.msk [tilespmem:v8+s8+$0x0], $0xffff  }
0x394: {  	v9 =	vadd.s32 v5, v9;
	_ =	sdelay $0x2  }
0x395: {  	v18 =	vshll.u32 v17, $0x3  }
0x396: {  	v10 =	vand.u32 $0xFFFFFC00, v18;
	[tilespmem:$0xCE00] =	vst v8;
	v8 =	vand.u32 $0x7F, v17  }
0x397: {  	v9 =	vld.idx.msk [tilespmem:v9+s8+$0x0], $0xffff;
	v8 =	vor.u32 v8, v10  }
0x398: {  	v8 =	vadd.s32 v6, v8;
	_ =	sdelay $0x3  }
0x399: {  	[tilespmem:$0xCE10] =	vst v9  }
0x39a: {  	v8 =	vld.idx.msk [tilespmem:v8+s8+$0x0], $0xffff;
	_ =	sdelay $0x4  }
0x39b: {  	s11 =	rddreg [dreg:$0xb];
	[tilespmem:$0xCE20] =	vst v8  }
0x39c: {  	[tilespmem:s3], [sflag:$0x2] =	stream.linear.gather [hbm4b:s11+s3], $0x50, $0x38;
	[tilespmem:$0xCF80] =	vst v63  }
0x39d: {  	_ =	swait.ge [sflag:s7], $0x50  }
0x39e: {  	[sflag:s7] =	ssyncset.done $0x0  }
0x39f: {  	[sflag:s7] =	ssyncadd.s32 $0xFFFFFFB0  }
0x3a0: {  	v8 =	vld [tilespmem:$0x0];
	_ =	sdelay $0x4  }
0x3a1: {  	v19 =	vshrl.u32 v8, $0x3  }
0x3a2: {  	v9 =	vmul.u32 $0x28, v19  }
0x3a3: {  	v8 =	vand.u32 $0x7, v8  }
0x3a4: {  	v8 =	vor.u32 v8, v9  }
0x3a5: {  	v9 =	vperm.xlane v8, v0;
	_ =	sdelay $0x1  }
0x3a6: {  	v9 =	vadd.s32 v1, v9;
	_ =	sdelay $0x3  }
0x3a7: {  	v8 =	vperm.xlane v8, v7  }
0x3a8: {  	[tilespmem:s8], [sflag:$0x1] =	stream.indirect_vreg.gather [hbm4b:s1+s3], $0x80, v9, vm0, $0xb8;
	[tilespmem:$0xCF80] =	vst v63  }
0x3a9: {  	s16 =	simm.s32 $0xC00;
	v8 =	vadd.s32 v1, v8  }
0x3aa: {  	[tilespmem:s16], [sflag:$0x1] =	stream.indirect_vreg.gather [hbm4b:s4+s3], $0x80, v9, vm0, $0xb8;
	[tilespmem:$0xCF80] =	vst v63  }
0x3ab: {  	s19 =	simm.s32 $0x1400  }
0x3ac: {  	[tilespmem:s19], [sflag:$0x1] =	stream.indirect_vreg.gather [hbm4b:s5+s3], $0x80, v9, vm1, $0xb8;
	[tilespmem:$0xCF80] =	vst v63  }
0x3ad: {  	s16 =	simm.s32 $0x1800  }
0x3ae: {  	[tilespmem:s16], [sflag:$0x1] =	stream.indirect_vreg.gather [hbm4b:s1+s3], $0x80, v8, vm0, $0xb8;
	[tilespmem:$0xCF80] =	vst v63  }
0x3af: {  	s15 =	simm.s32 $0x2000  }
0x3b0: {  	[tilespmem:s15], [sflag:$0x1] =	stream.indirect_vreg.gather [hbm4b:s4+s3], $0x80, v8, vm0, $0xb8;
	[tilespmem:$0xCF80] =	vst v63  }
0x3b1: {  	s16 =	simm.s32 $0x2800  }
0x3b2: {  	[tilespmem:s16], [sflag:$0x1] =	stream.indirect_vreg.gather [hbm4b:s5+s3], $0x80, v8, vm1, $0xb8;
	[tilespmem:$0xCF80] =	vst v63  }
0x3b3: {  	v8 =	vld [tilespmem:$0x10];
	_ =	sdelay $0x4  }
0x3b4: {  	v20 =	vshrl.u32 v8, $0x3  }
0x3b5: {  	v9 =	vmul.u32 $0x28, v20  }
0x3b6: {  	v8 =	vand.u32 $0x7, v8  }
0x3b7: {  	v8 =	vor.u32 v8, v9  }
0x3b8: {  	v9 =	vperm.xlane v8, v0;
	_ =	sdelay $0x1  }
0x3b9: {  	v9 =	vadd.s32 v1, v9;
	_ =	sdelay $0x3  }
0x3ba: {  	s22 =	simm.s32 $0x2C00;
	v8 =	vperm.xlane v8, v7  }
0x3bb: {  	[tilespmem:s22], [sflag:$0x1] =	stream.indirect_vreg.gather [hbm4b:s1+s3], $0x80, v9, vm0, $0xb8;
	[tilespmem:$0xCF80] =	vst v63  }
0x3bc: {  	s15 =	simm.s32 $0x3400;
	v8 =	vadd.s32 v1, v8  }
0x3bd: {  	[tilespmem:s15], [sflag:$0x1] =	stream.indirect_vreg.gather [hbm4b:s4+s3], $0x80, v9, vm0, $0xb8;
	[tilespmem:$0xCF80] =	vst v63  }
0x3be: {  	s23 =	simm.s32 $0x3C00  }
0x3bf: {  	[tilespmem:s23], [sflag:$0x1] =	stream.indirect_vreg.gather [hbm4b:s5+s3], $0x80, v9, vm1, $0xb8;
	[tilespmem:$0xCF80] =	vst v63  }
0x3c0: {  	s24 =	simm.s32 $0x4000  }
0x3c1: {  	[tilespmem:s24], [sflag:$0x1] =	stream.indirect_vreg.gather [hbm4b:s1+s3], $0x80, v8, vm0, $0xb8;
	[tilespmem:$0xCF80] =	vst v63  }
0x3c2: {  	s25 =	simm.s32 $0x4800  }
0x3c3: {  	[tilespmem:s25], [sflag:$0x1] =	stream.indirect_vreg.gather [hbm4b:s4+s3], $0x80, v8, vm0, $0xb8;
	[tilespmem:$0xCF80] =	vst v63  }
0x3c4: {  	s26 =	simm.s32 $0x5000  }
0x3c5: {  	[tilespmem:s26], [sflag:$0x1] =	stream.indirect_vreg.gather [hbm4b:s5+s3], $0x80, v8, vm1, $0xb8;
	[tilespmem:$0xCF80] =	vst v63  }
0x3c6: {  	v8 =	vld [tilespmem:$0x20];
	_ =	sdelay $0x4  }
0x3c7: {  	v21 =	vshrl.u32 v8, $0x3  }
0x3c8: {  	v9 =	vmul.u32 $0x28, v21  }
0x3c9: {  	v8 =	vand.u32 $0x7, v8  }
0x3ca: {  	v8 =	vor.u32 v8, v9  }
0x3cb: {  	v9 =	vperm.xlane v8, v0;
	_ =	sdelay $0x1  }
0x3cc: {  	v9 =	vadd.s32 v1, v9;
	_ =	sdelay $0x3  }
0x3cd: {  	s28 =	simm.s32 $0x5400;
	v8 =	vperm.xlane v8, v7  }
0x3ce: {  	[tilespmem:s28], [sflag:$0x1] =	stream.indirect_vreg.gather [hbm4b:s1+s3], $0x80, v9, vm0, $0xb8;
	[tilespmem:$0xCF80] =	vst v63  }
0x3cf: {  	s29 =	simm.s32 $0x5C00;
	v8 =	vadd.s32 v1, v8  }
0x3d0: {  	[tilespmem:s29], [sflag:$0x1] =	stream.indirect_vreg.gather [hbm4b:s4+s3], $0x80, v9, vm0, $0xb8;
	[tilespmem:$0xCF80] =	vst v63  }
0x3d1: {  	s30 =	simm.s32 $0x6400  }
0x3d2: {  	[tilespmem:s30], [sflag:$0x1] =	stream.indirect_vreg.gather [hbm4b:s5+s3], $0x80, v9, vm1, $0xb8;
	[tilespmem:$0xCF80] =	vst v63  }
0x3d3: {  	s31 =	simm.s32 $0x6800  }
0x3d4: {  	[tilespmem:s31], [sflag:$0x1] =	stream.indirect_vreg.gather [hbm4b:s1+s3], $0x80, v8, vm0, $0xb8;
	[tilespmem:$0xCF80] =	vst v63  }
0x3d5: {  	s16 =	simm.s32 $0x7000  }
0x3d6: {  	[tilespmem:s16], [sflag:$0x1] =	stream.indirect_vreg.gather [hbm4b:s4+s3], $0x80, v8, vm0, $0xb8;
	[tilespmem:$0xCF80] =	vst v63  }
0x3d7: {  	s10 =	simm.s32 $0x7800  }
0x3d8: {  	[tilespmem:s10], [sflag:$0x1] =	stream.indirect_vreg.gather [hbm4b:s5+s3], $0x80, v8, vm1, $0xb8;
	[tilespmem:$0xCF80] =	vst v63  }
0x3d9: {  	v8 =	vld [tilespmem:$0x30];
	_ =	sdelay $0x4  }
0x3da: {  	v22 =	vshrl.u32 v8, $0x3  }
0x3db: {  	v9 =	vmul.u32 $0x28, v22  }
0x3dc: {  	v8 =	vand.u32 $0x7, v8  }
0x3dd: {  	v8 =	vor.u32 v8, v9  }
0x3de: {  	v9 =	vperm.xlane v8, v0;
	_ =	sdelay $0x1  }
0x3df: {  	v9 =	vadd.s32 v1, v9;
	_ =	sdelay $0x3  }
0x3e0: {  	s15 =	simm.s32 $0x7C00;
	v8 =	vperm.xlane v8, v7  }
0x3e1: {  	[tilespmem:s15], [sflag:$0x1] =	stream.indirect_vreg.gather [hbm4b:s1+s3], $0x80, v9, vm0, $0xb8;
	[tilespmem:$0xCF80] =	vst v63  }
0x3e2: {  	s16 =	simm.s32 $0x8400;
	v8 =	vadd.s32 v1, v8  }
0x3e3: {  	[tilespmem:s16], [sflag:$0x1] =	stream.indirect_vreg.gather [hbm4b:s4+s3], $0x80, v9, vm0, $0xb8;
	[tilespmem:$0xCF80] =	vst v63  }
0x3e4: {  	s18 =	simm.s32 $0x8C00  }
0x3e5: {  	[tilespmem:s18], [sflag:$0x1] =	stream.indirect_vreg.gather [hbm4b:s5+s3], $0x80, v9, vm1, $0xb8;
	[tilespmem:$0xCF80] =	vst v63  }
0x3e6: {  	s21 =	simm.s32 $0x9000  }
0x3e7: {  	[tilespmem:s21], [sflag:$0x1] =	stream.indirect_vreg.gather [hbm4b:s1+s3], $0x80, v8, vm0, $0xb8;
	[tilespmem:$0xCF80] =	vst v63  }
0x3e8: {  	s13 =	simm.s32 $0x9800  }
0x3e9: {  	[tilespmem:s13], [sflag:$0x1] =	stream.indirect_vreg.gather [hbm4b:s4+s3], $0x80, v8, vm0, $0xb8;
	[tilespmem:$0xCF80] =	vst v63  }
0x3ea: {  	s12 =	simm.s32 $0xA000  }
0x3eb: {  	[tilespmem:s12], [sflag:$0x1] =	stream.indirect_vreg.gather [hbm4b:s5+s3], $0x80, v8, vm1, $0xb8;
	[tilespmem:$0xCF80] =	vst v63  }
0x3ec: {  	v8 =	vld [tilespmem:$0x40];
	_ =	sdelay $0x4  }
0x3ed: {  	v23 =	vshrl.u32 v8, $0x3  }
0x3ee: {  	v9 =	vmul.u32 $0x28, v23  }
0x3ef: {  	v8 =	vand.u32 $0x7, v8  }
0x3f0: {  	v8 =	vor.u32 v8, v9  }
0x3f1: {  	v9 =	vperm.xlane v8, v0;
	_ =	sdelay $0x1  }
0x3f2: {  	v9 =	vadd.s32 v1, v9;
	_ =	sdelay $0x3  }
0x3f3: {  	s21 =	simm.s32 $0xA400;
	v8 =	vperm.xlane v8, v7  }
0x3f4: {  	[tilespmem:s21], [sflag:$0x1] =	stream.indirect_vreg.gather [hbm4b:s1+s3], $0x80, v9, vm0, $0xb8;
	[tilespmem:$0xCF80] =	vst v63  }
0x3f5: {  	s17 =	simm.s32 $0xAC00;
	v8 =	vadd.s32 v1, v8  }
0x3f6: {  	[tilespmem:s17], [sflag:$0x1] =	stream.indirect_vreg.gather [hbm4b:s4+s3], $0x80, v9, vm0, $0xb8;
	[tilespmem:$0xCF80] =	vst v63  }
0x3f7: {  	s20 =	simm.s32 $0xB400  }
0x3f8: {  	[tilespmem:s20], [sflag:$0x1] =	stream.indirect_vreg.gather [hbm4b:s5+s3], $0x80, v9, vm1, $0xb8;
	[tilespmem:$0xCF80] =	vst v63  }
0x3f9: {  	s0 =	simm.s32 $0xB800  }
0x3fa: {  	[tilespmem:s0], [sflag:$0x1] =	stream.indirect_vreg.gather [hbm4b:s1+s3], $0x80, v8, vm0, $0xb8;
	[tilespmem:$0xCF80] =	vst v63  }
0x3fb: {  	s2 =	simm.s32 $0xC000  }
0x3fc: {  	[tilespmem:s2], [sflag:$0x1] =	stream.indirect_vreg.gather [hbm4b:s4+s3], $0x80, v8, vm0, $0xb8;
	[tilespmem:$0xCF80] =	vst v63  }
0x3fd: {  	s6 =	simm.s32 $0xC800  }
0x3fe: {  	[tilespmem:s6], [sflag:$0x1] =	stream.indirect_vreg.gather [hbm4b:s5+s3], $0x80, v8, vm1, $0xb8;
	[tilespmem:$0xCF80] =	vst v63  }
0x3ff: {  	_ =	swait.ge [sflag:s14], $0xC800  }
0x400: {  	[sflag:s14] =	ssyncset.done $0x0  }
0x401: {  	[sflag:s14] =	ssyncadd.s32 $0xFFFF3800  }
0x402: {  	v8 =	vld [tilespmem:$0x2B0];
	_ =	sdelay $0x4  }
0x403: {  	v24 =	vshll.u32 v8, $0x3  }
0x404: {  	v25 =	vld [tilespmem:$0x2C0];
	v8 =	vand.u32 $0x7F, v8;
	v9 =	vand.u32 $0xFFFFFC00, v24  }
0x405: {  	v8 =	vor.u32 v8, v9  }
0x406: {  	v8 =	vadd.s32 v2, v8;
	_ =	sdelay $0x2  }
0x407: {  	v26 =	vshll.u32 v25, $0x3  }
0x408: {  	v27 =	vld [tilespmem:$0x2D0];
	v10 =	vand.u32 $0x7F, v25;
	v9 =	vand.u32 $0xFFFFFC00, v26  }
0x409: {  	v9 =	vor.u32 v10, v9;
	v8 =	vld.idx.msk [tilespmem:v8+s8+$0x0], $0xffff  }
0x40a: {  	v9 =	vadd.s32 v3, v9;
	_ =	sdelay $0x2  }
0x40b: {  	v28 =	vshll.u32 v27, $0x3  }
0x40c: {  	v29 =	vld [tilespmem:$0x2E0];
	v10 =	vand.u32 $0xFFFFFC00, v28;
	[tilespmem:$0xCE30] =	vst v8;
	v8 =	vand.u32 $0x7F, v27  }
0x40d: {  	v9 =	vld.idx.msk [tilespmem:v9+s8+$0x0], $0xffff;
	v8 =	vor.u32 v8, v10  }
0x40e: {  	v8 =	vadd.s32 v4, v8;
	_ =	sdelay $0x2  }
0x40f: {  	v30 =	vshll.u32 v29, $0x3  }
0x410: {  	v32 =	vld [tilespmem:$0x2F0];
	v31 =	vand.u32 $0x7F, v29;
	v10 =	vand.u32 $0xFFFFFC00, v30;
	[tilespmem:$0xCE40] =	vst v9  }
0x411: {  	v9 =	vor.u32 v31, v10;
	v8 =	vld.idx.msk [tilespmem:v8+s8+$0x0], $0xffff  }
0x412: {  	v9 =	vadd.s32 v5, v9;
	_ =	sdelay $0x2  }
0x413: {  	v33 =	vshll.u32 v32, $0x3  }
0x414: {  	v10 =	vand.u32 $0xFFFFFC00, v33;
	[tilespmem:$0xCE50] =	vst v8;
	v8 =	vand.u32 $0x7F, v32  }
0x415: {  	v9 =	vld.idx.msk [tilespmem:v9+s8+$0x0], $0xffff;
	v8 =	vor.u32 v8, v10  }
0x416: {  	v8 =	vadd.s32 v6, v8;
	_ =	sdelay $0x3  }
0x417: {  	[tilespmem:$0xCE60] =	vst v9  }
0x418: {  	v8 =	vld.idx.msk [tilespmem:v8+s8+$0x0], $0xffff;
	_ =	sdelay $0x4  }
0x419: {  	s12 =	rddreg [dreg:$0xc];
	[tilespmem:$0xCE70] =	vst v8  }
0x41a: {  	[tilespmem:s3], [sflag:$0x2] =	stream.linear.gather [hbm4b:s12+s3], $0x50, $0x38;
	[tilespmem:$0xCF80] =	vst v63  }
0x41b: {  	_ =	swait.ge [sflag:s7], $0x50  }
0x41c: {  	[sflag:s7] =	ssyncset.done $0x0  }
0x41d: {  	[sflag:s7] =	ssyncadd.s32 $0xFFFFFFB0  }
0x41e: {  	v8 =	vld [tilespmem:$0x0];
	_ =	sdelay $0x4  }
0x41f: {  	v34 =	vshrl.u32 v8, $0x3  }
0x420: {  	v9 =	vmul.u32 $0x28, v34  }
0x421: {  	v8 =	vand.u32 $0x7, v8  }
0x422: {  	v8 =	vor.u32 v8, v9  }
0x423: {  	v9 =	vperm.xlane v8, v0;
	_ =	sdelay $0x1  }
0x424: {  	v9 =	vadd.s32 v1, v9;
	_ =	sdelay $0x3  }
0x425: {  	v8 =	vperm.xlane v8, v7  }
0x426: {  	[tilespmem:s8], [sflag:$0x1] =	stream.indirect_vreg.gather [hbm4b:s1+s3], $0x80, v9, vm0, $0xb8;
	[tilespmem:$0xCF80] =	vst v63  }
0x427: {  	s11 =	simm.s32 $0xC00;
	v8 =	vadd.s32 v1, v8  }
0x428: {  	[tilespmem:s11], [sflag:$0x1] =	stream.indirect_vreg.gather [hbm4b:s4+s3], $0x80, v9, vm0, $0xb8;
	[tilespmem:$0xCF80] =	vst v63  }
0x429: {  	s19 =	simm.s32 $0x1400  }
0x42a: {  	[tilespmem:s19], [sflag:$0x1] =	stream.indirect_vreg.gather [hbm4b:s5+s3], $0x80, v9, vm1, $0xb8;
	[tilespmem:$0xCF80] =	vst v63  }
0x42b: {  	s15 =	simm.s32 $0x1800  }
0x42c: {  	[tilespmem:s15], [sflag:$0x1] =	stream.indirect_vreg.gather [hbm4b:s1+s3], $0x80, v8, vm0, $0xb8;
	[tilespmem:$0xCF80] =	vst v63  }
0x42d: {  	s17 =	simm.s32 $0x2000  }
0x42e: {  	[tilespmem:s17], [sflag:$0x1] =	stream.indirect_vreg.gather [hbm4b:s4+s3], $0x80, v8, vm0, $0xb8;
	[tilespmem:$0xCF80] =	vst v63  }
0x42f: {  	s19 =	simm.s32 $0x2800  }
0x430: {  	[tilespmem:s19], [sflag:$0x1] =	stream.indirect_vreg.gather [hbm4b:s5+s3], $0x80, v8, vm1, $0xb8;
	[tilespmem:$0xCF80] =	vst v63  }
0x431: {  	v8 =	vld [tilespmem:$0x10];
	_ =	sdelay $0x4  }
0x432: {  	v35 =	vshrl.u32 v8, $0x3  }
0x433: {  	v9 =	vmul.u32 $0x28, v35  }
0x434: {  	v8 =	vand.u32 $0x7, v8  }
0x435: {  	v8 =	vor.u32 v8, v9  }
0x436: {  	v9 =	vperm.xlane v8, v0;
	_ =	sdelay $0x1  }
0x437: {  	v9 =	vadd.s32 v1, v9;
	_ =	sdelay $0x3  }
0x438: {  	s22 =	simm.s32 $0x2C00;
	v8 =	vperm.xlane v8, v7  }
0x439: {  	[tilespmem:s22], [sflag:$0x1] =	stream.indirect_vreg.gather [hbm4b:s1+s3], $0x80, v9, vm0, $0xb8;
	[tilespmem:$0xCF80] =	vst v63  }
0x43a: {  	v8 =	vadd.s32 v1, v8;
	s22 =	simm.s32 $0x3400  }
0x43b: {  	[tilespmem:s22], [sflag:$0x1] =	stream.indirect_vreg.gather [hbm4b:s4+s3], $0x80, v9, vm0, $0xb8;
	[tilespmem:$0xCF80] =	vst v63  }
0x43c: {  	s23 =	simm.s32 $0x3C00  }
0x43d: {  	[tilespmem:s23], [sflag:$0x1] =	stream.indirect_vreg.gather [hbm4b:s5+s3], $0x80, v9, vm1, $0xb8;
	[tilespmem:$0xCF80] =	vst v63  }
0x43e: {  	s24 =	simm.s32 $0x4000  }
0x43f: {  	[tilespmem:s24], [sflag:$0x1] =	stream.indirect_vreg.gather [hbm4b:s1+s3], $0x80, v8, vm0, $0xb8;
	[tilespmem:$0xCF80] =	vst v63  }
0x440: {  	s25 =	simm.s32 $0x4800  }
0x441: {  	[tilespmem:s25], [sflag:$0x1] =	stream.indirect_vreg.gather [hbm4b:s4+s3], $0x80, v8, vm0, $0xb8;
	[tilespmem:$0xCF80] =	vst v63  }
0x442: {  	s26 =	simm.s32 $0x5000  }
0x443: {  	[tilespmem:s26], [sflag:$0x1] =	stream.indirect_vreg.gather [hbm4b:s5+s3], $0x80, v8, vm1, $0xb8;
	[tilespmem:$0xCF80] =	vst v63  }
0x444: {  	v8 =	vld [tilespmem:$0x20];
	_ =	sdelay $0x4  }
0x445: {  	v36 =	vshrl.u32 v8, $0x3  }
0x446: {  	v9 =	vmul.u32 $0x28, v36  }
0x447: {  	v8 =	vand.u32 $0x7, v8  }
0x448: {  	v8 =	vor.u32 v8, v9  }
0x449: {  	v9 =	vperm.xlane v8, v0;
	_ =	sdelay $0x1  }
0x44a: {  	v9 =	vadd.s32 v1, v9;
	_ =	sdelay $0x3  }
0x44b: {  	s28 =	simm.s32 $0x5400;
	v8 =	vperm.xlane v8, v7  }
0x44c: {  	[tilespmem:s28], [sflag:$0x1] =	stream.indirect_vreg.gather [hbm4b:s1+s3], $0x80, v9, vm0, $0xb8;
	[tilespmem:$0xCF80] =	vst v63  }
0x44d: {  	s29 =	simm.s32 $0x5C00;
	v8 =	vadd.s32 v1, v8  }
0x44e: {  	[tilespmem:s29], [sflag:$0x1] =	stream.indirect_vreg.gather [hbm4b:s4+s3], $0x80, v9, vm0, $0xb8;
	[tilespmem:$0xCF80] =	vst v63  }
0x44f: {  	s30 =	simm.s32 $0x6400  }
0x450: {  	[tilespmem:s30], [sflag:$0x1] =	stream.indirect_vreg.gather [hbm4b:s5+s3], $0x80, v9, vm1, $0xb8;
	[tilespmem:$0xCF80] =	vst v63  }
0x451: {  	s31 =	simm.s32 $0x6800  }
0x452: {  	[tilespmem:s31], [sflag:$0x1] =	stream.indirect_vreg.gather [hbm4b:s1+s3], $0x80, v8, vm0, $0xb8;
	[tilespmem:$0xCF80] =	vst v63  }
0x453: {  	s12 =	simm.s32 $0x7000  }
0x454: {  	[tilespmem:s12], [sflag:$0x1] =	stream.indirect_vreg.gather [hbm4b:s4+s3], $0x80, v8, vm0, $0xb8;
	[tilespmem:$0xCF80] =	vst v63  }
0x455: {  	s9 =	simm.s32 $0x7800  }
0x456: {  	[tilespmem:s9], [sflag:$0x1] =	stream.indirect_vreg.gather [hbm4b:s5+s3], $0x80, v8, vm1, $0xb8;
	[tilespmem:$0xCF80] =	vst v63  }
0x457: {  	v8 =	vld [tilespmem:$0x30];
	_ =	sdelay $0x4  }
0x458: {  	v37 =	vshrl.u32 v8, $0x3  }
0x459: {  	v9 =	vmul.u32 $0x28, v37  }
0x45a: {  	v8 =	vand.u32 $0x7, v8  }
0x45b: {  	v8 =	vor.u32 v8, v9  }
0x45c: {  	v9 =	vperm.xlane v8, v0;
	_ =	sdelay $0x1  }
0x45d: {  	v9 =	vadd.s32 v1, v9;
	_ =	sdelay $0x3  }
0x45e: {  	s10 =	simm.s32 $0x7C00;
	v8 =	vperm.xlane v8, v7  }
0x45f: {  	[tilespmem:s10], [sflag:$0x1] =	stream.indirect_vreg.gather [hbm4b:s1+s3], $0x80, v9, vm0, $0xb8;
	[tilespmem:$0xCF80] =	vst v63  }
0x460: {  	s15 =	simm.s32 $0x8400;
	v8 =	vadd.s32 v1, v8  }
0x461: {  	[tilespmem:s15], [sflag:$0x1] =	stream.indirect_vreg.gather [hbm4b:s4+s3], $0x80, v9, vm0, $0xb8;
	[tilespmem:$0xCF80] =	vst v63  }
0x462: {  	s16 =	simm.s32 $0x8C00  }
0x463: {  	[tilespmem:s16], [sflag:$0x1] =	stream.indirect_vreg.gather [hbm4b:s5+s3], $0x80, v9, vm1, $0xb8;
	[tilespmem:$0xCF80] =	vst v63  }
0x464: {  	s17 =	simm.s32 $0x9000  }
0x465: {  	[tilespmem:s17], [sflag:$0x1] =	stream.indirect_vreg.gather [hbm4b:s1+s3], $0x80, v8, vm0, $0xb8;
	[tilespmem:$0xCF80] =	vst v63  }
0x466: {  	s18 =	simm.s32 $0x9800  }
0x467: {  	[tilespmem:s18], [sflag:$0x1] =	stream.indirect_vreg.gather [hbm4b:s4+s3], $0x80, v8, vm0, $0xb8;
	[tilespmem:$0xCF80] =	vst v63  }
0x468: {  	s13 =	simm.s32 $0xA000  }
0x469: {  	[tilespmem:s13], [sflag:$0x1] =	stream.indirect_vreg.gather [hbm4b:s5+s3], $0x80, v8, vm1, $0xb8;
	[tilespmem:$0xCF80] =	vst v63  }
0x46a: {  	v8 =	vld [tilespmem:$0x40];
	_ =	sdelay $0x4  }
0x46b: {  	v38 =	vshrl.u32 v8, $0x3  }
0x46c: {  	v9 =	vmul.u32 $0x28, v38  }
0x46d: {  	v8 =	vand.u32 $0x7, v8  }
0x46e: {  	v8 =	vor.u32 v8, v9  }
0x46f: {  	v9 =	vperm.xlane v8, v0;
	_ =	sdelay $0x1  }
0x470: {  	v9 =	vadd.s32 v1, v9;
	_ =	sdelay $0x3  }
0x471: {  	s16 =	simm.s32 $0xA400;
	v8 =	vperm.xlane v8, v7  }
0x472: {  	[tilespmem:s16], [sflag:$0x1] =	stream.indirect_vreg.gather [hbm4b:s1+s3], $0x80, v9, vm0, $0xb8;
	[tilespmem:$0xCF80] =	vst v63  }
0x473: {  	s21 =	simm.s32 $0xAC00;
	v8 =	vadd.s32 v1, v8  }
0x474: {  	[tilespmem:s21], [sflag:$0x1] =	stream.indirect_vreg.gather [hbm4b:s4+s3], $0x80, v9, vm0, $0xb8;
	[tilespmem:$0xCF80] =	vst v63  }
0x475: {  	s18 =	simm.s32 $0xB400  }
0x476: {  	[tilespmem:s18], [sflag:$0x1] =	stream.indirect_vreg.gather [hbm4b:s5+s3], $0x80, v9, vm1, $0xb8;
	[tilespmem:$0xCF80] =	vst v63  }
0x477: {  	s20 =	simm.s32 $0xB800  }
0x478: {  	[tilespmem:s20], [sflag:$0x1] =	stream.indirect_vreg.gather [hbm4b:s1+s3], $0x80, v8, vm0, $0xb8;
	[tilespmem:$0xCF80] =	vst v63  }
0x479: {  	s2 =	simm.s32 $0xC000  }
0x47a: {  	[tilespmem:s2], [sflag:$0x1] =	stream.indirect_vreg.gather [hbm4b:s4+s3], $0x80, v8, vm0, $0xb8;
	[tilespmem:$0xCF80] =	vst v63  }
0x47b: {  	s15 =	simm.s32 $0xC800  }
0x47c: {  	[tilespmem:s15], [sflag:$0x1] =	stream.indirect_vreg.gather [hbm4b:s5+s3], $0x80, v8, vm1, $0xb8;
	[tilespmem:$0xCF80] =	vst v63  }
0x47d: {  	_ =	swait.ge [sflag:s14], $0xC800  }
0x47e: {  	[sflag:s14] =	ssyncset.done $0x0  }
0x47f: {  	[sflag:s14] =	ssyncadd.s32 $0xFFFF3800  }
0x480: {  	v8 =	vld [tilespmem:$0x300];
	_ =	sdelay $0x4  }
0x481: {  	v39 =	vshll.u32 v8, $0x3  }
0x482: {  	v40 =	vld [tilespmem:$0x310];
	v8 =	vand.u32 $0x7F, v8;
	v9 =	vand.u32 $0xFFFFFC00, v39  }
0x483: {  	v8 =	vor.u32 v8, v9  }
0x484: {  	v8 =	vadd.s32 v2, v8;
	_ =	sdelay $0x2  }
0x485: {  	v41 =	vshll.u32 v40, $0x3  }
0x486: {  	v42 =	vld [tilespmem:$0x320];
	v10 =	vand.u32 $0x7F, v40;
	v9 =	vand.u32 $0xFFFFFC00, v41  }
0x487: {  	v9 =	vor.u32 v10, v9;
	v8 =	vld.idx.msk [tilespmem:v8+s8+$0x0], $0xffff  }
0x488: {  	v9 =	vadd.s32 v3, v9;
	_ =	sdelay $0x2  }
0x489: {  	v43 =	vshll.u32 v42, $0x3  }
0x48a: {  	v44 =	vld [tilespmem:$0x330];
	v10 =	vand.u32 $0xFFFFFC00, v43;
	[tilespmem:$0xCE80] =	vst v8;
	v8 =	vand.u32 $0x7F, v42  }
0x48b: {  	v9 =	vld.idx.msk [tilespmem:v9+s8+$0x0], $0xffff;
	v8 =	vor.u32 v8, v10  }
0x48c: {  	v8 =	vadd.s32 v4, v8;
	_ =	sdelay $0x2  }
0x48d: {  	v45 =	vshll.u32 v44, $0x3  }
0x48e: {  	v47 =	vld [tilespmem:$0x340];
	v46 =	vand.u32 $0x7F, v44;
	v10 =	vand.u32 $0xFFFFFC00, v45;
	[tilespmem:$0xCE90] =	vst v9  }
0x48f: {  	v9 =	vor.u32 v46, v10;
	v8 =	vld.idx.msk [tilespmem:v8+s8+$0x0], $0xffff  }
0x490: {  	v9 =	vadd.s32 v5, v9;
	_ =	sdelay $0x2  }
0x491: {  	v48 =	vshll.u32 v47, $0x3  }
0x492: {  	v10 =	vand.u32 $0xFFFFFC00, v48;
	[tilespmem:$0xCEA0] =	vst v8;
	v8 =	vand.u32 $0x7F, v47  }
0x493: {  	v9 =	vld.idx.msk [tilespmem:v9+s8+$0x0], $0xffff;
	v8 =	vor.u32 v8, v10  }
0x494: {  	v8 =	vadd.s32 v6, v8;
	_ =	sdelay $0x3  }
0x495: {  	[tilespmem:$0xCEB0] =	vst v9  }
0x496: {  	v8 =	vld.idx.msk [tilespmem:v8+s8+$0x0], $0xffff;
	_ =	sdelay $0x4  }
0x497: {  	s20 =	rddreg [dreg:$0xd];
	[tilespmem:$0xCEC0] =	vst v8  }
0x498: {  	[tilespmem:s3], [sflag:$0x2] =	stream.linear.gather [hbm4b:s20+s3], $0x50, $0x38;
	[tilespmem:$0xCF80] =	vst v63  }
0x499: {  	_ =	swait.ge [sflag:s7], $0x50  }
0x49a: {  	[sflag:s7] =	ssyncset.done $0x0  }
0x49b: {  	[sflag:s7] =	ssyncadd.s32 $0xFFFFFFB0  }
0x49c: {  	v8 =	vld [tilespmem:$0x0];
	_ =	sdelay $0x4  }
0x49d: {  	v49 =	vshrl.u32 v8, $0x3  }
0x49e: {  	v9 =	vmul.u32 $0x28, v49  }
0x49f: {  	v8 =	vand.u32 $0x7, v8  }
0x4a0: {  	v8 =	vor.u32 v8, v9  }
0x4a1: {  	v9 =	vperm.xlane v8, v0;
	_ =	sdelay $0x1  }
0x4a2: {  	v9 =	vadd.s32 v1, v9;
	_ =	sdelay $0x3  }
0x4a3: {  	v8 =	vperm.xlane v8, v7  }
0x4a4: {  	[tilespmem:s8], [sflag:$0x1] =	stream.indirect_vreg.gather [hbm4b:s1+s3], $0x80, v9, vm0, $0xb8;
	[tilespmem:$0xCF80] =	vst v63  }
0x4a5: {  	s0 =	simm.s32 $0xC00;
	v8 =	vadd.s32 v1, v8  }
0x4a6: {  	[tilespmem:s0], [sflag:$0x1] =	stream.indirect_vreg.gather [hbm4b:s4+s3], $0x80, v9, vm0, $0xb8;
	[tilespmem:$0xCF80] =	vst v63  }
0x4a7: {  	s11 =	simm.s32 $0x1400  }
0x4a8: {  	[tilespmem:s11], [sflag:$0x1] =	stream.indirect_vreg.gather [hbm4b:s5+s3], $0x80, v9, vm1, $0xb8;
	[tilespmem:$0xCF80] =	vst v63  }
0x4a9: {  	s20 =	simm.s32 $0x1800  }
0x4aa: {  	[tilespmem:s20], [sflag:$0x1] =	stream.indirect_vreg.gather [hbm4b:s1+s3], $0x80, v8, vm0, $0xb8;
	[tilespmem:$0xCF80] =	vst v63  }
0x4ab: {  	s11 =	simm.s32 $0x2000  }
0x4ac: {  	[tilespmem:s11], [sflag:$0x1] =	stream.indirect_vreg.gather [hbm4b:s4+s3], $0x80, v8, vm0, $0xb8;
	[tilespmem:$0xCF80] =	vst v63  }
0x4ad: {  	s15 =	simm.s32 $0x2800  }
0x4ae: {  	[tilespmem:s15], [sflag:$0x1] =	stream.indirect_vreg.gather [hbm4b:s5+s3], $0x80, v8, vm1, $0xb8;
	[tilespmem:$0xCF80] =	vst v63  }
0x4af: {  	v8 =	vld [tilespmem:$0x10];
	_ =	sdelay $0x4  }
0x4b0: {  	v50 =	vshrl.u32 v8, $0x3  }
0x4b1: {  	v9 =	vmul.u32 $0x28, v50  }
0x4b2: {  	v8 =	vand.u32 $0x7, v8  }
0x4b3: {  	v8 =	vor.u32 v8, v9  }
0x4b4: {  	v9 =	vperm.xlane v8, v0;
	_ =	sdelay $0x1  }
0x4b5: {  	v9 =	vadd.s32 v1, v9;
	_ =	sdelay $0x3  }
0x4b6: {  	s19 =	simm.s32 $0x2C00;
	v8 =	vperm.xlane v8, v7  }
0x4b7: {  	[tilespmem:s19], [sflag:$0x1] =	stream.indirect_vreg.gather [hbm4b:s1+s3], $0x80, v9, vm0, $0xb8;
	[tilespmem:$0xCF80] =	vst v63  }
0x4b8: {  	s20 =	simm.s32 $0x3400;
	v8 =	vadd.s32 v1, v8  }
0x4b9: {  	[tilespmem:s20], [sflag:$0x1] =	stream.indirect_vreg.gather [hbm4b:s4+s3], $0x80, v9, vm0, $0xb8;
	[tilespmem:$0xCF80] =	vst v63  }
0x4ba: {  	s22 =	simm.s32 $0x3C00  }
0x4bb: {  	[tilespmem:s22], [sflag:$0x1] =	stream.indirect_vreg.gather [hbm4b:s5+s3], $0x80, v9, vm1, $0xb8;
	[tilespmem:$0xCF80] =	vst v63  }
0x4bc: {  	s23 =	simm.s32 $0x4000  }
0x4bd: {  	[tilespmem:s23], [sflag:$0x1] =	stream.indirect_vreg.gather [hbm4b:s1+s3], $0x80, v8, vm0, $0xb8;
	[tilespmem:$0xCF80] =	vst v63  }
0x4be: {  	s24 =	simm.s32 $0x4800  }
0x4bf: {  	[tilespmem:s24], [sflag:$0x1] =	stream.indirect_vreg.gather [hbm4b:s4+s3], $0x80, v8, vm0, $0xb8;
	[tilespmem:$0xCF80] =	vst v63  }
0x4c0: {  	s25 =	simm.s32 $0x5000  }
0x4c1: {  	[tilespmem:s25], [sflag:$0x1] =	stream.indirect_vreg.gather [hbm4b:s5+s3], $0x80, v8, vm1, $0xb8;
	[tilespmem:$0xCF80] =	vst v63  }
0x4c2: {  	v8 =	vld [tilespmem:$0x20];
	_ =	sdelay $0x4  }
0x4c3: {  	v51 =	vshrl.u32 v8, $0x3  }
0x4c4: {  	v9 =	vmul.u32 $0x28, v51  }
0x4c5: {  	v8 =	vand.u32 $0x7, v8  }
0x4c6: {  	v8 =	vor.u32 v8, v9  }
0x4c7: {  	v9 =	vperm.xlane v8, v0;
	_ =	sdelay $0x1  }
0x4c8: {  	v9 =	vadd.s32 v1, v9;
	_ =	sdelay $0x3  }
0x4c9: {  	s26 =	simm.s32 $0x5400;
	v8 =	vperm.xlane v8, v7  }
0x4ca: {  	[tilespmem:s26], [sflag:$0x1] =	stream.indirect_vreg.gather [hbm4b:s1+s3], $0x80, v9, vm0, $0xb8;
	[tilespmem:$0xCF80] =	vst v63  }
0x4cb: {  	s28 =	simm.s32 $0x5C00;
	v8 =	vadd.s32 v1, v8  }
0x4cc: {  	[tilespmem:s28], [sflag:$0x1] =	stream.indirect_vreg.gather [hbm4b:s4+s3], $0x80, v9, vm0, $0xb8;
	[tilespmem:$0xCF80] =	vst v63  }
0x4cd: {  	s29 =	simm.s32 $0x6400  }
0x4ce: {  	[tilespmem:s29], [sflag:$0x1] =	stream.indirect_vreg.gather [hbm4b:s5+s3], $0x80, v9, vm1, $0xb8;
	[tilespmem:$0xCF80] =	vst v63  }
0x4cf: {  	s30 =	simm.s32 $0x6800  }
0x4d0: {  	[tilespmem:s30], [sflag:$0x1] =	stream.indirect_vreg.gather [hbm4b:s1+s3], $0x80, v8, vm0, $0xb8;
	[tilespmem:$0xCF80] =	vst v63  }
0x4d1: {  	s31 =	simm.s32 $0x7000  }
0x4d2: {  	[tilespmem:s31], [sflag:$0x1] =	stream.indirect_vreg.gather [hbm4b:s4+s3], $0x80, v8, vm0, $0xb8;
	[tilespmem:$0xCF80] =	vst v63  }
0x4d3: {  	s6 =	simm.s32 $0x7800  }
0x4d4: {  	[tilespmem:s6], [sflag:$0x1] =	stream.indirect_vreg.gather [hbm4b:s5+s3], $0x80, v8, vm1, $0xb8;
	[tilespmem:$0xCF80] =	vst v63  }
0x4d5: {  	v8 =	vld [tilespmem:$0x30];
	_ =	sdelay $0x4  }
0x4d6: {  	v52 =	vshrl.u32 v8, $0x3  }
0x4d7: {  	v9 =	vmul.u32 $0x28, v52  }
0x4d8: {  	v8 =	vand.u32 $0x7, v8  }
0x4d9: {  	v8 =	vor.u32 v8, v9  }
0x4da: {  	v9 =	vperm.xlane v8, v0;
	_ =	sdelay $0x1  }
0x4db: {  	v9 =	vadd.s32 v1, v9;
	_ =	sdelay $0x3  }
0x4dc: {  	s9 =	simm.s32 $0x7C00;
	v8 =	vperm.xlane v8, v7  }
0x4dd: {  	[tilespmem:s9], [sflag:$0x1] =	stream.indirect_vreg.gather [hbm4b:s1+s3], $0x80, v9, vm0, $0xb8;
	[tilespmem:$0xCF80] =	vst v63  }
0x4de: {  	s12 =	simm.s32 $0x8400;
	v8 =	vadd.s32 v1, v8  }
0x4df: {  	[tilespmem:s12], [sflag:$0x1] =	stream.indirect_vreg.gather [hbm4b:s4+s3], $0x80, v9, vm0, $0xb8;
	[tilespmem:$0xCF80] =	vst v63  }
0x4e0: {  	s10 =	simm.s32 $0x8C00  }
0x4e1: {  	[tilespmem:s10], [sflag:$0x1] =	stream.indirect_vreg.gather [hbm4b:s5+s3], $0x80, v9, vm1, $0xb8;
	[tilespmem:$0xCF80] =	vst v63  }
0x4e2: {  	s25 =	simm.s32 $0x9000  }
0x4e3: {  	[tilespmem:s25], [sflag:$0x1] =	stream.indirect_vreg.gather [hbm4b:s1+s3], $0x80, v8, vm0, $0xb8;
	[tilespmem:$0xCF80] =	vst v63  }
0x4e4: {  	s17 =	simm.s32 $0x9800  }
0x4e5: {  	[tilespmem:s17], [sflag:$0x1] =	stream.indirect_vreg.gather [hbm4b:s4+s3], $0x80, v8, vm0, $0xb8;
	[tilespmem:$0xCF80] =	vst v63  }
0x4e6: {  	s13 =	simm.s32 $0xA000  }
0x4e7: {  	[tilespmem:s13], [sflag:$0x1] =	stream.indirect_vreg.gather [hbm4b:s5+s3], $0x80, v8, vm1, $0xb8;
	[tilespmem:$0xCF80] =	vst v63  }
0x4e8: {  	v8 =	vld [tilespmem:$0x40];
	_ =	sdelay $0x4  }
0x4e9: {  	v53 =	vshrl.u32 v8, $0x3  }
0x4ea: {  	v9 =	vmul.u32 $0x28, v53  }
0x4eb: {  	v8 =	vand.u32 $0x7, v8  }
0x4ec: {  	v8 =	vor.u32 v8, v9  }
0x4ed: {  	v9 =	vperm.xlane v8, v0;
	_ =	sdelay $0x1  }
0x4ee: {  	v9 =	vadd.s32 v1, v9;
	_ =	sdelay $0x3  }
0x4ef: {  	s26 =	simm.s32 $0xA400;
	v8 =	vperm.xlane v8, v7  }
0x4f0: {  	[tilespmem:s26], [sflag:$0x1] =	stream.indirect_vreg.gather [hbm4b:s1+s3], $0x80, v9, vm0, $0xb8;
	[tilespmem:$0xCF80] =	vst v63  }
0x4f1: {  	s21 =	simm.s32 $0xAC00;
	v8 =	vadd.s32 v1, v8  }
0x4f2: {  	[tilespmem:s21], [sflag:$0x1] =	stream.indirect_vreg.gather [hbm4b:s4+s3], $0x80, v9, vm0, $0xb8;
	[tilespmem:$0xCF80] =	vst v63  }
0x4f3: {  	s28 =	simm.s32 $0xB400  }
0x4f4: {  	[tilespmem:s28], [sflag:$0x1] =	stream.indirect_vreg.gather [hbm4b:s5+s3], $0x80, v9, vm1, $0xb8;
	[tilespmem:$0xCF80] =	vst v63  }
0x4f5: {  	s18 =	simm.s32 $0xB800  }
0x4f6: {  	[tilespmem:s18], [sflag:$0x1] =	stream.indirect_vreg.gather [hbm4b:s1+s3], $0x80, v8, vm0, $0xb8;
	[tilespmem:$0xCF80] =	vst v63  }
0x4f7: {  	s16 =	simm.s32 $0xC000  }
0x4f8: {  	[tilespmem:s16], [sflag:$0x1] =	stream.indirect_vreg.gather [hbm4b:s4+s3], $0x80, v8, vm0, $0xb8;
	[tilespmem:$0xCF80] =	vst v63  }
0x4f9: {  	s2 =	simm.s32 $0xC800  }
0x4fa: {  	[tilespmem:s2], [sflag:$0x1] =	stream.indirect_vreg.gather [hbm4b:s5+s3], $0x80, v8, vm1, $0xb8;
	[tilespmem:$0xCF80] =	vst v63  }
0x4fb: {  	s29 =	rddreg [dreg:$0x11];
	_ =	swait.ge [sflag:s14], $0xC800  }
0x4fc: {  	[sflag:s14] =	ssyncset.done $0x0  }
0x4fd: {  	[sflag:s14] =	ssyncadd.s32 $0xFFFF3800  }
0x4fe: {  	v8 =	vld [tilespmem:$0x350];
	_ =	sdelay $0x4  }
0x4ff: {  	v54 =	vshll.u32 v8, $0x3  }
0x500: {  	v55 =	vld [tilespmem:$0x360];
	v8 =	vand.u32 $0x7F, v8;
	v9 =	vand.u32 $0xFFFFFC00, v54  }
0x501: {  	v8 =	vor.u32 v8, v9  }
0x502: {  	v8 =	vadd.s32 v2, v8;
	_ =	sdelay $0x2  }
0x503: {  	v56 =	vshll.u32 v55, $0x3  }
0x504: {  	v57 =	vld [tilespmem:$0x370];
	v10 =	vand.u32 $0x7F, v55;
	v9 =	vand.u32 $0xFFFFFC00, v56  }
0x505: {  	v9 =	vor.u32 v10, v9;
	v8 =	vld.idx.msk [tilespmem:v8+s8+$0x0], $0xffff  }
0x506: {  	v9 =	vadd.s32 v3, v9;
	_ =	sdelay $0x2  }
0x507: {  	v58 =	vshll.u32 v57, $0x3  }
0x508: {  	v59 =	vld [tilespmem:$0x380];
	v10 =	vand.u32 $0xFFFFFC00, v58;
	[tilespmem:$0xCED0] =	vst v8;
	v8 =	vand.u32 $0x7F, v57  }
0x509: {  	v9 =	vld.idx.msk [tilespmem:v9+s8+$0x0], $0xffff;
	v8 =	vor.u32 v8, v10  }
0x50a: {  	v8 =	vadd.s32 v4, v8;
	_ =	sdelay $0x2  }
0x50b: {  	v60 =	vshll.u32 v59, $0x3  }
0x50c: {  	v62 =	vld [tilespmem:$0x390];
	v61 =	vand.u32 $0x7F, v59;
	v10 =	vand.u32 $0xFFFFFC00, v60;
	[tilespmem:$0xCEE0] =	vst v9  }
0x50d: {  	v9 =	vor.u32 v61, v10;
	v8 =	vld.idx.msk [tilespmem:v8+s8+$0x0], $0xffff  }
0x50e: {  	v9 =	vadd.s32 v5, v9;
	_ =	sdelay $0x2  }
0x50f: {  	v63 =	vshll.u32 v62, $0x3  }
0x510: {  	v10 =	vand.u32 $0xFFFFFC00, v63;
	[tilespmem:$0xCEF0] =	vst v8;
	v8 =	vand.u32 $0x7F, v62  }
0x511: {  	v8 =	vor.u32 v8, v10;
	v9 =	vld.idx.msk [tilespmem:v9+s8+$0x0], $0xffff  }
0x512: {  	v8 =	vadd.s32 v6, v8;
	_ =	sdelay $0x3  }
0x513: {  	[tilespmem:$0xCF00] =	vst v9  }
0x514: {  	v8 =	vld.idx.msk [tilespmem:v8+s8+$0x0], $0xffff;
	_ =	sdelay $0x3  }
0x515: {  	p0 =	sne.s32 s29, $0x1;
	s30 =	rddreg [dreg:$0xe]  }
.Ltmp0:
0x516: {  	s31 =	rddreg [dreg:$0x10];
	[tilespmem:$0xCF10] =	vst v8;
	(pc) =	sbr.rel @p0 .LBB2_1-.Ltmp0, $4  }
0x517: {  	[hbm4b:s30+s3] =	stream.linear.scatter [tilespmem:s31], [sflag:$0x2], $0x320, $0x38;
	[tilespmem:$0xCF80] =	vst v63  }
0x518: {  	_ =	swait.ge [sflag:s7], $0x320  }
0x519: {  	[sflag:s7] =	ssyncset.done $0x0  }
0x51a: {  	s6 =	sadd.s32 $0xFFFFFFFF, s29;
	[sflag:s7] =	ssyncadd.s32 $0xFFFFFCE0  }
0x51b: {  	_ =	sfence.sel $0x180000  }
0x51c: {  	[bflag:$0x0] =	sbarrier.arrive $0xFFFF  }
0x51d: {  	_ =	strace $0x90000047  }
0x51e: {  	s0 =	stileid.u32;
	[bflag:$0x2] =	sbarrier.arrive $0xFFFF  }
0x51f: {  	p0 =	sne.s32 s0, $0x0;
	s0 =	rddreg [dreg:$0x2]  }
0x520: {  	s0 =	sadd.s32 @!p0 $0x100000, s0  }
0x521: {  	[sflag:s0] =	ssyncadd.tile.s32 @!p0 $0x1;
	_ =	shalt  }
.Lfunc_end2:
_tile_overlayer_lowered:
.L_overlay_start_2:
0x522: {  	(tag) =	ssettag $0x2  }
0x523: {  	s0 =	rddreg [dreg:$0x0];
	s2 =	stileid.u32  }
0x524: {  	s1 =	rddreg [dreg:$0x1];
	p0 =	sne.s32 s2, $0x0  }
0x525: {  	s3 =	rddreg [dreg:$0x2];
	[bflag:$0x3] =	sbarrier.arrive $0xFFFF;
	s2 =	simm.s32 @!p0 $0x1C02  }
0x526: {  	[timem:s3], [sflag:s2] =	dma.local @!p0 [hbm:s0], s1  }
0x527: {  	s0 =	simm.s32 @!p0 $0x2  }
0x528: {  	_ =	swait.ge @!p0 [sflag:s0], s1  }
0x529: {  	s1 =	ssub.s32 @!p0 $0x0, s1;
	[sflag:s0] =	ssyncset.done @!p0 $0x0  }
0x52a: {  	[sflag:s0] =	ssyncadd.s32 @!p0 s1  }
0x52b: {  	[bflag:$0x3] =	sbarrier.arrive $0xFFFF  }
0x52c: {  	_ =	shalt  }

</sc_bundles>
